<compile_context>
chip_gen: v7x
topology: tpu7x:2x2x1
jax: 0.10.2.dev20260603
libtpu: 0.0.44.dev20260713+nightly
codegen_flags: <defaults>
</compile_context>

<pallas_src>
import functools

import jax
import jax.numpy as jnp
from jax.experimental import pallas as pl
from jax.experimental.pallas import tpu as pltpu
from jax.experimental.pallas import tpu_sc as plsc

_IN_DIM = 3
_D = 512
_LATENT = 32
_NLAT = 8192
_PATCH = 16
_NBLK = 2
_NH = 8
_ADIM = 7
_B, _T, _H, _W = 4, 8, 224, 224
_PTD = _IN_DIM * _PATCH * _PATCH
_N = (_H // _PATCH) * (_W // _PATCH) + 1
_HD = _D // _NH
_SCALE = _HD ** -0.5


def _dot(a, b):
    return jax.lax.dot_general(
        a.astype(jnp.bfloat16), b.astype(jnp.bfloat16),
        (((a.ndim - 1,), (0,)), ((), ())),
        preferred_element_type=jnp.float32)


def _dot_nt(a, b):
    return jax.lax.dot_general(
        a.astype(jnp.bfloat16), b.astype(jnp.bfloat16),
        (((1,), (1,)), ((), ())),
        preferred_element_type=jnp.float32)


def _ln(x, s, b):
    mu = x.mean(-1, keepdims=True)
    var = ((x - mu) ** 2).mean(-1, keepdims=True)
    return (x - mu) / jnp.sqrt(var + 1e-6) * s + b


def _bf(x):
    return x.astype(jnp.bfloat16).astype(jnp.float32)



def _in_proj_body(p_ref, w_ref, b_ref, o_ref):
    p = p_ref[0, 0]
    o_ref[0, 0] = _dot(p, w_ref[...]) + b_ref[0]


def _spatial_body(x_ref, s_ref, bb_ref, wqkv_ref, wo_ref, o_ref):
    x = x_ref[0, 0]
    h = _ln(x, s_ref[0], bb_ref[0])
    qkv = _dot(h, wqkv_ref[...])
    outs = []
    for hh in range(_NH):
        q = qkv[:, hh * _HD:(hh + 1) * _HD]
        k = qkv[:, _D + hh * _HD:_D + (hh + 1) * _HD]
        v = qkv[:, 2 * _D + hh * _HD:2 * _D + (hh + 1) * _HD]
        s = _dot_nt(q, k) * _SCALE
        a = jax.nn.softmax(s, axis=-1)
        outs.append(_dot(a, v))
    o = jnp.concatenate(outs, axis=1)
    o_ref[0, 0] = x + _dot(o, wo_ref[...])


def _fold(f, to):
    while f.shape[-1] > to:
        w = f.shape[-1] // 2
        f = f[:, :w] + f[:, w:]
    return f


def _foldmax(f, to):
    while f.shape[-1] > to:
        w = f.shape[-1] // 2
        f = jnp.maximum(f[:, :w], f[:, w:])
    return f


def _tile(f, to):
    while f.shape[-1] < to:
        f = jnp.concatenate([f, f], axis=1)
    return f


def _temporal_body(x_ref, s_ref, bb_ref, wqkv_ref, wo_ref, o_ref):
    x = x_ref[0]
    h = _ln(x, s_ref[0], bb_ref[0])
    qkv = _dot(h.reshape(_T * _N, _D), wqkv_ref[...]).reshape(_T, _N, 3 * _D)
    r = _bf(qkv)
    q, k, v = r[:, :, :_D], r[:, :, _D:2 * _D], r[:, :, 2 * _D:]
    neg = jnp.full((_N, _NH), -1e9, jnp.float32)
    o_rows = []
    for t in range(_T):
        cols = [_fold(q[t] * k[u], _NH) for u in range(t + 1)]
        s = jnp.concatenate(cols + [neg] * (_T - t - 1), axis=1) * _SCALE
        m = _tile(_foldmax(s, _NH), _T * _NH)
        e = jnp.exp(s - m)
        a = e / _tile(_fold(e, _NH), _T * _NH)
        ab = _bf(a)
        o_t = jnp.zeros((_N, _D), jnp.float32)
        for u in range(t + 1):
            o_t = o_t + _tile(ab[:, 8 * u:8 * u + 8], _D) * v[u]
        o_rows.append(o_t)
    o = jnp.stack(o_rows).reshape(_T * _N, _D)
    o_ref[0] = x + _dot(o, wo_ref[...]).reshape(_T, _N, _D)


def _mlp_body(x_ref, s_ref, bb_ref, w1_ref, b1_ref, w2_ref, b2_ref, o_ref):
    x = x_ref[0].reshape(_T * _N, _D)
    h = _ln(x, s_ref[0], bb_ref[0])
    a = jax.nn.gelu(_dot(h, w1_ref[...]) + b1_ref[0])
    o_ref[0] = (x + _dot(a, w2_ref[...]) + b2_ref[0]).reshape(_T, _N, _D)


def _spatial_q0_body(x_ref, s_ref, bb_ref, wq_ref, wkv_ref, wo_ref, o_ref):
    x = x_ref[0, 0]
    h = _ln(x, s_ref[0], bb_ref[0])
    kv = _dot(h, wkv_ref[...])
    q0 = _dot(h[0:1], wq_ref[...])
    outs = []
    for hh in range(_NH):
        q = q0[:, hh * _HD:(hh + 1) * _HD]
        k = kv[:, hh * _HD:(hh + 1) * _HD]
        v = kv[:, _D + hh * _HD:_D + (hh + 1) * _HD]
        s = _dot_nt(q, k) * _SCALE
        a = jax.nn.softmax(s, axis=-1)
        outs.append(_dot(a, v))
    o = jnp.concatenate(outs, axis=1)
    o_ref[0, 0] = x[0:1] + _dot(o, wo_ref[...])


def _tail_body(xa_ref, pen_ref, s2_ref, b2_ref, wqkv_ref, wo_ref,
               s3_ref, b3_ref, w1_ref, bm1_ref, w2_ref, bm2_ref,
               wout_ref, bout_ref, cb_ref, idx_ref):
    x = xa_ref[...].reshape(_B * _T, _D)
    h = _ln(x, s2_ref[0], b2_ref[0])
    qkv = _dot(h, wqkv_ref[...])
    pen = pen_ref[...]
    o_rows = []
    for b in range(_B):
        qkv_b = qkv[b * _T:(b + 1) * _T]
        outs = []
        for hh in range(_NH):
            q = qkv_b[:, hh * _HD:(hh + 1) * _HD]
            k = qkv_b[:, _D + hh * _HD:_D + (hh + 1) * _HD]
            v = qkv_b[:, 2 * _D + hh * _HD:2 * _D + (hh + 1) * _HD]
            s = _dot_nt(q, k) * _SCALE + pen
            a = jax.nn.softmax(s, axis=-1)
            outs.append(_dot(a, v))
        o_rows.append(jnp.concatenate(outs, axis=1))
    o = jnp.concatenate(o_rows, axis=0)
    x2 = x + _dot(o, wo_ref[...])
    h3 = _ln(x2, s3_ref[0], b3_ref[0])
    m = jax.nn.gelu(_dot(h3, w1_ref[...]) + bm1_ref[0])
    x3 = x2 + _dot(m, w2_ref[...]) + bm2_ref[0]
    z = _dot(x3, wout_ref[...]) + bout_ref[0]
    z28 = jnp.concatenate(
        [z[b * _T + 1:(b + 1) * _T] for b in range(_B)], axis=0)
    cb = cb_ref[...]
    flat_sq = jnp.sum(z28 * z28, axis=-1, keepdims=True)
    cb_sq = jnp.transpose(jnp.sum(cb * cb, axis=-1, keepdims=True))
    d = (flat_sq - 2.0 * _dot_nt(z28, cb)) + cb_sq
    ii = jax.lax.broadcasted_iota(jnp.int32, (28, _NLAT), 1)
    dmin = jnp.min(d, axis=-1, keepdims=True)
    idx_ref[...] = jnp.min(jnp.where(d == dmin, ii, _NLAT), axis=-1,
                           keepdims=True)


def _cbw_body(cb_ref, wact_ref, o_ref):
    o_ref[:, 0, :] = _dot(cb_ref[...], wact_ref[...])


def _sc_gather(cbw, idx):
    mesh = plsc.VectorSubcoreMesh(core_axis_name="c", subcore_axis_name="s")

    @functools.partial(
        pl.kernel, mesh=mesh,
        out_type=jax.ShapeDtypeStruct((32, 8, 128), jnp.float32),
        scratch_types=[pltpu.VMEM((8,), jnp.int32),
                       pltpu.VMEM((8, 8, 128), jnp.float32),
                       pltpu.SemaphoreType.DMA],
    )
    def k(cbw_hbm, idx_hbm, out_hbm, idx_v, rows_v, sem):
        wid = jax.lax.axis_index("s") * 2 + jax.lax.axis_index("c")

        @pl.when(wid < 4)
        def _():
            base = wid * 8
            pltpu.sync_copy(idx_hbm.at[pl.ds(base, 8)], idx_v)
            pltpu.async_copy(cbw_hbm.at[idx_v], rows_v, sem).wait()
            pltpu.sync_copy(rows_v, out_hbm.at[pl.ds(base, 8)])

    return k(cbw, idx)



def _patches(videos):
    b, t, h, w, c = videos.shape
    hp, wp = h // _PATCH, w // _PATCH
    x = videos.reshape(b, t, hp, _PATCH, wp, _PATCH, c)
    x = x.transpose(0, 1, 2, 4, 3, 5, 6)
    return x.reshape(b, t, hp * wp, _PATCH * _PATCH * c)


def _full_spec(shape):
    nd = len(shape)
    return pl.BlockSpec(shape, lambda *_: (0,) * nd)


def kernel(videos, params):
    p = params
    bf = jnp.bfloat16
    patches = _patches(videos)
    act = jnp.broadcast_to(p['action_in'], (_B, _T, 1, _PTD))
    pin = jnp.concatenate([act, patches], axis=2)

    ar = jnp.arange(_D)
    perm = (ar % _NH) * _HD + ar // _NH
    qkv_perm = jnp.concatenate([perm, _D + perm, 2 * _D + perm])

    row_spec = pl.BlockSpec((1, 1, _N, _PTD), lambda b, t: (b, t, 0, 0))
    x_spec = pl.BlockSpec((1, 1, _N, _D), lambda b, t: (b, t, 0, 0))
    xt_spec = pl.BlockSpec((1, _T, _N, _D), lambda b: (b, 0, 0, 0))

    x = pl.pallas_call(
        _in_proj_body,
        grid=(_B, _T),
        in_specs=[row_spec,
                  _full_spec((_PTD, _D)),
                  _full_spec((1, _D))],
        out_specs=x_spec,
        out_shape=jax.ShapeDtypeStruct((_B, _T, _N, _D), jnp.float32),
    )(pin, p['W_in'].astype(bf), p['b_in'].reshape(1, _D))

    def spatial(x, i):
        return pl.pallas_call(
            _spatial_body,
            grid=(_B, _T),
            in_specs=[x_spec,
                      _full_spec((1, _D)), _full_spec((1, _D)),
                      _full_spec((_D, 3 * _D)), _full_spec((_D, _D))],
            out_specs=x_spec,
            out_shape=jax.ShapeDtypeStruct((_B, _T, _N, _D), jnp.float32),
        )(x, p['ln1_s'][i].reshape(1, _D), p['ln1_b'][i].reshape(1, _D),
          p['Ws_qkv'][i].astype(bf), p['Ws_o'][i].astype(bf))

    def temporal(x, i):
        return pl.pallas_call(
            _temporal_body,
            grid=(_B,),
            in_specs=[xt_spec,
                      _full_spec((1, _D)), _full_spec((1, _D)),
                      _full_spec((_D, 3 * _D)), _full_spec((_D, _D))],
            out_specs=xt_spec,
            out_shape=jax.ShapeDtypeStruct((_B, _T, _N, _D), jnp.float32),
        )(x, p['ln2_s'][i].reshape(1, _D), p['ln2_b'][i].reshape(1, _D),
          p['Wt_qkv'][i][:, qkv_perm].astype(bf),
          p['Wt_o'][i][perm, :].astype(bf))

    def mlp(x, i):
        return pl.pallas_call(
            _mlp_body,
            grid=(_B,),
            in_specs=[xt_spec,
                      _full_spec((1, _D)), _full_spec((1, _D)),
                      _full_spec((_D, 4 * _D)), _full_spec((1, 4 * _D)),
                      _full_spec((4 * _D, _D)), _full_spec((1, _D))],
            out_specs=xt_spec,
            out_shape=jax.ShapeDtypeStruct((_B, _T, _N, _D), jnp.float32),
        )(x, p['ln3_s'][i].reshape(1, _D), p['ln3_b'][i].reshape(1, _D),
          p['W_mlp1'][i].astype(bf), p['b_mlp1'][i].reshape(1, 4 * _D),
          p['W_mlp2'][i].astype(bf), p['b_mlp2'][i].reshape(1, _D))

    x = spatial(x, 0)
    x = temporal(x, 0)
    x = mlp(x, 0)

    xa = pl.pallas_call(
        _spatial_q0_body,
        grid=(_B, _T),
        in_specs=[x_spec,
                  _full_spec((1, _D)), _full_spec((1, _D)),
                  _full_spec((_D, _D)), _full_spec((_D, 2 * _D)),
                  _full_spec((_D, _D))],
        out_specs=pl.BlockSpec((1, 1, 1, _D), lambda b, t: (b, t, 0, 0)),
        out_shape=jax.ShapeDtypeStruct((_B, _T, 1, _D), jnp.float32),
    )(x, p['ln1_s'][1].reshape(1, _D), p['ln1_b'][1].reshape(1, _D),
      p['Ws_qkv'][1][:, :_D].astype(bf), p['Ws_qkv'][1][:, _D:].astype(bf),
      p['Ws_o'][1].astype(bf))

    wact_pad = jnp.zeros((_LATENT, 128), jnp.float32).at[:, :_ADIM].set(
        p['W_action'])
    pen = jnp.where(jnp.tril(jnp.ones((_T, _T), jnp.bool_)),
                    0.0, -1e9).astype(jnp.float32)
    idx = pl.pallas_call(
        _tail_body,
        grid=(1,),
        in_specs=[_full_spec((_B, _T, 1, _D)),
                  _full_spec((_T, _T)),
                  _full_spec((1, _D)), _full_spec((1, _D)),
                  _full_spec((_D, 3 * _D)), _full_spec((_D, _D)),
                  _full_spec((1, _D)), _full_spec((1, _D)),
                  _full_spec((_D, 4 * _D)), _full_spec((1, 4 * _D)),
                  _full_spec((4 * _D, _D)), _full_spec((1, _D)),
                  _full_spec((_D, _LATENT)), _full_spec((1, _LATENT)),
                  _full_spec((_NLAT, _LATENT))],
        out_specs=_full_spec((28, 1)),
        out_shape=jax.ShapeDtypeStruct((28, 1), jnp.int32),
    )(xa, pen,
      p['ln2_s'][1].reshape(1, _D), p['ln2_b'][1].reshape(1, _D),
      p['Wt_qkv'][1].astype(bf), p['Wt_o'][1].astype(bf),
      p['ln3_s'][1].reshape(1, _D), p['ln3_b'][1].reshape(1, _D),
      p['W_mlp1'][1].astype(bf), p['b_mlp1'][1].reshape(1, 4 * _D),
      p['W_mlp2'][1].astype(bf), p['b_mlp2'][1].reshape(1, _D),
      p['W_out'].astype(bf), p['b_out'].reshape(1, _LATENT),
      p['codebook'])

    cbw = pl.pallas_call(
        _cbw_body,
        grid=(8,),
        in_specs=[pl.BlockSpec((_NLAT // 8, _LATENT), lambda i: (i, 0)),
                  _full_spec((_LATENT, 128))],
        out_specs=pl.BlockSpec((_NLAT // 8, 8, 128), lambda i: (i, 0, 0)),
        out_shape=jax.ShapeDtypeStruct((_NLAT, 8, 128), jnp.float32),
    )(p['codebook'], wact_pad.astype(bf))

    idx_flat = jnp.concatenate(
        [idx.reshape(28), jnp.zeros((4,), jnp.int32)])
    out = _sc_gather(cbw, idx_flat)
    return out[:28, 0, :_ADIM].reshape(_B, _T - 1, 1, _ADIM)

# --- scband reference (transcript-rebuilt; emitter-appended) ---
"""Pipeline reference for scband-latent-action-mapper-6519760355719 (READ-ONLY COPY).

The authoritative reference and input builder live on the scoring server;
editing this copy changes nothing except your own understanding.
"""

import jax, jax.numpy as jnp
import numpy as np

IN_DIM = 3
MODEL_DIM = 512
LATENT_DIM = 32
NUM_LATENTS = 8192
PATCH = 16
NUM_BLOCKS = 2
NUM_HEADS = 8
ACTION_DIM = 7
B, T, H, W = 4, 8, 224, 224
PATCH_TOKEN_DIM = IN_DIM * PATCH * PATCH


def setup_inputs(seed: int = 0) -> dict:
    key = jax.random.key(seed)
    ks = jax.random.split(key, 16)
    videos = jax.random.uniform(ks[0], (B, T, H, W, IN_DIM), jnp.float32)
    D = MODEL_DIM
    def nrm(k, shape, scale):
        return jax.random.normal(k, shape, jnp.float32) * scale
    params = {
        'action_in': nrm(ks[1], (1, 1, 1, PATCH_TOKEN_DIM), 0.02),
        'W_in': nrm(ks[2], (PATCH_TOKEN_DIM, D), PATCH_TOKEN_DIM ** -0.5),
        'b_in': jnp.zeros((D,), jnp.float32),
        'Ws_qkv': nrm(ks[3], (NUM_BLOCKS, D, 3 * D), D ** -0.5),
        'Ws_o': nrm(ks[4], (NUM_BLOCKS, D, D), D ** -0.5),
        'Wt_qkv': nrm(ks[5], (NUM_BLOCKS, D, 3 * D), D ** -0.5),
        'Wt_o': nrm(ks[6], (NUM_BLOCKS, D, D), D ** -0.5),
        'W_mlp1': nrm(ks[7], (NUM_BLOCKS, D, 4 * D), D ** -0.5),
        'b_mlp1': jnp.zeros((NUM_BLOCKS, 4 * D), jnp.float32),
        'W_mlp2': nrm(ks[8], (NUM_BLOCKS, 4 * D, D), (4 * D) ** -0.5),
        'b_mlp2': jnp.zeros((NUM_BLOCKS, D), jnp.float32),
        'ln1_s': jnp.ones((NUM_BLOCKS, D), jnp.float32),
        'ln1_b': jnp.zeros((NUM_BLOCKS, D), jnp.float32),
        'ln2_s': jnp.ones((NUM_BLOCKS, D), jnp.float32),
        'ln2_b': jnp.zeros((NUM_BLOCKS, D), jnp.float32),
        'ln3_s': jnp.ones((NUM_BLOCKS, D), jnp.float32),
        'ln3_b': jnp.zeros((NUM_BLOCKS, D), jnp.float32),
        'W_out': nrm(ks[9], (D, LATENT_DIM), D ** -0.5),
        'b_out': jnp.zeros((LATENT_DIM,), jnp.float32),
        'codebook': nrm(ks[10], (NUM_LATENTS, LATENT_DIM), 1.0),
        'W_action': nrm(ks[11], (LATENT_DIM, ACTION_DIM), LATENT_DIM ** -0.5),
    }
    return {'videos': videos, 'params': params}


def patchify(videos, p):
    b, t, h, w, c = videos.shape
    hp, wp = h // p, w // p
    x = videos.reshape(b, t, hp, p, wp, p, c)
    x = x.transpose(0, 1, 2, 4, 3, 5, 6)
    return x.reshape(b, t, hp * wp, p * p * c)


def ln(x, s, b):
    mu = x.mean(-1, keepdims=True)
    var = ((x - mu) ** 2).mean(-1, keepdims=True)
    return (x - mu) / jnp.sqrt(var + 1e-6) * s + b


def attn(x, Wqkv, Wo, nh, causal):
    lead = x.shape[:-2]
    L, D = x.shape[-2], x.shape[-1]
    hd = D // nh
    qkv = x @ Wqkv
    q, k, v = jnp.split(qkv, 3, axis=-1)
    def sh(t):
        return t.reshape(lead + (L, nh, hd)).swapaxes(-2, -3)
    q, k, v = sh(q), sh(k), sh(v)
    s = (q @ jnp.swapaxes(k, -1, -2)) * (hd ** -0.5)
    if causal:
        mask = jnp.tril(jnp.ones((L, L), bool))
        s = jnp.where(mask, s, -1e9)
    a = jax.nn.softmax(s, axis=-1)
    o = (a @ v).swapaxes(-2, -3).reshape(lead + (L, D))
    return o @ Wo


def _forward(videos, params):
    b, t = videos.shape[:2]
    patches = patchify(videos, PATCH)
    act = jnp.broadcast_to(params['action_in'], (b, t, 1, PATCH_TOKEN_DIM))
    x = jnp.concatenate([act, patches], axis=2)
    x = x @ params['W_in'] + params['b_in']
    for i in range(NUM_BLOCKS):
        h = ln(x, params['ln1_s'][i], params['ln1_b'][i])
        x = x + attn(h, params['Ws_qkv'][i], params['Ws_o'][i], NUM_HEADS, False)
        h = ln(x, params['ln2_s'][i], params['ln2_b'][i])
        ht = jnp.swapaxes(h, 1, 2)
        o = attn(ht, params['Wt_qkv'][i], params['Wt_o'][i], NUM_HEADS, True)
        x = x + jnp.swapaxes(o, 1, 2)
        h = ln(x, params['ln3_s'][i], params['ln3_b'][i])
        x = x + (jax.nn.gelu(h @ params['W_mlp1'][i] + params['b_mlp1'][i]) @ params['W_mlp2'][i] + params['b_mlp2'][i])
    z = x @ params['W_out'] + params['b_out']
    z = z[:, 1:, 0]
    flat = z.reshape(-1, LATENT_DIM)
    cb = params['codebook']
    d = jnp.sum(flat ** 2, -1, keepdims=True) - 2.0 * (flat @ cb.T) + jnp.sum(cb ** 2, -1)
    idx = jnp.argmin(d, axis=-1)
    zq = jnp.take(cb, idx, axis=0)
    zq_st = flat + jax.lax.stop_gradient(zq - flat)
    z_q = zq_st.reshape(b, t - 1, 1, LATENT_DIM)
    latent_actions = jax.lax.stop_gradient(z_q)
    return latent_actions @ params['W_action']


def reference(videos, params):
    return _forward(videos, params)

if __name__ == "__main__":
    import jax
    _d = setup_inputs()
    print(jax.jit(kernel)(*tuple(_d.values())))

</pallas_src>

<mosaic_0001>
#map = affine_map<(d0, d1) -> (0, 0, 0)>
#map1 = affine_map<(d0, d1) -> (0)>
module attributes {stable_mosaic.version = 14 : i64} {
  func.func @k(%arg0: i32, %arg1: i32, %arg2: memref<8192x8x128xf32, #tpu.memory_space<hbm>>, %arg3: memref<32xi32, #tpu.memory_space<hbm>>, %arg4: memref<32x8x128xf32, #tpu.memory_space<hbm>>, %arg5: memref<8xi32, #tpu.memory_space<vmem>>, %arg6: memref<8x8x128xf32, #tpu.memory_space<vmem>>, %arg7: memref<!tpu.dma_semaphore, #tpu.memory_space<semaphore_mem>>) attributes {dimension_semantics = [#tpu.dimension_semantics<core_parallel>, #tpu.dimension_semantics<subcore_parallel>], iteration_bounds = array<i64: 2, 16>, scalar_prefetch = 0 : i64, scratch_operands = 3 : i64, tpu.core_type = #tpu.core_type<sc_vector_subcore>, window_params = [{transform_indices = #map}, {transform_indices = #map1}, {transform_indices = #map}]} {
    %mul3A = arith.constant 2 : i32
    %mul3A_0 = arith.muli %arg1, %mul3A : i32
    %add3A = arith.addi %mul3A_0, %arg0 : i32
    %lt3A = arith.constant 4 : i32
    %lt3A_1 = arith.cmpi slt, %add3A, %lt3A : i32
    %convert_element_type3A = arith.extui %lt3A_1 : i1 to i32
    %cond3A = arith.constant 0 : i32
    %cond3A_2 = arith.cmpi ne, %convert_element_type3A, %cond3A : i32
    scf.if %cond3A_2 {
      %mul3A_3 = arith.constant 8 : i32
      %mul3A_4 = arith.muli %add3A, %mul3A_3 : i32
      "tpu.region"() ({
        %run_scoped3A = tpu.sem_alloc : memref<!tpu.dma_semaphore, #tpu.memory_space<semaphore_mem>>
        %dma_start3A_11 = tpu.memref_slice %arg3[%mul3A_4] : memref<32xi32, #tpu.memory_space<hbm>> -> memref<8xi32, #tpu.memory_space<hbm>>
        %dma_start3A_12 = tpu.memref_slice %arg3[%mul3A_4] : memref<32xi32, #tpu.memory_space<hbm>> -> memref<8xi32, #tpu.memory_space<hbm>>
        tpu.enqueue_dma source(%dma_start3A_12 : memref<8xi32, #tpu.memory_space<hbm>>) target(%arg5 : memref<8xi32, #tpu.memory_space<vmem>>) target_semaphore(%run_scoped3A : memref<!tpu.dma_semaphore, #tpu.memory_space<semaphore_mem>>)
        %dma_wait3A_13 = tpu.memref_slice %arg3[%mul3A_4] : memref<32xi32, #tpu.memory_space<hbm>> -> memref<8xi32, #tpu.memory_space<hbm>>
        %dma_wait3A_14 = tpu.memref_slice %arg3[%mul3A_4] : memref<32xi32, #tpu.memory_space<hbm>> -> memref<8xi32, #tpu.memory_space<hbm>>
        tpu.wait_dma2 semaphore(%run_scoped3A : memref<!tpu.dma_semaphore, #tpu.memory_space<semaphore_mem>>) src(%dma_wait3A_14 : memref<8xi32, #tpu.memory_space<hbm>>) dst(%arg5 : memref<8xi32, #tpu.memory_space<vmem>>)
        tpu.yield
      }) : () -> ()
      %dma_start3A = arith.constant 0 : i32
      %dma_start3A_5 = arith.constant 0 : i32
      %dma_start3A_6 = arith.constant 0 : i32
      %dma_start3A_7 = tpu.memref_slice %arg2[%dma_start3A, %dma_start3A_5, %dma_start3A_6] : memref<8192x8x128xf32, #tpu.memory_space<hbm>> -> memref<8192x8x128xf32, #tpu.memory_space<hbm>>
      tpu.enqueue_indirect_dma source(%dma_start3A_7 : memref<8192x8x128xf32, #tpu.memory_space<hbm>>) target(%arg6 : memref<8x8x128xf32, #tpu.memory_space<vmem>>) offsets(%arg5 : memref<8xi32, #tpu.memory_space<vmem>>) semaphore(%arg7 : memref<!tpu.dma_semaphore, #tpu.memory_space<semaphore_mem>>)
      %dma_wait3A = arith.constant 0 : i32
      %dma_wait3A_8 = arith.constant 0 : i32
      %dma_wait3A_9 = arith.constant 0 : i32
      %dma_wait3A_10 = tpu.memref_slice %arg2[%dma_wait3A, %dma_wait3A_8, %dma_wait3A_9] : memref<8192x8x128xf32, #tpu.memory_space<hbm>> -> memref<8192x8x128xf32, #tpu.memory_space<hbm>>
      tpu.wait_indirect_dma semaphore(%arg7 : memref<!tpu.dma_semaphore, #tpu.memory_space<semaphore_mem>>) src(%dma_wait3A_10 : memref<8192x8x128xf32, #tpu.memory_space<hbm>>) dst(%arg6 : memref<8x8x128xf32, #tpu.memory_space<vmem>>)
      "tpu.region"() ({
        %run_scoped3A = tpu.sem_alloc : memref<!tpu.dma_semaphore, #tpu.memory_space<semaphore_mem>>
        %dma_start3A_11 = arith.constant 0 : i32
        %dma_start3A_12 = arith.constant 0 : i32
        %dma_start3A_13 = tpu.memref_slice %arg4[%mul3A_4, %dma_start3A_11, %dma_start3A_12] : memref<32x8x128xf32, #tpu.memory_space<hbm>> -> memref<8x8x128xf32, #tpu.memory_space<hbm>>
        %dma_start3A_14 = arith.constant 0 : i32
        %dma_start3A_15 = arith.constant 0 : i32
        %dma_start3A_16 = tpu.memref_slice %arg4[%mul3A_4, %dma_start3A_14, %dma_start3A_15] : memref<32x8x128xf32, #tpu.memory_space<hbm>> -> memref<8x8x128xf32, #tpu.memory_space<hbm>>
        tpu.enqueue_dma source(%arg6 : memref<8x8x128xf32, #tpu.memory_space<vmem>>) target(%dma_start3A_16 : memref<8x8x128xf32, #tpu.memory_space<hbm>>) target_semaphore(%run_scoped3A : memref<!tpu.dma_semaphore, #tpu.memory_space<semaphore_mem>>)
        %dma_wait3A_17 = arith.constant 0 : i32
        %dma_wait3A_18 = arith.constant 0 : i32
        %dma_wait3A_19 = tpu.memref_slice %arg4[%mul3A_4, %dma_wait3A_17, %dma_wait3A_18] : memref<32x8x128xf32, #tpu.memory_space<hbm>> -> memref<8x8x128xf32, #tpu.memory_space<hbm>>
        %dma_wait3A_20 = arith.constant 0 : i32
        %dma_wait3A_21 = arith.constant 0 : i32
        %dma_wait3A_22 = tpu.memref_slice %arg4[%mul3A_4, %dma_wait3A_20, %dma_wait3A_21] : memref<32x8x128xf32, #tpu.memory_space<hbm>> -> memref<8x8x128xf32, #tpu.memory_space<hbm>>
        tpu.wait_dma2 semaphore(%run_scoped3A : memref<!tpu.dma_semaphore, #tpu.memory_space<semaphore_mem>>) src(%arg6 : memref<8x8x128xf32, #tpu.memory_space<vmem>>) dst(%dma_wait3A_22 : memref<8x8x128xf32, #tpu.memory_space<hbm>>)
        tpu.yield
      }) : () -> ()
    } else {
    }
    return
  }
}

module attributes {stable_mosaic.version = 14 : i64} {
  func.func @_in_proj_body(%arg0: i32, %arg1: i32, %arg2: memref<1x1x197x768xf32, #tpu.memory_space<vmem>>, %arg3: memref<768x512xbf16, #tpu.memory_space<vmem>>, %arg4: memref<1x512xf32, #tpu.memory_space<vmem>>, %arg5: memref<1x1x197x512xf32, #tpu.memory_space<vmem>>) attributes {dimension_semantics = [#tpu.dimension_semantics<arbitrary>, #tpu.dimension_semantics<arbitrary>], iteration_bounds = array<i64: 4, 8>, scalar_prefetch = 0 : i64, scratch_operands = 0 : i64, tpu.core_type = #tpu.core_type<tc>, window_params = [{transform_indices = @transform_0, window_bounds = array<i64: 1, 1, 197, 768>}, {pipeline_mode = #tpu.pipeline_mode<synchronous>, transform_indices = @transform_1, window_bounds = array<i64: 768, 512>}, {pipeline_mode = #tpu.pipeline_mode<synchronous>, transform_indices = @transform_2, window_bounds = array<i64: 1, 512>}, {transform_indices = @transform_3, window_bounds = array<i64: 1, 1, 197, 512>}]} {
    %get3A = arith.constant 0 : index
    %get3A_0 = arith.constant 0 : index
    %get3A_1 = arith.constant 0 : index
    %get3A_2 = arith.constant 0 : index
    %get3A_3 = vector.load %arg2[%get3A, %get3A_0, %get3A_1, %get3A_2] : memref<1x1x197x768xf32, #tpu.memory_space<vmem>>, vector<1x1x197x768xf32>
    %get3A_4 = vector.shape_cast %get3A_3 : vector<1x1x197x768xf32> to vector<197x768xf32>
    %get3A_5 = arith.constant 0 : index
    %get3A_6 = arith.constant 0 : index
    %get3A_7 = vector.load %arg3[%get3A_5, %get3A_6] : memref<768x512xbf16, #tpu.memory_space<vmem>>, vector<768x512xbf16>
    %convert_element_type3A = arith.truncf %get3A_4 : vector<197x768xf32> to vector<197x768xbf16>
    %dot_general3A = arith.constant dense<0.000000e+00> : vector<197x512xf32>
    %dot_general3A_8 = tpu.matmul %convert_element_type3A, %get3A_7, %dot_general3A {dimension_numbers = #tpu.dot_dimension_numbers<[1], [0], [0], [1], [0, 0, 1, 1], [], []>, transpose_lhs_hint = false} : vector<197x768xbf16>, vector<768x512xbf16>, vector<197x512xf32> -> vector<197x512xf32>
    %get3A_9 = arith.constant 0 : index
    %get3A_10 = arith.constant 0 : index
    %get3A_11 = vector.load %arg4[%get3A_9, %get3A_10] : memref<1x512xf32, #tpu.memory_space<vmem>>, vector<1x512xf32>
    %get3A_12 = vector.shape_cast %get3A_11 : vector<1x512xf32> to vector<512xf32>
    %broadcast_in_dim3A = vector.shape_cast %get3A_12 : vector<512xf32> to vector<1x512xf32>
    %add3A = vector.broadcast %broadcast_in_dim3A : vector<1x512xf32> to vector<197x512xf32>
    %add3A_13 = arith.addf %dot_general3A_8, %add3A : vector<197x512xf32>
    %swap3A = arith.constant 0 : index
    %swap3A_14 = arith.constant 0 : index
    %swap3A_15 = arith.constant 0 : index
    %swap3A_16 = arith.constant 0 : index
    %swap3A_17 = vector.load %arg5[%swap3A, %swap3A_14, %swap3A_15, %swap3A_16] : memref<1x1x197x512xf32, #tpu.memory_space<vmem>>, vector<1x1x197x512xf32>
    %swap3A_18 = vector.shape_cast %swap3A_17 : vector<1x1x197x512xf32> to vector<197x512xf32>
    %swap3A_19 = vector.shape_cast %add3A_13 : vector<197x512xf32> to vector<1x1x197x512xf32>
    tpu.vector_store %arg5[%swap3A, %swap3A_14, %swap3A_15, %swap3A_16], %swap3A_19 {strides = array<i32>} : memref<1x1x197x512xf32, #tpu.memory_space<vmem>>, vector<1x1x197x512xf32>,
    return
  }
  func.func @transform_0(%arg0: i32, %arg1: i32) -> (i32, i32, i32, i32) {
    %c0_i32 = arith.constant 0 : i32
    %c0_i32_0 = arith.constant 0 : i32
    %c0_i32_1 = arith.constant 0 : i32
    return %arg0, %arg1, %c0_i32, %c0_i32_0 : i32, i32, i32, i32
  }
  func.func @transform_1(%arg0: i32, %arg1: i32) -> (i32, i32) {
    %c0_i32 = arith.constant 0 : i32
    %c0_i32_0 = arith.constant 0 : i32
    %c0_i32_1 = arith.constant 0 : i32
    return %c0_i32, %c0_i32_0 : i32, i32
  }
  func.func @transform_2(%arg0: i32, %arg1: i32) -> (i32, i32) {
    %c0_i32 = arith.constant 0 : i32
    %c0_i32_0 = arith.constant 0 : i32
    %c0_i32_1 = arith.constant 0 : i32
    return %c0_i32, %c0_i32_0 : i32, i32
  }
  func.func @transform_3(%arg0: i32, %arg1: i32) -> (i32, i32, i32, i32) {
    %c0_i32 = arith.constant 0 : i32
    %c0_i32_0 = arith.constant 0 : i32
    %c0_i32_1 = arith.constant 0 : i32
    return %arg0, %arg1, %c0_i32, %c0_i32_0 : i32, i32, i32, i32
  }
}

module attributes {stable_mosaic.version = 14 : i64} {
  func.func @_spatial_body(%arg0: i32, %arg1: i32, %arg2: memref<1x1x197x512xf32, #tpu.memory_space<vmem>>, %arg3: memref<1x512xf32, #tpu.memory_space<vmem>>, %arg4: memref<1x512xf32, #tpu.memory_space<vmem>>, %arg5: memref<512x1536xbf16, #tpu.memory_space<vmem>>, %arg6: memref<512x512xbf16, #tpu.memory_space<vmem>>, %arg7: memref<1x1x197x512xf32, #tpu.memory_space<vmem>>) attributes {dimension_semantics = [#tpu.dimension_semantics<arbitrary>, #tpu.dimension_semantics<arbitrary>], iteration_bounds = array<i64: 4, 8>, scalar_prefetch = 0 : i64, scratch_operands = 0 : i64, tpu.core_type = #tpu.core_type<tc>, window_params = [{transform_indices = @transform_0, window_bounds = array<i64: 1, 1, 197, 512>}, {pipeline_mode = #tpu.pipeline_mode<synchronous>, transform_indices = @transform_1, window_bounds = array<i64: 1, 512>}, {pipeline_mode = #tpu.pipeline_mode<synchronous>, transform_indices = @transform_2, window_bounds = array<i64: 1, 512>}, {pipeline_mode = #tpu.pipeline_mode<synchronous>, transform_indices = @transform_3, window_bounds = array<i64: 512, 1536>}, {pipeline_mode = #tpu.pipeline_mode<synchronous>, transform_indices = @transform_4, window_bounds = array<i64: 512, 512>}, {transform_indices = @transform_5, window_bounds = array<i64: 1, 1, 197, 512>}]} {
    %get3A = arith.constant 0 : index
    %get3A_0 = arith.constant 0 : index
    %get3A_1 = arith.constant 0 : index
    %get3A_2 = arith.constant 0 : index
    %get3A_3 = vector.load %arg2[%get3A, %get3A_0, %get3A_1, %get3A_2] : memref<1x1x197x512xf32, #tpu.memory_space<vmem>>, vector<1x1x197x512xf32>
    %get3A_4 = vector.shape_cast %get3A_3 : vector<1x1x197x512xf32> to vector<197x512xf32>
    %get3A_5 = arith.constant 0 : index
    %get3A_6 = arith.constant 0 : index
    %get3A_7 = vector.load %arg3[%get3A_5, %get3A_6] : memref<1x512xf32, #tpu.memory_space<vmem>>, vector<1x512xf32>
    %get3A_8 = vector.shape_cast %get3A_7 : vector<1x512xf32> to vector<512xf32>
    %get3A_9 = arith.constant 0 : index
    %get3A_10 = arith.constant 0 : index
    %get3A_11 = vector.load %arg4[%get3A_9, %get3A_10] : memref<1x512xf32, #tpu.memory_space<vmem>>, vector<1x512xf32>
    %get3A_12 = vector.shape_cast %get3A_11 : vector<1x512xf32> to vector<512xf32>
    %reduce_sum3A = arith.constant dense<0.000000e+00> : vector<197xf32>
    %reduce_sum3A_13 = vector.multi_reduction <add>, %get3A_4, %reduce_sum3A [1] : vector<197x512xf32> to vector<197xf32>
    %broadcast_in_dim3A = vector.shape_cast %reduce_sum3A_13 : vector<197xf32> to vector<197x1xf32>
    %div3A = arith.constant 5.120000e+02 : f32
    %div3A_14 = vector.broadcast %div3A : f32 to vector<197x1xf32>
    %div3A_15 = arith.divf %broadcast_in_dim3A, %div3A_14 : vector<197x1xf32>
    %sub3A = vector.broadcast %div3A_15 : vector<197x1xf32> to vector<197x512xf32>
    %sub3A_16 = arith.subf %get3A_4, %sub3A : vector<197x512xf32>
    %integer_pow3A = arith.mulf %sub3A_16, %sub3A_16 : vector<197x512xf32>
    %reduce_sum3A_17 = arith.constant dense<0.000000e+00> : vector<197xf32>
    %reduce_sum3A_18 = vector.multi_reduction <add>, %integer_pow3A, %reduce_sum3A_17 [1] : vector<197x512xf32> to vector<197xf32>
    %broadcast_in_dim3A_19 = vector.shape_cast %reduce_sum3A_18 : vector<197xf32> to vector<197x1xf32>
    %div3A_20 = arith.constant 5.120000e+02 : f32
    %div3A_21 = vector.broadcast %div3A_20 : f32 to vector<197x1xf32>
    %div3A_22 = arith.divf %broadcast_in_dim3A_19, %div3A_21 : vector<197x1xf32>
    %sub3A_23 = vector.broadcast %div3A_15 : vector<197x1xf32> to vector<197x512xf32>
    %sub3A_24 = arith.subf %get3A_4, %sub3A_23 : vector<197x512xf32>
    %add3A = arith.constant 9.99999997E-7 : f32
    %add3A_25 = vector.broadcast %add3A : f32 to vector<197x1xf32>
    %add3A_26 = arith.addf %div3A_22, %add3A_25 : vector<197x1xf32>
    %sqrt3A = math.sqrt %add3A_26 : vector<197x1xf32>
    %div3A_27 = vector.broadcast %sqrt3A : vector<197x1xf32> to vector<197x512xf32>
    %div3A_28 = arith.divf %sub3A_24, %div3A_27 : vector<197x512xf32>
    %broadcast_in_dim3A_29 = vector.shape_cast %get3A_8 : vector<512xf32> to vector<1x512xf32>
    %mul3A = vector.broadcast %broadcast_in_dim3A_29 : vector<1x512xf32> to vector<197x512xf32>
    %mul3A_30 = arith.mulf %div3A_28, %mul3A : vector<197x512xf32>
    %broadcast_in_dim3A_31 = vector.shape_cast %get3A_12 : vector<512xf32> to vector<1x512xf32>
    %add3A_32 = vector.broadcast %broadcast_in_dim3A_31 : vector<1x512xf32> to vector<197x512xf32>
    %add3A_33 = arith.addf %mul3A_30, %add3A_32 : vector<197x512xf32>
    %get3A_34 = arith.constant 0 : index
    %get3A_35 = arith.constant 0 : index
    %get3A_36 = vector.load %arg5[%get3A_34, %get3A_35] : memref<512x1536xbf16, #tpu.memory_space<vmem>>, vector<512x1536xbf16>
    %convert_element_type3A = arith.truncf %add3A_33 : vector<197x512xf32> to vector<197x512xbf16>
    %dot_general3A = arith.constant dense<0.000000e+00> : vector<197x1536xf32>
    %dot_general3A_37 = tpu.matmul %convert_element_type3A, %get3A_36, %dot_general3A {dimension_numbers = #tpu.dot_dimension_numbers<[1], [0], [0], [1], [0, 0, 1, 1], [], []>, transpose_lhs_hint = false} : vector<197x512xbf16>, vector<512x1536xbf16>, vector<197x1536xf32> -> vector<197x1536xf32>
    %slice3A = vector.extract_strided_slice %dot_general3A_37 {offsets = [0, 0], sizes = [197, 64], strides = [1, 1]} : vector<197x1536xf32> to vector<197x64xf32>
    %slice3A_38 = vector.extract_strided_slice %dot_general3A_37 {offsets = [0, 512], sizes = [197, 64], strides = [1, 1]} : vector<197x1536xf32> to vector<197x64xf32>
    %slice3A_39 = vector.extract_strided_slice %dot_general3A_37 {offsets = [0, 1024], sizes = [197, 64], strides = [1, 1]} : vector<197x1536xf32> to vector<197x64xf32>
    %convert_element_type3A_40 = arith.truncf %slice3A : vector<197x64xf32> to vector<197x64xbf16>
    %convert_element_type3A_41 = arith.truncf %slice3A_38 : vector<197x64xf32> to vector<197x64xbf16>
    %dot_general3A_42 = arith.constant dense<0.000000e+00> : vector<197x197xf32>
    %dot_general3A_43 = tpu.matmul %convert_element_type3A_40, %convert_element_type3A_41, %dot_general3A_42 {dimension_numbers = #tpu.dot_dimension_numbers<[1], [1], [0], [0], [0, 0, 1, 0], [], []>, transpose_lhs_hint = false} : vector<197x64xbf16>, vector<197x64xbf16>, vector<197x197xf32> -> vector<197x197xf32>
    %mul3A_44 = arith.constant 1.250000e-01 : f32
    %mul3A_45 = vector.broadcast %mul3A_44 : f32 to vector<197x197xf32>
    %mul3A_46 = arith.mulf %dot_general3A_43, %mul3A_45 : vector<197x197xf32>
    %reduce_max3A = arith.constant dense<0xFF800000> : vector<197xf32>
    %reduce_max3A_47 = vector.multi_reduction <maximumf>, %mul3A_46, %reduce_max3A [1] : vector<197x197xf32> to vector<197xf32>
    %max3A = arith.constant 0xFF800000 : f32
    %max3A_48 = vector.broadcast %max3A : f32 to vector<197xf32>
    %max3A_49 = arith.maximumf %max3A_48, %reduce_max3A_47 : vector<197xf32>
    %broadcast_in_dim3A_50 = vector.shape_cast %max3A_49 : vector<197xf32> to vector<197x1xf32>
    %sub3A_51 = vector.broadcast %broadcast_in_dim3A_50 : vector<197x1xf32> to vector<197x197xf32>
    %sub3A_52 = arith.subf %mul3A_46, %sub3A_51 : vector<197x197xf32>
    %exp3A = math.exp %sub3A_52 : vector<197x197xf32>
    %reduce_sum3A_53 = arith.constant dense<0.000000e+00> : vector<197xf32>
    %reduce_sum3A_54 = vector.multi_reduction <add>, %exp3A, %reduce_sum3A_53 [1] : vector<197x197xf32> to vector<197xf32>
    %broadcast_in_dim3A_55 = vector.shape_cast %reduce_sum3A_54 : vector<197xf32> to vector<197x1xf32>
    %div3A_56 = vector.broadcast %broadcast_in_dim3A_55 : vector<197x1xf32> to vector<197x197xf32>
    %div3A_57 = arith.divf %exp3A, %div3A_56 : vector<197x197xf32>
    %convert_element_type3A_58 = arith.truncf %div3A_57 : vector<197x197xf32> to vector<197x197xbf16>
    %convert_element_type3A_59 = arith.truncf %slice3A_39 : vector<197x64xf32> to vector<197x64xbf16>
    %dot_general3A_60 = arith.constant dense<0.000000e+00> : vector<197x64xf32>
    %dot_general3A_61 = tpu.matmul %convert_element_type3A_58, %convert_element_type3A_59, %dot_general3A_60 {dimension_numbers = #tpu.dot_dimension_numbers<[1], [0], [0], [1], [0, 0, 1, 1], [], []>, transpose_lhs_hint = false} : vector<197x197xbf16>, vector<197x64xbf16>, vector<197x64xf32> -> vector<197x64xf32>
    %slice3A_62 = vector.extract_strided_slice %dot_general3A_37 {offsets = [0, 64], sizes = [197, 64], strides = [1, 1]} : vector<197x1536xf32> to vector<197x64xf32>
    %slice3A_63 = vector.extract_strided_slice %dot_general3A_37 {offsets = [0, 576], sizes = [197, 64], strides = [1, 1]} : vector<197x1536xf32> to vector<197x64xf32>
    %slice3A_64 = vector.extract_strided_slice %dot_general3A_37 {offsets = [0, 1088], sizes = [197, 64], strides = [1, 1]} : vector<197x1536xf32> to vector<197x64xf32>
    %convert_element_type3A_65 = arith.truncf %slice3A_62 : vector<197x64xf32> to vector<197x64xbf16>
    %convert_element_type3A_66 = arith.truncf %slice3A_63 : vector<197x64xf32> to vector<197x64xbf16>
    %dot_general3A_67 = arith.constant dense<0.000000e+00> : vector<197x197xf32>
    %dot_general3A_68 = tpu.matmul %convert_element_type3A_65, %convert_element_type3A_66, %dot_general3A_67 {dimension_numbers = #tpu.dot_dimension_numbers<[1], [1], [0], [0], [0, 0, 1, 0], [], []>, transpose_lhs_hint = false} : vector<197x64xbf16>, vector<197x64xbf16>, vector<197x197xf32> -> vector<197x197xf32>
    %mul3A_69 = arith.constant 1.250000e-01 : f32
    %mul3A_70 = vector.broadcast %mul3A_69 : f32 to vector<197x197xf32>
    %mul3A_71 = arith.mulf %dot_general3A_68, %mul3A_70 : vector<197x197xf32>
    %reduce_max3A_72 = arith.constant dense<0xFF800000> : vector<197xf32>
    %reduce_max3A_73 = vector.multi_reduction <maximumf>, %mul3A_71, %reduce_max3A_72 [1] : vector<197x197xf32> to vector<197xf32>
    %max3A_74 = arith.constant 0xFF800000 : f32
    %max3A_75 = vector.broadcast %max3A_74 : f32 to vector<197xf32>
    %max3A_76 = arith.maximumf %max3A_75, %reduce_max3A_73 : vector<197xf32>
    %broadcast_in_dim3A_77 = vector.shape_cast %max3A_76 : vector<197xf32> to vector<197x1xf32>
    %sub3A_78 = vector.broadcast %broadcast_in_dim3A_77 : vector<197x1xf32> to vector<197x197xf32>
    %sub3A_79 = arith.subf %mul3A_71, %sub3A_78 : vector<197x197xf32>
    %exp3A_80 = math.exp %sub3A_79 : vector<197x197xf32>
    %reduce_sum3A_81 = arith.constant dense<0.000000e+00> : vector<197xf32>
    %reduce_sum3A_82 = vector.multi_reduction <add>, %exp3A_80, %reduce_sum3A_81 [1] : vector<197x197xf32> to vector<197xf32>
    %broadcast_in_dim3A_83 = vector.shape_cast %reduce_sum3A_82 : vector<197xf32> to vector<197x1xf32>
    %div3A_84 = vector.broadcast %broadcast_in_dim3A_83 : vector<197x1xf32> to vector<197x197xf32>
    %div3A_85 = arith.divf %exp3A_80, %div3A_84 : vector<197x197xf32>
    %convert_element_type3A_86 = arith.truncf %div3A_85 : vector<197x197xf32> to vector<197x197xbf16>
    %convert_element_type3A_87 = arith.truncf %slice3A_64 : vector<197x64xf32> to vector<197x64xbf16>
    %dot_general3A_88 = arith.constant dense<0.000000e+00> : vector<197x64xf32>
    %dot_general3A_89 = tpu.matmul %convert_element_type3A_86, %convert_element_type3A_87, %dot_general3A_88 {dimension_numbers = #tpu.dot_dimension_numbers<[1], [0], [0], [1], [0, 0, 1, 1], [], []>, transpose_lhs_hint = false} : vector<197x197xbf16>, vector<197x64xbf16>, vector<197x64xf32> -> vector<197x64xf32>
    %slice3A_90 = vector.extract_strided_slice %dot_general3A_37 {offsets = [0, 128], sizes = [197, 64], strides = [1, 1]} : vector<197x1536xf32> to vector<197x64xf32>
    %slice3A_91 = vector.extract_strided_slice %dot_general3A_37 {offsets = [0, 640], sizes = [197, 64], strides = [1, 1]} : vector<197x1536xf32> to vector<197x64xf32>
    %slice3A_92 = vector.extract_strided_slice %dot_general3A_37 {offsets = [0, 1152], sizes = [197, 64], strides = [1, 1]} : vector<197x1536xf32> to vector<197x64xf32>
    %convert_element_type3A_93 = arith.truncf %slice3A_90 : vector<197x64xf32> to vector<197x64xbf16>
    %convert_element_type3A_94 = arith.truncf %slice3A_91 : vector<197x64xf32> to vector<197x64xbf16>
    %dot_general3A_95 = arith.constant dense<0.000000e+00> : vector<197x197xf32>
    %dot_general3A_96 = tpu.matmul %convert_element_type3A_93, %convert_element_type3A_94, %dot_general3A_95 {dimension_numbers = #tpu.dot_dimension_numbers<[1], [1], [0], [0], [0, 0, 1, 0], [], []>, transpose_lhs_hint = false} : vector<197x64xbf16>, vector<197x64xbf16>, vector<197x197xf32> -> vector<197x197xf32>
    %mul3A_97 = arith.constant 1.250000e-01 : f32
    %mul3A_98 = vector.broadcast %mul3A_97 : f32 to vector<197x197xf32>
    %mul3A_99 = arith.mulf %dot_general3A_96, %mul3A_98 : vector<197x197xf32>
    %reduce_max3A_100 = arith.constant dense<0xFF800000> : vector<197xf32>
    %reduce_max3A_101 = vector.multi_reduction <maximumf>, %mul3A_99, %reduce_max3A_100 [1] : vector<197x197xf32> to vector<197xf32>
    %max3A_102 = arith.constant 0xFF800000 : f32
    %max3A_103 = vector.broadcast %max3A_102 : f32 to vector<197xf32>
    %max3A_104 = arith.maximumf %max3A_103, %reduce_max3A_101 : vector<197xf32>
    %broadcast_in_dim3A_105 = vector.shape_cast %max3A_104 : vector<197xf32> to vector<197x1xf32>
    %sub3A_106 = vector.broadcast %broadcast_in_dim3A_105 : vector<197x1xf32> to vector<197x197xf32>
    %sub3A_107 = arith.subf %mul3A_99, %sub3A_106 : vector<197x197xf32>
    %exp3A_108 = math.exp %sub3A_107 : vector<197x197xf32>
    %reduce_sum3A_109 = arith.constant dense<0.000000e+00> : vector<197xf32>
    %reduce_sum3A_110 = vector.multi_reduction <add>, %exp3A_108, %reduce_sum3A_109 [1] : vector<197x197xf32> to vector<197xf32>
    %broadcast_in_dim3A_111 = vector.shape_cast %reduce_sum3A_110 : vector<197xf32> to vector<197x1xf32>
    %div3A_112 = vector.broadcast %broadcast_in_dim3A_111 : vector<197x1xf32> to vector<197x197xf32>
    %div3A_113 = arith.divf %exp3A_108, %div3A_112 : vector<197x197xf32>
    %convert_element_type3A_114 = arith.truncf %div3A_113 : vector<197x197xf32> to vector<197x197xbf16>
    %convert_element_type3A_115 = arith.truncf %slice3A_92 : vector<197x64xf32> to vector<197x64xbf16>
    %dot_general3A_116 = arith.constant dense<0.000000e+00> : vector<197x64xf32>
    %dot_general3A_117 = tpu.matmul %convert_element_type3A_114, %convert_element_type3A_115, %dot_general3A_116 {dimension_numbers = #tpu.dot_dimension_numbers<[1], [0], [0], [1], [0, 0, 1, 1], [], []>, transpose_lhs_hint = false} : vector<197x197xbf16>, vector<197x64xbf16>, vector<197x64xf32> -> vector<197x64xf32>
    %slice3A_118 = vector.extract_strided_slice %dot_general3A_37 {offsets = [0, 192], sizes = [197, 64], strides = [1, 1]} : vector<197x1536xf32> to vector<197x64xf32>
    %slice3A_119 = vector.extract_strided_slice %dot_general3A_37 {offsets = [0, 704], sizes = [197, 64], strides = [1, 1]} : vector<197x1536xf32> to vector<197x64xf32>
    %slice3A_120 = vector.extract_strided_slice %dot_general3A_37 {offsets = [0, 1216], sizes = [197, 64], strides = [1, 1]} : vector<197x1536xf32> to vector<197x64xf32>
    %convert_element_type3A_121 = arith.truncf %slice3A_118 : vector<197x64xf32> to vector<197x64xbf16>
    %convert_element_type3A_122 = arith.truncf %slice3A_119 : vector<197x64xf32> to vector<197x64xbf16>
    %dot_general3A_123 = arith.constant dense<0.000000e+00> : vector<197x197xf32>
    %dot_general3A_124 = tpu.matmul %convert_element_type3A_121, %convert_element_type3A_122, %dot_general3A_123 {dimension_numbers = #tpu.dot_dimension_numbers<[1], [1], [0], [0], [0, 0, 1, 0], [], []>, transpose_lhs_hint = false} : vector<197x64xbf16>, vector<197x64xbf16>, vector<197x197xf32> -> vector<197x197xf32>
    %mul3A_125 = arith.constant 1.250000e-01 : f32
    %mul3A_126 = vector.broadcast %mul3A_125 : f32 to vector<197x197xf32>
    %mul3A_127 = arith.mulf %dot_general3A_124, %mul3A_126 : vector<197x197xf32>
    %reduce_max3A_128 = arith.constant dense<0xFF800000> : vector<197xf32>
    %reduce_max3A_129 = vector.multi_reduction <maximumf>, %mul3A_127, %reduce_max3A_128 [1] : vector<197x197xf32> to vector<197xf32>
    %max3A_130 = arith.constant 0xFF800000 : f32
    %max3A_131 = vector.broadcast %max3A_130 : f32 to vector<197xf32>
    %max3A_132 = arith.maximumf %max3A_131, %reduce_max3A_129 : vector<197xf32>
    %broadcast_in_dim3A_133 = vector.shape_cast %max3A_132 : vector<197xf32> to vector<197x1xf32>
    %sub3A_134 = vector.broadcast %broadcast_in_dim3A_133 : vector<197x1xf32> to vector<197x197xf32>
    %sub3A_135 = arith.subf %mul3A_127, %sub3A_134 : vector<197x197xf32>
    %exp3A_136 = math.exp %sub3A_135 : vector<197x197xf32>
    %reduce_sum3A_137 = arith.constant dense<0.000000e+00> : vector<197xf32>
    %reduce_sum3A_138 = vector.multi_reduction <add>, %exp3A_136, %reduce_sum3A_137 [1] : vector<197x197xf32> to vector<197xf32>
    %broadcast_in_dim3A_139 = vector.shape_cast %reduce_sum3A_138 : vector<197xf32> to vector<197x1xf32>
    %div3A_140 = vector.broadcast %broadcast_in_dim3A_139 : vector<197x1xf32> to vector<197x197xf32>
    %div3A_141 = arith.divf %exp3A_136, %div3A_140 : vector<197x197xf32>
    %convert_element_type3A_142 = arith.truncf %div3A_141 : vector<197x197xf32> to vector<197x197xbf16>
    %convert_element_type3A_143 = arith.truncf %slice3A_120 : vector<197x64xf32> to vector<197x64xbf16>
    %dot_general3A_144 = arith.constant dense<0.000000e+00> : vector<197x64xf32>
    %dot_general3A_145 = tpu.matmul %convert_element_type3A_142, %convert_element_type3A_143, %dot_general3A_144 {dimension_numbers = #tpu.dot_dimension_numbers<[1], [0], [0], [1], [0, 0, 1, 1], [], []>, transpose_lhs_hint = false} : vector<197x197xbf16>, vector<197x64xbf16>, vector<197x64xf32> -> vector<197x64xf32>
    %slice3A_146 = vector.extract_strided_slice %dot_general3A_37 {offsets = [0, 256], sizes = [197, 64], strides = [1, 1]} : vector<197x1536xf32> to vector<197x64xf32>
    %slice3A_147 = vector.extract_strided_slice %dot_general3A_37 {offsets = [0, 768], sizes = [197, 64], strides = [1, 1]} : vector<197x1536xf32> to vector<197x64xf32>
    %slice3A_148 = vector.extract_strided_slice %dot_general3A_37 {offsets = [0, 1280], sizes = [197, 64], strides = [1, 1]} : vector<197x1536xf32> to vector<197x64xf32>
    %convert_element_type3A_149 = arith.truncf %slice3A_146 : vector<197x64xf32> to vector<197x64xbf16>
    %convert_element_type3A_150 = arith.truncf %slice3A_147 : vector<197x64xf32> to vector<197x64xbf16>
    %dot_general3A_151 = arith.constant dense<0.000000e+00> : vector<197x197xf32>
    %dot_general3A_152 = tpu.matmul %convert_element_type3A_149, %convert_element_type3A_150, %dot_general3A_151 {dimension_numbers = #tpu.dot_dimension_numbers<[1], [1], [0], [0], [0, 0, 1, 0], [], []>, transpose_lhs_hint = false} : vector<197x64xbf16>, vector<197x64xbf16>, vector<197x197xf32> -> vector<197x197xf32>
    %mul3A_153 = arith.constant 1.250000e-01 : f32
    %mul3A_154 = vector.broadcast %mul3A_153 : f32 to vector<197x197xf32>
    %mul3A_155 = arith.mulf %dot_general3A_152, %mul3A_154 : vector<197x197xf32>
    %reduce_max3A_156 = arith.constant dense<0xFF800000> : vector<197xf32>
    %reduce_max3A_157 = vector.multi_reduction <maximumf>, %mul3A_155, %reduce_max3A_156 [1] : vector<197x197xf32> to vector<197xf32>
    %max3A_158 = arith.constant 0xFF800000 : f32
    %max3A_159 = vector.broadcast %max3A_158 : f32 to vector<197xf32>
    %max3A_160 = arith.maximumf %max3A_159, %reduce_max3A_157 : vector<197xf32>
    %broadcast_in_dim3A_161 = vector.shape_cast %max3A_160 : vector<197xf32> to vector<197x1xf32>
    %sub3A_162 = vector.broadcast %broadcast_in_dim3A_161 : vector<197x1xf32> to vector<197x197xf32>
    %sub3A_163 = arith.subf %mul3A_155, %sub3A_162 : vector<197x197xf32>
    %exp3A_164 = math.exp %sub3A_163 : vector<197x197xf32>
    %reduce_sum3A_165 = arith.constant dense<0.000000e+00> : vector<197xf32>
    %reduce_sum3A_166 = vector.multi_reduction <add>, %exp3A_164, %reduce_sum3A_165 [1] : vector<197x197xf32> to vector<197xf32>
    %broadcast_in_dim3A_167 = vector.shape_cast %reduce_sum3A_166 : vector<197xf32> to vector<197x1xf32>
    %div3A_168 = vector.broadcast %broadcast_in_dim3A_167 : vector<197x1xf32> to vector<197x197xf32>
    %div3A_169 = arith.divf %exp3A_164, %div3A_168 : vector<197x197xf32>
    %convert_element_type3A_170 = arith.truncf %div3A_169 : vector<197x197xf32> to vector<197x197xbf16>
    %convert_element_type3A_171 = arith.truncf %slice3A_148 : vector<197x64xf32> to vector<197x64xbf16>
    %dot_general3A_172 = arith.constant dense<0.000000e+00> : vector<197x64xf32>
    %dot_general3A_173 = tpu.matmul %convert_element_type3A_170, %convert_element_type3A_171, %dot_general3A_172 {dimension_numbers = #tpu.dot_dimension_numbers<[1], [0], [0], [1], [0, 0, 1, 1], [], []>, transpose_lhs_hint = false} : vector<197x197xbf16>, vector<197x64xbf16>, vector<197x64xf32> -> vector<197x64xf32>
    %slice3A_174 = vector.extract_strided_slice %dot_general3A_37 {offsets = [0, 320], sizes = [197, 64], strides = [1, 1]} : vector<197x1536xf32> to vector<197x64xf32>
    %slice3A_175 = vector.extract_strided_slice %dot_general3A_37 {offsets = [0, 832], sizes = [197, 64], strides = [1, 1]} : vector<197x1536xf32> to vector<197x64xf32>
    %slice3A_176 = vector.extract_strided_slice %dot_general3A_37 {offsets = [0, 1344], sizes = [197, 64], strides = [1, 1]} : vector<197x1536xf32> to vector<197x64xf32>
    %convert_element_type3A_177 = arith.truncf %slice3A_174 : vector<197x64xf32> to vector<197x64xbf16>
    %convert_element_type3A_178 = arith.truncf %slice3A_175 : vector<197x64xf32> to vector<197x64xbf16>
    %dot_general3A_179 = arith.constant dense<0.000000e+00> : vector<197x197xf32>
    %dot_general3A_180 = tpu.matmul %convert_element_type3A_177, %convert_element_type3A_178, %dot_general3A_179 {dimension_numbers = #tpu.dot_dimension_numbers<[1], [1], [0], [0], [0, 0, 1, 0], [], []>, transpose_lhs_hint = false} : vector<197x64xbf16>, vector<197x64xbf16>, vector<197x197xf32> -> vector<197x197xf32>
    %mul3A_181 = arith.constant 1.250000e-01 : f32
    %mul3A_182 = vector.broadcast %mul3A_181 : f32 to vector<197x197xf32>
    %mul3A_183 = arith.mulf %dot_general3A_180, %mul3A_182 : vector<197x197xf32>
    %reduce_max3A_184 = arith.constant dense<0xFF800000> : vector<197xf32>
    %reduce_max3A_185 = vector.multi_reduction <maximumf>, %mul3A_183, %reduce_max3A_184 [1] : vector<197x197xf32> to vector<197xf32>
    %max3A_186 = arith.constant 0xFF800000 : f32
    %max3A_187 = vector.broadcast %max3A_186 : f32 to vector<197xf32>
    %max3A_188 = arith.maximumf %max3A_187, %reduce_max3A_185 : vector<197xf32>
    %broadcast_in_dim3A_189 = vector.shape_cast %max3A_188 : vector<197xf32> to vector<197x1xf32>
    %sub3A_190 = vector.broadcast %broadcast_in_dim3A_189 : vector<197x1xf32> to vector<197x197xf32>
    %sub3A_191 = arith.subf %mul3A_183, %sub3A_190 : vector<197x197xf32>
    %exp3A_192 = math.exp %sub3A_191 : vector<197x197xf32>
    %reduce_sum3A_193 = arith.constant dense<0.000000e+00> : vector<197xf32>
    %reduce_sum3A_194 = vector.multi_reduction <add>, %exp3A_192, %reduce_sum3A_193 [1] : vector<197x197xf32> to vector<197xf32>
    %broadcast_in_dim3A_195 = vector.shape_cast %reduce_sum3A_194 : vector<197xf32> to vector<197x1xf32>
    %div3A_196 = vector.broadcast %broadcast_in_dim3A_195 : vector<197x1xf32> to vector<197x197xf32>
    %div3A_197 = arith.divf %exp3A_192, %div3A_196 : vector<197x197xf32>
    %convert_element_type3A_198 = arith.truncf %div3A_197 : vector<197x197xf32> to vector<197x197xbf16>
    %convert_element_type3A_199 = arith.truncf %slice3A_176 : vector<197x64xf32> to vector<197x64xbf16>
    %dot_general3A_200 = arith.constant dense<0.000000e+00> : vector<197x64xf32>
    %dot_general3A_201 = tpu.matmul %convert_element_type3A_198, %convert_element_type3A_199, %dot_general3A_200 {dimension_numbers = #tpu.dot_dimension_numbers<[1], [0], [0], [1], [0, 0, 1, 1], [], []>, transpose_lhs_hint = false} : vector<197x197xbf16>, vector<197x64xbf16>, vector<197x64xf32> -> vector<197x64xf32>
    %slice3A_202 = vector.extract_strided_slice %dot_general3A_37 {offsets = [0, 384], sizes = [197, 64], strides = [1, 1]} : vector<197x1536xf32> to vector<197x64xf32>
    %slice3A_203 = vector.extract_strided_slice %dot_general3A_37 {offsets = [0, 896], sizes = [197, 64], strides = [1, 1]} : vector<197x1536xf32> to vector<197x64xf32>
    %slice3A_204 = vector.extract_strided_slice %dot_general3A_37 {offsets = [0, 1408], sizes = [197, 64], strides = [1, 1]} : vector<197x1536xf32> to vector<197x64xf32>
    %convert_element_type3A_205 = arith.truncf %slice3A_202 : vector<197x64xf32> to vector<197x64xbf16>
    %convert_element_type3A_206 = arith.truncf %slice3A_203 : vector<197x64xf32> to vector<197x64xbf16>
    %dot_general3A_207 = arith.constant dense<0.000000e+00> : vector<197x197xf32>
    %dot_general3A_208 = tpu.matmul %convert_element_type3A_205, %convert_element_type3A_206, %dot_general3A_207 {dimension_numbers = #tpu.dot_dimension_numbers<[1], [1], [0], [0], [0, 0, 1, 0], [], []>, transpose_lhs_hint = false} : vector<197x64xbf16>, vector<197x64xbf16>, vector<197x197xf32> -> vector<197x197xf32>
    %mul3A_209 = arith.constant 1.250000e-01 : f32
    %mul3A_210 = vector.broadcast %mul3A_209 : f32 to vector<197x197xf32>
    %mul3A_211 = arith.mulf %dot_general3A_208, %mul3A_210 : vector<197x197xf32>
    %reduce_max3A_212 = arith.constant dense<0xFF800000> : vector<197xf32>
    %reduce_max3A_213 = vector.multi_reduction <maximumf>, %mul3A_211, %reduce_max3A_212 [1] : vector<197x197xf32> to vector<197xf32>
    %max3A_214 = arith.constant 0xFF800000 : f32
    %max3A_215 = vector.broadcast %max3A_214 : f32 to vector<197xf32>
    %max3A_216 = arith.maximumf %max3A_215, %reduce_max3A_213 : vector<197xf32>
    %broadcast_in_dim3A_217 = vector.shape_cast %max3A_216 : vector<197xf32> to vector<197x1xf32>
    %sub3A_218 = vector.broadcast %broadcast_in_dim3A_217 : vector<197x1xf32> to vector<197x197xf32>
    %sub3A_219 = arith.subf %mul3A_211, %sub3A_218 : vector<197x197xf32>
    %exp3A_220 = math.exp %sub3A_219 : vector<197x197xf32>
    %reduce_sum3A_221 = arith.constant dense<0.000000e+00> : vector<197xf32>
    %reduce_sum3A_222 = vector.multi_reduction <add>, %exp3A_220, %reduce_sum3A_221 [1] : vector<197x197xf32> to vector<197xf32>
    %broadcast_in_dim3A_223 = vector.shape_cast %reduce_sum3A_222 : vector<197xf32> to vector<197x1xf32>
    %div3A_224 = vector.broadcast %broadcast_in_dim3A_223 : vector<197x1xf32> to vector<197x197xf32>
    %div3A_225 = arith.divf %exp3A_220, %div3A_224 : vector<197x197xf32>
    %convert_element_type3A_226 = arith.truncf %div3A_225 : vector<197x197xf32> to vector<197x197xbf16>
    %convert_element_type3A_227 = arith.truncf %slice3A_204 : vector<197x64xf32> to vector<197x64xbf16>
    %dot_general3A_228 = arith.constant dense<0.000000e+00> : vector<197x64xf32>
    %dot_general3A_229 = tpu.matmul %convert_element_type3A_226, %convert_element_type3A_227, %dot_general3A_228 {dimension_numbers = #tpu.dot_dimension_numbers<[1], [0], [0], [1], [0, 0, 1, 1], [], []>, transpose_lhs_hint = false} : vector<197x197xbf16>, vector<197x64xbf16>, vector<197x64xf32> -> vector<197x64xf32>
    %slice3A_230 = vector.extract_strided_slice %dot_general3A_37 {offsets = [0, 448], sizes = [197, 64], strides = [1, 1]} : vector<197x1536xf32> to vector<197x64xf32>
    %slice3A_231 = vector.extract_strided_slice %dot_general3A_37 {offsets = [0, 960], sizes = [197, 64], strides = [1, 1]} : vector<197x1536xf32> to vector<197x64xf32>
    %slice3A_232 = vector.extract_strided_slice %dot_general3A_37 {offsets = [0, 1472], sizes = [197, 64], strides = [1, 1]} : vector<197x1536xf32> to vector<197x64xf32>
    %convert_element_type3A_233 = arith.truncf %slice3A_230 : vector<197x64xf32> to vector<197x64xbf16>
    %convert_element_type3A_234 = arith.truncf %slice3A_231 : vector<197x64xf32> to vector<197x64xbf16>
    %dot_general3A_235 = arith.constant dense<0.000000e+00> : vector<197x197xf32>
    %dot_general3A_236 = tpu.matmul %convert_element_type3A_233, %convert_element_type3A_234, %dot_general3A_235 {dimension_numbers = #tpu.dot_dimension_numbers<[1], [1], [0], [0], [0, 0, 1, 0], [], []>, transpose_lhs_hint = false} : vector<197x64xbf16>, vector<197x64xbf16>, vector<197x197xf32> -> vector<197x197xf32>
    %mul3A_237 = arith.constant 1.250000e-01 : f32
    %mul3A_238 = vector.broadcast %mul3A_237 : f32 to vector<197x197xf32>
    %mul3A_239 = arith.mulf %dot_general3A_236, %mul3A_238 : vector<197x197xf32>
    %reduce_max3A_240 = arith.constant dense<0xFF800000> : vector<197xf32>
    %reduce_max3A_241 = vector.multi_reduction <maximumf>, %mul3A_239, %reduce_max3A_240 [1] : vector<197x197xf32> to vector<197xf32>
    %max3A_242 = arith.constant 0xFF800000 : f32
    %max3A_243 = vector.broadcast %max3A_242 : f32 to vector<197xf32>
    %max3A_244 = arith.maximumf %max3A_243, %reduce_max3A_241 : vector<197xf32>
    %broadcast_in_dim3A_245 = vector.shape_cast %max3A_244 : vector<197xf32> to vector<197x1xf32>
    %sub3A_246 = vector.broadcast %broadcast_in_dim3A_245 : vector<197x1xf32> to vector<197x197xf32>
    %sub3A_247 = arith.subf %mul3A_239, %sub3A_246 : vector<197x197xf32>
    %exp3A_248 = math.exp %sub3A_247 : vector<197x197xf32>
    %reduce_sum3A_249 = arith.constant dense<0.000000e+00> : vector<197xf32>
    %reduce_sum3A_250 = vector.multi_reduction <add>, %exp3A_248, %reduce_sum3A_249 [1] : vector<197x197xf32> to vector<197xf32>
    %broadcast_in_dim3A_251 = vector.shape_cast %reduce_sum3A_250 : vector<197xf32> to vector<197x1xf32>
    %div3A_252 = vector.broadcast %broadcast_in_dim3A_251 : vector<197x1xf32> to vector<197x197xf32>
    %div3A_253 = arith.divf %exp3A_248, %div3A_252 : vector<197x197xf32>
    %convert_element_type3A_254 = arith.truncf %div3A_253 : vector<197x197xf32> to vector<197x197xbf16>
    %convert_element_type3A_255 = arith.truncf %slice3A_232 : vector<197x64xf32> to vector<197x64xbf16>
    %dot_general3A_256 = arith.constant dense<0.000000e+00> : vector<197x64xf32>
    %dot_general3A_257 = tpu.matmul %convert_element_type3A_254, %convert_element_type3A_255, %dot_general3A_256 {dimension_numbers = #tpu.dot_dimension_numbers<[1], [0], [0], [1], [0, 0, 1, 1], [], []>, transpose_lhs_hint = false} : vector<197x197xbf16>, vector<197x64xbf16>, vector<197x64xf32> -> vector<197x64xf32>
    %concatenate3A = tpu.concatenate %dot_general3A_61, %dot_general3A_89, %dot_general3A_117, %dot_general3A_145, %dot_general3A_173, %dot_general3A_201, %dot_general3A_229, %dot_general3A_257 in 1 : vector<197x64xf32>, vector<197x64xf32>, vector<197x64xf32>, vector<197x64xf32>, vector<197x64xf32>, vector<197x64xf32>, vector<197x64xf32>, vector<197x64xf32> -> vector<197x512xf32>
    %get3A_258 = arith.constant 0 : index
    %get3A_259 = arith.constant 0 : index
    %get3A_260 = vector.load %arg6[%get3A_258, %get3A_259] : memref<512x512xbf16, #tpu.memory_space<vmem>>, vector<512x512xbf16>
    %convert_element_type3A_261 = arith.truncf %concatenate3A : vector<197x512xf32> to vector<197x512xbf16>
    %dot_general3A_262 = arith.constant dense<0.000000e+00> : vector<197x512xf32>
    %dot_general3A_263 = tpu.matmul %convert_element_type3A_261, %get3A_260, %dot_general3A_262 {dimension_numbers = #tpu.dot_dimension_numbers<[1], [0], [0], [1], [0, 0, 1, 1], [], []>, transpose_lhs_hint = false} : vector<197x512xbf16>, vector<512x512xbf16>, vector<197x512xf32> -> vector<197x512xf32>
    %add3A_264 = arith.addf %get3A_4, %dot_general3A_263 : vector<197x512xf32>
    %swap3A = arith.constant 0 : index
    %swap3A_265 = arith.constant 0 : index
    %swap3A_266 = arith.constant 0 : index
    %swap3A_267 = arith.constant 0 : index
    %swap3A_268 = vector.load %arg7[%swap3A, %swap3A_265, %swap3A_266, %swap3A_267] : memref<1x1x197x512xf32, #tpu.memory_space<vmem>>, vector<1x1x197x512xf32>
    %swap3A_269 = vector.shape_cast %swap3A_268 : vector<1x1x197x512xf32> to vector<197x512xf32>
    %swap3A_270 = vector.shape_cast %add3A_264 : vector<197x512xf32> to vector<1x1x197x512xf32>
    tpu.vector_store %arg7[%swap3A, %swap3A_265, %swap3A_266, %swap3A_267], %swap3A_270 {strides = array<i32>} : memref<1x1x197x512xf32, #tpu.memory_space<vmem>>, vector<1x1x197x512xf32>,
    return
  }
  func.func @transform_0(%arg0: i32, %arg1: i32) -> (i32, i32, i32, i32) {
    %c0_i32 = arith.constant 0 : i32
    %c0_i32_0 = arith.constant 0 : i32
    %c0_i32_1 = arith.constant 0 : i32
    return %arg0, %arg1, %c0_i32, %c0_i32_0 : i32, i32, i32, i32
  }
  func.func @transform_1(%arg0: i32, %arg1: i32) -> (i32, i32) {
    %c0_i32 = arith.constant 0 : i32
    %c0_i32_0 = arith.constant 0 : i32
    %c0_i32_1 = arith.constant 0 : i32
    return %c0_i32, %c0_i32_0 : i32, i32
  }
  func.func @transform_2(%arg0: i32, %arg1: i32) -> (i32, i32) {
    %c0_i32 = arith.constant 0 : i32
    %c0_i32_0 = arith.constant 0 : i32
    %c0_i32_1 = arith.constant 0 : i32
    return %c0_i32, %c0_i32_0 : i32, i32
  }
  func.func @transform_3(%arg0: i32, %arg1: i32) -> (i32, i32) {
    %c0_i32 = arith.constant 0 : i32
    %c0_i32_0 = arith.constant 0 : i32
    %c0_i32_1 = arith.constant 0 : i32
    return %c0_i32, %c0_i32_0 : i32, i32
  }
  func.func @transform_4(%arg0: i32, %arg1: i32) -> (i32, i32) {
    %c0_i32 = arith.constant 0 : i32
    %c0_i32_0 = arith.constant 0 : i32
    %c0_i32_1 = arith.constant 0 : i32
    return %c0_i32, %c0_i32_0 : i32, i32
  }
  func.func @transform_5(%arg0: i32, %arg1: i32) -> (i32, i32, i32, i32) {
    %c0_i32 = arith.constant 0 : i32
    %c0_i32_0 = arith.constant 0 : i32
    %c0_i32_1 = arith.constant 0 : i32
    return %arg0, %arg1, %c0_i32, %c0_i32_0 : i32, i32, i32, i32
  }
}

module attributes {stable_mosaic.version = 14 : i64} {
  func.func @_temporal_body(%arg0: i32, %arg1: memref<1x8x197x512xf32, #tpu.memory_space<vmem>>, %arg2: memref<1x512xf32, #tpu.memory_space<vmem>>, %arg3: memref<1x512xf32, #tpu.memory_space<vmem>>, %arg4: memref<512x1536xbf16, #tpu.memory_space<vmem>>, %arg5: memref<512x512xbf16, #tpu.memory_space<vmem>>, %arg6: memref<1x8x197x512xf32, #tpu.memory_space<vmem>>) attributes {dimension_semantics = [#tpu.dimension_semantics<arbitrary>], iteration_bounds = array<i64: 4>, scalar_prefetch = 0 : i64, scratch_operands = 0 : i64, tpu.core_type = #tpu.core_type<tc>, window_params = [{transform_indices = @transform_0, window_bounds = array<i64: 1, 8, 197, 512>}, {pipeline_mode = #tpu.pipeline_mode<synchronous>, transform_indices = @transform_1, window_bounds = array<i64: 1, 512>}, {pipeline_mode = #tpu.pipeline_mode<synchronous>, transform_indices = @transform_2, window_bounds = array<i64: 1, 512>}, {pipeline_mode = #tpu.pipeline_mode<synchronous>, transform_indices = @transform_3, window_bounds = array<i64: 512, 1536>}, {pipeline_mode = #tpu.pipeline_mode<synchronous>, transform_indices = @transform_4, window_bounds = array<i64: 512, 512>}, {transform_indices = @transform_5, window_bounds = array<i64: 1, 8, 197, 512>}]} {
    %get3A = arith.constant 0 : index
    %get3A_0 = arith.constant 0 : index
    %get3A_1 = arith.constant 0 : index
    %get3A_2 = arith.constant 0 : index
    %get3A_3 = vector.load %arg1[%get3A, %get3A_0, %get3A_1, %get3A_2] : memref<1x8x197x512xf32, #tpu.memory_space<vmem>>, vector<1x8x197x512xf32>
    %get3A_4 = vector.shape_cast %get3A_3 : vector<1x8x197x512xf32> to vector<8x197x512xf32>
    %get3A_5 = arith.constant 0 : index
    %get3A_6 = arith.constant 0 : index
    %get3A_7 = vector.load %arg2[%get3A_5, %get3A_6] : memref<1x512xf32, #tpu.memory_space<vmem>>, vector<1x512xf32>
    %get3A_8 = vector.shape_cast %get3A_7 : vector<1x512xf32> to vector<512xf32>
    %get3A_9 = arith.constant 0 : index
    %get3A_10 = arith.constant 0 : index
    %get3A_11 = vector.load %arg3[%get3A_9, %get3A_10] : memref<1x512xf32, #tpu.memory_space<vmem>>, vector<1x512xf32>
    %get3A_12 = vector.shape_cast %get3A_11 : vector<1x512xf32> to vector<512xf32>
    %reduce_sum3A = arith.constant dense<0.000000e+00> : vector<8x197xf32>
    %reduce_sum3A_13 = vector.multi_reduction <add>, %get3A_4, %reduce_sum3A [2] : vector<8x197x512xf32> to vector<8x197xf32>
    %broadcast_in_dim3A = vector.shape_cast %reduce_sum3A_13 : vector<8x197xf32> to vector<8x197x1xf32>
    %div3A = arith.constant 5.120000e+02 : f32
    %div3A_14 = vector.broadcast %div3A : f32 to vector<8x197x1xf32>
    %div3A_15 = arith.divf %broadcast_in_dim3A, %div3A_14 : vector<8x197x1xf32>
    %sub3A = vector.broadcast %div3A_15 : vector<8x197x1xf32> to vector<8x197x512xf32>
    %sub3A_16 = arith.subf %get3A_4, %sub3A : vector<8x197x512xf32>
    %integer_pow3A = arith.mulf %sub3A_16, %sub3A_16 : vector<8x197x512xf32>
    %reduce_sum3A_17 = arith.constant dense<0.000000e+00> : vector<8x197xf32>
    %reduce_sum3A_18 = vector.multi_reduction <add>, %integer_pow3A, %reduce_sum3A_17 [2] : vector<8x197x512xf32> to vector<8x197xf32>
    %broadcast_in_dim3A_19 = vector.shape_cast %reduce_sum3A_18 : vector<8x197xf32> to vector<8x197x1xf32>
    %div3A_20 = arith.constant 5.120000e+02 : f32
    %div3A_21 = vector.broadcast %div3A_20 : f32 to vector<8x197x1xf32>
    %div3A_22 = arith.divf %broadcast_in_dim3A_19, %div3A_21 : vector<8x197x1xf32>
    %sub3A_23 = vector.broadcast %div3A_15 : vector<8x197x1xf32> to vector<8x197x512xf32>
    %sub3A_24 = arith.subf %get3A_4, %sub3A_23 : vector<8x197x512xf32>
    %add3A = arith.constant 9.99999997E-7 : f32
    %add3A_25 = vector.broadcast %add3A : f32 to vector<8x197x1xf32>
    %add3A_26 = arith.addf %div3A_22, %add3A_25 : vector<8x197x1xf32>
    %sqrt3A = math.sqrt %add3A_26 : vector<8x197x1xf32>
    %div3A_27 = vector.broadcast %sqrt3A : vector<8x197x1xf32> to vector<8x197x512xf32>
    %div3A_28 = arith.divf %sub3A_24, %div3A_27 : vector<8x197x512xf32>
    %broadcast_in_dim3A_29 = vector.shape_cast %get3A_8 : vector<512xf32> to vector<1x1x512xf32>
    %mul3A = vector.broadcast %broadcast_in_dim3A_29 : vector<1x1x512xf32> to vector<8x197x512xf32>
    %mul3A_30 = arith.mulf %div3A_28, %mul3A : vector<8x197x512xf32>
    %broadcast_in_dim3A_31 = vector.shape_cast %get3A_12 : vector<512xf32> to vector<1x1x512xf32>
    %add3A_32 = vector.broadcast %broadcast_in_dim3A_31 : vector<1x1x512xf32> to vector<8x197x512xf32>
    %add3A_33 = arith.addf %mul3A_30, %add3A_32 : vector<8x197x512xf32>
    %reshape3A = vector.shape_cast %add3A_33 : vector<8x197x512xf32> to vector<1576x512xf32>
    %get3A_34 = arith.constant 0 : index
    %get3A_35 = arith.constant 0 : index
    %get3A_36 = vector.load %arg4[%get3A_34, %get3A_35] : memref<512x1536xbf16, #tpu.memory_space<vmem>>, vector<512x1536xbf16>
    %convert_element_type3A = arith.truncf %reshape3A : vector<1576x512xf32> to vector<1576x512xbf16>
    %dot_general3A = arith.constant dense<0.000000e+00> : vector<1576x1536xf32>
    %dot_general3A_37 = tpu.matmul %convert_element_type3A, %get3A_36, %dot_general3A {dimension_numbers = #tpu.dot_dimension_numbers<[1], [0], [0], [1], [0, 0, 1, 1], [], []>, transpose_lhs_hint = false} : vector<1576x512xbf16>, vector<512x1536xbf16>, vector<1576x1536xf32> -> vector<1576x1536xf32>
    %reshape3A_38 = vector.shape_cast %dot_general3A_37 : vector<1576x1536xf32> to vector<8x197x1536xf32>
    %convert_element_type3A_39 = arith.truncf %reshape3A_38 : vector<8x197x1536xf32> to vector<8x197x1536xbf16>
    %convert_element_type3A_40 = arith.extf %convert_element_type3A_39 : vector<8x197x1536xbf16> to vector<8x197x1536xf32>
    %slice3A = vector.extract_strided_slice %convert_element_type3A_40 {offsets = [0, 0, 0], sizes = [8, 197, 512], strides = [1, 1, 1]} : vector<8x197x1536xf32> to vector<8x197x512xf32>
    %slice3A_41 = vector.extract_strided_slice %convert_element_type3A_40 {offsets = [0, 0, 512], sizes = [8, 197, 512], strides = [1, 1, 1]} : vector<8x197x1536xf32> to vector<8x197x512xf32>
    %slice3A_42 = vector.extract_strided_slice %convert_element_type3A_40 {offsets = [0, 0, 1024], sizes = [8, 197, 512], strides = [1, 1, 1]} : vector<8x197x1536xf32> to vector<8x197x512xf32>
    %broadcast_in_dim3A_43 = arith.constant -1.000000e+09 : f32
    %broadcast_in_dim3A_44 = vector.broadcast %broadcast_in_dim3A_43 : f32 to vector<197x8xf32>
    %slice3A_45 = vector.extract_strided_slice %slice3A {offsets = [0, 0, 0], sizes = [1, 197, 512], strides = [1, 1, 1]} : vector<8x197x512xf32> to vector<1x197x512xf32>
    %squeeze3A = vector.shape_cast %slice3A_45 : vector<1x197x512xf32> to vector<197x512xf32>
    %slice3A_46 = vector.extract_strided_slice %slice3A_41 {offsets = [0, 0, 0], sizes = [1, 197, 512], strides = [1, 1, 1]} : vector<8x197x512xf32> to vector<1x197x512xf32>
    %squeeze3A_47 = vector.shape_cast %slice3A_46 : vector<1x197x512xf32> to vector<197x512xf32>
    %mul3A_48 = arith.mulf %squeeze3A, %squeeze3A_47 : vector<197x512xf32>
    %slice3A_49 = vector.extract_strided_slice %mul3A_48 {offsets = [0, 0], sizes = [197, 256], strides = [1, 1]} : vector<197x512xf32> to vector<197x256xf32>
    %slice3A_50 = vector.extract_strided_slice %mul3A_48 {offsets = [0, 256], sizes = [197, 256], strides = [1, 1]} : vector<197x512xf32> to vector<197x256xf32>
    %add3A_51 = arith.addf %slice3A_49, %slice3A_50 : vector<197x256xf32>
    %slice3A_52 = vector.extract_strided_slice %add3A_51 {offsets = [0, 0], sizes = [197, 128], strides = [1, 1]} : vector<197x256xf32> to vector<197x128xf32>
    %slice3A_53 = vector.extract_strided_slice %add3A_51 {offsets = [0, 128], sizes = [197, 128], strides = [1, 1]} : vector<197x256xf32> to vector<197x128xf32>
    %add3A_54 = arith.addf %slice3A_52, %slice3A_53 : vector<197x128xf32>
    %slice3A_55 = vector.extract_strided_slice %add3A_54 {offsets = [0, 0], sizes = [197, 64], strides = [1, 1]} : vector<197x128xf32> to vector<197x64xf32>
    %slice3A_56 = vector.extract_strided_slice %add3A_54 {offsets = [0, 64], sizes = [197, 64], strides = [1, 1]} : vector<197x128xf32> to vector<197x64xf32>
    %add3A_57 = arith.addf %slice3A_55, %slice3A_56 : vector<197x64xf32>
    %slice3A_58 = vector.extract_strided_slice %add3A_57 {offsets = [0, 0], sizes = [197, 32], strides = [1, 1]} : vector<197x64xf32> to vector<197x32xf32>
    %slice3A_59 = vector.extract_strided_slice %add3A_57 {offsets = [0, 32], sizes = [197, 32], strides = [1, 1]} : vector<197x64xf32> to vector<197x32xf32>
    %add3A_60 = arith.addf %slice3A_58, %slice3A_59 : vector<197x32xf32>
    %slice3A_61 = vector.extract_strided_slice %add3A_60 {offsets = [0, 0], sizes = [197, 16], strides = [1, 1]} : vector<197x32xf32> to vector<197x16xf32>
    %slice3A_62 = vector.extract_strided_slice %add3A_60 {offsets = [0, 16], sizes = [197, 16], strides = [1, 1]} : vector<197x32xf32> to vector<197x16xf32>
    %add3A_63 = arith.addf %slice3A_61, %slice3A_62 : vector<197x16xf32>
    %slice3A_64 = vector.extract_strided_slice %add3A_63 {offsets = [0, 0], sizes = [197, 8], strides = [1, 1]} : vector<197x16xf32> to vector<197x8xf32>
    %slice3A_65 = vector.extract_strided_slice %add3A_63 {offsets = [0, 8], sizes = [197, 8], strides = [1, 1]} : vector<197x16xf32> to vector<197x8xf32>
    %add3A_66 = arith.addf %slice3A_64, %slice3A_65 : vector<197x8xf32>
    %concatenate3A = tpu.concatenate %add3A_66, %broadcast_in_dim3A_44, %broadcast_in_dim3A_44, %broadcast_in_dim3A_44, %broadcast_in_dim3A_44, %broadcast_in_dim3A_44, %broadcast_in_dim3A_44, %broadcast_in_dim3A_44 in 1 : vector<197x8xf32>, vector<197x8xf32>, vector<197x8xf32>, vector<197x8xf32>, vector<197x8xf32>, vector<197x8xf32>, vector<197x8xf32>, vector<197x8xf32> -> vector<197x64xf32>
    %mul3A_67 = arith.constant 1.250000e-01 : f32
    %mul3A_68 = vector.broadcast %mul3A_67 : f32 to vector<197x64xf32>
    %mul3A_69 = arith.mulf %concatenate3A, %mul3A_68 : vector<197x64xf32>
    %slice3A_70 = vector.extract_strided_slice %mul3A_69 {offsets = [0, 0], sizes = [197, 32], strides = [1, 1]} : vector<197x64xf32> to vector<197x32xf32>
    %slice3A_71 = vector.extract_strided_slice %mul3A_69 {offsets = [0, 32], sizes = [197, 32], strides = [1, 1]} : vector<197x64xf32> to vector<197x32xf32>
    %max3A = arith.maximumf %slice3A_70, %slice3A_71 : vector<197x32xf32>
    %slice3A_72 = vector.extract_strided_slice %max3A {offsets = [0, 0], sizes = [197, 16], strides = [1, 1]} : vector<197x32xf32> to vector<197x16xf32>
    %slice3A_73 = vector.extract_strided_slice %max3A {offsets = [0, 16], sizes = [197, 16], strides = [1, 1]} : vector<197x32xf32> to vector<197x16xf32>
    %max3A_74 = arith.maximumf %slice3A_72, %slice3A_73 : vector<197x16xf32>
    %slice3A_75 = vector.extract_strided_slice %max3A_74 {offsets = [0, 0], sizes = [197, 8], strides = [1, 1]} : vector<197x16xf32> to vector<197x8xf32>
    %slice3A_76 = vector.extract_strided_slice %max3A_74 {offsets = [0, 8], sizes = [197, 8], strides = [1, 1]} : vector<197x16xf32> to vector<197x8xf32>
    %max3A_77 = arith.maximumf %slice3A_75, %slice3A_76 : vector<197x8xf32>
    %concatenate3A_78 = tpu.concatenate %max3A_77, %max3A_77 in 1 : vector<197x8xf32>, vector<197x8xf32> -> vector<197x16xf32>
    %concatenate3A_79 = tpu.concatenate %concatenate3A_78, %concatenate3A_78 in 1 : vector<197x16xf32>, vector<197x16xf32> -> vector<197x32xf32>
    %concatenate3A_80 = tpu.concatenate %concatenate3A_79, %concatenate3A_79 in 1 : vector<197x32xf32>, vector<197x32xf32> -> vector<197x64xf32>
    %sub3A_81 = arith.subf %mul3A_69, %concatenate3A_80 : vector<197x64xf32>
    %exp3A = math.exp %sub3A_81 : vector<197x64xf32>
    %slice3A_82 = vector.extract_strided_slice %exp3A {offsets = [0, 0], sizes = [197, 32], strides = [1, 1]} : vector<197x64xf32> to vector<197x32xf32>
    %slice3A_83 = vector.extract_strided_slice %exp3A {offsets = [0, 32], sizes = [197, 32], strides = [1, 1]} : vector<197x64xf32> to vector<197x32xf32>
    %add3A_84 = arith.addf %slice3A_82, %slice3A_83 : vector<197x32xf32>
    %slice3A_85 = vector.extract_strided_slice %add3A_84 {offsets = [0, 0], sizes = [197, 16], strides = [1, 1]} : vector<197x32xf32> to vector<197x16xf32>
    %slice3A_86 = vector.extract_strided_slice %add3A_84 {offsets = [0, 16], sizes = [197, 16], strides = [1, 1]} : vector<197x32xf32> to vector<197x16xf32>
    %add3A_87 = arith.addf %slice3A_85, %slice3A_86 : vector<197x16xf32>
    %slice3A_88 = vector.extract_strided_slice %add3A_87 {offsets = [0, 0], sizes = [197, 8], strides = [1, 1]} : vector<197x16xf32> to vector<197x8xf32>
    %slice3A_89 = vector.extract_strided_slice %add3A_87 {offsets = [0, 8], sizes = [197, 8], strides = [1, 1]} : vector<197x16xf32> to vector<197x8xf32>
    %add3A_90 = arith.addf %slice3A_88, %slice3A_89 : vector<197x8xf32>
    %concatenate3A_91 = tpu.concatenate %add3A_90, %add3A_90 in 1 : vector<197x8xf32>, vector<197x8xf32> -> vector<197x16xf32>
    %concatenate3A_92 = tpu.concatenate %concatenate3A_91, %concatenate3A_91 in 1 : vector<197x16xf32>, vector<197x16xf32> -> vector<197x32xf32>
    %concatenate3A_93 = tpu.concatenate %concatenate3A_92, %concatenate3A_92 in 1 : vector<197x32xf32>, vector<197x32xf32> -> vector<197x64xf32>
    %div3A_94 = arith.divf %exp3A, %concatenate3A_93 : vector<197x64xf32>
    %convert_element_type3A_95 = arith.truncf %div3A_94 : vector<197x64xf32> to vector<197x64xbf16>
    %convert_element_type3A_96 = arith.extf %convert_element_type3A_95 : vector<197x64xbf16> to vector<197x64xf32>
    %broadcast_in_dim3A_97 = arith.constant 0.000000e+00 : f32
    %broadcast_in_dim3A_98 = vector.broadcast %broadcast_in_dim3A_97 : f32 to vector<197x512xf32>
    %slice3A_99 = vector.extract_strided_slice %convert_element_type3A_96 {offsets = [0, 0], sizes = [197, 8], strides = [1, 1]} : vector<197x64xf32> to vector<197x8xf32>
    %concatenate3A_100 = tpu.concatenate %slice3A_99, %slice3A_99 in 1 : vector<197x8xf32>, vector<197x8xf32> -> vector<197x16xf32>
    %concatenate3A_101 = tpu.concatenate %concatenate3A_100, %concatenate3A_100 in 1 : vector<197x16xf32>, vector<197x16xf32> -> vector<197x32xf32>
    %concatenate3A_102 = tpu.concatenate %concatenate3A_101, %concatenate3A_101 in 1 : vector<197x32xf32>, vector<197x32xf32> -> vector<197x64xf32>
    %concatenate3A_103 = tpu.concatenate %concatenate3A_102, %concatenate3A_102 in 1 : vector<197x64xf32>, vector<197x64xf32> -> vector<197x128xf32>
    %concatenate3A_104 = tpu.concatenate %concatenate3A_103, %concatenate3A_103 in 1 : vector<197x128xf32>, vector<197x128xf32> -> vector<197x256xf32>
    %concatenate3A_105 = tpu.concatenate %concatenate3A_104, %concatenate3A_104 in 1 : vector<197x256xf32>, vector<197x256xf32> -> vector<197x512xf32>
    %slice3A_106 = vector.extract_strided_slice %slice3A_42 {offsets = [0, 0, 0], sizes = [1, 197, 512], strides = [1, 1, 1]} : vector<8x197x512xf32> to vector<1x197x512xf32>
    %squeeze3A_107 = vector.shape_cast %slice3A_106 : vector<1x197x512xf32> to vector<197x512xf32>
    %mul3A_108 = arith.mulf %concatenate3A_105, %squeeze3A_107 : vector<197x512xf32>
    %add3A_109 = arith.addf %broadcast_in_dim3A_98, %mul3A_108 : vector<197x512xf32>
    %slice3A_110 = vector.extract_strided_slice %slice3A {offsets = [1, 0, 0], sizes = [1, 197, 512], strides = [1, 1, 1]} : vector<8x197x512xf32> to vector<1x197x512xf32>
    %squeeze3A_111 = vector.shape_cast %slice3A_110 : vector<1x197x512xf32> to vector<197x512xf32>
    %slice3A_112 = vector.extract_strided_slice %slice3A_41 {offsets = [0, 0, 0], sizes = [1, 197, 512], strides = [1, 1, 1]} : vector<8x197x512xf32> to vector<1x197x512xf32>
    %squeeze3A_113 = vector.shape_cast %slice3A_112 : vector<1x197x512xf32> to vector<197x512xf32>
    %mul3A_114 = arith.mulf %squeeze3A_111, %squeeze3A_113 : vector<197x512xf32>
    %slice3A_115 = vector.extract_strided_slice %mul3A_114 {offsets = [0, 0], sizes = [197, 256], strides = [1, 1]} : vector<197x512xf32> to vector<197x256xf32>
    %slice3A_116 = vector.extract_strided_slice %mul3A_114 {offsets = [0, 256], sizes = [197, 256], strides = [1, 1]} : vector<197x512xf32> to vector<197x256xf32>
    %add3A_117 = arith.addf %slice3A_115, %slice3A_116 : vector<197x256xf32>
    %slice3A_118 = vector.extract_strided_slice %add3A_117 {offsets = [0, 0], sizes = [197, 128], strides = [1, 1]} : vector<197x256xf32> to vector<197x128xf32>
    %slice3A_119 = vector.extract_strided_slice %add3A_117 {offsets = [0, 128], sizes = [197, 128], strides = [1, 1]} : vector<197x256xf32> to vector<197x128xf32>
    %add3A_120 = arith.addf %slice3A_118, %slice3A_119 : vector<197x128xf32>
    %slice3A_121 = vector.extract_strided_slice %add3A_120 {offsets = [0, 0], sizes = [197, 64], strides = [1, 1]} : vector<197x128xf32> to vector<197x64xf32>
    %slice3A_122 = vector.extract_strided_slice %add3A_120 {offsets = [0, 64], sizes = [197, 64], strides = [1, 1]} : vector<197x128xf32> to vector<197x64xf32>
    %add3A_123 = arith.addf %slice3A_121, %slice3A_122 : vector<197x64xf32>
    %slice3A_124 = vector.extract_strided_slice %add3A_123 {offsets = [0, 0], sizes = [197, 32], strides = [1, 1]} : vector<197x64xf32> to vector<197x32xf32>
    %slice3A_125 = vector.extract_strided_slice %add3A_123 {offsets = [0, 32], sizes = [197, 32], strides = [1, 1]} : vector<197x64xf32> to vector<197x32xf32>
    %add3A_126 = arith.addf %slice3A_124, %slice3A_125 : vector<197x32xf32>
    %slice3A_127 = vector.extract_strided_slice %add3A_126 {offsets = [0, 0], sizes = [197, 16], strides = [1, 1]} : vector<197x32xf32> to vector<197x16xf32>
    %slice3A_128 = vector.extract_strided_slice %add3A_126 {offsets = [0, 16], sizes = [197, 16], strides = [1, 1]} : vector<197x32xf32> to vector<197x16xf32>
    %add3A_129 = arith.addf %slice3A_127, %slice3A_128 : vector<197x16xf32>
    %slice3A_130 = vector.extract_strided_slice %add3A_129 {offsets = [0, 0], sizes = [197, 8], strides = [1, 1]} : vector<197x16xf32> to vector<197x8xf32>
    %slice3A_131 = vector.extract_strided_slice %add3A_129 {offsets = [0, 8], sizes = [197, 8], strides = [1, 1]} : vector<197x16xf32> to vector<197x8xf32>
    %add3A_132 = arith.addf %slice3A_130, %slice3A_131 : vector<197x8xf32>
    %slice3A_133 = vector.extract_strided_slice %slice3A {offsets = [1, 0, 0], sizes = [1, 197, 512], strides = [1, 1, 1]} : vector<8x197x512xf32> to vector<1x197x512xf32>
    %squeeze3A_134 = vector.shape_cast %slice3A_133 : vector<1x197x512xf32> to vector<197x512xf32>
    %slice3A_135 = vector.extract_strided_slice %slice3A_41 {offsets = [1, 0, 0], sizes = [1, 197, 512], strides = [1, 1, 1]} : vector<8x197x512xf32> to vector<1x197x512xf32>
    %squeeze3A_136 = vector.shape_cast %slice3A_135 : vector<1x197x512xf32> to vector<197x512xf32>
    %mul3A_137 = arith.mulf %squeeze3A_134, %squeeze3A_136 : vector<197x512xf32>
    %slice3A_138 = vector.extract_strided_slice %mul3A_137 {offsets = [0, 0], sizes = [197, 256], strides = [1, 1]} : vector<197x512xf32> to vector<197x256xf32>
    %slice3A_139 = vector.extract_strided_slice %mul3A_137 {offsets = [0, 256], sizes = [197, 256], strides = [1, 1]} : vector<197x512xf32> to vector<197x256xf32>
    %add3A_140 = arith.addf %slice3A_138, %slice3A_139 : vector<197x256xf32>
    %slice3A_141 = vector.extract_strided_slice %add3A_140 {offsets = [0, 0], sizes = [197, 128], strides = [1, 1]} : vector<197x256xf32> to vector<197x128xf32>
    %slice3A_142 = vector.extract_strided_slice %add3A_140 {offsets = [0, 128], sizes = [197, 128], strides = [1, 1]} : vector<197x256xf32> to vector<197x128xf32>
    %add3A_143 = arith.addf %slice3A_141, %slice3A_142 : vector<197x128xf32>
    %slice3A_144 = vector.extract_strided_slice %add3A_143 {offsets = [0, 0], sizes = [197, 64], strides = [1, 1]} : vector<197x128xf32> to vector<197x64xf32>
    %slice3A_145 = vector.extract_strided_slice %add3A_143 {offsets = [0, 64], sizes = [197, 64], strides = [1, 1]} : vector<197x128xf32> to vector<197x64xf32>
    %add3A_146 = arith.addf %slice3A_144, %slice3A_145 : vector<197x64xf32>
    %slice3A_147 = vector.extract_strided_slice %add3A_146 {offsets = [0, 0], sizes = [197, 32], strides = [1, 1]} : vector<197x64xf32> to vector<197x32xf32>
    %slice3A_148 = vector.extract_strided_slice %add3A_146 {offsets = [0, 32], sizes = [197, 32], strides = [1, 1]} : vector<197x64xf32> to vector<197x32xf32>
    %add3A_149 = arith.addf %slice3A_147, %slice3A_148 : vector<197x32xf32>
    %slice3A_150 = vector.extract_strided_slice %add3A_149 {offsets = [0, 0], sizes = [197, 16], strides = [1, 1]} : vector<197x32xf32> to vector<197x16xf32>
    %slice3A_151 = vector.extract_strided_slice %add3A_149 {offsets = [0, 16], sizes = [197, 16], strides = [1, 1]} : vector<197x32xf32> to vector<197x16xf32>
    %add3A_152 = arith.addf %slice3A_150, %slice3A_151 : vector<197x16xf32>
    %slice3A_153 = vector.extract_strided_slice %add3A_152 {offsets = [0, 0], sizes = [197, 8], strides = [1, 1]} : vector<197x16xf32> to vector<197x8xf32>
    %slice3A_154 = vector.extract_strided_slice %add3A_152 {offsets = [0, 8], sizes = [197, 8], strides = [1, 1]} : vector<197x16xf32> to vector<197x8xf32>
    %add3A_155 = arith.addf %slice3A_153, %slice3A_154 : vector<197x8xf32>
    %concatenate3A_156 = tpu.concatenate %add3A_132, %add3A_155, %broadcast_in_dim3A_44, %broadcast_in_dim3A_44, %broadcast_in_dim3A_44, %broadcast_in_dim3A_44, %broadcast_in_dim3A_44, %broadcast_in_dim3A_44 in 1 : vector<197x8xf32>, vector<197x8xf32>, vector<197x8xf32>, vector<197x8xf32>, vector<197x8xf32>, vector<197x8xf32>, vector<197x8xf32>, vector<197x8xf32> -> vector<197x64xf32>
    %mul3A_157 = arith.constant 1.250000e-01 : f32
    %mul3A_158 = vector.broadcast %mul3A_157 : f32 to vector<197x64xf32>
    %mul3A_159 = arith.mulf %concatenate3A_156, %mul3A_158 : vector<197x64xf32>
    %slice3A_160 = vector.extract_strided_slice %mul3A_159 {offsets = [0, 0], sizes = [197, 32], strides = [1, 1]} : vector<197x64xf32> to vector<197x32xf32>
    %slice3A_161 = vector.extract_strided_slice %mul3A_159 {offsets = [0, 32], sizes = [197, 32], strides = [1, 1]} : vector<197x64xf32> to vector<197x32xf32>
    %max3A_162 = arith.maximumf %slice3A_160, %slice3A_161 : vector<197x32xf32>
    %slice3A_163 = vector.extract_strided_slice %max3A_162 {offsets = [0, 0], sizes = [197, 16], strides = [1, 1]} : vector<197x32xf32> to vector<197x16xf32>
    %slice3A_164 = vector.extract_strided_slice %max3A_162 {offsets = [0, 16], sizes = [197, 16], strides = [1, 1]} : vector<197x32xf32> to vector<197x16xf32>
    %max3A_165 = arith.maximumf %slice3A_163, %slice3A_164 : vector<197x16xf32>
    %slice3A_166 = vector.extract_strided_slice %max3A_165 {offsets = [0, 0], sizes = [197, 8], strides = [1, 1]} : vector<197x16xf32> to vector<197x8xf32>
    %slice3A_167 = vector.extract_strided_slice %max3A_165 {offsets = [0, 8], sizes = [197, 8], strides = [1, 1]} : vector<197x16xf32> to vector<197x8xf32>
    %max3A_168 = arith.maximumf %slice3A_166, %slice3A_167 : vector<197x8xf32>
    %concatenate3A_169 = tpu.concatenate %max3A_168, %max3A_168 in 1 : vector<197x8xf32>, vector<197x8xf32> -> vector<197x16xf32>
    %concatenate3A_170 = tpu.concatenate %concatenate3A_169, %concatenate3A_169 in 1 : vector<197x16xf32>, vector<197x16xf32> -> vector<197x32xf32>
    %concatenate3A_171 = tpu.concatenate %concatenate3A_170, %concatenate3A_170 in 1 : vector<197x32xf32>, vector<197x32xf32> -> vector<197x64xf32>
    %sub3A_172 = arith.subf %mul3A_159, %concatenate3A_171 : vector<197x64xf32>
    %exp3A_173 = math.exp %sub3A_172 : vector<197x64xf32>
    %slice3A_174 = vector.extract_strided_slice %exp3A_173 {offsets = [0, 0], sizes = [197, 32], strides = [1, 1]} : vector<197x64xf32> to vector<197x32xf32>
    %slice3A_175 = vector.extract_strided_slice %exp3A_173 {offsets = [0, 32], sizes = [197, 32], strides = [1, 1]} : vector<197x64xf32> to vector<197x32xf32>
    %add3A_176 = arith.addf %slice3A_174, %slice3A_175 : vector<197x32xf32>
    %slice3A_177 = vector.extract_strided_slice %add3A_176 {offsets = [0, 0], sizes = [197, 16], strides = [1, 1]} : vector<197x32xf32> to vector<197x16xf32>
    %slice3A_178 = vector.extract_strided_slice %add3A_176 {offsets = [0, 16], sizes = [197, 16], strides = [1, 1]} : vector<197x32xf32> to vector<197x16xf32>
    %add3A_179 = arith.addf %slice3A_177, %slice3A_178 : vector<197x16xf32>
    %slice3A_180 = vector.extract_strided_slice %add3A_179 {offsets = [0, 0], sizes = [197, 8], strides = [1, 1]} : vector<197x16xf32> to vector<197x8xf32>
    %slice3A_181 = vector.extract_strided_slice %add3A_179 {offsets = [0, 8], sizes = [197, 8], strides = [1, 1]} : vector<197x16xf32> to vector<197x8xf32>
    %add3A_182 = arith.addf %slice3A_180, %slice3A_181 : vector<197x8xf32>
    %concatenate3A_183 = tpu.concatenate %add3A_182, %add3A_182 in 1 : vector<197x8xf32>, vector<197x8xf32> -> vector<197x16xf32>
    %concatenate3A_184 = tpu.concatenate %concatenate3A_183, %concatenate3A_183 in 1 : vector<197x16xf32>, vector<197x16xf32> -> vector<197x32xf32>
    %concatenate3A_185 = tpu.concatenate %concatenate3A_184, %concatenate3A_184 in 1 : vector<197x32xf32>, vector<197x32xf32> -> vector<197x64xf32>
    %div3A_186 = arith.divf %exp3A_173, %concatenate3A_185 : vector<197x64xf32>
    %convert_element_type3A_187 = arith.truncf %div3A_186 : vector<197x64xf32> to vector<197x64xbf16>
    %convert_element_type3A_188 = arith.extf %convert_element_type3A_187 : vector<197x64xbf16> to vector<197x64xf32>
    %broadcast_in_dim3A_189 = arith.constant 0.000000e+00 : f32
    %broadcast_in_dim3A_190 = vector.broadcast %broadcast_in_dim3A_189 : f32 to vector<197x512xf32>
    %slice3A_191 = vector.extract_strided_slice %convert_element_type3A_188 {offsets = [0, 0], sizes = [197, 8], strides = [1, 1]} : vector<197x64xf32> to vector<197x8xf32>
    %concatenate3A_192 = tpu.concatenate %slice3A_191, %slice3A_191 in 1 : vector<197x8xf32>, vector<197x8xf32> -> vector<197x16xf32>
    %concatenate3A_193 = tpu.concatenate %concatenate3A_192, %concatenate3A_192 in 1 : vector<197x16xf32>, vector<197x16xf32> -> vector<197x32xf32>
    %concatenate3A_194 = tpu.concatenate %concatenate3A_193, %concatenate3A_193 in 1 : vector<197x32xf32>, vector<197x32xf32> -> vector<197x64xf32>
    %concatenate3A_195 = tpu.concatenate %concatenate3A_194, %concatenate3A_194 in 1 : vector<197x64xf32>, vector<197x64xf32> -> vector<197x128xf32>
    %concatenate3A_196 = tpu.concatenate %concatenate3A_195, %concatenate3A_195 in 1 : vector<197x128xf32>, vector<197x128xf32> -> vector<197x256xf32>
    %concatenate3A_197 = tpu.concatenate %concatenate3A_196, %concatenate3A_196 in 1 : vector<197x256xf32>, vector<197x256xf32> -> vector<197x512xf32>
    %slice3A_198 = vector.extract_strided_slice %slice3A_42 {offsets = [0, 0, 0], sizes = [1, 197, 512], strides = [1, 1, 1]} : vector<8x197x512xf32> to vector<1x197x512xf32>
    %squeeze3A_199 = vector.shape_cast %slice3A_198 : vector<1x197x512xf32> to vector<197x512xf32>
    %mul3A_200 = arith.mulf %concatenate3A_197, %squeeze3A_199 : vector<197x512xf32>
    %add3A_201 = arith.addf %broadcast_in_dim3A_190, %mul3A_200 : vector<197x512xf32>
    %slice3A_202 = vector.extract_strided_slice %convert_element_type3A_188 {offsets = [0, 8], sizes = [197, 8], strides = [1, 1]} : vector<197x64xf32> to vector<197x8xf32>
    %concatenate3A_203 = tpu.concatenate %slice3A_202, %slice3A_202 in 1 : vector<197x8xf32>, vector<197x8xf32> -> vector<197x16xf32>
    %concatenate3A_204 = tpu.concatenate %concatenate3A_203, %concatenate3A_203 in 1 : vector<197x16xf32>, vector<197x16xf32> -> vector<197x32xf32>
    %concatenate3A_205 = tpu.concatenate %concatenate3A_204, %concatenate3A_204 in 1 : vector<197x32xf32>, vector<197x32xf32> -> vector<197x64xf32>
    %concatenate3A_206 = tpu.concatenate %concatenate3A_205, %concatenate3A_205 in 1 : vector<197x64xf32>, vector<197x64xf32> -> vector<197x128xf32>
    %concatenate3A_207 = tpu.concatenate %concatenate3A_206, %concatenate3A_206 in 1 : vector<197x128xf32>, vector<197x128xf32> -> vector<197x256xf32>
    %concatenate3A_208 = tpu.concatenate %concatenate3A_207, %concatenate3A_207 in 1 : vector<197x256xf32>, vector<197x256xf32> -> vector<197x512xf32>
    %slice3A_209 = vector.extract_strided_slice %slice3A_42 {offsets = [1, 0, 0], sizes = [1, 197, 512], strides = [1, 1, 1]} : vector<8x197x512xf32> to vector<1x197x512xf32>
    %squeeze3A_210 = vector.shape_cast %slice3A_209 : vector<1x197x512xf32> to vector<197x512xf32>
    %mul3A_211 = arith.mulf %concatenate3A_208, %squeeze3A_210 : vector<197x512xf32>
    %add3A_212 = arith.addf %add3A_201, %mul3A_211 : vector<197x512xf32>
    %slice3A_213 = vector.extract_strided_slice %slice3A {offsets = [2, 0, 0], sizes = [1, 197, 512], strides = [1, 1, 1]} : vector<8x197x512xf32> to vector<1x197x512xf32>
    %squeeze3A_214 = vector.shape_cast %slice3A_213 : vector<1x197x512xf32> to vector<197x512xf32>
    %slice3A_215 = vector.extract_strided_slice %slice3A_41 {offsets = [0, 0, 0], sizes = [1, 197, 512], strides = [1, 1, 1]} : vector<8x197x512xf32> to vector<1x197x512xf32>
    %squeeze3A_216 = vector.shape_cast %slice3A_215 : vector<1x197x512xf32> to vector<197x512xf32>
    %mul3A_217 = arith.mulf %squeeze3A_214, %squeeze3A_216 : vector<197x512xf32>
    %slice3A_218 = vector.extract_strided_slice %mul3A_217 {offsets = [0, 0], sizes = [197, 256], strides = [1, 1]} : vector<197x512xf32> to vector<197x256xf32>
    %slice3A_219 = vector.extract_strided_slice %mul3A_217 {offsets = [0, 256], sizes = [197, 256], strides = [1, 1]} : vector<197x512xf32> to vector<197x256xf32>
    %add3A_220 = arith.addf %slice3A_218, %slice3A_219 : vector<197x256xf32>
    %slice3A_221 = vector.extract_strided_slice %add3A_220 {offsets = [0, 0], sizes = [197, 128], strides = [1, 1]} : vector<197x256xf32> to vector<197x128xf32>
    %slice3A_222 = vector.extract_strided_slice %add3A_220 {offsets = [0, 128], sizes = [197, 128], strides = [1, 1]} : vector<197x256xf32> to vector<197x128xf32>
    %add3A_223 = arith.addf %slice3A_221, %slice3A_222 : vector<197x128xf32>
    %slice3A_224 = vector.extract_strided_slice %add3A_223 {offsets = [0, 0], sizes = [197, 64], strides = [1, 1]} : vector<197x128xf32> to vector<197x64xf32>
    %slice3A_225 = vector.extract_strided_slice %add3A_223 {offsets = [0, 64], sizes = [197, 64], strides = [1, 1]} : vector<197x128xf32> to vector<197x64xf32>
    %add3A_226 = arith.addf %slice3A_224, %slice3A_225 : vector<197x64xf32>
    %slice3A_227 = vector.extract_strided_slice %add3A_226 {offsets = [0, 0], sizes = [197, 32], strides = [1, 1]} : vector<197x64xf32> to vector<197x32xf32>
    %slice3A_228 = vector.extract_strided_slice %add3A_226 {offsets = [0, 32], sizes = [197, 32], strides = [1, 1]} : vector<197x64xf32> to vector<197x32xf32>
    %add3A_229 = arith.addf %slice3A_227, %slice3A_228 : vector<197x32xf32>
    %slice3A_230 = vector.extract_strided_slice %add3A_229 {offsets = [0, 0], sizes = [197, 16], strides = [1, 1]} : vector<197x32xf32> to vector<197x16xf32>
    %slice3A_231 = vector.extract_strided_slice %add3A_229 {offsets = [0, 16], sizes = [197, 16], strides = [1, 1]} : vector<197x32xf32> to vector<197x16xf32>
    %add3A_232 = arith.addf %slice3A_230, %slice3A_231 : vector<197x16xf32>
    %slice3A_233 = vector.extract_strided_slice %add3A_232 {offsets = [0, 0], sizes = [197, 8], strides = [1, 1]} : vector<197x16xf32> to vector<197x8xf32>
    %slice3A_234 = vector.extract_strided_slice %add3A_232 {offsets = [0, 8], sizes = [197, 8], strides = [1, 1]} : vector<197x16xf32> to vector<197x8xf32>
    %add3A_235 = arith.addf %slice3A_233, %slice3A_234 : vector<197x8xf32>
    %slice3A_236 = vector.extract_strided_slice %slice3A {offsets = [2, 0, 0], sizes = [1, 197, 512], strides = [1, 1, 1]} : vector<8x197x512xf32> to vector<1x197x512xf32>
    %squeeze3A_237 = vector.shape_cast %slice3A_236 : vector<1x197x512xf32> to vector<197x512xf32>
    %slice3A_238 = vector.extract_strided_slice %slice3A_41 {offsets = [1, 0, 0], sizes = [1, 197, 512], strides = [1, 1, 1]} : vector<8x197x512xf32> to vector<1x197x512xf32>
    %squeeze3A_239 = vector.shape_cast %slice3A_238 : vector<1x197x512xf32> to vector<197x512xf32>
    %mul3A_240 = arith.mulf %squeeze3A_237, %squeeze3A_239 : vector<197x512xf32>
    %slice3A_241 = vector.extract_strided_slice %mul3A_240 {offsets = [0, 0], sizes = [197, 256], strides = [1, 1]} : vector<197x512xf32> to vector<197x256xf32>
    %slice3A_242 = vector.extract_strided_slice %mul3A_240 {offsets = [0, 256], sizes = [197, 256], strides = [1, 1]} : vector<197x512xf32> to vector<197x256xf32>
    %add3A_243 = arith.addf %slice3A_241, %slice3A_242 : vector<197x256xf32>
    %slice3A_244 = vector.extract_strided_slice %add3A_243 {offsets = [0, 0], sizes = [197, 128], strides = [1, 1]} : vector<197x256xf32> to vector<197x128xf32>
    %slice3A_245 = vector.extract_strided_slice %add3A_243 {offsets = [0, 128], sizes = [197, 128], strides = [1, 1]} : vector<197x256xf32> to vector<197x128xf32>
    %add3A_246 = arith.addf %slice3A_244, %slice3A_245 : vector<197x128xf32>
    %slice3A_247 = vector.extract_strided_slice %add3A_246 {offsets = [0, 0], sizes = [197, 64], strides = [1, 1]} : vector<197x128xf32> to vector<197x64xf32>
    %slice3A_248 = vector.extract_strided_slice %add3A_246 {offsets = [0, 64], sizes = [197, 64], strides = [1, 1]} : vector<197x128xf32> to vector<197x64xf32>
    %add3A_249 = arith.addf %slice3A_247, %slice3A_248 : vector<197x64xf32>
    %slice3A_250 = vector.extract_strided_slice %add3A_249 {offsets = [0, 0], sizes = [197, 32], strides = [1, 1]} : vector<197x64xf32> to vector<197x32xf32>
    %slice3A_251 = vector.extract_strided_slice %add3A_249 {offsets = [0, 32], sizes = [197, 32], strides = [1, 1]} : vector<197x64xf32> to vector<197x32xf32>
    %add3A_252 = arith.addf %slice3A_250, %slice3A_251 : vector<197x32xf32>
    %slice3A_253 = vector.extract_strided_slice %add3A_252 {offsets = [0, 0], sizes = [197, 16], strides = [1, 1]} : vector<197x32xf32> to vector<197x16xf32>
    %slice3A_254 = vector.extract_strided_slice %add3A_252 {offsets = [0, 16], sizes = [197, 16], strides = [1, 1]} : vector<197x32xf32> to vector<197x16xf32>
    %add3A_255 = arith.addf %slice3A_253, %slice3A_254 : vector<197x16xf32>
    %slice3A_256 = vector.extract_strided_slice %add3A_255 {offsets = [0, 0], sizes = [197, 8], strides = [1, 1]} : vector<197x16xf32> to vector<197x8xf32>
    %slice3A_257 = vector.extract_strided_slice %add3A_255 {offsets = [0, 8], sizes = [197, 8], strides = [1, 1]} : vector<197x16xf32> to vector<197x8xf32>
    %add3A_258 = arith.addf %slice3A_256, %slice3A_257 : vector<197x8xf32>
    %slice3A_259 = vector.extract_strided_slice %slice3A {offsets = [2, 0, 0], sizes = [1, 197, 512], strides = [1, 1, 1]} : vector<8x197x512xf32> to vector<1x197x512xf32>
    %squeeze3A_260 = vector.shape_cast %slice3A_259 : vector<1x197x512xf32> to vector<197x512xf32>
    %slice3A_261 = vector.extract_strided_slice %slice3A_41 {offsets = [2, 0, 0], sizes = [1, 197, 512], strides = [1, 1, 1]} : vector<8x197x512xf32> to vector<1x197x512xf32>
    %squeeze3A_262 = vector.shape_cast %slice3A_261 : vector<1x197x512xf32> to vector<197x512xf32>
    %mul3A_263 = arith.mulf %squeeze3A_260, %squeeze3A_262 : vector<197x512xf32>
    %slice3A_264 = vector.extract_strided_slice %mul3A_263 {offsets = [0, 0], sizes = [197, 256], strides = [1, 1]} : vector<197x512xf32> to vector<197x256xf32>
    %slice3A_265 = vector.extract_strided_slice %mul3A_263 {offsets = [0, 256], sizes = [197, 256], strides = [1, 1]} : vector<197x512xf32> to vector<197x256xf32>
    %add3A_266 = arith.addf %slice3A_264, %slice3A_265 : vector<197x256xf32>
    %slice3A_267 = vector.extract_strided_slice %add3A_266 {offsets = [0, 0], sizes = [197, 128], strides = [1, 1]} : vector<197x256xf32> to vector<197x128xf32>
    %slice3A_268 = vector.extract_strided_slice %add3A_266 {offsets = [0, 128], sizes = [197, 128], strides = [1, 1]} : vector<197x256xf32> to vector<197x128xf32>
    %add3A_269 = arith.addf %slice3A_267, %slice3A_268 : vector<197x128xf32>
    %slice3A_270 = vector.extract_strided_slice %add3A_269 {offsets = [0, 0], sizes = [197, 64], strides = [1, 1]} : vector<197x128xf32> to vector<197x64xf32>
    %slice3A_271 = vector.extract_strided_slice %add3A_269 {offsets = [0, 64], sizes = [197, 64], strides = [1, 1]} : vector<197x128xf32> to vector<197x64xf32>
    %add3A_272 = arith.addf %slice3A_270, %slice3A_271 : vector<197x64xf32>
    %slice3A_273 = vector.extract_strided_slice %add3A_272 {offsets = [0, 0], sizes = [197, 32], strides = [1, 1]} : vector<197x64xf32> to vector<197x32xf32>
    %slice3A_274 = vector.extract_strided_slice %add3A_272 {offsets = [0, 32], sizes = [197, 32], strides = [1, 1]} : vector<197x64xf32> to vector<197x32xf32>
    %add3A_275 = arith.addf %slice3A_273, %slice3A_274 : vector<197x32xf32>
    %slice3A_276 = vector.extract_strided_slice %add3A_275 {offsets = [0, 0], sizes = [197, 16], strides = [1, 1]} : vector<197x32xf32> to vector<197x16xf32>
    %slice3A_277 = vector.extract_strided_slice %add3A_275 {offsets = [0, 16], sizes = [197, 16], strides = [1, 1]} : vector<197x32xf32> to vector<197x16xf32>
    %add3A_278 = arith.addf %slice3A_276, %slice3A_277 : vector<197x16xf32>
    %slice3A_279 = vector.extract_strided_slice %add3A_278 {offsets = [0, 0], sizes = [197, 8], strides = [1, 1]} : vector<197x16xf32> to vector<197x8xf32>
    %slice3A_280 = vector.extract_strided_slice %add3A_278 {offsets = [0, 8], sizes = [197, 8], strides = [1, 1]} : vector<197x16xf32> to vector<197x8xf32>
    %add3A_281 = arith.addf %slice3A_279, %slice3A_280 : vector<197x8xf32>
    %concatenate3A_282 = tpu.concatenate %add3A_235, %add3A_258, %add3A_281, %broadcast_in_dim3A_44, %broadcast_in_dim3A_44, %broadcast_in_dim3A_44, %broadcast_in_dim3A_44, %broadcast_in_dim3A_44 in 1 : vector<197x8xf32>, vector<197x8xf32>, vector<197x8xf32>, vector<197x8xf32>, vector<197x8xf32>, vector<197x8xf32>, vector<197x8xf32>, vector<197x8xf32> -> vector<197x64xf32>
    %mul3A_283 = arith.constant 1.250000e-01 : f32
    %mul3A_284 = vector.broadcast %mul3A_283 : f32 to vector<197x64xf32>
    %mul3A_285 = arith.mulf %concatenate3A_282, %mul3A_284 : vector<197x64xf32>
    %slice3A_286 = vector.extract_strided_slice %mul3A_285 {offsets = [0, 0], sizes = [197, 32], strides = [1, 1]} : vector<197x64xf32> to vector<197x32xf32>
    %slice3A_287 = vector.extract_strided_slice %mul3A_285 {offsets = [0, 32], sizes = [197, 32], strides = [1, 1]} : vector<197x64xf32> to vector<197x32xf32>
    %max3A_288 = arith.maximumf %slice3A_286, %slice3A_287 : vector<197x32xf32>
    %slice3A_289 = vector.extract_strided_slice %max3A_288 {offsets = [0, 0], sizes = [197, 16], strides = [1, 1]} : vector<197x32xf32> to vector<197x16xf32>
    %slice3A_290 = vector.extract_strided_slice %max3A_288 {offsets = [0, 16], sizes = [197, 16], strides = [1, 1]} : vector<197x32xf32> to vector<197x16xf32>
    %max3A_291 = arith.maximumf %slice3A_289, %slice3A_290 : vector<197x16xf32>
    %slice3A_292 = vector.extract_strided_slice %max3A_291 {offsets = [0, 0], sizes = [197, 8], strides = [1, 1]} : vector<197x16xf32> to vector<197x8xf32>
    %slice3A_293 = vector.extract_strided_slice %max3A_291 {offsets = [0, 8], sizes = [197, 8], strides = [1, 1]} : vector<197x16xf32> to vector<197x8xf32>
    %max3A_294 = arith.maximumf %slice3A_292, %slice3A_293 : vector<197x8xf32>
    %concatenate3A_295 = tpu.concatenate %max3A_294, %max3A_294 in 1 : vector<197x8xf32>, vector<197x8xf32> -> vector<197x16xf32>
    %concatenate3A_296 = tpu.concatenate %concatenate3A_295, %concatenate3A_295 in 1 : vector<197x16xf32>, vector<197x16xf32> -> vector<197x32xf32>
    %concatenate3A_297 = tpu.concatenate %concatenate3A_296, %concatenate3A_296 in 1 : vector<197x32xf32>, vector<197x32xf32> -> vector<197x64xf32>
    %sub3A_298 = arith.subf %mul3A_285, %concatenate3A_297 : vector<197x64xf32>
    %exp3A_299 = math.exp %sub3A_298 : vector<197x64xf32>
    %slice3A_300 = vector.extract_strided_slice %exp3A_299 {offsets = [0, 0], sizes = [197, 32], strides = [1, 1]} : vector<197x64xf32> to vector<197x32xf32>
    %slice3A_301 = vector.extract_strided_slice %exp3A_299 {offsets = [0, 32], sizes = [197, 32], strides = [1, 1]} : vector<197x64xf32> to vector<197x32xf32>
    %add3A_302 = arith.addf %slice3A_300, %slice3A_301 : vector<197x32xf32>
    %slice3A_303 = vector.extract_strided_slice %add3A_302 {offsets = [0, 0], sizes = [197, 16], strides = [1, 1]} : vector<197x32xf32> to vector<197x16xf32>
    %slice3A_304 = vector.extract_strided_slice %add3A_302 {offsets = [0, 16], sizes = [197, 16], strides = [1, 1]} : vector<197x32xf32> to vector<197x16xf32>
    %add3A_305 = arith.addf %slice3A_303, %slice3A_304 : vector<197x16xf32>
    %slice3A_306 = vector.extract_strided_slice %add3A_305 {offsets = [0, 0], sizes = [197, 8], strides = [1, 1]} : vector<197x16xf32> to vector<197x8xf32>
    %slice3A_307 = vector.extract_strided_slice %add3A_305 {offsets = [0, 8], sizes = [197, 8], strides = [1, 1]} : vector<197x16xf32> to vector<197x8xf32>
    %add3A_308 = arith.addf %slice3A_306, %slice3A_307 : vector<197x8xf32>
    %concatenate3A_309 = tpu.concatenate %add3A_308, %add3A_308 in 1 : vector<197x8xf32>, vector<197x8xf32> -> vector<197x16xf32>
    %concatenate3A_310 = tpu.concatenate %concatenate3A_309, %concatenate3A_309 in 1 : vector<197x16xf32>, vector<197x16xf32> -> vector<197x32xf32>
    %concatenate3A_311 = tpu.concatenate %concatenate3A_310, %concatenate3A_310 in 1 : vector<197x32xf32>, vector<197x32xf32> -> vector<197x64xf32>
    %div3A_312 = arith.divf %exp3A_299, %concatenate3A_311 : vector<197x64xf32>
    %convert_element_type3A_313 = arith.truncf %div3A_312 : vector<197x64xf32> to vector<197x64xbf16>
    %convert_element_type3A_314 = arith.extf %convert_element_type3A_313 : vector<197x64xbf16> to vector<197x64xf32>
    %broadcast_in_dim3A_315 = arith.constant 0.000000e+00 : f32
    %broadcast_in_dim3A_316 = vector.broadcast %broadcast_in_dim3A_315 : f32 to vector<197x512xf32>
    %slice3A_317 = vector.extract_strided_slice %convert_element_type3A_314 {offsets = [0, 0], sizes = [197, 8], strides = [1, 1]} : vector<197x64xf32> to vector<197x8xf32>
    %concatenate3A_318 = tpu.concatenate %slice3A_317, %slice3A_317 in 1 : vector<197x8xf32>, vector<197x8xf32> -> vector<197x16xf32>
    %concatenate3A_319 = tpu.concatenate %concatenate3A_318, %concatenate3A_318 in 1 : vector<197x16xf32>, vector<197x16xf32> -> vector<197x32xf32>
    %concatenate3A_320 = tpu.concatenate %concatenate3A_319, %concatenate3A_319 in 1 : vector<197x32xf32>, vector<197x32xf32> -> vector<197x64xf32>
    %concatenate3A_321 = tpu.concatenate %concatenate3A_320, %concatenate3A_320 in 1 : vector<197x64xf32>, vector<197x64xf32> -> vector<197x128xf32>
    %concatenate3A_322 = tpu.concatenate %concatenate3A_321, %concatenate3A_321 in 1 : vector<197x128xf32>, vector<197x128xf32> -> vector<197x256xf32>
    %concatenate3A_323 = tpu.concatenate %concatenate3A_322, %concatenate3A_322 in 1 : vector<197x256xf32>, vector<197x256xf32> -> vector<197x512xf32>
    %slice3A_324 = vector.extract_strided_slice %slice3A_42 {offsets = [0, 0, 0], sizes = [1, 197, 512], strides = [1, 1, 1]} : vector<8x197x512xf32> to vector<1x197x512xf32>
    %squeeze3A_325 = vector.shape_cast %slice3A_324 : vector<1x197x512xf32> to vector<197x512xf32>
    %mul3A_326 = arith.mulf %concatenate3A_323, %squeeze3A_325 : vector<197x512xf32>
    %add3A_327 = arith.addf %broadcast_in_dim3A_316, %mul3A_326 : vector<197x512xf32>
    %slice3A_328 = vector.extract_strided_slice %convert_element_type3A_314 {offsets = [0, 8], sizes = [197, 8], strides = [1, 1]} : vector<197x64xf32> to vector<197x8xf32>
    %concatenate3A_329 = tpu.concatenate %slice3A_328, %slice3A_328 in 1 : vector<197x8xf32>, vector<197x8xf32> -> vector<197x16xf32>
    %concatenate3A_330 = tpu.concatenate %concatenate3A_329, %concatenate3A_329 in 1 : vector<197x16xf32>, vector<197x16xf32> -> vector<197x32xf32>
    %concatenate3A_331 = tpu.concatenate %concatenate3A_330, %concatenate3A_330 in 1 : vector<197x32xf32>, vector<197x32xf32> -> vector<197x64xf32>
    %concatenate3A_332 = tpu.concatenate %concatenate3A_331, %concatenate3A_331 in 1 : vector<197x64xf32>, vector<197x64xf32> -> vector<197x128xf32>
    %concatenate3A_333 = tpu.concatenate %concatenate3A_332, %concatenate3A_332 in 1 : vector<197x128xf32>, vector<197x128xf32> -> vector<197x256xf32>
    %concatenate3A_334 = tpu.concatenate %concatenate3A_333, %concatenate3A_333 in 1 : vector<197x256xf32>, vector<197x256xf32> -> vector<197x512xf32>
    %slice3A_335 = vector.extract_strided_slice %slice3A_42 {offsets = [1, 0, 0], sizes = [1, 197, 512], strides = [1, 1, 1]} : vector<8x197x512xf32> to vector<1x197x512xf32>
    %squeeze3A_336 = vector.shape_cast %slice3A_335 : vector<1x197x512xf32> to vector<197x512xf32>
    %mul3A_337 = arith.mulf %concatenate3A_334, %squeeze3A_336 : vector<197x512xf32>
    %add3A_338 = arith.addf %add3A_327, %mul3A_337 : vector<197x512xf32>
    %slice3A_339 = vector.extract_strided_slice %convert_element_type3A_314 {offsets = [0, 16], sizes = [197, 8], strides = [1, 1]} : vector<197x64xf32> to vector<197x8xf32>
    %concatenate3A_340 = tpu.concatenate %slice3A_339, %slice3A_339 in 1 : vector<197x8xf32>, vector<197x8xf32> -> vector<197x16xf32>
    %concatenate3A_341 = tpu.concatenate %concatenate3A_340, %concatenate3A_340 in 1 : vector<197x16xf32>, vector<197x16xf32> -> vector<197x32xf32>
    %concatenate3A_342 = tpu.concatenate %concatenate3A_341, %concatenate3A_341 in 1 : vector<197x32xf32>, vector<197x32xf32> -> vector<197x64xf32>
    %concatenate3A_343 = tpu.concatenate %concatenate3A_342, %concatenate3A_342 in 1 : vector<197x64xf32>, vector<197x64xf32> -> vector<197x128xf32>
    %concatenate3A_344 = tpu.concatenate %concatenate3A_343, %concatenate3A_343 in 1 : vector<197x128xf32>, vector<197x128xf32> -> vector<197x256xf32>
    %concatenate3A_345 = tpu.concatenate %concatenate3A_344, %concatenate3A_344 in 1 : vector<197x256xf32>, vector<197x256xf32> -> vector<197x512xf32>
    %slice3A_346 = vector.extract_strided_slice %slice3A_42 {offsets = [2, 0, 0], sizes = [1, 197, 512], strides = [1, 1, 1]} : vector<8x197x512xf32> to vector<1x197x512xf32>
    %squeeze3A_347 = vector.shape_cast %slice3A_346 : vector<1x197x512xf32> to vector<197x512xf32>
    %mul3A_348 = arith.mulf %concatenate3A_345, %squeeze3A_347 : vector<197x512xf32>
    %add3A_349 = arith.addf %add3A_338, %mul3A_348 : vector<197x512xf32>
    %slice3A_350 = vector.extract_strided_slice %slice3A {offsets = [3, 0, 0], sizes = [1, 197, 512], strides = [1, 1, 1]} : vector<8x197x512xf32> to vector<1x197x512xf32>
    %squeeze3A_351 = vector.shape_cast %slice3A_350 : vector<1x197x512xf32> to vector<197x512xf32>
    %slice3A_352 = vector.extract_strided_slice %slice3A_41 {offsets = [0, 0, 0], sizes = [1, 197, 512], strides = [1, 1, 1]} : vector<8x197x512xf32> to vector<1x197x512xf32>
    %squeeze3A_353 = vector.shape_cast %slice3A_352 : vector<1x197x512xf32> to vector<197x512xf32>
    %mul3A_354 = arith.mulf %squeeze3A_351, %squeeze3A_353 : vector<197x512xf32>
    %slice3A_355 = vector.extract_strided_slice %mul3A_354 {offsets = [0, 0], sizes = [197, 256], strides = [1, 1]} : vector<197x512xf32> to vector<197x256xf32>
    %slice3A_356 = vector.extract_strided_slice %mul3A_354 {offsets = [0, 256], sizes = [197, 256], strides = [1, 1]} : vector<197x512xf32> to vector<197x256xf32>
    %add3A_357 = arith.addf %slice3A_355, %slice3A_356 : vector<197x256xf32>
    %slice3A_358 = vector.extract_strided_slice %add3A_357 {offsets = [0, 0], sizes = [197, 128], strides = [1, 1]} : vector<197x256xf32> to vector<197x128xf32>
    %slice3A_359 = vector.extract_strided_slice %add3A_357 {offsets = [0, 128], sizes = [197, 128], strides = [1, 1]} : vector<197x256xf32> to vector<197x128xf32>
    %add3A_360 = arith.addf %slice3A_358, %slice3A_359 : vector<197x128xf32>
    %slice3A_361 = vector.extract_strided_slice %add3A_360 {offsets = [0, 0], sizes = [197, 64], strides = [1, 1]} : vector<197x128xf32> to vector<197x64xf32>
    %slice3A_362 = vector.extract_strided_slice %add3A_360 {offsets = [0, 64], sizes = [197, 64], strides = [1, 1]} : vector<197x128xf32> to vector<197x64xf32>
    %add3A_363 = arith.addf %slice3A_361, %slice3A_362 : vector<197x64xf32>
    %slice3A_364 = vector.extract_strided_slice %add3A_363 {offsets = [0, 0], sizes = [197, 32], strides = [1, 1]} : vector<197x64xf32> to vector<197x32xf32>
    %slice3A_365 = vector.extract_strided_slice %add3A_363 {offsets = [0, 32], sizes = [197, 32], strides = [1, 1]} : vector<197x64xf32> to vector<197x32xf32>
    %add3A_366 = arith.addf %slice3A_364, %slice3A_365 : vector<197x32xf32>
    %slice3A_367 = vector.extract_strided_slice %add3A_366 {offsets = [0, 0], sizes = [197, 16], strides = [1, 1]} : vector<197x32xf32> to vector<197x16xf32>
    %slice3A_368 = vector.extract_strided_slice %add3A_366 {offsets = [0, 16], sizes = [197, 16], strides = [1, 1]} : vector<197x32xf32> to vector<197x16xf32>
    %add3A_369 = arith.addf %slice3A_367, %slice3A_368 : vector<197x16xf32>
    %slice3A_370 = vector.extract_strided_slice %add3A_369 {offsets = [0, 0], sizes = [197, 8], strides = [1, 1]} : vector<197x16xf32> to vector<197x8xf32>
    %slice3A_371 = vector.extract_strided_slice %add3A_369 {offsets = [0, 8], sizes = [197, 8], strides = [1, 1]} : vector<197x16xf32> to vector<197x8xf32>
    %add3A_372 = arith.addf %slice3A_370, %slice3A_371 : vector<197x8xf32>
    %slice3A_373 = vector.extract_strided_slice %slice3A {offsets = [3, 0, 0], sizes = [1, 197, 512], strides = [1, 1, 1]} : vector<8x197x512xf32> to vector<1x197x512xf32>
    %squeeze3A_374 = vector.shape_cast %slice3A_373 : vector<1x197x512xf32> to vector<197x512xf32>
    %slice3A_375 = vector.extract_strided_slice %slice3A_41 {offsets = [1, 0, 0], sizes = [1, 197, 512], strides = [1, 1, 1]} : vector<8x197x512xf32> to vector<1x197x512xf32>
    %squeeze3A_376 = vector.shape_cast %slice3A_375 : vector<1x197x512xf32> to vector<197x512xf32>
    %mul3A_377 = arith.mulf %squeeze3A_374, %squeeze3A_376 : vector<197x512xf32>
    %slice3A_378 = vector.extract_strided_slice %mul3A_377 {offsets = [0, 0], sizes = [197, 256], strides = [1, 1]} : vector<197x512xf32> to vector<197x256xf32>
    %slice3A_379 = vector.extract_strided_slice %mul3A_377 {offsets = [0, 256], sizes = [197, 256], strides = [1, 1]} : vector<197x512xf32> to vector<197x256xf32>
    %add3A_380 = arith.addf %slice3A_378, %slice3A_379 : vector<197x256xf32>
    %slice3A_381 = vector.extract_strided_slice %add3A_380 {offsets = [0, 0], sizes = [197, 128], strides = [1, 1]} : vector<197x256xf32> to vector<197x128xf32>
    %slice3A_382 = vector.extract_strided_slice %add3A_380 {offsets = [0, 128], sizes = [197, 128], strides = [1, 1]} : vector<197x256xf32> to vector<197x128xf32>
    %add3A_383 = arith.addf %slice3A_381, %slice3A_382 : vector<197x128xf32>
    %slice3A_384 = vector.extract_strided_slice %add3A_383 {offsets = [0, 0], sizes = [197, 64], strides = [1, 1]} : vector<197x128xf32> to vector<197x64xf32>
    %slice3A_385 = vector.extract_strided_slice %add3A_383 {offsets = [0, 64], sizes = [197, 64], strides = [1, 1]} : vector<197x128xf32> to vector<197x64xf32>
    %add3A_386 = arith.addf %slice3A_384, %slice3A_385 : vector<197x64xf32>
    %slice3A_387 = vector.extract_strided_slice %add3A_386 {offsets = [0, 0], sizes = [197, 32], strides = [1, 1]} : vector<197x64xf32> to vector<197x32xf32>
    %slice3A_388 = vector.extract_strided_slice %add3A_386 {offsets = [0, 32], sizes = [197, 32], strides = [1, 1]} : vector<197x64xf32> to vector<197x32xf32>
    %add3A_389 = arith.addf %slice3A_387, %slice3A_388 : vector<197x32xf32>
    %slice3A_390 = vector.extract_strided_slice %add3A_389 {offsets = [0, 0], sizes = [197, 16], strides = [1, 1]} : vector<197x32xf32> to vector<197x16xf32>
    %slice3A_391 = vector.extract_strided_slice %add3A_389 {offsets = [0, 16], sizes = [197, 16], strides = [1, 1]} : vector<197x32xf32> to vector<197x16xf32>
    %add3A_392 = arith.addf %slice3A_390, %slice3A_391 : vector<197x16xf32>
    %slice3A_393 = vector.extract_strided_slice %add3A_392 {offsets = [0, 0], sizes = [197, 8], strides = [1, 1]} : vector<197x16xf32> to vector<197x8xf32>
    %slice3A_394 = vector.extract_strided_slice %add3A_392 {offsets = [0, 8], sizes = [197, 8], strides = [1, 1]} : vector<197x16xf32> to vector<197x8xf32>
    %add3A_395 = arith.addf %slice3A_393, %slice3A_394 : vector<197x8xf32>
    %slice3A_396 = vector.extract_strided_slice %slice3A {offsets = [3, 0, 0], sizes = [1, 197, 512], strides = [1, 1, 1]} : vector<8x197x512xf32> to vector<1x197x512xf32>
    %squeeze3A_397 = vector.shape_cast %slice3A_396 : vector<1x197x512xf32> to vector<197x512xf32>
    %slice3A_398 = vector.extract_strided_slice %slice3A_41 {offsets = [2, 0, 0], sizes = [1, 197, 512], strides = [1, 1, 1]} : vector<8x197x512xf32> to vector<1x197x512xf32>
    %squeeze3A_399 = vector.shape_cast %slice3A_398 : vector<1x197x512xf32> to vector<197x512xf32>
    %mul3A_400 = arith.mulf %squeeze3A_397, %squeeze3A_399 : vector<197x512xf32>
    %slice3A_401 = vector.extract_strided_slice %mul3A_400 {offsets = [0, 0], sizes = [197, 256], strides = [1, 1]} : vector<197x512xf32> to vector<197x256xf32>
    %slice3A_402 = vector.extract_strided_slice %mul3A_400 {offsets = [0, 256], sizes = [197, 256], strides = [1, 1]} : vector<197x512xf32> to vector<197x256xf32>
    %add3A_403 = arith.addf %slice3A_401, %slice3A_402 : vector<197x256xf32>
    %slice3A_404 = vector.extract_strided_slice %add3A_403 {offsets = [0, 0], sizes = [197, 128], strides = [1, 1]} : vector<197x256xf32> to vector<197x128xf32>
    %slice3A_405 = vector.extract_strided_slice %add3A_403 {offsets = [0, 128], sizes = [197, 128], strides = [1, 1]} : vector<197x256xf32> to vector<197x128xf32>
    %add3A_406 = arith.addf %slice3A_404, %slice3A_405 : vector<197x128xf32>
    %slice3A_407 = vector.extract_strided_slice %add3A_406 {offsets = [0, 0], sizes = [197, 64], strides = [1, 1]} : vector<197x128xf32> to vector<197x64xf32>
    %slice3A_408 = vector.extract_strided_slice %add3A_406 {offsets = [0, 64], sizes = [197, 64], strides = [1, 1]} : vector<197x128xf32> to vector<197x64xf32>
    %add3A_409 = arith.addf %slice3A_407, %slice3A_408 : vector<197x64xf32>
    %slice3A_410 = vector.extract_strided_slice %add3A_409 {offsets = [0, 0], sizes = [197, 32], strides = [1, 1]} : vector<197x64xf32> to vector<197x32xf32>
    %slice3A_411 = vector.extract_strided_slice %add3A_409 {offsets = [0, 32], sizes = [197, 32], strides = [1, 1]} : vector<197x64xf32> to vector<197x32xf32>
    %add3A_412 = arith.addf %slice3A_410, %slice3A_411 : vector<197x32xf32>
    %slice3A_413 = vector.extract_strided_slice %add3A_412 {offsets = [0, 0], sizes = [197, 16], strides = [1, 1]} : vector<197x32xf32> to vector<197x16xf32>
    %slice3A_414 = vector.extract_strided_slice %add3A_412 {offsets = [0, 16], sizes = [197, 16], strides = [1, 1]} : vector<197x32xf32> to vector<197x16xf32>
    %add3A_415 = arith.addf %slice3A_413, %slice3A_414 : vector<197x16xf32>
    %slice3A_416 = vector.extract_strided_slice %add3A_415 {offsets = [0, 0], sizes = [197, 8], strides = [1, 1]} : vector<197x16xf32> to vector<197x8xf32>
    %slice3A_417 = vector.extract_strided_slice %add3A_415 {offsets = [0, 8], sizes = [197, 8], strides = [1, 1]} : vector<197x16xf32> to vector<197x8xf32>
    %add3A_418 = arith.addf %slice3A_416, %slice3A_417 : vector<197x8xf32>
    %slice3A_419 = vector.extract_strided_slice %slice3A {offsets = [3, 0, 0], sizes = [1, 197, 512], strides = [1, 1, 1]} : vector<8x197x512xf32> to vector<1x197x512xf32>
    %squeeze3A_420 = vector.shape_cast %slice3A_419 : vector<1x197x512xf32> to vector<197x512xf32>
    %slice3A_421 = vector.extract_strided_slice %slice3A_41 {offsets = [3, 0, 0], sizes = [1, 197, 512], strides = [1, 1, 1]} : vector<8x197x512xf32> to vector<1x197x512xf32>
    %squeeze3A_422 = vector.shape_cast %slice3A_421 : vector<1x197x512xf32> to vector<197x512xf32>
    %mul3A_423 = arith.mulf %squeeze3A_420, %squeeze3A_422 : vector<197x512xf32>
    %slice3A_424 = vector.extract_strided_slice %mul3A_423 {offsets = [0, 0], sizes = [197, 256], strides = [1, 1]} : vector<197x512xf32> to vector<197x256xf32>
    %slice3A_425 = vector.extract_strided_slice %mul3A_423 {offsets = [0, 256], sizes = [197, 256], strides = [1, 1]} : vector<197x512xf32> to vector<197x256xf32>
    %add3A_426 = arith.addf %slice3A_424, %slice3A_425 : vector<197x256xf32>
    %slice3A_427 = vector.extract_strided_slice %add3A_426 {offsets = [0, 0], sizes = [197, 128], strides = [1, 1]} : vector<197x256xf32> to vector<197x128xf32>
    %slice3A_428 = vector.extract_strided_slice %add3A_426 {offsets = [0, 128], sizes = [197, 128], strides = [1, 1]} : vector<197x256xf32> to vector<197x128xf32>
    %add3A_429 = arith.addf %slice3A_427, %slice3A_428 : vector<197x128xf32>
    %slice3A_430 = vector.extract_strided_slice %add3A_429 {offsets = [0, 0], sizes = [197, 64], strides = [1, 1]} : vector<197x128xf32> to vector<197x64xf32>
    %slice3A_431 = vector.extract_strided_slice %add3A_429 {offsets = [0, 64], sizes = [197, 64], strides = [1, 1]} : vector<197x128xf32> to vector<197x64xf32>
    %add3A_432 = arith.addf %slice3A_430, %slice3A_431 : vector<197x64xf32>
    %slice3A_433 = vector.extract_strided_slice %add3A_432 {offsets = [0, 0], sizes = [197, 32], strides = [1, 1]} : vector<197x64xf32> to vector<197x32xf32>
    %slice3A_434 = vector.extract_strided_slice %add3A_432 {offsets = [0, 32], sizes = [197, 32], strides = [1, 1]} : vector<197x64xf32> to vector<197x32xf32>
    %add3A_435 = arith.addf %slice3A_433, %slice3A_434 : vector<197x32xf32>
    %slice3A_436 = vector.extract_strided_slice %add3A_435 {offsets = [0, 0], sizes = [197, 16], strides = [1, 1]} : vector<197x32xf32> to vector<197x16xf32>
    %slice3A_437 = vector.extract_strided_slice %add3A_435 {offsets = [0, 16], sizes = [197, 16], strides = [1, 1]} : vector<197x32xf32> to vector<197x16xf32>
    %add3A_438 = arith.addf %slice3A_436, %slice3A_437 : vector<197x16xf32>
    %slice3A_439 = vector.extract_strided_slice %add3A_438 {offsets = [0, 0], sizes = [197, 8], strides = [1, 1]} : vector<197x16xf32> to vector<197x8xf32>
    %slice3A_440 = vector.extract_strided_slice %add3A_438 {offsets = [0, 8], sizes = [197, 8], strides = [1, 1]} : vector<197x16xf32> to vector<197x8xf32>
    %add3A_441 = arith.addf %slice3A_439, %slice3A_440 : vector<197x8xf32>
    %concatenate3A_442 = tpu.concatenate %add3A_372, %add3A_395, %add3A_418, %add3A_441, %broadcast_in_dim3A_44, %broadcast_in_dim3A_44, %broadcast_in_dim3A_44, %broadcast_in_dim3A_44 in 1 : vector<197x8xf32>, vector<197x8xf32>, vector<197x8xf32>, vector<197x8xf32>, vector<197x8xf32>, vector<197x8xf32>, vector<197x8xf32>, vector<197x8xf32> -> vector<197x64xf32>
    %mul3A_443 = arith.constant 1.250000e-01 : f32
    %mul3A_444 = vector.broadcast %mul3A_443 : f32 to vector<197x64xf32>
    %mul3A_445 = arith.mulf %concatenate3A_442, %mul3A_444 : vector<197x64xf32>
    %slice3A_446 = vector.extract_strided_slice %mul3A_445 {offsets = [0, 0], sizes = [197, 32], strides = [1, 1]} : vector<197x64xf32> to vector<197x32xf32>
    %slice3A_447 = vector.extract_strided_slice %mul3A_445 {offsets = [0, 32], sizes = [197, 32], strides = [1, 1]} : vector<197x64xf32> to vector<197x32xf32>
    %max3A_448 = arith.maximumf %slice3A_446, %slice3A_447 : vector<197x32xf32>
    %slice3A_449 = vector.extract_strided_slice %max3A_448 {offsets = [0, 0], sizes = [197, 16], strides = [1, 1]} : vector<197x32xf32> to vector<197x16xf32>
    %slice3A_450 = vector.extract_strided_slice %max3A_448 {offsets = [0, 16], sizes = [197, 16], strides = [1, 1]} : vector<197x32xf32> to vector<197x16xf32>
    %max3A_451 = arith.maximumf %slice3A_449, %slice3A_450 : vector<197x16xf32>
    %slice3A_452 = vector.extract_strided_slice %max3A_451 {offsets = [0, 0], sizes = [197, 8], strides = [1, 1]} : vector<197x16xf32> to vector<197x8xf32>
    %slice3A_453 = vector.extract_strided_slice %max3A_451 {offsets = [0, 8], sizes = [197, 8], strides = [1, 1]} : vector<197x16xf32> to vector<197x8xf32>
    %max3A_454 = arith.maximumf %slice3A_452, %slice3A_453 : vector<197x8xf32>
    %concatenate3A_455 = tpu.concatenate %max3A_454, %max3A_454 in 1 : vector<197x8xf32>, vector<197x8xf32> -> vector<197x16xf32>
    %concatenate3A_456 = tpu.concatenate %concatenate3A_455, %concatenate3A_455 in 1 : vector<197x16xf32>, vector<197x16xf32> -> vector<197x32xf32>
    %concatenate3A_457 = tpu.concatenate %concatenate3A_456, %concatenate3A_456 in 1 : vector<197x32xf32>, vector<197x32xf32> -> vector<197x64xf32>
    %sub3A_458 = arith.subf %mul3A_445, %concatenate3A_457 : vector<197x64xf32>
    %exp3A_459 = math.exp %sub3A_458 : vector<197x64xf32>
    %slice3A_460 = vector.extract_strided_slice %exp3A_459 {offsets = [0, 0], sizes = [197, 32], strides = [1, 1]} : vector<197x64xf32> to vector<197x32xf32>
    %slice3A_461 = vector.extract_strided_slice %exp3A_459 {offsets = [0, 32], sizes = [197, 32], strides = [1, 1]} : vector<197x64xf32> to vector<197x32xf32>
    %add3A_462 = arith.addf %slice3A_460, %slice3A_461 : vector<197x32xf32>
    %slice3A_463 = vector.extract_strided_slice %add3A_462 {offsets = [0, 0], sizes = [197, 16], strides = [1, 1]} : vector<197x32xf32> to vector<197x16xf32>
    %slice3A_464 = vector.extract_strided_slice %add3A_462 {offsets = [0, 16], sizes = [197, 16], strides = [1, 1]} : vector<197x32xf32> to vector<197x16xf32>
    %add3A_465 = arith.addf %slice3A_463, %slice3A_464 : vector<197x16xf32>
    %slice3A_466 = vector.extract_strided_slice %add3A_465 {offsets = [0, 0], sizes = [197, 8], strides = [1, 1]} : vector<197x16xf32> to vector<197x8xf32>
    %slice3A_467 = vector.extract_strided_slice %add3A_465 {offsets = [0, 8], sizes = [197, 8], strides = [1, 1]} : vector<197x16xf32> to vector<197x8xf32>
    %add3A_468 = arith.addf %slice3A_466, %slice3A_467 : vector<197x8xf32>
    %concatenate3A_469 = tpu.concatenate %add3A_468, %add3A_468 in 1 : vector<197x8xf32>, vector<197x8xf32> -> vector<197x16xf32>
    %concatenate3A_470 = tpu.concatenate %concatenate3A_469, %concatenate3A_469 in 1 : vector<197x16xf32>, vector<197x16xf32> -> vector<197x32xf32>
    %concatenate3A_471 = tpu.concatenate %concatenate3A_470, %concatenate3A_470 in 1 : vector<197x32xf32>, vector<197x32xf32> -> vector<197x64xf32>
    %div3A_472 = arith.divf %exp3A_459, %concatenate3A_471 : vector<197x64xf32>
    %convert_element_type3A_473 = arith.truncf %div3A_472 : vector<197x64xf32> to vector<197x64xbf16>
    %convert_element_type3A_474 = arith.extf %convert_element_type3A_473 : vector<197x64xbf16> to vector<197x64xf32>
    %broadcast_in_dim3A_475 = arith.constant 0.000000e+00 : f32
    %broadcast_in_dim3A_476 = vector.broadcast %broadcast_in_dim3A_475 : f32 to vector<197x512xf32>
    %slice3A_477 = vector.extract_strided_slice %convert_element_type3A_474 {offsets = [0, 0], sizes = [197, 8], strides = [1, 1]} : vector<197x64xf32> to vector<197x8xf32>
    %concatenate3A_478 = tpu.concatenate %slice3A_477, %slice3A_477 in 1 : vector<197x8xf32>, vector<197x8xf32> -> vector<197x16xf32>
    %concatenate3A_479 = tpu.concatenate %concatenate3A_478, %concatenate3A_478 in 1 : vector<197x16xf32>, vector<197x16xf32> -> vector<197x32xf32>
    %concatenate3A_480 = tpu.concatenate %concatenate3A_479, %concatenate3A_479 in 1 : vector<197x32xf32>, vector<197x32xf32> -> vector<197x64xf32>
    %concatenate3A_481 = tpu.concatenate %concatenate3A_480, %concatenate3A_480 in 1 : vector<197x64xf32>, vector<197x64xf32> -> vector<197x128xf32>
    %concatenate3A_482 = tpu.concatenate %concatenate3A_481, %concatenate3A_481 in 1 : vector<197x128xf32>, vector<197x128xf32> -> vector<197x256xf32>
    %concatenate3A_483 = tpu.concatenate %concatenate3A_482, %concatenate3A_482 in 1 : vector<197x256xf32>, vector<197x256xf32> -> vector<197x512xf32>
    %slice3A_484 = vector.extract_strided_slice %slice3A_42 {offsets = [0, 0, 0], sizes = [1, 197, 512], strides = [1, 1, 1]} : vector<8x197x512xf32> to vector<1x197x512xf32>
    %squeeze3A_485 = vector.shape_cast %slice3A_484 : vector<1x197x512xf32> to vector<197x512xf32>
    %mul3A_486 = arith.mulf %concatenate3A_483, %squeeze3A_485 : vector<197x512xf32>
    %add3A_487 = arith.addf %broadcast_in_dim3A_476, %mul3A_486 : vector<197x512xf32>
    %slice3A_488 = vector.extract_strided_slice %convert_element_type3A_474 {offsets = [0, 8], sizes = [197, 8], strides = [1, 1]} : vector<197x64xf32> to vector<197x8xf32>
    %concatenate3A_489 = tpu.concatenate %slice3A_488, %slice3A_488 in 1 : vector<197x8xf32>, vector<197x8xf32> -> vector<197x16xf32>
    %concatenate3A_490 = tpu.concatenate %concatenate3A_489, %concatenate3A_489 in 1 : vector<197x16xf32>, vector<197x16xf32> -> vector<197x32xf32>
    %concatenate3A_491 = tpu.concatenate %concatenate3A_490, %concatenate3A_490 in 1 : vector<197x32xf32>, vector<197x32xf32> -> vector<197x64xf32>
    %concatenate3A_492 = tpu.concatenate %concatenate3A_491, %concatenate3A_491 in 1 : vector<197x64xf32>, vector<197x64xf32> -> vector<197x128xf32>
    %concatenate3A_493 = tpu.concatenate %concatenate3A_492, %concatenate3A_492 in 1 : vector<197x128xf32>, vector<197x128xf32> -> vector<197x256xf32>
    %concatenate3A_494 = tpu.concatenate %concatenate3A_493, %concatenate3A_493 in 1 : vector<197x256xf32>, vector<197x256xf32> -> vector<197x512xf32>
    %slice3A_495 = vector.extract_strided_slice %slice3A_42 {offsets = [1, 0, 0], sizes = [1, 197, 512], strides = [1, 1, 1]} : vector<8x197x512xf32> to vector<1x197x512xf32>
    %squeeze3A_496 = vector.shape_cast %slice3A_495 : vector<1x197x512xf32> to vector<197x512xf32>
    %mul3A_497 = arith.mulf %concatenate3A_494, %squeeze3A_496 : vector<197x512xf32>
    %add3A_498 = arith.addf %add3A_487, %mul3A_497 : vector<197x512xf32>
    %slice3A_499 = vector.extract_strided_slice %convert_element_type3A_474 {offsets = [0, 16], sizes = [197, 8], strides = [1, 1]} : vector<197x64xf32> to vector<197x8xf32>
    %concatenate3A_500 = tpu.concatenate %slice3A_499, %slice3A_499 in 1 : vector<197x8xf32>, vector<197x8xf32> -> vector<197x16xf32>
    %concatenate3A_501 = tpu.concatenate %concatenate3A_500, %concatenate3A_500 in 1 : vector<197x16xf32>, vector<197x16xf32> -> vector<197x32xf32>
    %concatenate3A_502 = tpu.concatenate %concatenate3A_501, %concatenate3A_501 in 1 : vector<197x32xf32>, vector<197x32xf32> -> vector<197x64xf32>
    %concatenate3A_503 = tpu.concatenate %concatenate3A_502, %concatenate3A_502 in 1 : vector<197x64xf32>, vector<197x64xf32> -> vector<197x128xf32>
    %concatenate3A_504 = tpu.concatenate %concatenate3A_503, %concatenate3A_503 in 1 : vector<197x128xf32>, vector<197x128xf32> -> vector<197x256xf32>
    %concatenate3A_505 = tpu.concatenate %concatenate3A_504, %concatenate3A_504 in 1 : vector<197x256xf32>, vector<197x256xf32> -> vector<197x512xf32>
    %slice3A_506 = vector.extract_strided_slice %slice3A_42 {offsets = [2, 0, 0], sizes = [1, 197, 512], strides = [1, 1, 1]} : vector<8x197x512xf32> to vector<1x197x512xf32>
    %squeeze3A_507 = vector.shape_cast %slice3A_506 : vector<1x197x512xf32> to vector<197x512xf32>
    %mul3A_508 = arith.mulf %concatenate3A_505, %squeeze3A_507 : vector<197x512xf32>
    %add3A_509 = arith.addf %add3A_498, %mul3A_508 : vector<197x512xf32>
    %slice3A_510 = vector.extract_strided_slice %convert_element_type3A_474 {offsets = [0, 24], sizes = [197, 8], strides = [1, 1]} : vector<197x64xf32> to vector<197x8xf32>
    %concatenate3A_511 = tpu.concatenate %slice3A_510, %slice3A_510 in 1 : vector<197x8xf32>, vector<197x8xf32> -> vector<197x16xf32>
    %concatenate3A_512 = tpu.concatenate %concatenate3A_511, %concatenate3A_511 in 1 : vector<197x16xf32>, vector<197x16xf32> -> vector<197x32xf32>
    %concatenate3A_513 = tpu.concatenate %concatenate3A_512, %concatenate3A_512 in 1 : vector<197x32xf32>, vector<197x32xf32> -> vector<197x64xf32>
    %concatenate3A_514 = tpu.concatenate %concatenate3A_513, %concatenate3A_513 in 1 : vector<197x64xf32>, vector<197x64xf32> -> vector<197x128xf32>
    %concatenate3A_515 = tpu.concatenate %concatenate3A_514, %concatenate3A_514 in 1 : vector<197x128xf32>, vector<197x128xf32> -> vector<197x256xf32>
    %concatenate3A_516 = tpu.concatenate %concatenate3A_515, %concatenate3A_515 in 1 : vector<197x256xf32>, vector<197x256xf32> -> vector<197x512xf32>
    %slice3A_517 = vector.extract_strided_slice %slice3A_42 {offsets = [3, 0, 0], sizes = [1, 197, 512], strides = [1, 1, 1]} : vector<8x197x512xf32> to vector<1x197x512xf32>
    %squeeze3A_518 = vector.shape_cast %slice3A_517 : vector<1x197x512xf32> to vector<197x512xf32>
    %mul3A_519 = arith.mulf %concatenate3A_516, %squeeze3A_518 : vector<197x512xf32>
    %add3A_520 = arith.addf %add3A_509, %mul3A_519 : vector<197x512xf32>
    %slice3A_521 = vector.extract_strided_slice %slice3A {offsets = [4, 0, 0], sizes = [1, 197, 512], strides = [1, 1, 1]} : vector<8x197x512xf32> to vector<1x197x512xf32>
    %squeeze3A_522 = vector.shape_cast %slice3A_521 : vector<1x197x512xf32> to vector<197x512xf32>
    %slice3A_523 = vector.extract_strided_slice %slice3A_41 {offsets = [0, 0, 0], sizes = [1, 197, 512], strides = [1, 1, 1]} : vector<8x197x512xf32> to vector<1x197x512xf32>
    %squeeze3A_524 = vector.shape_cast %slice3A_523 : vector<1x197x512xf32> to vector<197x512xf32>
    %mul3A_525 = arith.mulf %squeeze3A_522, %squeeze3A_524 : vector<197x512xf32>
    %slice3A_526 = vector.extract_strided_slice %mul3A_525 {offsets = [0, 0], sizes = [197, 256], strides = [1, 1]} : vector<197x512xf32> to vector<197x256xf32>
    %slice3A_527 = vector.extract_strided_slice %mul3A_525 {offsets = [0, 256], sizes = [197, 256], strides = [1, 1]} : vector<197x512xf32> to vector<197x256xf32>
    %add3A_528 = arith.addf %slice3A_526, %slice3A_527 : vector<197x256xf32>
    %slice3A_529 = vector.extract_strided_slice %add3A_528 {offsets = [0, 0], sizes = [197, 128], strides = [1, 1]} : vector<197x256xf32> to vector<197x128xf32>
    %slice3A_530 = vector.extract_strided_slice %add3A_528 {offsets = [0, 128], sizes = [197, 128], strides = [1, 1]} : vector<197x256xf32> to vector<197x128xf32>
    %add3A_531 = arith.addf %slice3A_529, %slice3A_530 : vector<197x128xf32>
    %slice3A_532 = vector.extract_strided_slice %add3A_531 {offsets = [0, 0], sizes = [197, 64], strides = [1, 1]} : vector<197x128xf32> to vector<197x64xf32>
    %slice3A_533 = vector.extract_strided_slice %add3A_531 {offsets = [0, 64], sizes = [197, 64], strides = [1, 1]} : vector<197x128xf32> to vector<197x64xf32>
    %add3A_534 = arith.addf %slice3A_532, %slice3A_533 : vector<197x64xf32>
    %slice3A_535 = vector.extract_strided_slice %add3A_534 {offsets = [0, 0], sizes = [197, 32], strides = [1, 1]} : vector<197x64xf32> to vector<197x32xf32>
    %slice3A_536 = vector.extract_strided_slice %add3A_534 {offsets = [0, 32], sizes = [197, 32], strides = [1, 1]} : vector<197x64xf32> to vector<197x32xf32>
    %add3A_537 = arith.addf %slice3A_535, %slice3A_536 : vector<197x32xf32>
    %slice3A_538 = vector.extract_strided_slice %add3A_537 {offsets = [0, 0], sizes = [197, 16], strides = [1, 1]} : vector<197x32xf32> to vector<197x16xf32>
    %slice3A_539 = vector.extract_strided_slice %add3A_537 {offsets = [0, 16], sizes = [197, 16], strides = [1, 1]} : vector<197x32xf32> to vector<197x16xf32>
    %add3A_540 = arith.addf %slice3A_538, %slice3A_539 : vector<197x16xf32>
    %slice3A_541 = vector.extract_strided_slice %add3A_540 {offsets = [0, 0], sizes = [197, 8], strides = [1, 1]} : vector<197x16xf32> to vector<197x8xf32>
    %slice3A_542 = vector.extract_strided_slice %add3A_540 {offsets = [0, 8], sizes = [197, 8], strides = [1, 1]} : vector<197x16xf32> to vector<197x8xf32>
    %add3A_543 = arith.addf %slice3A_541, %slice3A_542 : vector<197x8xf32>
    %slice3A_544 = vector.extract_strided_slice %slice3A {offsets = [4, 0, 0], sizes = [1, 197, 512], strides = [1, 1, 1]} : vector<8x197x512xf32> to vector<1x197x512xf32>
    %squeeze3A_545 = vector.shape_cast %slice3A_544 : vector<1x197x512xf32> to vector<197x512xf32>
    %slice3A_546 = vector.extract_strided_slice %slice3A_41 {offsets = [1, 0, 0], sizes = [1, 197, 512], strides = [1, 1, 1]} : vector<8x197x512xf32> to vector<1x197x512xf32>
    %squeeze3A_547 = vector.shape_cast %slice3A_546 : vector<1x197x512xf32> to vector<197x512xf32>
    %mul3A_548 = arith.mulf %squeeze3A_545, %squeeze3A_547 : vector<197x512xf32>
    %slice3A_549 = vector.extract_strided_slice %mul3A_548 {offsets = [0, 0], sizes = [197, 256], strides = [1, 1]} : vector<197x512xf32> to vector<197x256xf32>
    %slice3A_550 = vector.extract_strided_slice %mul3A_548 {offsets = [0, 256], sizes = [197, 256], strides = [1, 1]} : vector<197x512xf32> to vector<197x256xf32>
    %add3A_551 = arith.addf %slice3A_549, %slice3A_550 : vector<197x256xf32>
    %slice3A_552 = vector.extract_strided_slice %add3A_551 {offsets = [0, 0], sizes = [197, 128], strides = [1, 1]} : vector<197x256xf32> to vector<197x128xf32>
    %slice3A_553 = vector.extract_strided_slice %add3A_551 {offsets = [0, 128], sizes = [197, 128], strides = [1, 1]} : vector<197x256xf32> to vector<197x128xf32>
    %add3A_554 = arith.addf %slice3A_552, %slice3A_553 : vector<197x128xf32>
    %slice3A_555 = vector.extract_strided_slice %add3A_554 {offsets = [0, 0], sizes = [197, 64], strides = [1, 1]} : vector<197x128xf32> to vector<197x64xf32>
    %slice3A_556 = vector.extract_strided_slice %add3A_554 {offsets = [0, 64], sizes = [197, 64], strides = [1, 1]} : vector<197x128xf32> to vector<197x64xf32>
    %add3A_557 = arith.addf %slice3A_555, %slice3A_556 : vector<197x64xf32>
    %slice3A_558 = vector.extract_strided_slice %add3A_557 {offsets = [0, 0], sizes = [197, 32], strides = [1, 1]} : vector<197x64xf32> to vector<197x32xf32>
    %slice3A_559 = vector.extract_strided_slice %add3A_557 {offsets = [0, 32], sizes = [197, 32], strides = [1, 1]} : vector<197x64xf32> to vector<197x32xf32>
    %add3A_560 = arith.addf %slice3A_558, %slice3A_559 : vector<197x32xf32>
    %slice3A_561 = vector.extract_strided_slice %add3A_560 {offsets = [0, 0], sizes = [197, 16], strides = [1, 1]} : vector<197x32xf32> to vector<197x16xf32>
    %slice3A_562 = vector.extract_strided_slice %add3A_560 {offsets = [0, 16], sizes = [197, 16], strides = [1, 1]} : vector<197x32xf32> to vector<197x16xf32>
    %add3A_563 = arith.addf %slice3A_561, %slice3A_562 : vector<197x16xf32>
    %slice3A_564 = vector.extract_strided_slice %add3A_563 {offsets = [0, 0], sizes = [197, 8], strides = [1, 1]} : vector<197x16xf32> to vector<197x8xf32>
    %slice3A_565 = vector.extract_strided_slice %add3A_563 {offsets = [0, 8], sizes = [197, 8], strides = [1, 1]} : vector<197x16xf32> to vector<197x8xf32>
    %add3A_566 = arith.addf %slice3A_564, %slice3A_565 : vector<197x8xf32>
    %slice3A_567 = vector.extract_strided_slice %slice3A {offsets = [4, 0, 0], sizes = [1, 197, 512], strides = [1, 1, 1]} : vector<8x197x512xf32> to vector<1x197x512xf32>
    %squeeze3A_568 = vector.shape_cast %slice3A_567 : vector<1x197x512xf32> to vector<197x512xf32>
    %slice3A_569 = vector.extract_strided_slice %slice3A_41 {offsets = [2, 0, 0], sizes = [1, 197, 512], strides = [1, 1, 1]} : vector<8x197x512xf32> to vector<1x197x512xf32>
    %squeeze3A_570 = vector.shape_cast %slice3A_569 : vector<1x197x512xf32> to vector<197x512xf32>
    %mul3A_571 = arith.mulf %squeeze3A_568, %squeeze3A_570 : vector<197x512xf32>
    %slice3A_572 = vector.extract_strided_slice %mul3A_571 {offsets = [0, 0], sizes = [197, 256], strides = [1, 1]} : vector<197x512xf32> to vector<197x256xf32>
    %slice3A_573 = vector.extract_strided_slice %mul3A_571 {offsets = [0, 256], sizes = [197, 256], strides = [1, 1]} : vector<197x512xf32> to vector<197x256xf32>
    %add3A_574 = arith.addf %slice3A_572, %slice3A_573 : vector<197x256xf32>
    %slice3A_575 = vector.extract_strided_slice %add3A_574 {offsets = [0, 0], sizes = [197, 128], strides = [1, 1]} : vector<197x256xf32> to vector<197x128xf32>
    %slice3A_576 = vector.extract_strided_slice %add3A_574 {offsets = [0, 128], sizes = [197, 128], strides = [1, 1]} : vector<197x256xf32> to vector<197x128xf32>
    %add3A_577 = arith.addf %slice3A_575, %slice3A_576 : vector<197x128xf32>
    %slice3A_578 = vector.extract_strided_slice %add3A_577 {offsets = [0, 0], sizes = [197, 64], strides = [1, 1]} : vector<197x128xf32> to vector<197x64xf32>
    %slice3A_579 = vector.extract_strided_slice %add3A_577 {offsets = [0, 64], sizes = [197, 64], strides = [1, 1]} : vector<197x128xf32> to vector<197x64xf32>
    %add3A_580 = arith.addf %slice3A_578, %slice3A_579 : vector<197x64xf32>
    %slice3A_581 = vector.extract_strided_slice %add3A_580 {offsets = [0, 0], sizes = [197, 32], strides = [1, 1]} : vector<197x64xf32> to vector<197x32xf32>
    %slice3A_582 = vector.extract_strided_slice %add3A_580 {offsets = [0, 32], sizes = [197, 32], strides = [1, 1]} : vector<197x64xf32> to vector<197x32xf32>
    %add3A_583 = arith.addf %slice3A_581, %slice3A_582 : vector<197x32xf32>
    %slice3A_584 = vector.extract_strided_slice %add3A_583 {offsets = [0, 0], sizes = [197, 16], strides = [1, 1]} : vector<197x32xf32> to vector<197x16xf32>
    %slice3A_585 = vector.extract_strided_slice %add3A_583 {offsets = [0, 16], sizes = [197, 16], strides = [1, 1]} : vector<197x32xf32> to vector<197x16xf32>
    %add3A_586 = arith.addf %slice3A_584, %slice3A_585 : vector<197x16xf32>
    %slice3A_587 = vector.extract_strided_slice %add3A_586 {offsets = [0, 0], sizes = [197, 8], strides = [1, 1]} : vector<197x16xf32> to vector<197x8xf32>
    %slice3A_588 = vector.extract_strided_slice %add3A_586 {offsets = [0, 8], sizes = [197, 8], strides = [1, 1]} : vector<197x16xf32> to vector<197x8xf32>
    %add3A_589 = arith.addf %slice3A_587, %slice3A_588 : vector<197x8xf32>
    %slice3A_590 = vector.extract_strided_slice %slice3A {offsets = [4, 0, 0], sizes = [1, 197, 512], strides = [1, 1, 1]} : vector<8x197x512xf32> to vector<1x197x512xf32>
    %squeeze3A_591 = vector.shape_cast %slice3A_590 : vector<1x197x512xf32> to vector<197x512xf32>
    %slice3A_592 = vector.extract_strided_slice %slice3A_41 {offsets = [3, 0, 0], sizes = [1, 197, 512], strides = [1, 1, 1]} : vector<8x197x512xf32> to vector<1x197x512xf32>
    %squeeze3A_593 = vector.shape_cast %slice3A_592 : vector<1x197x512xf32> to vector<197x512xf32>
    %mul3A_594 = arith.mulf %squeeze3A_591, %squeeze3A_593 : vector<197x512xf32>
    %slice3A_595 = vector.extract_strided_slice %mul3A_594 {offsets = [0, 0], sizes = [197, 256], strides = [1, 1]} : vector<197x512xf32> to vector<197x256xf32>
    %slice3A_596 = vector.extract_strided_slice %mul3A_594 {offsets = [0, 256], sizes = [197, 256], strides = [1, 1]} : vector<197x512xf32> to vector<197x256xf32>
    %add3A_597 = arith.addf %slice3A_595, %slice3A_596 : vector<197x256xf32>
    %slice3A_598 = vector.extract_strided_slice %add3A_597 {offsets = [0, 0], sizes = [197, 128], strides = [1, 1]} : vector<197x256xf32> to vector<197x128xf32>
    %slice3A_599 = vector.extract_strided_slice %add3A_597 {offsets = [0, 128], sizes = [197, 128], strides = [1, 1]} : vector<197x256xf32> to vector<197x128xf32>
    %add3A_600 = arith.addf %slice3A_598, %slice3A_599 : vector<197x128xf32>
    %slice3A_601 = vector.extract_strided_slice %add3A_600 {offsets = [0, 0], sizes = [197, 64], strides = [1, 1]} : vector<197x128xf32> to vector<197x64xf32>
    %slice3A_602 = vector.extract_strided_slice %add3A_600 {offsets = [0, 64], sizes = [197, 64], strides = [1, 1]} : vector<197x128xf32> to vector<197x64xf32>
    %add3A_603 = arith.addf %slice3A_601, %slice3A_602 : vector<197x64xf32>
    %slice3A_604 = vector.extract_strided_slice %add3A_603 {offsets = [0, 0], sizes = [197, 32], strides = [1, 1]} : vector<197x64xf32> to vector<197x32xf32>
    %slice3A_605 = vector.extract_strided_slice %add3A_603 {offsets = [0, 32], sizes = [197, 32], strides = [1, 1]} : vector<197x64xf32> to vector<197x32xf32>
    %add3A_606 = arith.addf %slice3A_604, %slice3A_605 : vector<197x32xf32>
    %slice3A_607 = vector.extract_strided_slice %add3A_606 {offsets = [0, 0], sizes = [197, 16], strides = [1, 1]} : vector<197x32xf32> to vector<197x16xf32>
    %slice3A_608 = vector.extract_strided_slice %add3A_606 {offsets = [0, 16], sizes = [197, 16], strides = [1, 1]} : vector<197x32xf32> to vector<197x16xf32>
    %add3A_609 = arith.addf %slice3A_607, %slice3A_608 : vector<197x16xf32>
    %slice3A_610 = vector.extract_strided_slice %add3A_609 {offsets = [0, 0], sizes = [197, 8], strides = [1, 1]} : vector<197x16xf32> to vector<197x8xf32>
    %slice3A_611 = vector.extract_strided_slice %add3A_609 {offsets = [0, 8], sizes = [197, 8], strides = [1, 1]} : vector<197x16xf32> to vector<197x8xf32>
    %add3A_612 = arith.addf %slice3A_610, %slice3A_611 : vector<197x8xf32>
    %slice3A_613 = vector.extract_strided_slice %slice3A {offsets = [4, 0, 0], sizes = [1, 197, 512], strides = [1, 1, 1]} : vector<8x197x512xf32> to vector<1x197x512xf32>
    %squeeze3A_614 = vector.shape_cast %slice3A_613 : vector<1x197x512xf32> to vector<197x512xf32>
    %slice3A_615 = vector.extract_strided_slice %slice3A_41 {offsets = [4, 0, 0], sizes = [1, 197, 512], strides = [1, 1, 1]} : vector<8x197x512xf32> to vector<1x197x512xf32>
    %squeeze3A_616 = vector.shape_cast %slice3A_615 : vector<1x197x512xf32> to vector<197x512xf32>
    %mul3A_617 = arith.mulf %squeeze3A_614, %squeeze3A_616 : vector<197x512xf32>
    %slice3A_618 = vector.extract_strided_slice %mul3A_617 {offsets = [0, 0], sizes = [197, 256], strides = [1, 1]} : vector<197x512xf32> to vector<197x256xf32>
    %slice3A_619 = vector.extract_strided_slice %mul3A_617 {offsets = [0, 256], sizes = [197, 256], strides = [1, 1]} : vector<197x512xf32> to vector<197x256xf32>
    %add3A_620 = arith.addf %slice3A_618, %slice3A_619 : vector<197x256xf32>
    %slice3A_621 = vector.extract_strided_slice %add3A_620 {offsets = [0, 0], sizes = [197, 128], strides = [1, 1]} : vector<197x256xf32> to vector<197x128xf32>
    %slice3A_622 = vector.extract_strided_slice %add3A_620 {offsets = [0, 128], sizes = [197, 128], strides = [1, 1]} : vector<197x256xf32> to vector<197x128xf32>
    %add3A_623 = arith.addf %slice3A_621, %slice3A_622 : vector<197x128xf32>
    %slice3A_624 = vector.extract_strided_slice %add3A_623 {offsets = [0, 0], sizes = [197, 64], strides = [1, 1]} : vector<197x128xf32> to vector<197x64xf32>
    %slice3A_625 = vector.extract_strided_slice %add3A_623 {offsets = [0, 64], sizes = [197, 64], strides = [1, 1]} : vector<197x128xf32> to vector<197x64xf32>
    %add3A_626 = arith.addf %slice3A_624, %slice3A_625 : vector<197x64xf32>
    %slice3A_627 = vector.extract_strided_slice %add3A_626 {offsets = [0, 0], sizes = [197, 32], strides = [1, 1]} : vector<197x64xf32> to vector<197x32xf32>
    %slice3A_628 = vector.extract_strided_slice %add3A_626 {offsets = [0, 32], sizes = [197, 32], strides = [1, 1]} : vector<197x64xf32> to vector<197x32xf32>
    %add3A_629 = arith.addf %slice3A_627, %slice3A_628 : vector<197x32xf32>
    %slice3A_630 = vector.extract_strided_slice %add3A_629 {offsets = [0, 0], sizes = [197, 16], strides = [1, 1]} : vector<197x32xf32> to vector<197x16xf32>
    %slice3A_631 = vector.extract_strided_slice %add3A_629 {offsets = [0, 16], sizes = [197, 16], strides = [1, 1]} : vector<197x32xf32> to vector<197x16xf32>
    %add3A_632 = arith.addf %slice3A_630, %slice3A_631 : vector<197x16xf32>
    %slice3A_633 = vector.extract_strided_slice %add3A_632 {offsets = [0, 0], sizes = [197, 8], strides = [1, 1]} : vector<197x16xf32> to vector<197x8xf32>
    %slice3A_634 = vector.extract_strided_slice %add3A_632 {offsets = [0, 8], sizes = [197, 8], strides = [1, 1]} : vector<197x16xf32> to vector<197x8xf32>
    %add3A_635 = arith.addf %slice3A_633, %slice3A_634 : vector<197x8xf32>
    %concatenate3A_636 = tpu.concatenate %add3A_543, %add3A_566, %add3A_589, %add3A_612, %add3A_635, %broadcast_in_dim3A_44, %broadcast_in_dim3A_44, %broadcast_in_dim3A_44 in 1 : vector<197x8xf32>, vector<197x8xf32>, vector<197x8xf32>, vector<197x8xf32>, vector<197x8xf32>, vector<197x8xf32>, vector<197x8xf32>, vector<197x8xf32> -> vector<197x64xf32>
    %mul3A_637 = arith.constant 1.250000e-01 : f32
    %mul3A_638 = vector.broadcast %mul3A_637 : f32 to vector<197x64xf32>
    %mul3A_639 = arith.mulf %concatenate3A_636, %mul3A_638 : vector<197x64xf32>
    %slice3A_640 = vector.extract_strided_slice %mul3A_639 {offsets = [0, 0], sizes = [197, 32], strides = [1, 1]} : vector<197x64xf32> to vector<197x32xf32>
    %slice3A_641 = vector.extract_strided_slice %mul3A_639 {offsets = [0, 32], sizes = [197, 32], strides = [1, 1]} : vector<197x64xf32> to vector<197x32xf32>
    %max3A_642 = arith.maximumf %slice3A_640, %slice3A_641 : vector<197x32xf32>
    %slice3A_643 = vector.extract_strided_slice %max3A_642 {offsets = [0, 0], sizes = [197, 16], strides = [1, 1]} : vector<197x32xf32> to vector<197x16xf32>
    %slice3A_644 = vector.extract_strided_slice %max3A_642 {offsets = [0, 16], sizes = [197, 16], strides = [1, 1]} : vector<197x32xf32> to vector<197x16xf32>
    %max3A_645 = arith.maximumf %slice3A_643, %slice3A_644 : vector<197x16xf32>
    %slice3A_646 = vector.extract_strided_slice %max3A_645 {offsets = [0, 0], sizes = [197, 8], strides = [1, 1]} : vector<197x16xf32> to vector<197x8xf32>
    %slice3A_647 = vector.extract_strided_slice %max3A_645 {offsets = [0, 8], sizes = [197, 8], strides = [1, 1]} : vector<197x16xf32> to vector<197x8xf32>
    %max3A_648 = arith.maximumf %slice3A_646, %slice3A_647 : vector<197x8xf32>
    %concatenate3A_649 = tpu.concatenate %max3A_648, %max3A_648 in 1 : vector<197x8xf32>, vector<197x8xf32> -> vector<197x16xf32>
    %concatenate3A_650 = tpu.concatenate %concatenate3A_649, %concatenate3A_649 in 1 : vector<197x16xf32>, vector<197x16xf32> -> vector<197x32xf32>
    %concatenate3A_651 = tpu.concatenate %concatenate3A_650, %concatenate3A_650 in 1 : vector<197x32xf32>, vector<197x32xf32> -> vector<197x64xf32>
    %sub3A_652 = arith.subf %mul3A_639, %concatenate3A_651 : vector<197x64xf32>
    %exp3A_653 = math.exp %sub3A_652 : vector<197x64xf32>
    %slice3A_654 = vector.extract_strided_slice %exp3A_653 {offsets = [0, 0], sizes = [197, 32], strides = [1, 1]} : vector<197x64xf32> to vector<197x32xf32>
    %slice3A_655 = vector.extract_strided_slice %exp3A_653 {offsets = [0, 32], sizes = [197, 32], strides = [1, 1]} : vector<197x64xf32> to vector<197x32xf32>
    %add3A_656 = arith.addf %slice3A_654, %slice3A_655 : vector<197x32xf32>
    %slice3A_657 = vector.extract_strided_slice %add3A_656 {offsets = [0, 0], sizes = [197, 16], strides = [1, 1]} : vector<197x32xf32> to vector<197x16xf32>
    %slice3A_658 = vector.extract_strided_slice %add3A_656 {offsets = [0, 16], sizes = [197, 16], strides = [1, 1]} : vector<197x32xf32> to vector<197x16xf32>
    %add3A_659 = arith.addf %slice3A_657, %slice3A_658 : vector<197x16xf32>
    %slice3A_660 = vector.extract_strided_slice %add3A_659 {offsets = [0, 0], sizes = [197, 8], strides = [1, 1]} : vector<197x16xf32> to vector<197x8xf32>
    %slice3A_661 = vector.extract_strided_slice %add3A_659 {offsets = [0, 8], sizes = [197, 8], strides = [1, 1]} : vector<197x16xf32> to vector<197x8xf32>
    %add3A_662 = arith.addf %slice3A_660, %slice3A_661 : vector<197x8xf32>
    %concatenate3A_663 = tpu.concatenate %add3A_662, %add3A_662 in 1 : vector<197x8xf32>, vector<197x8xf32> -> vector<197x16xf32>
    %concatenate3A_664 = tpu.concatenate %concatenate3A_663, %concatenate3A_663 in 1 : vector<197x16xf32>, vector<197x16xf32> -> vector<197x32xf32>
    %concatenate3A_665 = tpu.concatenate %concatenate3A_664, %concatenate3A_664 in 1 : vector<197x32xf32>, vector<197x32xf32> -> vector<197x64xf32>
    %div3A_666 = arith.divf %exp3A_653, %concatenate3A_665 : vector<197x64xf32>
    %convert_element_type3A_667 = arith.truncf %div3A_666 : vector<197x64xf32> to vector<197x64xbf16>
    %convert_element_type3A_668 = arith.extf %convert_element_type3A_667 : vector<197x64xbf16> to vector<197x64xf32>
    %broadcast_in_dim3A_669 = arith.constant 0.000000e+00 : f32
    %broadcast_in_dim3A_670 = vector.broadcast %broadcast_in_dim3A_669 : f32 to vector<197x512xf32>
    %slice3A_671 = vector.extract_strided_slice %convert_element_type3A_668 {offsets = [0, 0], sizes = [197, 8], strides = [1, 1]} : vector<197x64xf32> to vector<197x8xf32>
    %concatenate3A_672 = tpu.concatenate %slice3A_671, %slice3A_671 in 1 : vector<197x8xf32>, vector<197x8xf32> -> vector<197x16xf32>
    %concatenate3A_673 = tpu.concatenate %concatenate3A_672, %concatenate3A_672 in 1 : vector<197x16xf32>, vector<197x16xf32> -> vector<197x32xf32>
    %concatenate3A_674 = tpu.concatenate %concatenate3A_673, %concatenate3A_673 in 1 : vector<197x32xf32>, vector<197x32xf32> -> vector<197x64xf32>
    %concatenate3A_675 = tpu.concatenate %concatenate3A_674, %concatenate3A_674 in 1 : vector<197x64xf32>, vector<197x64xf32> -> vector<197x128xf32>
    %concatenate3A_676 = tpu.concatenate %concatenate3A_675, %concatenate3A_675 in 1 : vector<197x128xf32>, vector<197x128xf32> -> vector<197x256xf32>
    %concatenate3A_677 = tpu.concatenate %concatenate3A_676, %concatenate3A_676 in 1 : vector<197x256xf32>, vector<197x256xf32> -> vector<197x512xf32>
    %slice3A_678 = vector.extract_strided_slice %slice3A_42 {offsets = [0, 0, 0], sizes = [1, 197, 512], strides = [1, 1, 1]} : vector<8x197x512xf32> to vector<1x197x512xf32>
    %squeeze3A_679 = vector.shape_cast %slice3A_678 : vector<1x197x512xf32> to vector<197x512xf32>
    %mul3A_680 = arith.mulf %concatenate3A_677, %squeeze3A_679 : vector<197x512xf32>
    %add3A_681 = arith.addf %broadcast_in_dim3A_670, %mul3A_680 : vector<197x512xf32>
    %slice3A_682 = vector.extract_strided_slice %convert_element_type3A_668 {offsets = [0, 8], sizes = [197, 8], strides = [1, 1]} : vector<197x64xf32> to vector<197x8xf32>
    %concatenate3A_683 = tpu.concatenate %slice3A_682, %slice3A_682 in 1 : vector<197x8xf32>, vector<197x8xf32> -> vector<197x16xf32>
    %concatenate3A_684 = tpu.concatenate %concatenate3A_683, %concatenate3A_683 in 1 : vector<197x16xf32>, vector<197x16xf32> -> vector<197x32xf32>
    %concatenate3A_685 = tpu.concatenate %concatenate3A_684, %concatenate3A_684 in 1 : vector<197x32xf32>, vector<197x32xf32> -> vector<197x64xf32>
    %concatenate3A_686 = tpu.concatenate %concatenate3A_685, %concatenate3A_685 in 1 : vector<197x64xf32>, vector<197x64xf32> -> vector<197x128xf32>
    %concatenate3A_687 = tpu.concatenate %concatenate3A_686, %concatenate3A_686 in 1 : vector<197x128xf32>, vector<197x128xf32> -> vector<197x256xf32>
    %concatenate3A_688 = tpu.concatenate %concatenate3A_687, %concatenate3A_687 in 1 : vector<197x256xf32>, vector<197x256xf32> -> vector<197x512xf32>
    %slice3A_689 = vector.extract_strided_slice %slice3A_42 {offsets = [1, 0, 0], sizes = [1, 197, 512], strides = [1, 1, 1]} : vector<8x197x512xf32> to vector<1x197x512xf32>
    %squeeze3A_690 = vector.shape_cast %slice3A_689 : vector<1x197x512xf32> to vector<197x512xf32>
    %mul3A_691 = arith.mulf %concatenate3A_688, %squeeze3A_690 : vector<197x512xf32>
    %add3A_692 = arith.addf %add3A_681, %mul3A_691 : vector<197x512xf32>
    %slice3A_693 = vector.extract_strided_slice %convert_element_type3A_668 {offsets = [0, 16], sizes = [197, 8], strides = [1, 1]} : vector<197x64xf32> to vector<197x8xf32>
    %concatenate3A_694 = tpu.concatenate %slice3A_693, %slice3A_693 in 1 : vector<197x8xf32>, vector<197x8xf32> -> vector<197x16xf32>
    %concatenate3A_695 = tpu.concatenate %concatenate3A_694, %concatenate3A_694 in 1 : vector<197x16xf32>, vector<197x16xf32> -> vector<197x32xf32>
    %concatenate3A_696 = tpu.concatenate %concatenate3A_695, %concatenate3A_695 in 1 : vector<197x32xf32>, vector<197x32xf32> -> vector<197x64xf32>
    %concatenate3A_697 = tpu.concatenate %concatenate3A_696, %concatenate3A_696 in 1 : vector<197x64xf32>, vector<197x64xf32> -> vector<197x128xf32>
    %concatenate3A_698 = tpu.concatenate %concatenate3A_697, %concatenate3A_697 in 1 : vector<197x128xf32>, vector<197x128xf32> -> vector<197x256xf32>
    %concatenate3A_699 = tpu.concatenate %concatenate3A_698, %concatenate3A_698 in 1 : vector<197x256xf32>, vector<197x256xf32> -> vector<197x512xf32>
    %slice3A_700 = vector.extract_strided_slice %slice3A_42 {offsets = [2, 0, 0], sizes = [1, 197, 512], strides = [1, 1, 1]} : vector<8x197x512xf32> to vector<1x197x512xf32>
    %squeeze3A_701 = vector.shape_cast %slice3A_700 : vector<1x197x512xf32> to vector<197x512xf32>
    %mul3A_702 = arith.mulf %concatenate3A_699, %squeeze3A_701 : vector<197x512xf32>
    %add3A_703 = arith.addf %add3A_692, %mul3A_702 : vector<197x512xf32>
    %slice3A_704 = vector.extract_strided_slice %convert_element_type3A_668 {offsets = [0, 24], sizes = [197, 8], strides = [1, 1]} : vector<197x64xf32> to vector<197x8xf32>
    %concatenate3A_705 = tpu.concatenate %slice3A_704, %slice3A_704 in 1 : vector<197x8xf32>, vector<197x8xf32> -> vector<197x16xf32>
    %concatenate3A_706 = tpu.concatenate %concatenate3A_705, %concatenate3A_705 in 1 : vector<197x16xf32>, vector<197x16xf32> -> vector<197x32xf32>
    %concatenate3A_707 = tpu.concatenate %concatenate3A_706, %concatenate3A_706 in 1 : vector<197x32xf32>, vector<197x32xf32> -> vector<197x64xf32>
    %concatenate3A_708 = tpu.concatenate %concatenate3A_707, %concatenate3A_707 in 1 : vector<197x64xf32>, vector<197x64xf32> -> vector<197x128xf32>
    %concatenate3A_709 = tpu.concatenate %concatenate3A_708, %concatenate3A_708 in 1 : vector<197x128xf32>, vector<197x128xf32> -> vector<197x256xf32>
    %concatenate3A_710 = tpu.concatenate %concatenate3A_709, %concatenate3A_709 in 1 : vector<197x256xf32>, vector<197x256xf32> -> vector<197x512xf32>
    %slice3A_711 = vector.extract_strided_slice %slice3A_42 {offsets = [3, 0, 0], sizes = [1, 197, 512], strides = [1, 1, 1]} : vector<8x197x512xf32> to vector<1x197x512xf32>
    %squeeze3A_712 = vector.shape_cast %slice3A_711 : vector<1x197x512xf32> to vector<197x512xf32>
    %mul3A_713 = arith.mulf %concatenate3A_710, %squeeze3A_712 : vector<197x512xf32>
    %add3A_714 = arith.addf %add3A_703, %mul3A_713 : vector<197x512xf32>
    %slice3A_715 = vector.extract_strided_slice %convert_element_type3A_668 {offsets = [0, 32], sizes = [197, 8], strides = [1, 1]} : vector<197x64xf32> to vector<197x8xf32>
    %concatenate3A_716 = tpu.concatenate %slice3A_715, %slice3A_715 in 1 : vector<197x8xf32>, vector<197x8xf32> -> vector<197x16xf32>
    %concatenate3A_717 = tpu.concatenate %concatenate3A_716, %concatenate3A_716 in 1 : vector<197x16xf32>, vector<197x16xf32> -> vector<197x32xf32>
    %concatenate3A_718 = tpu.concatenate %concatenate3A_717, %concatenate3A_717 in 1 : vector<197x32xf32>, vector<197x32xf32> -> vector<197x64xf32>
    %concatenate3A_719 = tpu.concatenate %concatenate3A_718, %concatenate3A_718 in 1 : vector<197x64xf32>, vector<197x64xf32> -> vector<197x128xf32>
    %concatenate3A_720 = tpu.concatenate %concatenate3A_719, %concatenate3A_719 in 1 : vector<197x128xf32>, vector<197x128xf32> -> vector<197x256xf32>
    %concatenate3A_721 = tpu.concatenate %concatenate3A_720, %concatenate3A_720 in 1 : vector<197x256xf32>, vector<197x256xf32> -> vector<197x512xf32>
    %slice3A_722 = vector.extract_strided_slice %slice3A_42 {offsets = [4, 0, 0], sizes = [1, 197, 512], strides = [1, 1, 1]} : vector<8x197x512xf32> to vector<1x197x512xf32>
    %squeeze3A_723 = vector.shape_cast %slice3A_722 : vector<1x197x512xf32> to vector<197x512xf32>
    %mul3A_724 = arith.mulf %concatenate3A_721, %squeeze3A_723 : vector<197x512xf32>
    %add3A_725 = arith.addf %add3A_714, %mul3A_724 : vector<197x512xf32>
    %slice3A_726 = vector.extract_strided_slice %slice3A {offsets = [5, 0, 0], sizes = [1, 197, 512], strides = [1, 1, 1]} : vector<8x197x512xf32> to vector<1x197x512xf32>
    %squeeze3A_727 = vector.shape_cast %slice3A_726 : vector<1x197x512xf32> to vector<197x512xf32>
    %slice3A_728 = vector.extract_strided_slice %slice3A_41 {offsets = [0, 0, 0], sizes = [1, 197, 512], strides = [1, 1, 1]} : vector<8x197x512xf32> to vector<1x197x512xf32>
    %squeeze3A_729 = vector.shape_cast %slice3A_728 : vector<1x197x512xf32> to vector<197x512xf32>
    %mul3A_730 = arith.mulf %squeeze3A_727, %squeeze3A_729 : vector<197x512xf32>
    %slice3A_731 = vector.extract_strided_slice %mul3A_730 {offsets = [0, 0], sizes = [197, 256], strides = [1, 1]} : vector<197x512xf32> to vector<197x256xf32>
    %slice3A_732 = vector.extract_strided_slice %mul3A_730 {offsets = [0, 256], sizes = [197, 256], strides = [1, 1]} : vector<197x512xf32> to vector<197x256xf32>
    %add3A_733 = arith.addf %slice3A_731, %slice3A_732 : vector<197x256xf32>
    %slice3A_734 = vector.extract_strided_slice %add3A_733 {offsets = [0, 0], sizes = [197, 128], strides = [1, 1]} : vector<197x256xf32> to vector<197x128xf32>
    %slice3A_735 = vector.extract_strided_slice %add3A_733 {offsets = [0, 128], sizes = [197, 128], strides = [1, 1]} : vector<197x256xf32> to vector<197x128xf32>
    %add3A_736 = arith.addf %slice3A_734, %slice3A_735 : vector<197x128xf32>
    %slice3A_737 = vector.extract_strided_slice %add3A_736 {offsets = [0, 0], sizes = [197, 64], strides = [1, 1]} : vector<197x128xf32> to vector<197x64xf32>
    %slice3A_738 = vector.extract_strided_slice %add3A_736 {offsets = [0, 64], sizes = [197, 64], strides = [1, 1]} : vector<197x128xf32> to vector<197x64xf32>
    %add3A_739 = arith.addf %slice3A_737, %slice3A_738 : vector<197x64xf32>
    %slice3A_740 = vector.extract_strided_slice %add3A_739 {offsets = [0, 0], sizes = [197, 32], strides = [1, 1]} : vector<197x64xf32> to vector<197x32xf32>
    %slice3A_741 = vector.extract_strided_slice %add3A_739 {offsets = [0, 32], sizes = [197, 32], strides = [1, 1]} : vector<197x64xf32> to vector<197x32xf32>
    %add3A_742 = arith.addf %slice3A_740, %slice3A_741 : vector<197x32xf32>
    %slice3A_743 = vector.extract_strided_slice %add3A_742 {offsets = [0, 0], sizes = [197, 16], strides = [1, 1]} : vector<197x32xf32> to vector<197x16xf32>
    %slice3A_744 = vector.extract_strided_slice %add3A_742 {offsets = [0, 16], sizes = [197, 16], strides = [1, 1]} : vector<197x32xf32> to vector<197x16xf32>
    %add3A_745 = arith.addf %slice3A_743, %slice3A_744 : vector<197x16xf32>
    %slice3A_746 = vector.extract_strided_slice %add3A_745 {offsets = [0, 0], sizes = [197, 8], strides = [1, 1]} : vector<197x16xf32> to vector<197x8xf32>
    %slice3A_747 = vector.extract_strided_slice %add3A_745 {offsets = [0, 8], sizes = [197, 8], strides = [1, 1]} : vector<197x16xf32> to vector<197x8xf32>
    %add3A_748 = arith.addf %slice3A_746, %slice3A_747 : vector<197x8xf32>
    %slice3A_749 = vector.extract_strided_slice %slice3A {offsets = [5, 0, 0], sizes = [1, 197, 512], strides = [1, 1, 1]} : vector<8x197x512xf32> to vector<1x197x512xf32>
    %squeeze3A_750 = vector.shape_cast %slice3A_749 : vector<1x197x512xf32> to vector<197x512xf32>
    %slice3A_751 = vector.extract_strided_slice %slice3A_41 {offsets = [1, 0, 0], sizes = [1, 197, 512], strides = [1, 1, 1]} : vector<8x197x512xf32> to vector<1x197x512xf32>
    %squeeze3A_752 = vector.shape_cast %slice3A_751 : vector<1x197x512xf32> to vector<197x512xf32>
    %mul3A_753 = arith.mulf %squeeze3A_750, %squeeze3A_752 : vector<197x512xf32>
    %slice3A_754 = vector.extract_strided_slice %mul3A_753 {offsets = [0, 0], sizes = [197, 256], strides = [1, 1]} : vector<197x512xf32> to vector<197x256xf32>
    %slice3A_755 = vector.extract_strided_slice %mul3A_753 {offsets = [0, 256], sizes = [197, 256], strides = [1, 1]} : vector<197x512xf32> to vector<197x256xf32>
    %add3A_756 = arith.addf %slice3A_754, %slice3A_755 : vector<197x256xf32>
    %slice3A_757 = vector.extract_strided_slice %add3A_756 {offsets = [0, 0], sizes = [197, 128], strides = [1, 1]} : vector<197x256xf32> to vector<197x128xf32>
    %slice3A_758 = vector.extract_strided_slice %add3A_756 {offsets = [0, 128], sizes = [197, 128], strides = [1, 1]} : vector<197x256xf32> to vector<197x128xf32>
    %add3A_759 = arith.addf %slice3A_757, %slice3A_758 : vector<197x128xf32>
    %slice3A_760 = vector.extract_strided_slice %add3A_759 {offsets = [0, 0], sizes = [197, 64], strides = [1, 1]} : vector<197x128xf32> to vector<197x64xf32>
    %slice3A_761 = vector.extract_strided_slice %add3A_759 {offsets = [0, 64], sizes = [197, 64], strides = [1, 1]} : vector<197x128xf32> to vector<197x64xf32>
    %add3A_762 = arith.addf %slice3A_760, %slice3A_761 : vector<197x64xf32>
    %slice3A_763 = vector.extract_strided_slice %add3A_762 {offsets = [0, 0], sizes = [197, 32], strides = [1, 1]} : vector<197x64xf32> to vector<197x32xf32>
    %slice3A_764 = vector.extract_strided_slice %add3A_762 {offsets = [0, 32], sizes = [197, 32], strides = [1, 1]} : vector<197x64xf32> to vector<197x32xf32>
    %add3A_765 = arith.addf %slice3A_763, %slice3A_764 : vector<197x32xf32>
    %slice3A_766 = vector.extract_strided_slice %add3A_765 {offsets = [0, 0], sizes = [197, 16], strides = [1, 1]} : vector<197x32xf32> to vector<197x16xf32>
    %slice3A_767 = vector.extract_strided_slice %add3A_765 {offsets = [0, 16], sizes = [197, 16], strides = [1, 1]} : vector<197x32xf32> to vector<197x16xf32>
    %add3A_768 = arith.addf %slice3A_766, %slice3A_767 : vector<197x16xf32>
    %slice3A_769 = vector.extract_strided_slice %add3A_768 {offsets = [0, 0], sizes = [197, 8], strides = [1, 1]} : vector<197x16xf32> to vector<197x8xf32>
    %slice3A_770 = vector.extract_strided_slice %add3A_768 {offsets = [0, 8], sizes = [197, 8], strides = [1, 1]} : vector<197x16xf32> to vector<197x8xf32>
    %add3A_771 = arith.addf %slice3A_769, %slice3A_770 : vector<197x8xf32>
    %slice3A_772 = vector.extract_strided_slice %slice3A {offsets = [5, 0, 0], sizes = [1, 197, 512], strides = [1, 1, 1]} : vector<8x197x512xf32> to vector<1x197x512xf32>
    %squeeze3A_773 = vector.shape_cast %slice3A_772 : vector<1x197x512xf32> to vector<197x512xf32>
    %slice3A_774 = vector.extract_strided_slice %slice3A_41 {offsets = [2, 0, 0], sizes = [1, 197, 512], strides = [1, 1, 1]} : vector<8x197x512xf32> to vector<1x197x512xf32>
    %squeeze3A_775 = vector.shape_cast %slice3A_774 : vector<1x197x512xf32> to vector<197x512xf32>
    %mul3A_776 = arith.mulf %squeeze3A_773, %squeeze3A_775 : vector<197x512xf32>
    %slice3A_777 = vector.extract_strided_slice %mul3A_776 {offsets = [0, 0], sizes = [197, 256], strides = [1, 1]} : vector<197x512xf32> to vector<197x256xf32>
    %slice3A_778 = vector.extract_strided_slice %mul3A_776 {offsets = [0, 256], sizes = [197, 256], strides = [1, 1]} : vector<197x512xf32> to vector<197x256xf32>
    %add3A_779 = arith.addf %slice3A_777, %slice3A_778 : vector<197x256xf32>
    %slice3A_780 = vector.extract_strided_slice %add3A_779 {offsets = [0, 0], sizes = [197, 128], strides = [1, 1]} : vector<197x256xf32> to vector<197x128xf32>
    %slice3A_781 = vector.extract_strided_slice %add3A_779 {offsets = [0, 128], sizes = [197, 128], strides = [1, 1]} : vector<197x256xf32> to vector<197x128xf32>
    %add3A_782 = arith.addf %slice3A_780, %slice3A_781 : vector<197x128xf32>
    %slice3A_783 = vector.extract_strided_slice %add3A_782 {offsets = [0, 0], sizes = [197, 64], strides = [1, 1]} : vector<197x128xf32> to vector<197x64xf32>
    %slice3A_784 = vector.extract_strided_slice %add3A_782 {offsets = [0, 64], sizes = [197, 64], strides = [1, 1]} : vector<197x128xf32> to vector<197x64xf32>
    %add3A_785 = arith.addf %slice3A_783, %slice3A_784 : vector<197x64xf32>
    %slice3A_786 = vector.extract_strided_slice %add3A_785 {offsets = [0, 0], sizes = [197, 32], strides = [1, 1]} : vector<197x64xf32> to vector<197x32xf32>
    %slice3A_787 = vector.extract_strided_slice %add3A_785 {offsets = [0, 32], sizes = [197, 32], strides = [1, 1]} : vector<197x64xf32> to vector<197x32xf32>
    %add3A_788 = arith.addf %slice3A_786, %slice3A_787 : vector<197x32xf32>
    %slice3A_789 = vector.extract_strided_slice %add3A_788 {offsets = [0, 0], sizes = [197, 16], strides = [1, 1]} : vector<197x32xf32> to vector<197x16xf32>
    %slice3A_790 = vector.extract_strided_slice %add3A_788 {offsets = [0, 16], sizes = [197, 16], strides = [1, 1]} : vector<197x32xf32> to vector<197x16xf32>
    %add3A_791 = arith.addf %slice3A_789, %slice3A_790 : vector<197x16xf32>
    %slice3A_792 = vector.extract_strided_slice %add3A_791 {offsets = [0, 0], sizes = [197, 8], strides = [1, 1]} : vector<197x16xf32> to vector<197x8xf32>
    %slice3A_793 = vector.extract_strided_slice %add3A_791 {offsets = [0, 8], sizes = [197, 8], strides = [1, 1]} : vector<197x16xf32> to vector<197x8xf32>
    %add3A_794 = arith.addf %slice3A_792, %slice3A_793 : vector<197x8xf32>
    %slice3A_795 = vector.extract_strided_slice %slice3A {offsets = [5, 0, 0], sizes = [1, 197, 512], strides = [1, 1, 1]} : vector<8x197x512xf32> to vector<1x197x512xf32>
    %squeeze3A_796 = vector.shape_cast %slice3A_795 : vector<1x197x512xf32> to vector<197x512xf32>
    %slice3A_797 = vector.extract_strided_slice %slice3A_41 {offsets = [3, 0, 0], sizes = [1, 197, 512], strides = [1, 1, 1]} : vector<8x197x512xf32> to vector<1x197x512xf32>
    %squeeze3A_798 = vector.shape_cast %slice3A_797 : vector<1x197x512xf32> to vector<197x512xf32>
    %mul3A_799 = arith.mulf %squeeze3A_796, %squeeze3A_798 : vector<197x512xf32>
    %slice3A_800 = vector.extract_strided_slice %mul3A_799 {offsets = [0, 0], sizes = [197, 256], strides = [1, 1]} : vector<197x512xf32> to vector<197x256xf32>
    %slice3A_801 = vector.extract_strided_slice %mul3A_799 {offsets = [0, 256], sizes = [197, 256], strides = [1, 1]} : vector<197x512xf32> to vector<197x256xf32>
    %add3A_802 = arith.addf %slice3A_800, %slice3A_801 : vector<197x256xf32>
    %slice3A_803 = vector.extract_strided_slice %add3A_802 {offsets = [0, 0], sizes = [197, 128], strides = [1, 1]} : vector<197x256xf32> to vector<197x128xf32>
    %slice3A_804 = vector.extract_strided_slice %add3A_802 {offsets = [0, 128], sizes = [197, 128], strides = [1, 1]} : vector<197x256xf32> to vector<197x128xf32>
    %add3A_805 = arith.addf %slice3A_803, %slice3A_804 : vector<197x128xf32>
    %slice3A_806 = vector.extract_strided_slice %add3A_805 {offsets = [0, 0], sizes = [197, 64], strides = [1, 1]} : vector<197x128xf32> to vector<197x64xf32>
    %slice3A_807 = vector.extract_strided_slice %add3A_805 {offsets = [0, 64], sizes = [197, 64], strides = [1, 1]} : vector<197x128xf32> to vector<197x64xf32>
    %add3A_808 = arith.addf %slice3A_806, %slice3A_807 : vector<197x64xf32>
    %slice3A_809 = vector.extract_strided_slice %add3A_808 {offsets = [0, 0], sizes = [197, 32], strides = [1, 1]} : vector<197x64xf32> to vector<197x32xf32>
    %slice3A_810 = vector.extract_strided_slice %add3A_808 {offsets = [0, 32], sizes = [197, 32], strides = [1, 1]} : vector<197x64xf32> to vector<197x32xf32>
    %add3A_811 = arith.addf %slice3A_809, %slice3A_810 : vector<197x32xf32>
    %slice3A_812 = vector.extract_strided_slice %add3A_811 {offsets = [0, 0], sizes = [197, 16], strides = [1, 1]} : vector<197x32xf32> to vector<197x16xf32>
    %slice3A_813 = vector.extract_strided_slice %add3A_811 {offsets = [0, 16], sizes = [197, 16], strides = [1, 1]} : vector<197x32xf32> to vector<197x16xf32>
    %add3A_814 = arith.addf %slice3A_812, %slice3A_813 : vector<197x16xf32>
    %slice3A_815 = vector.extract_strided_slice %add3A_814 {offsets = [0, 0], sizes = [197, 8], strides = [1, 1]} : vector<197x16xf32> to vector<197x8xf32>
    %slice3A_816 = vector.extract_strided_slice %add3A_814 {offsets = [0, 8], sizes = [197, 8], strides = [1, 1]} : vector<197x16xf32> to vector<197x8xf32>
    %add3A_817 = arith.addf %slice3A_815, %slice3A_816 : vector<197x8xf32>
    %slice3A_818 = vector.extract_strided_slice %slice3A {offsets = [5, 0, 0], sizes = [1, 197, 512], strides = [1, 1, 1]} : vector<8x197x512xf32> to vector<1x197x512xf32>
    %squeeze3A_819 = vector.shape_cast %slice3A_818 : vector<1x197x512xf32> to vector<197x512xf32>
    %slice3A_820 = vector.extract_strided_slice %slice3A_41 {offsets = [4, 0, 0], sizes = [1, 197, 512], strides = [1, 1, 1]} : vector<8x197x512xf32> to vector<1x197x512xf32>
    %squeeze3A_821 = vector.shape_cast %slice3A_820 : vector<1x197x512xf32> to vector<197x512xf32>
    %mul3A_822 = arith.mulf %squeeze3A_819, %squeeze3A_821 : vector<197x512xf32>
    %slice3A_823 = vector.extract_strided_slice %mul3A_822 {offsets = [0, 0], sizes = [197, 256], strides = [1, 1]} : vector<197x512xf32> to vector<197x256xf32>
    %slice3A_824 = vector.extract_strided_slice %mul3A_822 {offsets = [0, 256], sizes = [197, 256], strides = [1, 1]} : vector<197x512xf32> to vector<197x256xf32>
    %add3A_825 = arith.addf %slice3A_823, %slice3A_824 : vector<197x256xf32>
    %slice3A_826 = vector.extract_strided_slice %add3A_825 {offsets = [0, 0], sizes = [197, 128], strides = [1, 1]} : vector<197x256xf32> to vector<197x128xf32>
    %slice3A_827 = vector.extract_strided_slice %add3A_825 {offsets = [0, 128], sizes = [197, 128], strides = [1, 1]} : vector<197x256xf32> to vector<197x128xf32>
    %add3A_828 = arith.addf %slice3A_826, %slice3A_827 : vector<197x128xf32>
    %slice3A_829 = vector.extract_strided_slice %add3A_828 {offsets = [0, 0], sizes = [197, 64], strides = [1, 1]} : vector<197x128xf32> to vector<197x64xf32>
    %slice3A_830 = vector.extract_strided_slice %add3A_828 {offsets = [0, 64], sizes = [197, 64], strides = [1, 1]} : vector<197x128xf32> to vector<197x64xf32>
    %add3A_831 = arith.addf %slice3A_829, %slice3A_830 : vector<197x64xf32>
    %slice3A_832 = vector.extract_strided_slice %add3A_831 {offsets = [0, 0], sizes = [197, 32], strides = [1, 1]} : vector<197x64xf32> to vector<197x32xf32>
    %slice3A_833 = vector.extract_strided_slice %add3A_831 {offsets = [0, 32], sizes = [197, 32], strides = [1, 1]} : vector<197x64xf32> to vector<197x32xf32>
    %add3A_834 = arith.addf %slice3A_832, %slice3A_833 : vector<197x32xf32>
    %slice3A_835 = vector.extract_strided_slice %add3A_834 {offsets = [0, 0], sizes = [197, 16], strides = [1, 1]} : vector<197x32xf32> to vector<197x16xf32>
    %slice3A_836 = vector.extract_strided_slice %add3A_834 {offsets = [0, 16], sizes = [197, 16], strides = [1, 1]} : vector<197x32xf32> to vector<197x16xf32>
    %add3A_837 = arith.addf %slice3A_835, %slice3A_836 : vector<197x16xf32>
    %slice3A_838 = vector.extract_strided_slice %add3A_837 {offsets = [0, 0], sizes = [197, 8], strides = [1, 1]} : vector<197x16xf32> to vector<197x8xf32>
    %slice3A_839 = vector.extract_strided_slice %add3A_837 {offsets = [0, 8], sizes = [197, 8], strides = [1, 1]} : vector<197x16xf32> to vector<197x8xf32>
    %add3A_840 = arith.addf %slice3A_838, %slice3A_839 : vector<197x8xf32>
    %slice3A_841 = vector.extract_strided_slice %slice3A {offsets = [5, 0, 0], sizes = [1, 197, 512], strides = [1, 1, 1]} : vector<8x197x512xf32> to vector<1x197x512xf32>
    %squeeze3A_842 = vector.shape_cast %slice3A_841 : vector<1x197x512xf32> to vector<197x512xf32>
    %slice3A_843 = vector.extract_strided_slice %slice3A_41 {offsets = [5, 0, 0], sizes = [1, 197, 512], strides = [1, 1, 1]} : vector<8x197x512xf32> to vector<1x197x512xf32>
    %squeeze3A_844 = vector.shape_cast %slice3A_843 : vector<1x197x512xf32> to vector<197x512xf32>
    %mul3A_845 = arith.mulf %squeeze3A_842, %squeeze3A_844 : vector<197x512xf32>
    %slice3A_846 = vector.extract_strided_slice %mul3A_845 {offsets = [0, 0], sizes = [197, 256], strides = [1, 1]} : vector<197x512xf32> to vector<197x256xf32>
    %slice3A_847 = vector.extract_strided_slice %mul3A_845 {offsets = [0, 256], sizes = [197, 256], strides = [1, 1]} : vector<197x512xf32> to vector<197x256xf32>
    %add3A_848 = arith.addf %slice3A_846, %slice3A_847 : vector<197x256xf32>
    %slice3A_849 = vector.extract_strided_slice %add3A_848 {offsets = [0, 0], sizes = [197, 128], strides = [1, 1]} : vector<197x256xf32> to vector<197x128xf32>
    %slice3A_850 = vector.extract_strided_slice %add3A_848 {offsets = [0, 128], sizes = [197, 128], strides = [1, 1]} : vector<197x256xf32> to vector<197x128xf32>
    %add3A_851 = arith.addf %slice3A_849, %slice3A_850 : vector<197x128xf32>
    %slice3A_852 = vector.extract_strided_slice %add3A_851 {offsets = [0, 0], sizes = [197, 64], strides = [1, 1]} : vector<197x128xf32> to vector<197x64xf32>
    %slice3A_853 = vector.extract_strided_slice %add3A_851 {offsets = [0, 64], sizes = [197, 64], strides = [1, 1]} : vector<197x128xf32> to vector<197x64xf32>
    %add3A_854 = arith.addf %slice3A_852, %slice3A_853 : vector<197x64xf32>
    %slice3A_855 = vector.extract_strided_slice %add3A_854 {offsets = [0, 0], sizes = [197, 32], strides = [1, 1]} : vector<197x64xf32> to vector<197x32xf32>
    %slice3A_856 = vector.extract_strided_slice %add3A_854 {offsets = [0, 32], sizes = [197, 32], strides = [1, 1]} : vector<197x64xf32> to vector<197x32xf32>
    %add3A_857 = arith.addf %slice3A_855, %slice3A_856 : vector<197x32xf32>
    %slice3A_858 = vector.extract_strided_slice %add3A_857 {offsets = [0, 0], sizes = [197, 16], strides = [1, 1]} : vector<197x32xf32> to vector<197x16xf32>
    %slice3A_859 = vector.extract_strided_slice %add3A_857 {offsets = [0, 16], sizes = [197, 16], strides = [1, 1]} : vector<197x32xf32> to vector<197x16xf32>
    %add3A_860 = arith.addf %slice3A_858, %slice3A_859 : vector<197x16xf32>
    %slice3A_861 = vector.extract_strided_slice %add3A_860 {offsets = [0, 0], sizes = [197, 8], strides = [1, 1]} : vector<197x16xf32> to vector<197x8xf32>
    %slice3A_862 = vector.extract_strided_slice %add3A_860 {offsets = [0, 8], sizes = [197, 8], strides = [1, 1]} : vector<197x16xf32> to vector<197x8xf32>
    %add3A_863 = arith.addf %slice3A_861, %slice3A_862 : vector<197x8xf32>
    %concatenate3A_864 = tpu.concatenate %add3A_748, %add3A_771, %add3A_794, %add3A_817, %add3A_840, %add3A_863, %broadcast_in_dim3A_44, %broadcast_in_dim3A_44 in 1 : vector<197x8xf32>, vector<197x8xf32>, vector<197x8xf32>, vector<197x8xf32>, vector<197x8xf32>, vector<197x8xf32>, vector<197x8xf32>, vector<197x8xf32> -> vector<197x64xf32>
    %mul3A_865 = arith.constant 1.250000e-01 : f32
    %mul3A_866 = vector.broadcast %mul3A_865 : f32 to vector<197x64xf32>
    %mul3A_867 = arith.mulf %concatenate3A_864, %mul3A_866 : vector<197x64xf32>
    %slice3A_868 = vector.extract_strided_slice %mul3A_867 {offsets = [0, 0], sizes = [197, 32], strides = [1, 1]} : vector<197x64xf32> to vector<197x32xf32>
    %slice3A_869 = vector.extract_strided_slice %mul3A_867 {offsets = [0, 32], sizes = [197, 32], strides = [1, 1]} : vector<197x64xf32> to vector<197x32xf32>
    %max3A_870 = arith.maximumf %slice3A_868, %slice3A_869 : vector<197x32xf32>
    %slice3A_871 = vector.extract_strided_slice %max3A_870 {offsets = [0, 0], sizes = [197, 16], strides = [1, 1]} : vector<197x32xf32> to vector<197x16xf32>
    %slice3A_872 = vector.extract_strided_slice %max3A_870 {offsets = [0, 16], sizes = [197, 16], strides = [1, 1]} : vector<197x32xf32> to vector<197x16xf32>
    %max3A_873 = arith.maximumf %slice3A_871, %slice3A_872 : vector<197x16xf32>
    %slice3A_874 = vector.extract_strided_slice %max3A_873 {offsets = [0, 0], sizes = [197, 8], strides = [1, 1]} : vector<197x16xf32> to vector<197x8xf32>
    %slice3A_875 = vector.extract_strided_slice %max3A_873 {offsets = [0, 8], sizes = [197, 8], strides = [1, 1]} : vector<197x16xf32> to vector<197x8xf32>
    %max3A_876 = arith.maximumf %slice3A_874, %slice3A_875 : vector<197x8xf32>
    %concatenate3A_877 = tpu.concatenate %max3A_876, %max3A_876 in 1 : vector<197x8xf32>, vector<197x8xf32> -> vector<197x16xf32>
    %concatenate3A_878 = tpu.concatenate %concatenate3A_877, %concatenate3A_877 in 1 : vector<197x16xf32>, vector<197x16xf32> -> vector<197x32xf32>
    %concatenate3A_879 = tpu.concatenate %concatenate3A_878, %concatenate3A_878 in 1 : vector<197x32xf32>, vector<197x32xf32> -> vector<197x64xf32>
    %sub3A_880 = arith.subf %mul3A_867, %concatenate3A_879 : vector<197x64xf32>
    %exp3A_881 = math.exp %sub3A_880 : vector<197x64xf32>
    %slice3A_882 = vector.extract_strided_slice %exp3A_881 {offsets = [0, 0], sizes = [197, 32], strides = [1, 1]} : vector<197x64xf32> to vector<197x32xf32>
    %slice3A_883 = vector.extract_strided_slice %exp3A_881 {offsets = [0, 32], sizes = [197, 32], strides = [1, 1]} : vector<197x64xf32> to vector<197x32xf32>
    %add3A_884 = arith.addf %slice3A_882, %slice3A_883 : vector<197x32xf32>
    %slice3A_885 = vector.extract_strided_slice %add3A_884 {offsets = [0, 0], sizes = [197, 16], strides = [1, 1]} : vector<197x32xf32> to vector<197x16xf32>
    %slice3A_886 = vector.extract_strided_slice %add3A_884 {offsets = [0, 16], sizes = [197, 16], strides = [1, 1]} : vector<197x32xf32> to vector<197x16xf32>
    %add3A_887 = arith.addf %slice3A_885, %slice3A_886 : vector<197x16xf32>
    %slice3A_888 = vector.extract_strided_slice %add3A_887 {offsets = [0, 0], sizes = [197, 8], strides = [1, 1]} : vector<197x16xf32> to vector<197x8xf32>
    %slice3A_889 = vector.extract_strided_slice %add3A_887 {offsets = [0, 8], sizes = [197, 8], strides = [1, 1]} : vector<197x16xf32> to vector<197x8xf32>
    %add3A_890 = arith.addf %slice3A_888, %slice3A_889 : vector<197x8xf32>
    %concatenate3A_891 = tpu.concatenate %add3A_890, %add3A_890 in 1 : vector<197x8xf32>, vector<197x8xf32> -> vector<197x16xf32>
    %concatenate3A_892 = tpu.concatenate %concatenate3A_891, %concatenate3A_891 in 1 : vector<197x16xf32>, vector<197x16xf32> -> vector<197x32xf32>
    %concatenate3A_893 = tpu.concatenate %concatenate3A_892, %concatenate3A_892 in 1 : vector<197x32xf32>, vector<197x32xf32> -> vector<197x64xf32>
    %div3A_894 = arith.divf %exp3A_881, %concatenate3A_893 : vector<197x64xf32>
    %convert_element_type3A_895 = arith.truncf %div3A_894 : vector<197x64xf32> to vector<197x64xbf16>
    %convert_element_type3A_896 = arith.extf %convert_element_type3A_895 : vector<197x64xbf16> to vector<197x64xf32>
    %broadcast_in_dim3A_897 = arith.constant 0.000000e+00 : f32
    %broadcast_in_dim3A_898 = vector.broadcast %broadcast_in_dim3A_897 : f32 to vector<197x512xf32>
    %slice3A_899 = vector.extract_strided_slice %convert_element_type3A_896 {offsets = [0, 0], sizes = [197, 8], strides = [1, 1]} : vector<197x64xf32> to vector<197x8xf32>
    %concatenate3A_900 = tpu.concatenate %slice3A_899, %slice3A_899 in 1 : vector<197x8xf32>, vector<197x8xf32> -> vector<197x16xf32>
    %concatenate3A_901 = tpu.concatenate %concatenate3A_900, %concatenate3A_900 in 1 : vector<197x16xf32>, vector<197x16xf32> -> vector<197x32xf32>
    %concatenate3A_902 = tpu.concatenate %concatenate3A_901, %concatenate3A_901 in 1 : vector<197x32xf32>, vector<197x32xf32> -> vector<197x64xf32>
    %concatenate3A_903 = tpu.concatenate %concatenate3A_902, %concatenate3A_902 in 1 : vector<197x64xf32>, vector<197x64xf32> -> vector<197x128xf32>
    %concatenate3A_904 = tpu.concatenate %concatenate3A_903, %concatenate3A_903 in 1 : vector<197x128xf32>, vector<197x128xf32> -> vector<197x256xf32>
    %concatenate3A_905 = tpu.concatenate %concatenate3A_904, %concatenate3A_904 in 1 : vector<197x256xf32>, vector<197x256xf32> -> vector<197x512xf32>
    %slice3A_906 = vector.extract_strided_slice %slice3A_42 {offsets = [0, 0, 0], sizes = [1, 197, 512], strides = [1, 1, 1]} : vector<8x197x512xf32> to vector<1x197x512xf32>
    %squeeze3A_907 = vector.shape_cast %slice3A_906 : vector<1x197x512xf32> to vector<197x512xf32>
    %mul3A_908 = arith.mulf %concatenate3A_905, %squeeze3A_907 : vector<197x512xf32>
    %add3A_909 = arith.addf %broadcast_in_dim3A_898, %mul3A_908 : vector<197x512xf32>
    %slice3A_910 = vector.extract_strided_slice %convert_element_type3A_896 {offsets = [0, 8], sizes = [197, 8], strides = [1, 1]} : vector<197x64xf32> to vector<197x8xf32>
    %concatenate3A_911 = tpu.concatenate %slice3A_910, %slice3A_910 in 1 : vector<197x8xf32>, vector<197x8xf32> -> vector<197x16xf32>
    %concatenate3A_912 = tpu.concatenate %concatenate3A_911, %concatenate3A_911 in 1 : vector<197x16xf32>, vector<197x16xf32> -> vector<197x32xf32>
    %concatenate3A_913 = tpu.concatenate %concatenate3A_912, %concatenate3A_912 in 1 : vector<197x32xf32>, vector<197x32xf32> -> vector<197x64xf32>
    %concatenate3A_914 = tpu.concatenate %concatenate3A_913, %concatenate3A_913 in 1 : vector<197x64xf32>, vector<197x64xf32> -> vector<197x128xf32>
    %concatenate3A_915 = tpu.concatenate %concatenate3A_914, %concatenate3A_914 in 1 : vector<197x128xf32>, vector<197x128xf32> -> vector<197x256xf32>
    %concatenate3A_916 = tpu.concatenate %concatenate3A_915, %concatenate3A_915 in 1 : vector<197x256xf32>, vector<197x256xf32> -> vector<197x512xf32>
    %slice3A_917 = vector.extract_strided_slice %slice3A_42 {offsets = [1, 0, 0], sizes = [1, 197, 512], strides = [1, 1, 1]} : vector<8x197x512xf32> to vector<1x197x512xf32>
    %squeeze3A_918 = vector.shape_cast %slice3A_917 : vector<1x197x512xf32> to vector<197x512xf32>
    %mul3A_919 = arith.mulf %concatenate3A_916, %squeeze3A_918 : vector<197x512xf32>
    %add3A_920 = arith.addf %add3A_909, %mul3A_919 : vector<197x512xf32>
    %slice3A_921 = vector.extract_strided_slice %convert_element_type3A_896 {offsets = [0, 16], sizes = [197, 8], strides = [1, 1]} : vector<197x64xf32> to vector<197x8xf32>
    %concatenate3A_922 = tpu.concatenate %slice3A_921, %slice3A_921 in 1 : vector<197x8xf32>, vector<197x8xf32> -> vector<197x16xf32>
    %concatenate3A_923 = tpu.concatenate %concatenate3A_922, %concatenate3A_922 in 1 : vector<197x16xf32>, vector<197x16xf32> -> vector<197x32xf32>
    %concatenate3A_924 = tpu.concatenate %concatenate3A_923, %concatenate3A_923 in 1 : vector<197x32xf32>, vector<197x32xf32> -> vector<197x64xf32>
    %concatenate3A_925 = tpu.concatenate %concatenate3A_924, %concatenate3A_924 in 1 : vector<197x64xf32>, vector<197x64xf32> -> vector<197x128xf32>
    %concatenate3A_926 = tpu.concatenate %concatenate3A_925, %concatenate3A_925 in 1 : vector<197x128xf32>, vector<197x128xf32> -> vector<197x256xf32>
    %concatenate3A_927 = tpu.concatenate %concatenate3A_926, %concatenate3A_926 in 1 : vector<197x256xf32>, vector<197x256xf32> -> vector<197x512xf32>
    %slice3A_928 = vector.extract_strided_slice %slice3A_42 {offsets = [2, 0, 0], sizes = [1, 197, 512], strides = [1, 1, 1]} : vector<8x197x512xf32> to vector<1x197x512xf32>
    %squeeze3A_929 = vector.shape_cast %slice3A_928 : vector<1x197x512xf32> to vector<197x512xf32>
    %mul3A_930 = arith.mulf %concatenate3A_927, %squeeze3A_929 : vector<197x512xf32>
    %add3A_931 = arith.addf %add3A_920, %mul3A_930 : vector<197x512xf32>
    %slice3A_932 = vector.extract_strided_slice %convert_element_type3A_896 {offsets = [0, 24], sizes = [197, 8], strides = [1, 1]} : vector<197x64xf32> to vector<197x8xf32>
    %concatenate3A_933 = tpu.concatenate %slice3A_932, %slice3A_932 in 1 : vector<197x8xf32>, vector<197x8xf32> -> vector<197x16xf32>
    %concatenate3A_934 = tpu.concatenate %concatenate3A_933, %concatenate3A_933 in 1 : vector<197x16xf32>, vector<197x16xf32> -> vector<197x32xf32>
    %concatenate3A_935 = tpu.concatenate %concatenate3A_934, %concatenate3A_934 in 1 : vector<197x32xf32>, vector<197x32xf32> -> vector<197x64xf32>
    %concatenate3A_936 = tpu.concatenate %concatenate3A_935, %concatenate3A_935 in 1 : vector<197x64xf32>, vector<197x64xf32> -> vector<197x128xf32>
    %concatenate3A_937 = tpu.concatenate %concatenate3A_936, %concatenate3A_936 in 1 : vector<197x128xf32>, vector<197x128xf32> -> vector<197x256xf32>
    %concatenate3A_938 = tpu.concatenate %concatenate3A_937, %concatenate3A_937 in 1 : vector<197x256xf32>, vector<197x256xf32> -> vector<197x512xf32>
    %slice3A_939 = vector.extract_strided_slice %slice3A_42 {offsets = [3, 0, 0], sizes = [1, 197, 512], strides = [1, 1, 1]} : vector<8x197x512xf32> to vector<1x197x512xf32>
    %squeeze3A_940 = vector.shape_cast %slice3A_939 : vector<1x197x512xf32> to vector<197x512xf32>
    %mul3A_941 = arith.mulf %concatenate3A_938, %squeeze3A_940 : vector<197x512xf32>
    %add3A_942 = arith.addf %add3A_931, %mul3A_941 : vector<197x512xf32>
    %slice3A_943 = vector.extract_strided_slice %convert_element_type3A_896 {offsets = [0, 32], sizes = [197, 8], strides = [1, 1]} : vector<197x64xf32> to vector<197x8xf32>
    %concatenate3A_944 = tpu.concatenate %slice3A_943, %slice3A_943 in 1 : vector<197x8xf32>, vector<197x8xf32> -> vector<197x16xf32>
    %concatenate3A_945 = tpu.concatenate %concatenate3A_944, %concatenate3A_944 in 1 : vector<197x16xf32>, vector<197x16xf32> -> vector<197x32xf32>
    %concatenate3A_946 = tpu.concatenate %concatenate3A_945, %concatenate3A_945 in 1 : vector<197x32xf32>, vector<197x32xf32> -> vector<197x64xf32>
    %concatenate3A_947 = tpu.concatenate %concatenate3A_946, %concatenate3A_946 in 1 : vector<197x64xf32>, vector<197x64xf32> -> vector<197x128xf32>
    %concatenate3A_948 = tpu.concatenate %concatenate3A_947, %concatenate3A_947 in 1 : vector<197x128xf32>, vector<197x128xf32> -> vector<197x256xf32>
    %concatenate3A_949 = tpu.concatenate %concatenate3A_948, %concatenate3A_948 in 1 : vector<197x256xf32>, vector<197x256xf32> -> vector<197x512xf32>
    %slice3A_950 = vector.extract_strided_slice %slice3A_42 {offsets = [4, 0, 0], sizes = [1, 197, 512], strides = [1, 1, 1]} : vector<8x197x512xf32> to vector<1x197x512xf32>
    %squeeze3A_951 = vector.shape_cast %slice3A_950 : vector<1x197x512xf32> to vector<197x512xf32>
    %mul3A_952 = arith.mulf %concatenate3A_949, %squeeze3A_951 : vector<197x512xf32>
    %add3A_953 = arith.addf %add3A_942, %mul3A_952 : vector<197x512xf32>
    %slice3A_954 = vector.extract_strided_slice %convert_element_type3A_896 {offsets = [0, 40], sizes = [197, 8], strides = [1, 1]} : vector<197x64xf32> to vector<197x8xf32>
    %concatenate3A_955 = tpu.concatenate %slice3A_954, %slice3A_954 in 1 : vector<197x8xf32>, vector<197x8xf32> -> vector<197x16xf32>
    %concatenate3A_956 = tpu.concatenate %concatenate3A_955, %concatenate3A_955 in 1 : vector<197x16xf32>, vector<197x16xf32> -> vector<197x32xf32>
    %concatenate3A_957 = tpu.concatenate %concatenate3A_956, %concatenate3A_956 in 1 : vector<197x32xf32>, vector<197x32xf32> -> vector<197x64xf32>
    %concatenate3A_958 = tpu.concatenate %concatenate3A_957, %concatenate3A_957 in 1 : vector<197x64xf32>, vector<197x64xf32> -> vector<197x128xf32>
    %concatenate3A_959 = tpu.concatenate %concatenate3A_958, %concatenate3A_958 in 1 : vector<197x128xf32>, vector<197x128xf32> -> vector<197x256xf32>
    %concatenate3A_960 = tpu.concatenate %concatenate3A_959, %concatenate3A_959 in 1 : vector<197x256xf32>, vector<197x256xf32> -> vector<197x512xf32>
    %slice3A_961 = vector.extract_strided_slice %slice3A_42 {offsets = [5, 0, 0], sizes = [1, 197, 512], strides = [1, 1, 1]} : vector<8x197x512xf32> to vector<1x197x512xf32>
    %squeeze3A_962 = vector.shape_cast %slice3A_961 : vector<1x197x512xf32> to vector<197x512xf32>
    %mul3A_963 = arith.mulf %concatenate3A_960, %squeeze3A_962 : vector<197x512xf32>
    %add3A_964 = arith.addf %add3A_953, %mul3A_963 : vector<197x512xf32>
    %slice3A_965 = vector.extract_strided_slice %slice3A {offsets = [6, 0, 0], sizes = [1, 197, 512], strides = [1, 1, 1]} : vector<8x197x512xf32> to vector<1x197x512xf32>
    %squeeze3A_966 = vector.shape_cast %slice3A_965 : vector<1x197x512xf32> to vector<197x512xf32>
    %slice3A_967 = vector.extract_strided_slice %slice3A_41 {offsets = [0, 0, 0], sizes = [1, 197, 512], strides = [1, 1, 1]} : vector<8x197x512xf32> to vector<1x197x512xf32>
    %squeeze3A_968 = vector.shape_cast %slice3A_967 : vector<1x197x512xf32> to vector<197x512xf32>
    %mul3A_969 = arith.mulf %squeeze3A_966, %squeeze3A_968 : vector<197x512xf32>
    %slice3A_970 = vector.extract_strided_slice %mul3A_969 {offsets = [0, 0], sizes = [197, 256], strides = [1, 1]} : vector<197x512xf32> to vector<197x256xf32>
    %slice3A_971 = vector.extract_strided_slice %mul3A_969 {offsets = [0, 256], sizes = [197, 256], strides = [1, 1]} : vector<197x512xf32> to vector<197x256xf32>
    %add3A_972 = arith.addf %slice3A_970, %slice3A_971 : vector<197x256xf32>
    %slice3A_973 = vector.extract_strided_slice %add3A_972 {offsets = [0, 0], sizes = [197, 128], strides = [1, 1]} : vector<197x256xf32> to vector<197x128xf32>
    %slice3A_974 = vector.extract_strided_slice %add3A_972 {offsets = [0, 128], sizes = [197, 128], strides = [1, 1]} : vector<197x256xf32> to vector<197x128xf32>
    %add3A_975 = arith.addf %slice3A_973, %slice3A_974 : vector<197x128xf32>
    %slice3A_976 = vector.extract_strided_slice %add3A_975 {offsets = [0, 0], sizes = [197, 64], strides = [1, 1]} : vector<197x128xf32> to vector<197x64xf32>
    %slice3A_977 = vector.extract_strided_slice %add3A_975 {offsets = [0, 64], sizes = [197, 64], strides = [1, 1]} : vector<197x128xf32> to vector<197x64xf32>
    %add3A_978 = arith.addf %slice3A_976, %slice3A_977 : vector<197x64xf32>
    %slice3A_979 = vector.extract_strided_slice %add3A_978 {offsets = [0, 0], sizes = [197, 32], strides = [1, 1]} : vector<197x64xf32> to vector<197x32xf32>
    %slice3A_980 = vector.extract_strided_slice %add3A_978 {offsets = [0, 32], sizes = [197, 32], strides = [1, 1]} : vector<197x64xf32> to vector<197x32xf32>
    %add3A_981 = arith.addf %slice3A_979, %slice3A_980 : vector<197x32xf32>
    %slice3A_982 = vector.extract_strided_slice %add3A_981 {offsets = [0, 0], sizes = [197, 16], strides = [1, 1]} : vector<197x32xf32> to vector<197x16xf32>
    %slice3A_983 = vector.extract_strided_slice %add3A_981 {offsets = [0, 16], sizes = [197, 16], strides = [1, 1]} : vector<197x32xf32> to vector<197x16xf32>
    %add3A_984 = arith.addf %slice3A_982, %slice3A_983 : vector<197x16xf32>
    %slice3A_985 = vector.extract_strided_slice %add3A_984 {offsets = [0, 0], sizes = [197, 8], strides = [1, 1]} : vector<197x16xf32> to vector<197x8xf32>
    %slice3A_986 = vector.extract_strided_slice %add3A_984 {offsets = [0, 8], sizes = [197, 8], strides = [1, 1]} : vector<197x16xf32> to vector<197x8xf32>
    %add3A_987 = arith.addf %slice3A_985, %slice3A_986 : vector<197x8xf32>
    %slice3A_988 = vector.extract_strided_slice %slice3A {offsets = [6, 0, 0], sizes = [1, 197, 512], strides = [1, 1, 1]} : vector<8x197x512xf32> to vector<1x197x512xf32>
    %squeeze3A_989 = vector.shape_cast %slice3A_988 : vector<1x197x512xf32> to vector<197x512xf32>
    %slice3A_990 = vector.extract_strided_slice %slice3A_41 {offsets = [1, 0, 0], sizes = [1, 197, 512], strides = [1, 1, 1]} : vector<8x197x512xf32> to vector<1x197x512xf32>
    %squeeze3A_991 = vector.shape_cast %slice3A_990 : vector<1x197x512xf32> to vector<197x512xf32>
    %mul3A_992 = arith.mulf %squeeze3A_989, %squeeze3A_991 : vector<197x512xf32>
    %slice3A_993 = vector.extract_strided_slice %mul3A_992 {offsets = [0, 0], sizes = [197, 256], strides = [1, 1]} : vector<197x512xf32> to vector<197x256xf32>
    %slice3A_994 = vector.extract_strided_slice %mul3A_992 {offsets = [0, 256], sizes = [197, 256], strides = [1, 1]} : vector<197x512xf32> to vector<197x256xf32>
    %add3A_995 = arith.addf %slice3A_993, %slice3A_994 : vector<197x256xf32>
    %slice3A_996 = vector.extract_strided_slice %add3A_995 {offsets = [0, 0], sizes = [197, 128], strides = [1, 1]} : vector<197x256xf32> to vector<197x128xf32>
    %slice3A_997 = vector.extract_strided_slice %add3A_995 {offsets = [0, 128], sizes = [197, 128], strides = [1, 1]} : vector<197x256xf32> to vector<197x128xf32>
    %add3A_998 = arith.addf %slice3A_996, %slice3A_997 : vector<197x128xf32>
    %slice3A_999 = vector.extract_strided_slice %add3A_998 {offsets = [0, 0], sizes = [197, 64], strides = [1, 1]} : vector<197x128xf32> to vector<197x64xf32>
    %slice3A_1000 = vector.extract_strided_slice %add3A_998 {offsets = [0, 64], sizes = [197, 64], strides = [1, 1]} : vector<197x128xf32> to vector<197x64xf32>
    %add3A_1001 = arith.addf %slice3A_999, %slice3A_1000 : vector<197x64xf32>
    %slice3A_1002 = vector.extract_strided_slice %add3A_1001 {offsets = [0, 0], sizes = [197, 32], strides = [1, 1]} : vector<197x64xf32> to vector<197x32xf32>
    %slice3A_1003 = vector.extract_strided_slice %add3A_1001 {offsets = [0, 32], sizes = [197, 32], strides = [1, 1]} : vector<197x64xf32> to vector<197x32xf32>
    %add3A_1004 = arith.addf %slice3A_1002, %slice3A_1003 : vector<197x32xf32>
    %slice3A_1005 = vector.extract_strided_slice %add3A_1004 {offsets = [0, 0], sizes = [197, 16], strides = [1, 1]} : vector<197x32xf32> to vector<197x16xf32>
    %slice3A_1006 = vector.extract_strided_slice %add3A_1004 {offsets = [0, 16], sizes = [197, 16], strides = [1, 1]} : vector<197x32xf32> to vector<197x16xf32>
    %add3A_1007 = arith.addf %slice3A_1005, %slice3A_1006 : vector<197x16xf32>
    %slice3A_1008 = vector.extract_strided_slice %add3A_1007 {offsets = [0, 0], sizes = [197, 8], strides = [1, 1]} : vector<197x16xf32> to vector<197x8xf32>
    %slice3A_1009 = vector.extract_strided_slice %add3A_1007 {offsets = [0, 8], sizes = [197, 8], strides = [1, 1]} : vector<197x16xf32> to vector<197x8xf32>
    %add3A_1010 = arith.addf %slice3A_1008, %slice3A_1009 : vector<197x8xf32>
    %slice3A_1011 = vector.extract_strided_slice %slice3A {offsets = [6, 0, 0], sizes = [1, 197, 512], strides = [1, 1, 1]} : vector<8x197x512xf32> to vector<1x197x512xf32>
    %squeeze3A_1012 = vector.shape_cast %slice3A_1011 : vector<1x197x512xf32> to vector<197x512xf32>
    %slice3A_1013 = vector.extract_strided_slice %slice3A_41 {offsets = [2, 0, 0], sizes = [1, 197, 512], strides = [1, 1, 1]} : vector<8x197x512xf32> to vector<1x197x512xf32>
    %squeeze3A_1014 = vector.shape_cast %slice3A_1013 : vector<1x197x512xf32> to vector<197x512xf32>
    %mul3A_1015 = arith.mulf %squeeze3A_1012, %squeeze3A_1014 : vector<197x512xf32>
    %slice3A_1016 = vector.extract_strided_slice %mul3A_1015 {offsets = [0, 0], sizes = [197, 256], strides = [1, 1]} : vector<197x512xf32> to vector<197x256xf32>
    %slice3A_1017 = vector.extract_strided_slice %mul3A_1015 {offsets = [0, 256], sizes = [197, 256], strides = [1, 1]} : vector<197x512xf32> to vector<197x256xf32>
    %add3A_1018 = arith.addf %slice3A_1016, %slice3A_1017 : vector<197x256xf32>
    %slice3A_1019 = vector.extract_strided_slice %add3A_1018 {offsets = [0, 0], sizes = [197, 128], strides = [1, 1]} : vector<197x256xf32> to vector<197x128xf32>
    %slice3A_1020 = vector.extract_strided_slice %add3A_1018 {offsets = [0, 128], sizes = [197, 128], strides = [1, 1]} : vector<197x256xf32> to vector<197x128xf32>
    %add3A_1021 = arith.addf %slice3A_1019, %slice3A_1020 : vector<197x128xf32>
    %slice3A_1022 = vector.extract_strided_slice %add3A_1021 {offsets = [0, 0], sizes = [197, 64], strides = [1, 1]} : vector<197x128xf32> to vector<197x64xf32>
    %slice3A_1023 = vector.extract_strided_slice %add3A_1021 {offsets = [0, 64], sizes = [197, 64], strides = [1, 1]} : vector<197x128xf32> to vector<197x64xf32>
    %add3A_1024 = arith.addf %slice3A_1022, %slice3A_1023 : vector<197x64xf32>
    %slice3A_1025 = vector.extract_strided_slice %add3A_1024 {offsets = [0, 0], sizes = [197, 32], strides = [1, 1]} : vector<197x64xf32> to vector<197x32xf32>
    %slice3A_1026 = vector.extract_strided_slice %add3A_1024 {offsets = [0, 32], sizes = [197, 32], strides = [1, 1]} : vector<197x64xf32> to vector<197x32xf32>
    %add3A_1027 = arith.addf %slice3A_1025, %slice3A_1026 : vector<197x32xf32>
    %slice3A_1028 = vector.extract_strided_slice %add3A_1027 {offsets = [0, 0], sizes = [197, 16], strides = [1, 1]} : vector<197x32xf32> to vector<197x16xf32>
    %slice3A_1029 = vector.extract_strided_slice %add3A_1027 {offsets = [0, 16], sizes = [197, 16], strides = [1, 1]} : vector<197x32xf32> to vector<197x16xf32>
    %add3A_1030 = arith.addf %slice3A_1028, %slice3A_1029 : vector<197x16xf32>
    %slice3A_1031 = vector.extract_strided_slice %add3A_1030 {offsets = [0, 0], sizes = [197, 8], strides = [1, 1]} : vector<197x16xf32> to vector<197x8xf32>
    %slice3A_1032 = vector.extract_strided_slice %add3A_1030 {offsets = [0, 8], sizes = [197, 8], strides = [1, 1]} : vector<197x16xf32> to vector<197x8xf32>
    %add3A_1033 = arith.addf %slice3A_1031, %slice3A_1032 : vector<197x8xf32>
    %slice3A_1034 = vector.extract_strided_slice %slice3A {offsets = [6, 0, 0], sizes = [1, 197, 512], strides = [1, 1, 1]} : vector<8x197x512xf32> to vector<1x197x512xf32>
    %squeeze3A_1035 = vector.shape_cast %slice3A_1034 : vector<1x197x512xf32> to vector<197x512xf32>
    %slice3A_1036 = vector.extract_strided_slice %slice3A_41 {offsets = [3, 0, 0], sizes = [1, 197, 512], strides = [1, 1, 1]} : vector<8x197x512xf32> to vector<1x197x512xf32>
    %squeeze3A_1037 = vector.shape_cast %slice3A_1036 : vector<1x197x512xf32> to vector<197x512xf32>
    %mul3A_1038 = arith.mulf %squeeze3A_1035, %squeeze3A_1037 : vector<197x512xf32>
    %slice3A_1039 = vector.extract_strided_slice %mul3A_1038 {offsets = [0, 0], sizes = [197, 256], strides = [1, 1]} : vector<197x512xf32> to vector<197x256xf32>
    %slice3A_1040 = vector.extract_strided_slice %mul3A_1038 {offsets = [0, 256], sizes = [197, 256], strides = [1, 1]} : vector<197x512xf32> to vector<197x256xf32>
    %add3A_1041 = arith.addf %slice3A_1039, %slice3A_1040 : vector<197x256xf32>
    %slice3A_1042 = vector.extract_strided_slice %add3A_1041 {offsets = [0, 0], sizes = [197, 128], strides = [1, 1]} : vector<197x256xf32> to vector<197x128xf32>
    %slice3A_1043 = vector.extract_strided_slice %add3A_1041 {offsets = [0, 128], sizes = [197, 128], strides = [1, 1]} : vector<197x256xf32> to vector<197x128xf32>
    %add3A_1044 = arith.addf %slice3A_1042, %slice3A_1043 : vector<197x128xf32>
    %slice3A_1045 = vector.extract_strided_slice %add3A_1044 {offsets = [0, 0], sizes = [197, 64], strides = [1, 1]} : vector<197x128xf32> to vector<197x64xf32>
    %slice3A_1046 = vector.extract_strided_slice %add3A_1044 {offsets = [0, 64], sizes = [197, 64], strides = [1, 1]} : vector<197x128xf32> to vector<197x64xf32>
    %add3A_1047 = arith.addf %slice3A_1045, %slice3A_1046 : vector<197x64xf32>
    %slice3A_1048 = vector.extract_strided_slice %add3A_1047 {offsets = [0, 0], sizes = [197, 32], strides = [1, 1]} : vector<197x64xf32> to vector<197x32xf32>
    %slice3A_1049 = vector.extract_strided_slice %add3A_1047 {offsets = [0, 32], sizes = [197, 32], strides = [1, 1]} : vector<197x64xf32> to vector<197x32xf32>
    %add3A_1050 = arith.addf %slice3A_1048, %slice3A_1049 : vector<197x32xf32>
    %slice3A_1051 = vector.extract_strided_slice %add3A_1050 {offsets = [0, 0], sizes = [197, 16], strides = [1, 1]} : vector<197x32xf32> to vector<197x16xf32>
    %slice3A_1052 = vector.extract_strided_slice %add3A_1050 {offsets = [0, 16], sizes = [197, 16], strides = [1, 1]} : vector<197x32xf32> to vector<197x16xf32>
    %add3A_1053 = arith.addf %slice3A_1051, %slice3A_1052 : vector<197x16xf32>
    %slice3A_1054 = vector.extract_strided_slice %add3A_1053 {offsets = [0, 0], sizes = [197, 8], strides = [1, 1]} : vector<197x16xf32> to vector<197x8xf32>
    %slice3A_1055 = vector.extract_strided_slice %add3A_1053 {offsets = [0, 8], sizes = [197, 8], strides = [1, 1]} : vector<197x16xf32> to vector<197x8xf32>
    %add3A_1056 = arith.addf %slice3A_1054, %slice3A_1055 : vector<197x8xf32>
    %slice3A_1057 = vector.extract_strided_slice %slice3A {offsets = [6, 0, 0], sizes = [1, 197, 512], strides = [1, 1, 1]} : vector<8x197x512xf32> to vector<1x197x512xf32>
    %squeeze3A_1058 = vector.shape_cast %slice3A_1057 : vector<1x197x512xf32> to vector<197x512xf32>
    %slice3A_1059 = vector.extract_strided_slice %slice3A_41 {offsets = [4, 0, 0], sizes = [1, 197, 512], strides = [1, 1, 1]} : vector<8x197x512xf32> to vector<1x197x512xf32>
    %squeeze3A_1060 = vector.shape_cast %slice3A_1059 : vector<1x197x512xf32> to vector<197x512xf32>
    %mul3A_1061 = arith.mulf %squeeze3A_1058, %squeeze3A_1060 : vector<197x512xf32>
    %slice3A_1062 = vector.extract_strided_slice %mul3A_1061 {offsets = [0, 0], sizes = [197, 256], strides = [1, 1]} : vector<197x512xf32> to vector<197x256xf32>
    %slice3A_1063 = vector.extract_strided_slice %mul3A_1061 {offsets = [0, 256], sizes = [197, 256], strides = [1, 1]} : vector<197x512xf32> to vector<197x256xf32>
    %add3A_1064 = arith.addf %slice3A_1062, %slice3A_1063 : vector<197x256xf32>
    %slice3A_1065 = vector.extract_strided_slice %add3A_1064 {offsets = [0, 0], sizes = [197, 128], strides = [1, 1]} : vector<197x256xf32> to vector<197x128xf32>
    %slice3A_1066 = vector.extract_strided_slice %add3A_1064 {offsets = [0, 128], sizes = [197, 128], strides = [1, 1]} : vector<197x256xf32> to vector<197x128xf32>
    %add3A_1067 = arith.addf %slice3A_1065, %slice3A_1066 : vector<197x128xf32>
    %slice3A_1068 = vector.extract_strided_slice %add3A_1067 {offsets = [0, 0], sizes = [197, 64], strides = [1, 1]} : vector<197x128xf32> to vector<197x64xf32>
    %slice3A_1069 = vector.extract_strided_slice %add3A_1067 {offsets = [0, 64], sizes = [197, 64], strides = [1, 1]} : vector<197x128xf32> to vector<197x64xf32>
    %add3A_1070 = arith.addf %slice3A_1068, %slice3A_1069 : vector<197x64xf32>
    %slice3A_1071 = vector.extract_strided_slice %add3A_1070 {offsets = [0, 0], sizes = [197, 32], strides = [1, 1]} : vector<197x64xf32> to vector<197x32xf32>
    %slice3A_1072 = vector.extract_strided_slice %add3A_1070 {offsets = [0, 32], sizes = [197, 32], strides = [1, 1]} : vector<197x64xf32> to vector<197x32xf32>
    %add3A_1073 = arith.addf %slice3A_1071, %slice3A_1072 : vector<197x32xf32>
    %slice3A_1074 = vector.extract_strided_slice %add3A_1073 {offsets = [0, 0], sizes = [197, 16], strides = [1, 1]} : vector<197x32xf32> to vector<197x16xf32>
    %slice3A_1075 = vector.extract_strided_slice %add3A_1073 {offsets = [0, 16], sizes = [197, 16], strides = [1, 1]} : vector<197x32xf32> to vector<197x16xf32>
    %add3A_1076 = arith.addf %slice3A_1074, %slice3A_1075 : vector<197x16xf32>
    %slice3A_1077 = vector.extract_strided_slice %add3A_1076 {offsets = [0, 0], sizes = [197, 8], strides = [1, 1]} : vector<197x16xf32> to vector<197x8xf32>
    %slice3A_1078 = vector.extract_strided_slice %add3A_1076 {offsets = [0, 8], sizes = [197, 8], strides = [1, 1]} : vector<197x16xf32> to vector<197x8xf32>
    %add3A_1079 = arith.addf %slice3A_1077, %slice3A_1078 : vector<197x8xf32>
    %slice3A_1080 = vector.extract_strided_slice %slice3A {offsets = [6, 0, 0], sizes = [1, 197, 512], strides = [1, 1, 1]} : vector<8x197x512xf32> to vector<1x197x512xf32>
    %squeeze3A_1081 = vector.shape_cast %slice3A_1080 : vector<1x197x512xf32> to vector<197x512xf32>
    %slice3A_1082 = vector.extract_strided_slice %slice3A_41 {offsets = [5, 0, 0], sizes = [1, 197, 512], strides = [1, 1, 1]} : vector<8x197x512xf32> to vector<1x197x512xf32>
    %squeeze3A_1083 = vector.shape_cast %slice3A_1082 : vector<1x197x512xf32> to vector<197x512xf32>
    %mul3A_1084 = arith.mulf %squeeze3A_1081, %squeeze3A_1083 : vector<197x512xf32>
    %slice3A_1085 = vector.extract_strided_slice %mul3A_1084 {offsets = [0, 0], sizes = [197, 256], strides = [1, 1]} : vector<197x512xf32> to vector<197x256xf32>
    %slice3A_1086 = vector.extract_strided_slice %mul3A_1084 {offsets = [0, 256], sizes = [197, 256], strides = [1, 1]} : vector<197x512xf32> to vector<197x256xf32>
    %add3A_1087 = arith.addf %slice3A_1085, %slice3A_1086 : vector<197x256xf32>
    %slice3A_1088 = vector.extract_strided_slice %add3A_1087 {offsets = [0, 0], sizes = [197, 128], strides = [1, 1]} : vector<197x256xf32> to vector<197x128xf32>
    %slice3A_1089 = vector.extract_strided_slice %add3A_1087 {offsets = [0, 128], sizes = [197, 128], strides = [1, 1]} : vector<197x256xf32> to vector<197x128xf32>
    %add3A_1090 = arith.addf %slice3A_1088, %slice3A_1089 : vector<197x128xf32>
    %slice3A_1091 = vector.extract_strided_slice %add3A_1090 {offsets = [0, 0], sizes = [197, 64], strides = [1, 1]} : vector<197x128xf32> to vector<197x64xf32>
    %slice3A_1092 = vector.extract_strided_slice %add3A_1090 {offsets = [0, 64], sizes = [197, 64], strides = [1, 1]} : vector<197x128xf32> to vector<197x64xf32>
    %add3A_1093 = arith.addf %slice3A_1091, %slice3A_1092 : vector<197x64xf32>
    %slice3A_1094 = vector.extract_strided_slice %add3A_1093 {offsets = [0, 0], sizes = [197, 32], strides = [1, 1]} : vector<197x64xf32> to vector<197x32xf32>
    %slice3A_1095 = vector.extract_strided_slice %add3A_1093 {offsets = [0, 32], sizes = [197, 32], strides = [1, 1]} : vector<197x64xf32> to vector<197x32xf32>
    %add3A_1096 = arith.addf %slice3A_1094, %slice3A_1095 : vector<197x32xf32>
    %slice3A_1097 = vector.extract_strided_slice %add3A_1096 {offsets = [0, 0], sizes = [197, 16], strides = [1, 1]} : vector<197x32xf32> to vector<197x16xf32>
    %slice3A_1098 = vector.extract_strided_slice %add3A_1096 {offsets = [0, 16], sizes = [197, 16], strides = [1, 1]} : vector<197x32xf32> to vector<197x16xf32>
    %add3A_1099 = arith.addf %slice3A_1097, %slice3A_1098 : vector<197x16xf32>
    %slice3A_1100 = vector.extract_strided_slice %add3A_1099 {offsets = [0, 0], sizes = [197, 8], strides = [1, 1]} : vector<197x16xf32> to vector<197x8xf32>
    %slice3A_1101 = vector.extract_strided_slice %add3A_1099 {offsets = [0, 8], sizes = [197, 8], strides = [1, 1]} : vector<197x16xf32> to vector<197x8xf32>
    %add3A_1102 = arith.addf %slice3A_1100, %slice3A_1101 : vector<197x8xf32>
    %slice3A_1103 = vector.extract_strided_slice %slice3A {offsets = [6, 0, 0], sizes = [1, 197, 512], strides = [1, 1, 1]} : vector<8x197x512xf32> to vector<1x197x512xf32>
    %squeeze3A_1104 = vector.shape_cast %slice3A_1103 : vector<1x197x512xf32> to vector<197x512xf32>
    %slice3A_1105 = vector.extract_strided_slice %slice3A_41 {offsets = [6, 0, 0], sizes = [1, 197, 512], strides = [1, 1, 1]} : vector<8x197x512xf32> to vector<1x197x512xf32>
    %squeeze3A_1106 = vector.shape_cast %slice3A_1105 : vector<1x197x512xf32> to vector<197x512xf32>
    %mul3A_1107 = arith.mulf %squeeze3A_1104, %squeeze3A_1106 : vector<197x512xf32>
    %slice3A_1108 = vector.extract_strided_slice %mul3A_1107 {offsets = [0, 0], sizes = [197, 256], strides = [1, 1]} : vector<197x512xf32> to vector<197x256xf32>
    %slice3A_1109 = vector.extract_strided_slice %mul3A_1107 {offsets = [0, 256], sizes = [197, 256], strides = [1, 1]} : vector<197x512xf32> to vector<197x256xf32>
    %add3A_1110 = arith.addf %slice3A_1108, %slice3A_1109 : vector<197x256xf32>
    %slice3A_1111 = vector.extract_strided_slice %add3A_1110 {offsets = [0, 0], sizes = [197, 128], strides = [1, 1]} : vector<197x256xf32> to vector<197x128xf32>
    %slice3A_1112 = vector.extract_strided_slice %add3A_1110 {offsets = [0, 128], sizes = [197, 128], strides = [1, 1]} : vector<197x256xf32> to vector<197x128xf32>
    %add3A_1113 = arith.addf %slice3A_1111, %slice3A_1112 : vector<197x128xf32>
    %slice3A_1114 = vector.extract_strided_slice %add3A_1113 {offsets = [0, 0], sizes = [197, 64], strides = [1, 1]} : vector<197x128xf32> to vector<197x64xf32>
    %slice3A_1115 = vector.extract_strided_slice %add3A_1113 {offsets = [0, 64], sizes = [197, 64], strides = [1, 1]} : vector<197x128xf32> to vector<197x64xf32>
    %add3A_1116 = arith.addf %slice3A_1114, %slice3A_1115 : vector<197x64xf32>
    %slice3A_1117 = vector.extract_strided_slice %add3A_1116 {offsets = [0, 0], sizes = [197, 32], strides = [1, 1]} : vector<197x64xf32> to vector<197x32xf32>
    %slice3A_1118 = vector.extract_strided_slice %add3A_1116 {offsets = [0, 32], sizes = [197, 32], strides = [1, 1]} : vector<197x64xf32> to vector<197x32xf32>
    %add3A_1119 = arith.addf %slice3A_1117, %slice3A_1118 : vector<197x32xf32>
    %slice3A_1120 = vector.extract_strided_slice %add3A_1119 {offsets = [0, 0], sizes = [197, 16], strides = [1, 1]} : vector<197x32xf32> to vector<197x16xf32>
    %slice3A_1121 = vector.extract_strided_slice %add3A_1119 {offsets = [0, 16], sizes = [197, 16], strides = [1, 1]} : vector<197x32xf32> to vector<197x16xf32>
    %add3A_1122 = arith.addf %slice3A_1120, %slice3A_1121 : vector<197x16xf32>
    %slice3A_1123 = vector.extract_strided_slice %add3A_1122 {offsets = [0, 0], sizes = [197, 8], strides = [1, 1]} : vector<197x16xf32> to vector<197x8xf32>
    %slice3A_1124 = vector.extract_strided_slice %add3A_1122 {offsets = [0, 8], sizes = [197, 8], strides = [1, 1]} : vector<197x16xf32> to vector<197x8xf32>
    %add3A_1125 = arith.addf %slice3A_1123, %slice3A_1124 : vector<197x8xf32>
    %concatenate3A_1126 = tpu.concatenate %add3A_987, %add3A_1010, %add3A_1033, %add3A_1056, %add3A_1079, %add3A_1102, %add3A_1125, %broadcast_in_dim3A_44 in 1 : vector<197x8xf32>, vector<197x8xf32>, vector<197x8xf32>, vector<197x8xf32>, vector<197x8xf32>, vector<197x8xf32>, vector<197x8xf32>, vector<197x8xf32> -> vector<197x64xf32>
    %mul3A_1127 = arith.constant 1.250000e-01 : f32
    %mul3A_1128 = vector.broadcast %mul3A_1127 : f32 to vector<197x64xf32>
    %mul3A_1129 = arith.mulf %concatenate3A_1126, %mul3A_1128 : vector<197x64xf32>
    %slice3A_1130 = vector.extract_strided_slice %mul3A_1129 {offsets = [0, 0], sizes = [197, 32], strides = [1, 1]} : vector<197x64xf32> to vector<197x32xf32>
    %slice3A_1131 = vector.extract_strided_slice %mul3A_1129 {offsets = [0, 32], sizes = [197, 32], strides = [1, 1]} : vector<197x64xf32> to vector<197x32xf32>
    %max3A_1132 = arith.maximumf %slice3A_1130, %slice3A_1131 : vector<197x32xf32>
    %slice3A_1133 = vector.extract_strided_slice %max3A_1132 {offsets = [0, 0], sizes = [197, 16], strides = [1, 1]} : vector<197x32xf32> to vector<197x16xf32>
    %slice3A_1134 = vector.extract_strided_slice %max3A_1132 {offsets = [0, 16], sizes = [197, 16], strides = [1, 1]} : vector<197x32xf32> to vector<197x16xf32>
    %max3A_1135 = arith.maximumf %slice3A_1133, %slice3A_1134 : vector<197x16xf32>
    %slice3A_1136 = vector.extract_strided_slice %max3A_1135 {offsets = [0, 0], sizes = [197, 8], strides = [1, 1]} : vector<197x16xf32> to vector<197x8xf32>
    %slice3A_1137 = vector.extract_strided_slice %max3A_1135 {offsets = [0, 8], sizes = [197, 8], strides = [1, 1]} : vector<197x16xf32> to vector<197x8xf32>
    %max3A_1138 = arith.maximumf %slice3A_1136, %slice3A_1137 : vector<197x8xf32>
    %concatenate3A_1139 = tpu.concatenate %max3A_1138, %max3A_1138 in 1 : vector<197x8xf32>, vector<197x8xf32> -> vector<197x16xf32>
    %concatenate3A_1140 = tpu.concatenate %concatenate3A_1139, %concatenate3A_1139 in 1 : vector<197x16xf32>, vector<197x16xf32> -> vector<197x32xf32>
    %concatenate3A_1141 = tpu.concatenate %concatenate3A_1140, %concatenate3A_1140 in 1 : vector<197x32xf32>, vector<197x32xf32> -> vector<197x64xf32>
    %sub3A_1142 = arith.subf %mul3A_1129, %concatenate3A_1141 : vector<197x64xf32>
    %exp3A_1143 = math.exp %sub3A_1142 : vector<197x64xf32>
    %slice3A_1144 = vector.extract_strided_slice %exp3A_1143 {offsets = [0, 0], sizes = [197, 32], strides = [1, 1]} : vector<197x64xf32> to vector<197x32xf32>
    %slice3A_1145 = vector.extract_strided_slice %exp3A_1143 {offsets = [0, 32], sizes = [197, 32], strides = [1, 1]} : vector<197x64xf32> to vector<197x32xf32>
    %add3A_1146 = arith.addf %slice3A_1144, %slice3A_1145 : vector<197x32xf32>
    %slice3A_1147 = vector.extract_strided_slice %add3A_1146 {offsets = [0, 0], sizes = [197, 16], strides = [1, 1]} : vector<197x32xf32> to vector<197x16xf32>
    %slice3A_1148 = vector.extract_strided_slice %add3A_1146 {offsets = [0, 16], sizes = [197, 16], strides = [1, 1]} : vector<197x32xf32> to vector<197x16xf32>
    %add3A_1149 = arith.addf %slice3A_1147, %slice3A_1148 : vector<197x16xf32>
    %slice3A_1150 = vector.extract_strided_slice %add3A_1149 {offsets = [0, 0], sizes = [197, 8], strides = [1, 1]} : vector<197x16xf32> to vector<197x8xf32>
    %slice3A_1151 = vector.extract_strided_slice %add3A_1149 {offsets = [0, 8], sizes = [197, 8], strides = [1, 1]} : vector<197x16xf32> to vector<197x8xf32>
    %add3A_1152 = arith.addf %slice3A_1150, %slice3A_1151 : vector<197x8xf32>
    %concatenate3A_1153 = tpu.concatenate %add3A_1152, %add3A_1152 in 1 : vector<197x8xf32>, vector<197x8xf32> -> vector<197x16xf32>
    %concatenate3A_1154 = tpu.concatenate %concatenate3A_1153, %concatenate3A_1153 in 1 : vector<197x16xf32>, vector<197x16xf32> -> vector<197x32xf32>
    %concatenate3A_1155 = tpu.concatenate %concatenate3A_1154, %concatenate3A_1154 in 1 : vector<197x32xf32>, vector<197x32xf32> -> vector<197x64xf32>
    %div3A_1156 = arith.divf %exp3A_1143, %concatenate3A_1155 : vector<197x64xf32>
    %convert_element_type3A_1157 = arith.truncf %div3A_1156 : vector<197x64xf32> to vector<197x64xbf16>
    %convert_element_type3A_1158 = arith.extf %convert_element_type3A_1157 : vector<197x64xbf16> to vector<197x64xf32>
    %broadcast_in_dim3A_1159 = arith.constant 0.000000e+00 : f32
    %broadcast_in_dim3A_1160 = vector.broadcast %broadcast_in_dim3A_1159 : f32 to vector<197x512xf32>
    %slice3A_1161 = vector.extract_strided_slice %convert_element_type3A_1158 {offsets = [0, 0], sizes = [197, 8], strides = [1, 1]} : vector<197x64xf32> to vector<197x8xf32>
    %concatenate3A_1162 = tpu.concatenate %slice3A_1161, %slice3A_1161 in 1 : vector<197x8xf32>, vector<197x8xf32> -> vector<197x16xf32>
    %concatenate3A_1163 = tpu.concatenate %concatenate3A_1162, %concatenate3A_1162 in 1 : vector<197x16xf32>, vector<197x16xf32> -> vector<197x32xf32>
    %concatenate3A_1164 = tpu.concatenate %concatenate3A_1163, %concatenate3A_1163 in 1 : vector<197x32xf32>, vector<197x32xf32> -> vector<197x64xf32>
    %concatenate3A_1165 = tpu.concatenate %concatenate3A_1164, %concatenate3A_1164 in 1 : vector<197x64xf32>, vector<197x64xf32> -> vector<197x128xf32>
    %concatenate3A_1166 = tpu.concatenate %concatenate3A_1165, %concatenate3A_1165 in 1 : vector<197x128xf32>, vector<197x128xf32> -> vector<197x256xf32>
    %concatenate3A_1167 = tpu.concatenate %concatenate3A_1166, %concatenate3A_1166 in 1 : vector<197x256xf32>, vector<197x256xf32> -> vector<197x512xf32>
    %slice3A_1168 = vector.extract_strided_slice %slice3A_42 {offsets = [0, 0, 0], sizes = [1, 197, 512], strides = [1, 1, 1]} : vector<8x197x512xf32> to vector<1x197x512xf32>
    %squeeze3A_1169 = vector.shape_cast %slice3A_1168 : vector<1x197x512xf32> to vector<197x512xf32>
    %mul3A_1170 = arith.mulf %concatenate3A_1167, %squeeze3A_1169 : vector<197x512xf32>
    %add3A_1171 = arith.addf %broadcast_in_dim3A_1160, %mul3A_1170 : vector<197x512xf32>
    %slice3A_1172 = vector.extract_strided_slice %convert_element_type3A_1158 {offsets = [0, 8], sizes = [197, 8], strides = [1, 1]} : vector<197x64xf32> to vector<197x8xf32>
    %concatenate3A_1173 = tpu.concatenate %slice3A_1172, %slice3A_1172 in 1 : vector<197x8xf32>, vector<197x8xf32> -> vector<197x16xf32>
    %concatenate3A_1174 = tpu.concatenate %concatenate3A_1173, %concatenate3A_1173 in 1 : vector<197x16xf32>, vector<197x16xf32> -> vector<197x32xf32>
    %concatenate3A_1175 = tpu.concatenate %concatenate3A_1174, %concatenate3A_1174 in 1 : vector<197x32xf32>, vector<197x32xf32> -> vector<197x64xf32>
    %concatenate3A_1176 = tpu.concatenate %concatenate3A_1175, %concatenate3A_1175 in 1 : vector<197x64xf32>, vector<197x64xf32> -> vector<197x128xf32>
    %concatenate3A_1177 = tpu.concatenate %concatenate3A_1176, %concatenate3A_1176 in 1 : vector<197x128xf32>, vector<197x128xf32> -> vector<197x256xf32>
    %concatenate3A_1178 = tpu.concatenate %concatenate3A_1177, %concatenate3A_1177 in 1 : vector<197x256xf32>, vector<197x256xf32> -> vector<197x512xf32>
    %slice3A_1179 = vector.extract_strided_slice %slice3A_42 {offsets = [1, 0, 0], sizes = [1, 197, 512], strides = [1, 1, 1]} : vector<8x197x512xf32> to vector<1x197x512xf32>
    %squeeze3A_1180 = vector.shape_cast %slice3A_1179 : vector<1x197x512xf32> to vector<197x512xf32>
    %mul3A_1181 = arith.mulf %concatenate3A_1178, %squeeze3A_1180 : vector<197x512xf32>
    %add3A_1182 = arith.addf %add3A_1171, %mul3A_1181 : vector<197x512xf32>
    %slice3A_1183 = vector.extract_strided_slice %convert_element_type3A_1158 {offsets = [0, 16], sizes = [197, 8], strides = [1, 1]} : vector<197x64xf32> to vector<197x8xf32>
    %concatenate3A_1184 = tpu.concatenate %slice3A_1183, %slice3A_1183 in 1 : vector<197x8xf32>, vector<197x8xf32> -> vector<197x16xf32>
    %concatenate3A_1185 = tpu.concatenate %concatenate3A_1184, %concatenate3A_1184 in 1 : vector<197x16xf32>, vector<197x16xf32> -> vector<197x32xf32>
    %concatenate3A_1186 = tpu.concatenate %concatenate3A_1185, %concatenate3A_1185 in 1 : vector<197x32xf32>, vector<197x32xf32> -> vector<197x64xf32>
    %concatenate3A_1187 = tpu.concatenate %concatenate3A_1186, %concatenate3A_1186 in 1 : vector<197x64xf32>, vector<197x64xf32> -> vector<197x128xf32>
    %concatenate3A_1188 = tpu.concatenate %concatenate3A_1187, %concatenate3A_1187 in 1 : vector<197x128xf32>, vector<197x128xf32> -> vector<197x256xf32>
    %concatenate3A_1189 = tpu.concatenate %concatenate3A_1188, %concatenate3A_1188 in 1 : vector<197x256xf32>, vector<197x256xf32> -> vector<197x512xf32>
    %slice3A_1190 = vector.extract_strided_slice %slice3A_42 {offsets = [2, 0, 0], sizes = [1, 197, 512], strides = [1, 1, 1]} : vector<8x197x512xf32> to vector<1x197x512xf32>
    %squeeze3A_1191 = vector.shape_cast %slice3A_1190 : vector<1x197x512xf32> to vector<197x512xf32>
    %mul3A_1192 = arith.mulf %concatenate3A_1189, %squeeze3A_1191 : vector<197x512xf32>
    %add3A_1193 = arith.addf %add3A_1182, %mul3A_1192 : vector<197x512xf32>
    %slice3A_1194 = vector.extract_strided_slice %convert_element_type3A_1158 {offsets = [0, 24], sizes = [197, 8], strides = [1, 1]} : vector<197x64xf32> to vector<197x8xf32>
    %concatenate3A_1195 = tpu.concatenate %slice3A_1194, %slice3A_1194 in 1 : vector<197x8xf32>, vector<197x8xf32> -> vector<197x16xf32>
    %concatenate3A_1196 = tpu.concatenate %concatenate3A_1195, %concatenate3A_1195 in 1 : vector<197x16xf32>, vector<197x16xf32> -> vector<197x32xf32>
    %concatenate3A_1197 = tpu.concatenate %concatenate3A_1196, %concatenate3A_1196 in 1 : vector<197x32xf32>, vector<197x32xf32> -> vector<197x64xf32>
    %concatenate3A_1198 = tpu.concatenate %concatenate3A_1197, %concatenate3A_1197 in 1 : vector<197x64xf32>, vector<197x64xf32> -> vector<197x128xf32>
    %concatenate3A_1199 = tpu.concatenate %concatenate3A_1198, %concatenate3A_1198 in 1 : vector<197x128xf32>, vector<197x128xf32> -> vector<197x256xf32>
    %concatenate3A_1200 = tpu.concatenate %concatenate3A_1199, %concatenate3A_1199 in 1 : vector<197x256xf32>, vector<197x256xf32> -> vector<197x512xf32>
    %slice3A_1201 = vector.extract_strided_slice %slice3A_42 {offsets = [3, 0, 0], sizes = [1, 197, 512], strides = [1, 1, 1]} : vector<8x197x512xf32> to vector<1x197x512xf32>
    %squeeze3A_1202 = vector.shape_cast %slice3A_1201 : vector<1x197x512xf32> to vector<197x512xf32>
    %mul3A_1203 = arith.mulf %concatenate3A_1200, %squeeze3A_1202 : vector<197x512xf32>
    %add3A_1204 = arith.addf %add3A_1193, %mul3A_1203 : vector<197x512xf32>
    %slice3A_1205 = vector.extract_strided_slice %convert_element_type3A_1158 {offsets = [0, 32], sizes = [197, 8], strides = [1, 1]} : vector<197x64xf32> to vector<197x8xf32>
    %concatenate3A_1206 = tpu.concatenate %slice3A_1205, %slice3A_1205 in 1 : vector<197x8xf32>, vector<197x8xf32> -> vector<197x16xf32>
    %concatenate3A_1207 = tpu.concatenate %concatenate3A_1206, %concatenate3A_1206 in 1 : vector<197x16xf32>, vector<197x16xf32> -> vector<197x32xf32>
    %concatenate3A_1208 = tpu.concatenate %concatenate3A_1207, %concatenate3A_1207 in 1 : vector<197x32xf32>, vector<197x32xf32> -> vector<197x64xf32>
    %concatenate3A_1209 = tpu.concatenate %concatenate3A_1208, %concatenate3A_1208 in 1 : vector<197x64xf32>, vector<197x64xf32> -> vector<197x128xf32>
    %concatenate3A_1210 = tpu.concatenate %concatenate3A_1209, %concatenate3A_1209 in 1 : vector<197x128xf32>, vector<197x128xf32> -> vector<197x256xf32>
    %concatenate3A_1211 = tpu.concatenate %concatenate3A_1210, %concatenate3A_1210 in 1 : vector<197x256xf32>, vector<197x256xf32> -> vector<197x512xf32>
    %slice3A_1212 = vector.extract_strided_slice %slice3A_42 {offsets = [4, 0, 0], sizes = [1, 197, 512], strides = [1, 1, 1]} : vector<8x197x512xf32> to vector<1x197x512xf32>
    %squeeze3A_1213 = vector.shape_cast %slice3A_1212 : vector<1x197x512xf32> to vector<197x512xf32>
    %mul3A_1214 = arith.mulf %concatenate3A_1211, %squeeze3A_1213 : vector<197x512xf32>
    %add3A_1215 = arith.addf %add3A_1204, %mul3A_1214 : vector<197x512xf32>
    %slice3A_1216 = vector.extract_strided_slice %convert_element_type3A_1158 {offsets = [0, 40], sizes = [197, 8], strides = [1, 1]} : vector<197x64xf32> to vector<197x8xf32>
    %concatenate3A_1217 = tpu.concatenate %slice3A_1216, %slice3A_1216 in 1 : vector<197x8xf32>, vector<197x8xf32> -> vector<197x16xf32>
    %concatenate3A_1218 = tpu.concatenate %concatenate3A_1217, %concatenate3A_1217 in 1 : vector<197x16xf32>, vector<197x16xf32> -> vector<197x32xf32>
    %concatenate3A_1219 = tpu.concatenate %concatenate3A_1218, %concatenate3A_1218 in 1 : vector<197x32xf32>, vector<197x32xf32> -> vector<197x64xf32>
    %concatenate3A_1220 = tpu.concatenate %concatenate3A_1219, %concatenate3A_1219 in 1 : vector<197x64xf32>, vector<197x64xf32> -> vector<197x128xf32>
    %concatenate3A_1221 = tpu.concatenate %concatenate3A_1220, %concatenate3A_1220 in 1 : vector<197x128xf32>, vector<197x128xf32> -> vector<197x256xf32>
    %concatenate3A_1222 = tpu.concatenate %concatenate3A_1221, %concatenate3A_1221 in 1 : vector<197x256xf32>, vector<197x256xf32> -> vector<197x512xf32>
    %slice3A_1223 = vector.extract_strided_slice %slice3A_42 {offsets = [5, 0, 0], sizes = [1, 197, 512], strides = [1, 1, 1]} : vector<8x197x512xf32> to vector<1x197x512xf32>
    %squeeze3A_1224 = vector.shape_cast %slice3A_1223 : vector<1x197x512xf32> to vector<197x512xf32>
    %mul3A_1225 = arith.mulf %concatenate3A_1222, %squeeze3A_1224 : vector<197x512xf32>
    %add3A_1226 = arith.addf %add3A_1215, %mul3A_1225 : vector<197x512xf32>
    %slice3A_1227 = vector.extract_strided_slice %convert_element_type3A_1158 {offsets = [0, 48], sizes = [197, 8], strides = [1, 1]} : vector<197x64xf32> to vector<197x8xf32>
    %concatenate3A_1228 = tpu.concatenate %slice3A_1227, %slice3A_1227 in 1 : vector<197x8xf32>, vector<197x8xf32> -> vector<197x16xf32>
    %concatenate3A_1229 = tpu.concatenate %concatenate3A_1228, %concatenate3A_1228 in 1 : vector<197x16xf32>, vector<197x16xf32> -> vector<197x32xf32>
    %concatenate3A_1230 = tpu.concatenate %concatenate3A_1229, %concatenate3A_1229 in 1 : vector<197x32xf32>, vector<197x32xf32> -> vector<197x64xf32>
    %concatenate3A_1231 = tpu.concatenate %concatenate3A_1230, %concatenate3A_1230 in 1 : vector<197x64xf32>, vector<197x64xf32> -> vector<197x128xf32>
    %concatenate3A_1232 = tpu.concatenate %concatenate3A_1231, %concatenate3A_1231 in 1 : vector<197x128xf32>, vector<197x128xf32> -> vector<197x256xf32>
    %concatenate3A_1233 = tpu.concatenate %concatenate3A_1232, %concatenate3A_1232 in 1 : vector<197x256xf32>, vector<197x256xf32> -> vector<197x512xf32>
    %slice3A_1234 = vector.extract_strided_slice %slice3A_42 {offsets = [6, 0, 0], sizes = [1, 197, 512], strides = [1, 1, 1]} : vector<8x197x512xf32> to vector<1x197x512xf32>
    %squeeze3A_1235 = vector.shape_cast %slice3A_1234 : vector<1x197x512xf32> to vector<197x512xf32>
    %mul3A_1236 = arith.mulf %concatenate3A_1233, %squeeze3A_1235 : vector<197x512xf32>
    %add3A_1237 = arith.addf %add3A_1226, %mul3A_1236 : vector<197x512xf32>
    %slice3A_1238 = vector.extract_strided_slice %slice3A {offsets = [7, 0, 0], sizes = [1, 197, 512], strides = [1, 1, 1]} : vector<8x197x512xf32> to vector<1x197x512xf32>
    %squeeze3A_1239 = vector.shape_cast %slice3A_1238 : vector<1x197x512xf32> to vector<197x512xf32>
    %slice3A_1240 = vector.extract_strided_slice %slice3A_41 {offsets = [0, 0, 0], sizes = [1, 197, 512], strides = [1, 1, 1]} : vector<8x197x512xf32> to vector<1x197x512xf32>
    %squeeze3A_1241 = vector.shape_cast %slice3A_1240 : vector<1x197x512xf32> to vector<197x512xf32>
    %mul3A_1242 = arith.mulf %squeeze3A_1239, %squeeze3A_1241 : vector<197x512xf32>
    %slice3A_1243 = vector.extract_strided_slice %mul3A_1242 {offsets = [0, 0], sizes = [197, 256], strides = [1, 1]} : vector<197x512xf32> to vector<197x256xf32>
    %slice3A_1244 = vector.extract_strided_slice %mul3A_1242 {offsets = [0, 256], sizes = [197, 256], strides = [1, 1]} : vector<197x512xf32> to vector<197x256xf32>
    %add3A_1245 = arith.addf %slice3A_1243, %slice3A_1244 : vector<197x256xf32>
    %slice3A_1246 = vector.extract_strided_slice %add3A_1245 {offsets = [0, 0], sizes = [197, 128], strides = [1, 1]} : vector<197x256xf32> to vector<197x128xf32>
    %slice3A_1247 = vector.extract_strided_slice %add3A_1245 {offsets = [0, 128], sizes = [197, 128], strides = [1, 1]} : vector<197x256xf32> to vector<197x128xf32>
    %add3A_1248 = arith.addf %slice3A_1246, %slice3A_1247 : vector<197x128xf32>
    %slice3A_1249 = vector.extract_strided_slice %add3A_1248 {offsets = [0, 0], sizes = [197, 64], strides = [1, 1]} : vector<197x128xf32> to vector<197x64xf32>
    %slice3A_1250 = vector.extract_strided_slice %add3A_1248 {offsets = [0, 64], sizes = [197, 64], strides = [1, 1]} : vector<197x128xf32> to vector<197x64xf32>
    %add3A_1251 = arith.addf %slice3A_1249, %slice3A_1250 : vector<197x64xf32>
    %slice3A_1252 = vector.extract_strided_slice %add3A_1251 {offsets = [0, 0], sizes = [197, 32], strides = [1, 1]} : vector<197x64xf32> to vector<197x32xf32>
    %slice3A_1253 = vector.extract_strided_slice %add3A_1251 {offsets = [0, 32], sizes = [197, 32], strides = [1, 1]} : vector<197x64xf32> to vector<197x32xf32>
    %add3A_1254 = arith.addf %slice3A_1252, %slice3A_1253 : vector<197x32xf32>
    %slice3A_1255 = vector.extract_strided_slice %add3A_1254 {offsets = [0, 0], sizes = [197, 16], strides = [1, 1]} : vector<197x32xf32> to vector<197x16xf32>
    %slice3A_1256 = vector.extract_strided_slice %add3A_1254 {offsets = [0, 16], sizes = [197, 16], strides = [1, 1]} : vector<197x32xf32> to vector<197x16xf32>
    %add3A_1257 = arith.addf %slice3A_1255, %slice3A_1256 : vector<197x16xf32>
    %slice3A_1258 = vector.extract_strided_slice %add3A_1257 {offsets = [0, 0], sizes = [197, 8], strides = [1, 1]} : vector<197x16xf32> to vector<197x8xf32>
    %slice3A_1259 = vector.extract_strided_slice %add3A_1257 {offsets = [0, 8], sizes = [197, 8], strides = [1, 1]} : vector<197x16xf32> to vector<197x8xf32>
    %add3A_1260 = arith.addf %slice3A_1258, %slice3A_1259 : vector<197x8xf32>
    %slice3A_1261 = vector.extract_strided_slice %slice3A {offsets = [7, 0, 0], sizes = [1, 197, 512], strides = [1, 1, 1]} : vector<8x197x512xf32> to vector<1x197x512xf32>
    %squeeze3A_1262 = vector.shape_cast %slice3A_1261 : vector<1x197x512xf32> to vector<197x512xf32>
    %slice3A_1263 = vector.extract_strided_slice %slice3A_41 {offsets = [1, 0, 0], sizes = [1, 197, 512], strides = [1, 1, 1]} : vector<8x197x512xf32> to vector<1x197x512xf32>
    %squeeze3A_1264 = vector.shape_cast %slice3A_1263 : vector<1x197x512xf32> to vector<197x512xf32>
    %mul3A_1265 = arith.mulf %squeeze3A_1262, %squeeze3A_1264 : vector<197x512xf32>
    %slice3A_1266 = vector.extract_strided_slice %mul3A_1265 {offsets = [0, 0], sizes = [197, 256], strides = [1, 1]} : vector<197x512xf32> to vector<197x256xf32>
    %slice3A_1267 = vector.extract_strided_slice %mul3A_1265 {offsets = [0, 256], sizes = [197, 256], strides = [1, 1]} : vector<197x512xf32> to vector<197x256xf32>
    %add3A_1268 = arith.addf %slice3A_1266, %slice3A_1267 : vector<197x256xf32>
    %slice3A_1269 = vector.extract_strided_slice %add3A_1268 {offsets = [0, 0], sizes = [197, 128], strides = [1, 1]} : vector<197x256xf32> to vector<197x128xf32>
    %slice3A_1270 = vector.extract_strided_slice %add3A_1268 {offsets = [0, 128], sizes = [197, 128], strides = [1, 1]} : vector<197x256xf32> to vector<197x128xf32>
    %add3A_1271 = arith.addf %slice3A_1269, %slice3A_1270 : vector<197x128xf32>
    %slice3A_1272 = vector.extract_strided_slice %add3A_1271 {offsets = [0, 0], sizes = [197, 64], strides = [1, 1]} : vector<197x128xf32> to vector<197x64xf32>
    %slice3A_1273 = vector.extract_strided_slice %add3A_1271 {offsets = [0, 64], sizes = [197, 64], strides = [1, 1]} : vector<197x128xf32> to vector<197x64xf32>
    %add3A_1274 = arith.addf %slice3A_1272, %slice3A_1273 : vector<197x64xf32>
    %slice3A_1275 = vector.extract_strided_slice %add3A_1274 {offsets = [0, 0], sizes = [197, 32], strides = [1, 1]} : vector<197x64xf32> to vector<197x32xf32>
    %slice3A_1276 = vector.extract_strided_slice %add3A_1274 {offsets = [0, 32], sizes = [197, 32], strides = [1, 1]} : vector<197x64xf32> to vector<197x32xf32>
    %add3A_1277 = arith.addf %slice3A_1275, %slice3A_1276 : vector<197x32xf32>
    %slice3A_1278 = vector.extract_strided_slice %add3A_1277 {offsets = [0, 0], sizes = [197, 16], strides = [1, 1]} : vector<197x32xf32> to vector<197x16xf32>
    %slice3A_1279 = vector.extract_strided_slice %add3A_1277 {offsets = [0, 16], sizes = [197, 16], strides = [1, 1]} : vector<197x32xf32> to vector<197x16xf32>
    %add3A_1280 = arith.addf %slice3A_1278, %slice3A_1279 : vector<197x16xf32>
    %slice3A_1281 = vector.extract_strided_slice %add3A_1280 {offsets = [0, 0], sizes = [197, 8], strides = [1, 1]} : vector<197x16xf32> to vector<197x8xf32>
    %slice3A_1282 = vector.extract_strided_slice %add3A_1280 {offsets = [0, 8], sizes = [197, 8], strides = [1, 1]} : vector<197x16xf32> to vector<197x8xf32>
    %add3A_1283 = arith.addf %slice3A_1281, %slice3A_1282 : vector<197x8xf32>
    %slice3A_1284 = vector.extract_strided_slice %slice3A {offsets = [7, 0, 0], sizes = [1, 197, 512], strides = [1, 1, 1]} : vector<8x197x512xf32> to vector<1x197x512xf32>
    %squeeze3A_1285 = vector.shape_cast %slice3A_1284 : vector<1x197x512xf32> to vector<197x512xf32>
    %slice3A_1286 = vector.extract_strided_slice %slice3A_41 {offsets = [2, 0, 0], sizes = [1, 197, 512], strides = [1, 1, 1]} : vector<8x197x512xf32> to vector<1x197x512xf32>
    %squeeze3A_1287 = vector.shape_cast %slice3A_1286 : vector<1x197x512xf32> to vector<197x512xf32>
    %mul3A_1288 = arith.mulf %squeeze3A_1285, %squeeze3A_1287 : vector<197x512xf32>
    %slice3A_1289 = vector.extract_strided_slice %mul3A_1288 {offsets = [0, 0], sizes = [197, 256], strides = [1, 1]} : vector<197x512xf32> to vector<197x256xf32>
    %slice3A_1290 = vector.extract_strided_slice %mul3A_1288 {offsets = [0, 256], sizes = [197, 256], strides = [1, 1]} : vector<197x512xf32> to vector<197x256xf32>
    %add3A_1291 = arith.addf %slice3A_1289, %slice3A_1290 : vector<197x256xf32>
    %slice3A_1292 = vector.extract_strided_slice %add3A_1291 {offsets = [0, 0], sizes = [197, 128], strides = [1, 1]} : vector<197x256xf32> to vector<197x128xf32>
    %slice3A_1293 = vector.extract_strided_slice %add3A_1291 {offsets = [0, 128], sizes = [197, 128], strides = [1, 1]} : vector<197x256xf32> to vector<197x128xf32>
    %add3A_1294 = arith.addf %slice3A_1292, %slice3A_1293 : vector<197x128xf32>
    %slice3A_1295 = vector.extract_strided_slice %add3A_1294 {offsets = [0, 0], sizes = [197, 64], strides = [1, 1]} : vector<197x128xf32> to vector<197x64xf32>
    %slice3A_1296 = vector.extract_strided_slice %add3A_1294 {offsets = [0, 64], sizes = [197, 64], strides = [1, 1]} : vector<197x128xf32> to vector<197x64xf32>
    %add3A_1297 = arith.addf %slice3A_1295, %slice3A_1296 : vector<197x64xf32>
    %slice3A_1298 = vector.extract_strided_slice %add3A_1297 {offsets = [0, 0], sizes = [197, 32], strides = [1, 1]} : vector<197x64xf32> to vector<197x32xf32>
    %slice3A_1299 = vector.extract_strided_slice %add3A_1297 {offsets = [0, 32], sizes = [197, 32], strides = [1, 1]} : vector<197x64xf32> to vector<197x32xf32>
    %add3A_1300 = arith.addf %slice3A_1298, %slice3A_1299 : vector<197x32xf32>
    %slice3A_1301 = vector.extract_strided_slice %add3A_1300 {offsets = [0, 0], sizes = [197, 16], strides = [1, 1]} : vector<197x32xf32> to vector<197x16xf32>
    %slice3A_1302 = vector.extract_strided_slice %add3A_1300 {offsets = [0, 16], sizes = [197, 16], strides = [1, 1]} : vector<197x32xf32> to vector<197x16xf32>
    %add3A_1303 = arith.addf %slice3A_1301, %slice3A_1302 : vector<197x16xf32>
    %slice3A_1304 = vector.extract_strided_slice %add3A_1303 {offsets = [0, 0], sizes = [197, 8], strides = [1, 1]} : vector<197x16xf32> to vector<197x8xf32>
    %slice3A_1305 = vector.extract_strided_slice %add3A_1303 {offsets = [0, 8], sizes = [197, 8], strides = [1, 1]} : vector<197x16xf32> to vector<197x8xf32>
    %add3A_1306 = arith.addf %slice3A_1304, %slice3A_1305 : vector<197x8xf32>
    %slice3A_1307 = vector.extract_strided_slice %slice3A {offsets = [7, 0, 0], sizes = [1, 197, 512], strides = [1, 1, 1]} : vector<8x197x512xf32> to vector<1x197x512xf32>
    %squeeze3A_1308 = vector.shape_cast %slice3A_1307 : vector<1x197x512xf32> to vector<197x512xf32>
    %slice3A_1309 = vector.extract_strided_slice %slice3A_41 {offsets = [3, 0, 0], sizes = [1, 197, 512], strides = [1, 1, 1]} : vector<8x197x512xf32> to vector<1x197x512xf32>
    %squeeze3A_1310 = vector.shape_cast %slice3A_1309 : vector<1x197x512xf32> to vector<197x512xf32>
    %mul3A_1311 = arith.mulf %squeeze3A_1308, %squeeze3A_1310 : vector<197x512xf32>
    %slice3A_1312 = vector.extract_strided_slice %mul3A_1311 {offsets = [0, 0], sizes = [197, 256], strides = [1, 1]} : vector<197x512xf32> to vector<197x256xf32>
    %slice3A_1313 = vector.extract_strided_slice %mul3A_1311 {offsets = [0, 256], sizes = [197, 256], strides = [1, 1]} : vector<197x512xf32> to vector<197x256xf32>
    %add3A_1314 = arith.addf %slice3A_1312, %slice3A_1313 : vector<197x256xf32>
    %slice3A_1315 = vector.extract_strided_slice %add3A_1314 {offsets = [0, 0], sizes = [197, 128], strides = [1, 1]} : vector<197x256xf32> to vector<197x128xf32>
    %slice3A_1316 = vector.extract_strided_slice %add3A_1314 {offsets = [0, 128], sizes = [197, 128], strides = [1, 1]} : vector<197x256xf32> to vector<197x128xf32>
    %add3A_1317 = arith.addf %slice3A_1315, %slice3A_1316 : vector<197x128xf32>
    %slice3A_1318 = vector.extract_strided_slice %add3A_1317 {offsets = [0, 0], sizes = [197, 64], strides = [1, 1]} : vector<197x128xf32> to vector<197x64xf32>
    %slice3A_1319 = vector.extract_strided_slice %add3A_1317 {offsets = [0, 64], sizes = [197, 64], strides = [1, 1]} : vector<197x128xf32> to vector<197x64xf32>
    %add3A_1320 = arith.addf %slice3A_1318, %slice3A_1319 : vector<197x64xf32>
    %slice3A_1321 = vector.extract_strided_slice %add3A_1320 {offsets = [0, 0], sizes = [197, 32], strides = [1, 1]} : vector<197x64xf32> to vector<197x32xf32>
    %slice3A_1322 = vector.extract_strided_slice %add3A_1320 {offsets = [0, 32], sizes = [197, 32], strides = [1, 1]} : vector<197x64xf32> to vector<197x32xf32>
    %add3A_1323 = arith.addf %slice3A_1321, %slice3A_1322 : vector<197x32xf32>
    %slice3A_1324 = vector.extract_strided_slice %add3A_1323 {offsets = [0, 0], sizes = [197, 16], strides = [1, 1]} : vector<197x32xf32> to vector<197x16xf32>
    %slice3A_1325 = vector.extract_strided_slice %add3A_1323 {offsets = [0, 16], sizes = [197, 16], strides = [1, 1]} : vector<197x32xf32> to vector<197x16xf32>
    %add3A_1326 = arith.addf %slice3A_1324, %slice3A_1325 : vector<197x16xf32>
    %slice3A_1327 = vector.extract_strided_slice %add3A_1326 {offsets = [0, 0], sizes = [197, 8], strides = [1, 1]} : vector<197x16xf32> to vector<197x8xf32>
    %slice3A_1328 = vector.extract_strided_slice %add3A_1326 {offsets = [0, 8], sizes = [197, 8], strides = [1, 1]} : vector<197x16xf32> to vector<197x8xf32>
    %add3A_1329 = arith.addf %slice3A_1327, %slice3A_1328 : vector<197x8xf32>
    %slice3A_1330 = vector.extract_strided_slice %slice3A {offsets = [7, 0, 0], sizes = [1, 197, 512], strides = [1, 1, 1]} : vector<8x197x512xf32> to vector<1x197x512xf32>
    %squeeze3A_1331 = vector.shape_cast %slice3A_1330 : vector<1x197x512xf32> to vector<197x512xf32>
    %slice3A_1332 = vector.extract_strided_slice %slice3A_41 {offsets = [4, 0, 0], sizes = [1, 197, 512], strides = [1, 1, 1]} : vector<8x197x512xf32> to vector<1x197x512xf32>
    %squeeze3A_1333 = vector.shape_cast %slice3A_1332 : vector<1x197x512xf32> to vector<197x512xf32>
    %mul3A_1334 = arith.mulf %squeeze3A_1331, %squeeze3A_1333 : vector<197x512xf32>
    %slice3A_1335 = vector.extract_strided_slice %mul3A_1334 {offsets = [0, 0], sizes = [197, 256], strides = [1, 1]} : vector<197x512xf32> to vector<197x256xf32>
    %slice3A_1336 = vector.extract_strided_slice %mul3A_1334 {offsets = [0, 256], sizes = [197, 256], strides = [1, 1]} : vector<197x512xf32> to vector<197x256xf32>
    %add3A_1337 = arith.addf %slice3A_1335, %slice3A_1336 : vector<197x256xf32>
    %slice3A_1338 = vector.extract_strided_slice %add3A_1337 {offsets = [0, 0], sizes = [197, 128], strides = [1, 1]} : vector<197x256xf32> to vector<197x128xf32>
    %slice3A_1339 = vector.extract_strided_slice %add3A_1337 {offsets = [0, 128], sizes = [197, 128], strides = [1, 1]} : vector<197x256xf32> to vector<197x128xf32>
    %add3A_1340 = arith.addf %slice3A_1338, %slice3A_1339 : vector<197x128xf32>
    %slice3A_1341 = vector.extract_strided_slice %add3A_1340 {offsets = [0, 0], sizes = [197, 64], strides = [1, 1]} : vector<197x128xf32> to vector<197x64xf32>
    %slice3A_1342 = vector.extract_strided_slice %add3A_1340 {offsets = [0, 64], sizes = [197, 64], strides = [1, 1]} : vector<197x128xf32> to vector<197x64xf32>
    %add3A_1343 = arith.addf %slice3A_1341, %slice3A_1342 : vector<197x64xf32>
    %slice3A_1344 = vector.extract_strided_slice %add3A_1343 {offsets = [0, 0], sizes = [197, 32], strides = [1, 1]} : vector<197x64xf32> to vector<197x32xf32>
    %slice3A_1345 = vector.extract_strided_slice %add3A_1343 {offsets = [0, 32], sizes = [197, 32], strides = [1, 1]} : vector<197x64xf32> to vector<197x32xf32>
    %add3A_1346 = arith.addf %slice3A_1344, %slice3A_1345 : vector<197x32xf32>
    %slice3A_1347 = vector.extract_strided_slice %add3A_1346 {offsets = [0, 0], sizes = [197, 16], strides = [1, 1]} : vector<197x32xf32> to vector<197x16xf32>
    %slice3A_1348 = vector.extract_strided_slice %add3A_1346 {offsets = [0, 16], sizes = [197, 16], strides = [1, 1]} : vector<197x32xf32> to vector<197x16xf32>
    %add3A_1349 = arith.addf %slice3A_1347, %slice3A_1348 : vector<197x16xf32>
    %slice3A_1350 = vector.extract_strided_slice %add3A_1349 {offsets = [0, 0], sizes = [197, 8], strides = [1, 1]} : vector<197x16xf32> to vector<197x8xf32>
    %slice3A_1351 = vector.extract_strided_slice %add3A_1349 {offsets = [0, 8], sizes = [197, 8], strides = [1, 1]} : vector<197x16xf32> to vector<197x8xf32>
    %add3A_1352 = arith.addf %slice3A_1350, %slice3A_1351 : vector<197x8xf32>
    %slice3A_1353 = vector.extract_strided_slice %slice3A {offsets = [7, 0, 0], sizes = [1, 197, 512], strides = [1, 1, 1]} : vector<8x197x512xf32> to vector<1x197x512xf32>
    %squeeze3A_1354 = vector.shape_cast %slice3A_1353 : vector<1x197x512xf32> to vector<197x512xf32>
    %slice3A_1355 = vector.extract_strided_slice %slice3A_41 {offsets = [5, 0, 0], sizes = [1, 197, 512], strides = [1, 1, 1]} : vector<8x197x512xf32> to vector<1x197x512xf32>
    %squeeze3A_1356 = vector.shape_cast %slice3A_1355 : vector<1x197x512xf32> to vector<197x512xf32>
    %mul3A_1357 = arith.mulf %squeeze3A_1354, %squeeze3A_1356 : vector<197x512xf32>
    %slice3A_1358 = vector.extract_strided_slice %mul3A_1357 {offsets = [0, 0], sizes = [197, 256], strides = [1, 1]} : vector<197x512xf32> to vector<197x256xf32>
    %slice3A_1359 = vector.extract_strided_slice %mul3A_1357 {offsets = [0, 256], sizes = [197, 256], strides = [1, 1]} : vector<197x512xf32> to vector<197x256xf32>
    %add3A_1360 = arith.addf %slice3A_1358, %slice3A_1359 : vector<197x256xf32>
    %slice3A_1361 = vector.extract_strided_slice %add3A_1360 {offsets = [0, 0], sizes = [197, 128], strides = [1, 1]} : vector<197x256xf32> to vector<197x128xf32>
    %slice3A_1362 = vector.extract_strided_slice %add3A_1360 {offsets = [0, 128], sizes = [197, 128], strides = [1, 1]} : vector<197x256xf32> to vector<197x128xf32>
    %add3A_1363 = arith.addf %slice3A_1361, %slice3A_1362 : vector<197x128xf32>
    %slice3A_1364 = vector.extract_strided_slice %add3A_1363 {offsets = [0, 0], sizes = [197, 64], strides = [1, 1]} : vector<197x128xf32> to vector<197x64xf32>
    %slice3A_1365 = vector.extract_strided_slice %add3A_1363 {offsets = [0, 64], sizes = [197, 64], strides = [1, 1]} : vector<197x128xf32> to vector<197x64xf32>
    %add3A_1366 = arith.addf %slice3A_1364, %slice3A_1365 : vector<197x64xf32>
    %slice3A_1367 = vector.extract_strided_slice %add3A_1366 {offsets = [0, 0], sizes = [197, 32], strides = [1, 1]} : vector<197x64xf32> to vector<197x32xf32>
    %slice3A_1368 = vector.extract_strided_slice %add3A_1366 {offsets = [0, 32], sizes = [197, 32], strides = [1, 1]} : vector<197x64xf32> to vector<197x32xf32>
    %add3A_1369 = arith.addf %slice3A_1367, %slice3A_1368 : vector<197x32xf32>
    %slice3A_1370 = vector.extract_strided_slice %add3A_1369 {offsets = [0, 0], sizes = [197, 16], strides = [1, 1]} : vector<197x32xf32> to vector<197x16xf32>
    %slice3A_1371 = vector.extract_strided_slice %add3A_1369 {offsets = [0, 16], sizes = [197, 16], strides = [1, 1]} : vector<197x32xf32> to vector<197x16xf32>
    %add3A_1372 = arith.addf %slice3A_1370, %slice3A_1371 : vector<197x16xf32>
    %slice3A_1373 = vector.extract_strided_slice %add3A_1372 {offsets = [0, 0], sizes = [197, 8], strides = [1, 1]} : vector<197x16xf32> to vector<197x8xf32>
    %slice3A_1374 = vector.extract_strided_slice %add3A_1372 {offsets = [0, 8], sizes = [197, 8], strides = [1, 1]} : vector<197x16xf32> to vector<197x8xf32>
    %add3A_1375 = arith.addf %slice3A_1373, %slice3A_1374 : vector<197x8xf32>
    %slice3A_1376 = vector.extract_strided_slice %slice3A {offsets = [7, 0, 0], sizes = [1, 197, 512], strides = [1, 1, 1]} : vector<8x197x512xf32> to vector<1x197x512xf32>
    %squeeze3A_1377 = vector.shape_cast %slice3A_1376 : vector<1x197x512xf32> to vector<197x512xf32>
    %slice3A_1378 = vector.extract_strided_slice %slice3A_41 {offsets = [6, 0, 0], sizes = [1, 197, 512], strides = [1, 1, 1]} : vector<8x197x512xf32> to vector<1x197x512xf32>
    %squeeze3A_1379 = vector.shape_cast %slice3A_1378 : vector<1x197x512xf32> to vector<197x512xf32>
    %mul3A_1380 = arith.mulf %squeeze3A_1377, %squeeze3A_1379 : vector<197x512xf32>
    %slice3A_1381 = vector.extract_strided_slice %mul3A_1380 {offsets = [0, 0], sizes = [197, 256], strides = [1, 1]} : vector<197x512xf32> to vector<197x256xf32>
    %slice3A_1382 = vector.extract_strided_slice %mul3A_1380 {offsets = [0, 256], sizes = [197, 256], strides = [1, 1]} : vector<197x512xf32> to vector<197x256xf32>
    %add3A_1383 = arith.addf %slice3A_1381, %slice3A_1382 : vector<197x256xf32>
    %slice3A_1384 = vector.extract_strided_slice %add3A_1383 {offsets = [0, 0], sizes = [197, 128], strides = [1, 1]} : vector<197x256xf32> to vector<197x128xf32>
    %slice3A_1385 = vector.extract_strided_slice %add3A_1383 {offsets = [0, 128], sizes = [197, 128], strides = [1, 1]} : vector<197x256xf32> to vector<197x128xf32>
    %add3A_1386 = arith.addf %slice3A_1384, %slice3A_1385 : vector<197x128xf32>
    %slice3A_1387 = vector.extract_strided_slice %add3A_1386 {offsets = [0, 0], sizes = [197, 64], strides = [1, 1]} : vector<197x128xf32> to vector<197x64xf32>
    %slice3A_1388 = vector.extract_strided_slice %add3A_1386 {offsets = [0, 64], sizes = [197, 64], strides = [1, 1]} : vector<197x128xf32> to vector<197x64xf32>
    %add3A_1389 = arith.addf %slice3A_1387, %slice3A_1388 : vector<197x64xf32>
    %slice3A_1390 = vector.extract_strided_slice %add3A_1389 {offsets = [0, 0], sizes = [197, 32], strides = [1, 1]} : vector<197x64xf32> to vector<197x32xf32>
    %slice3A_1391 = vector.extract_strided_slice %add3A_1389 {offsets = [0, 32], sizes = [197, 32], strides = [1, 1]} : vector<197x64xf32> to vector<197x32xf32>
    %add3A_1392 = arith.addf %slice3A_1390, %slice3A_1391 : vector<197x32xf32>
    %slice3A_1393 = vector.extract_strided_slice %add3A_1392 {offsets = [0, 0], sizes = [197, 16], strides = [1, 1]} : vector<197x32xf32> to vector<197x16xf32>
    %slice3A_1394 = vector.extract_strided_slice %add3A_1392 {offsets = [0, 16], sizes = [197, 16], strides = [1, 1]} : vector<197x32xf32> to vector<197x16xf32>
    %add3A_1395 = arith.addf %slice3A_1393, %slice3A_1394 : vector<197x16xf32>
    %slice3A_1396 = vector.extract_strided_slice %add3A_1395 {offsets = [0, 0], sizes = [197, 8], strides = [1, 1]} : vector<197x16xf32> to vector<197x8xf32>
    %slice3A_1397 = vector.extract_strided_slice %add3A_1395 {offsets = [0, 8], sizes = [197, 8], strides = [1, 1]} : vector<197x16xf32> to vector<197x8xf32>
    %add3A_1398 = arith.addf %slice3A_1396, %slice3A_1397 : vector<197x8xf32>
    %slice3A_1399 = vector.extract_strided_slice %slice3A {offsets = [7, 0, 0], sizes = [1, 197, 512], strides = [1, 1, 1]} : vector<8x197x512xf32> to vector<1x197x512xf32>
    %squeeze3A_1400 = vector.shape_cast %slice3A_1399 : vector<1x197x512xf32> to vector<197x512xf32>
    %slice3A_1401 = vector.extract_strided_slice %slice3A_41 {offsets = [7, 0, 0], sizes = [1, 197, 512], strides = [1, 1, 1]} : vector<8x197x512xf32> to vector<1x197x512xf32>
    %squeeze3A_1402 = vector.shape_cast %slice3A_1401 : vector<1x197x512xf32> to vector<197x512xf32>
    %mul3A_1403 = arith.mulf %squeeze3A_1400, %squeeze3A_1402 : vector<197x512xf32>
    %slice3A_1404 = vector.extract_strided_slice %mul3A_1403 {offsets = [0, 0], sizes = [197, 256], strides = [1, 1]} : vector<197x512xf32> to vector<197x256xf32>
    %slice3A_1405 = vector.extract_strided_slice %mul3A_1403 {offsets = [0, 256], sizes = [197, 256], strides = [1, 1]} : vector<197x512xf32> to vector<197x256xf32>
    %add3A_1406 = arith.addf %slice3A_1404, %slice3A_1405 : vector<197x256xf32>
    %slice3A_1407 = vector.extract_strided_slice %add3A_1406 {offsets = [0, 0], sizes = [197, 128], strides = [1, 1]} : vector<197x256xf32> to vector<197x128xf32>
    %slice3A_1408 = vector.extract_strided_slice %add3A_1406 {offsets = [0, 128], sizes = [197, 128], strides = [1, 1]} : vector<197x256xf32> to vector<197x128xf32>
    %add3A_1409 = arith.addf %slice3A_1407, %slice3A_1408 : vector<197x128xf32>
    %slice3A_1410 = vector.extract_strided_slice %add3A_1409 {offsets = [0, 0], sizes = [197, 64], strides = [1, 1]} : vector<197x128xf32> to vector<197x64xf32>
    %slice3A_1411 = vector.extract_strided_slice %add3A_1409 {offsets = [0, 64], sizes = [197, 64], strides = [1, 1]} : vector<197x128xf32> to vector<197x64xf32>
    %add3A_1412 = arith.addf %slice3A_1410, %slice3A_1411 : vector<197x64xf32>
    %slice3A_1413 = vector.extract_strided_slice %add3A_1412 {offsets = [0, 0], sizes = [197, 32], strides = [1, 1]} : vector<197x64xf32> to vector<197x32xf32>
    %slice3A_1414 = vector.extract_strided_slice %add3A_1412 {offsets = [0, 32], sizes = [197, 32], strides = [1, 1]} : vector<197x64xf32> to vector<197x32xf32>
    %add3A_1415 = arith.addf %slice3A_1413, %slice3A_1414 : vector<197x32xf32>
    %slice3A_1416 = vector.extract_strided_slice %add3A_1415 {offsets = [0, 0], sizes = [197, 16], strides = [1, 1]} : vector<197x32xf32> to vector<197x16xf32>
    %slice3A_1417 = vector.extract_strided_slice %add3A_1415 {offsets = [0, 16], sizes = [197, 16], strides = [1, 1]} : vector<197x32xf32> to vector<197x16xf32>
    %add3A_1418 = arith.addf %slice3A_1416, %slice3A_1417 : vector<197x16xf32>
    %slice3A_1419 = vector.extract_strided_slice %add3A_1418 {offsets = [0, 0], sizes = [197, 8], strides = [1, 1]} : vector<197x16xf32> to vector<197x8xf32>
    %slice3A_1420 = vector.extract_strided_slice %add3A_1418 {offsets = [0, 8], sizes = [197, 8], strides = [1, 1]} : vector<197x16xf32> to vector<197x8xf32>
    %add3A_1421 = arith.addf %slice3A_1419, %slice3A_1420 : vector<197x8xf32>
    %concatenate3A_1422 = tpu.concatenate %add3A_1260, %add3A_1283, %add3A_1306, %add3A_1329, %add3A_1352, %add3A_1375, %add3A_1398, %add3A_1421 in 1 : vector<197x8xf32>, vector<197x8xf32>, vector<197x8xf32>, vector<197x8xf32>, vector<197x8xf32>, vector<197x8xf32>, vector<197x8xf32>, vector<197x8xf32> -> vector<197x64xf32>
    %mul3A_1423 = arith.constant 1.250000e-01 : f32
    %mul3A_1424 = vector.broadcast %mul3A_1423 : f32 to vector<197x64xf32>
    %mul3A_1425 = arith.mulf %concatenate3A_1422, %mul3A_1424 : vector<197x64xf32>
    %slice3A_1426 = vector.extract_strided_slice %mul3A_1425 {offsets = [0, 0], sizes = [197, 32], strides = [1, 1]} : vector<197x64xf32> to vector<197x32xf32>
    %slice3A_1427 = vector.extract_strided_slice %mul3A_1425 {offsets = [0, 32], sizes = [197, 32], strides = [1, 1]} : vector<197x64xf32> to vector<197x32xf32>
    %max3A_1428 = arith.maximumf %slice3A_1426, %slice3A_1427 : vector<197x32xf32>
    %slice3A_1429 = vector.extract_strided_slice %max3A_1428 {offsets = [0, 0], sizes = [197, 16], strides = [1, 1]} : vector<197x32xf32> to vector<197x16xf32>
    %slice3A_1430 = vector.extract_strided_slice %max3A_1428 {offsets = [0, 16], sizes = [197, 16], strides = [1, 1]} : vector<197x32xf32> to vector<197x16xf32>
    %max3A_1431 = arith.maximumf %slice3A_1429, %slice3A_1430 : vector<197x16xf32>
    %slice3A_1432 = vector.extract_strided_slice %max3A_1431 {offsets = [0, 0], sizes = [197, 8], strides = [1, 1]} : vector<197x16xf32> to vector<197x8xf32>
    %slice3A_1433 = vector.extract_strided_slice %max3A_1431 {offsets = [0, 8], sizes = [197, 8], strides = [1, 1]} : vector<197x16xf32> to vector<197x8xf32>
    %max3A_1434 = arith.maximumf %slice3A_1432, %slice3A_1433 : vector<197x8xf32>
    %concatenate3A_1435 = tpu.concatenate %max3A_1434, %max3A_1434 in 1 : vector<197x8xf32>, vector<197x8xf32> -> vector<197x16xf32>
    %concatenate3A_1436 = tpu.concatenate %concatenate3A_1435, %concatenate3A_1435 in 1 : vector<197x16xf32>, vector<197x16xf32> -> vector<197x32xf32>
    %concatenate3A_1437 = tpu.concatenate %concatenate3A_1436, %concatenate3A_1436 in 1 : vector<197x32xf32>, vector<197x32xf32> -> vector<197x64xf32>
    %sub3A_1438 = arith.subf %mul3A_1425, %concatenate3A_1437 : vector<197x64xf32>
    %exp3A_1439 = math.exp %sub3A_1438 : vector<197x64xf32>
    %slice3A_1440 = vector.extract_strided_slice %exp3A_1439 {offsets = [0, 0], sizes = [197, 32], strides = [1, 1]} : vector<197x64xf32> to vector<197x32xf32>
    %slice3A_1441 = vector.extract_strided_slice %exp3A_1439 {offsets = [0, 32], sizes = [197, 32], strides = [1, 1]} : vector<197x64xf32> to vector<197x32xf32>
    %add3A_1442 = arith.addf %slice3A_1440, %slice3A_1441 : vector<197x32xf32>
    %slice3A_1443 = vector.extract_strided_slice %add3A_1442 {offsets = [0, 0], sizes = [197, 16], strides = [1, 1]} : vector<197x32xf32> to vector<197x16xf32>
    %slice3A_1444 = vector.extract_strided_slice %add3A_1442 {offsets = [0, 16], sizes = [197, 16], strides = [1, 1]} : vector<197x32xf32> to vector<197x16xf32>
    %add3A_1445 = arith.addf %slice3A_1443, %slice3A_1444 : vector<197x16xf32>
    %slice3A_1446 = vector.extract_strided_slice %add3A_1445 {offsets = [0, 0], sizes = [197, 8], strides = [1, 1]} : vector<197x16xf32> to vector<197x8xf32>
    %slice3A_1447 = vector.extract_strided_slice %add3A_1445 {offsets = [0, 8], sizes = [197, 8], strides = [1, 1]} : vector<197x16xf32> to vector<197x8xf32>
    %add3A_1448 = arith.addf %slice3A_1446, %slice3A_1447 : vector<197x8xf32>
    %concatenate3A_1449 = tpu.concatenate %add3A_1448, %add3A_1448 in 1 : vector<197x8xf32>, vector<197x8xf32> -> vector<197x16xf32>
    %concatenate3A_1450 = tpu.concatenate %concatenate3A_1449, %concatenate3A_1449 in 1 : vector<197x16xf32>, vector<197x16xf32> -> vector<197x32xf32>
    %concatenate3A_1451 = tpu.concatenate %concatenate3A_1450, %concatenate3A_1450 in 1 : vector<197x32xf32>, vector<197x32xf32> -> vector<197x64xf32>
    %div3A_1452 = arith.divf %exp3A_1439, %concatenate3A_1451 : vector<197x64xf32>
    %convert_element_type3A_1453 = arith.truncf %div3A_1452 : vector<197x64xf32> to vector<197x64xbf16>
    %convert_element_type3A_1454 = arith.extf %convert_element_type3A_1453 : vector<197x64xbf16> to vector<197x64xf32>
    %broadcast_in_dim3A_1455 = arith.constant 0.000000e+00 : f32
    %broadcast_in_dim3A_1456 = vector.broadcast %broadcast_in_dim3A_1455 : f32 to vector<197x512xf32>
    %slice3A_1457 = vector.extract_strided_slice %convert_element_type3A_1454 {offsets = [0, 0], sizes = [197, 8], strides = [1, 1]} : vector<197x64xf32> to vector<197x8xf32>
    %concatenate3A_1458 = tpu.concatenate %slice3A_1457, %slice3A_1457 in 1 : vector<197x8xf32>, vector<197x8xf32> -> vector<197x16xf32>
    %concatenate3A_1459 = tpu.concatenate %concatenate3A_1458, %concatenate3A_1458 in 1 : vector<197x16xf32>, vector<197x16xf32> -> vector<197x32xf32>
    %concatenate3A_1460 = tpu.concatenate %concatenate3A_1459, %concatenate3A_1459 in 1 : vector<197x32xf32>, vector<197x32xf32> -> vector<197x64xf32>
    %concatenate3A_1461 = tpu.concatenate %concatenate3A_1460, %concatenate3A_1460 in 1 : vector<197x64xf32>, vector<197x64xf32> -> vector<197x128xf32>
    %concatenate3A_1462 = tpu.concatenate %concatenate3A_1461, %concatenate3A_1461 in 1 : vector<197x128xf32>, vector<197x128xf32> -> vector<197x256xf32>
    %concatenate3A_1463 = tpu.concatenate %concatenate3A_1462, %concatenate3A_1462 in 1 : vector<197x256xf32>, vector<197x256xf32> -> vector<197x512xf32>
    %slice3A_1464 = vector.extract_strided_slice %slice3A_42 {offsets = [0, 0, 0], sizes = [1, 197, 512], strides = [1, 1, 1]} : vector<8x197x512xf32> to vector<1x197x512xf32>
    %squeeze3A_1465 = vector.shape_cast %slice3A_1464 : vector<1x197x512xf32> to vector<197x512xf32>
    %mul3A_1466 = arith.mulf %concatenate3A_1463, %squeeze3A_1465 : vector<197x512xf32>
    %add3A_1467 = arith.addf %broadcast_in_dim3A_1456, %mul3A_1466 : vector<197x512xf32>
    %slice3A_1468 = vector.extract_strided_slice %convert_element_type3A_1454 {offsets = [0, 8], sizes = [197, 8], strides = [1, 1]} : vector<197x64xf32> to vector<197x8xf32>
    %concatenate3A_1469 = tpu.concatenate %slice3A_1468, %slice3A_1468 in 1 : vector<197x8xf32>, vector<197x8xf32> -> vector<197x16xf32>
    %concatenate3A_1470 = tpu.concatenate %concatenate3A_1469, %concatenate3A_1469 in 1 : vector<197x16xf32>, vector<197x16xf32> -> vector<197x32xf32>
    %concatenate3A_1471 = tpu.concatenate %concatenate3A_1470, %concatenate3A_1470 in 1 : vector<197x32xf32>, vector<197x32xf32> -> vector<197x64xf32>
    %concatenate3A_1472 = tpu.concatenate %concatenate3A_1471, %concatenate3A_1471 in 1 : vector<197x64xf32>, vector<197x64xf32> -> vector<197x128xf32>
    %concatenate3A_1473 = tpu.concatenate %concatenate3A_1472, %concatenate3A_1472 in 1 : vector<197x128xf32>, vector<197x128xf32> -> vector<197x256xf32>
    %concatenate3A_1474 = tpu.concatenate %concatenate3A_1473, %concatenate3A_1473 in 1 : vector<197x256xf32>, vector<197x256xf32> -> vector<197x512xf32>
    %slice3A_1475 = vector.extract_strided_slice %slice3A_42 {offsets = [1, 0, 0], sizes = [1, 197, 512], strides = [1, 1, 1]} : vector<8x197x512xf32> to vector<1x197x512xf32>
    %squeeze3A_1476 = vector.shape_cast %slice3A_1475 : vector<1x197x512xf32> to vector<197x512xf32>
    %mul3A_1477 = arith.mulf %concatenate3A_1474, %squeeze3A_1476 : vector<197x512xf32>
    %add3A_1478 = arith.addf %add3A_1467, %mul3A_1477 : vector<197x512xf32>
    %slice3A_1479 = vector.extract_strided_slice %convert_element_type3A_1454 {offsets = [0, 16], sizes = [197, 8], strides = [1, 1]} : vector<197x64xf32> to vector<197x8xf32>
    %concatenate3A_1480 = tpu.concatenate %slice3A_1479, %slice3A_1479 in 1 : vector<197x8xf32>, vector<197x8xf32> -> vector<197x16xf32>
    %concatenate3A_1481 = tpu.concatenate %concatenate3A_1480, %concatenate3A_1480 in 1 : vector<197x16xf32>, vector<197x16xf32> -> vector<197x32xf32>
    %concatenate3A_1482 = tpu.concatenate %concatenate3A_1481, %concatenate3A_1481 in 1 : vector<197x32xf32>, vector<197x32xf32> -> vector<197x64xf32>
    %concatenate3A_1483 = tpu.concatenate %concatenate3A_1482, %concatenate3A_1482 in 1 : vector<197x64xf32>, vector<197x64xf32> -> vector<197x128xf32>
    %concatenate3A_1484 = tpu.concatenate %concatenate3A_1483, %concatenate3A_1483 in 1 : vector<197x128xf32>, vector<197x128xf32> -> vector<197x256xf32>
    %concatenate3A_1485 = tpu.concatenate %concatenate3A_1484, %concatenate3A_1484 in 1 : vector<197x256xf32>, vector<197x256xf32> -> vector<197x512xf32>
    %slice3A_1486 = vector.extract_strided_slice %slice3A_42 {offsets = [2, 0, 0], sizes = [1, 197, 512], strides = [1, 1, 1]} : vector<8x197x512xf32> to vector<1x197x512xf32>
    %squeeze3A_1487 = vector.shape_cast %slice3A_1486 : vector<1x197x512xf32> to vector<197x512xf32>
    %mul3A_1488 = arith.mulf %concatenate3A_1485, %squeeze3A_1487 : vector<197x512xf32>
    %add3A_1489 = arith.addf %add3A_1478, %mul3A_1488 : vector<197x512xf32>
    %slice3A_1490 = vector.extract_strided_slice %convert_element_type3A_1454 {offsets = [0, 24], sizes = [197, 8], strides = [1, 1]} : vector<197x64xf32> to vector<197x8xf32>
    %concatenate3A_1491 = tpu.concatenate %slice3A_1490, %slice3A_1490 in 1 : vector<197x8xf32>, vector<197x8xf32> -> vector<197x16xf32>
    %concatenate3A_1492 = tpu.concatenate %concatenate3A_1491, %concatenate3A_1491 in 1 : vector<197x16xf32>, vector<197x16xf32> -> vector<197x32xf32>
    %concatenate3A_1493 = tpu.concatenate %concatenate3A_1492, %concatenate3A_1492 in 1 : vector<197x32xf32>, vector<197x32xf32> -> vector<197x64xf32>
    %concatenate3A_1494 = tpu.concatenate %concatenate3A_1493, %concatenate3A_1493 in 1 : vector<197x64xf32>, vector<197x64xf32> -> vector<197x128xf32>
    %concatenate3A_1495 = tpu.concatenate %concatenate3A_1494, %concatenate3A_1494 in 1 : vector<197x128xf32>, vector<197x128xf32> -> vector<197x256xf32>
    %concatenate3A_1496 = tpu.concatenate %concatenate3A_1495, %concatenate3A_1495 in 1 : vector<197x256xf32>, vector<197x256xf32> -> vector<197x512xf32>
    %slice3A_1497 = vector.extract_strided_slice %slice3A_42 {offsets = [3, 0, 0], sizes = [1, 197, 512], strides = [1, 1, 1]} : vector<8x197x512xf32> to vector<1x197x512xf32>
    %squeeze3A_1498 = vector.shape_cast %slice3A_1497 : vector<1x197x512xf32> to vector<197x512xf32>
    %mul3A_1499 = arith.mulf %concatenate3A_1496, %squeeze3A_1498 : vector<197x512xf32>
    %add3A_1500 = arith.addf %add3A_1489, %mul3A_1499 : vector<197x512xf32>
    %slice3A_1501 = vector.extract_strided_slice %convert_element_type3A_1454 {offsets = [0, 32], sizes = [197, 8], strides = [1, 1]} : vector<197x64xf32> to vector<197x8xf32>
    %concatenate3A_1502 = tpu.concatenate %slice3A_1501, %slice3A_1501 in 1 : vector<197x8xf32>, vector<197x8xf32> -> vector<197x16xf32>
    %concatenate3A_1503 = tpu.concatenate %concatenate3A_1502, %concatenate3A_1502 in 1 : vector<197x16xf32>, vector<197x16xf32> -> vector<197x32xf32>
    %concatenate3A_1504 = tpu.concatenate %concatenate3A_1503, %concatenate3A_1503 in 1 : vector<197x32xf32>, vector<197x32xf32> -> vector<197x64xf32>
    %concatenate3A_1505 = tpu.concatenate %concatenate3A_1504, %concatenate3A_1504 in 1 : vector<197x64xf32>, vector<197x64xf32> -> vector<197x128xf32>
    %concatenate3A_1506 = tpu.concatenate %concatenate3A_1505, %concatenate3A_1505 in 1 : vector<197x128xf32>, vector<197x128xf32> -> vector<197x256xf32>
    %concatenate3A_1507 = tpu.concatenate %concatenate3A_1506, %concatenate3A_1506 in 1 : vector<197x256xf32>, vector<197x256xf32> -> vector<197x512xf32>
    %slice3A_1508 = vector.extract_strided_slice %slice3A_42 {offsets = [4, 0, 0], sizes = [1, 197, 512], strides = [1, 1, 1]} : vector<8x197x512xf32> to vector<1x197x512xf32>
    %squeeze3A_1509 = vector.shape_cast %slice3A_1508 : vector<1x197x512xf32> to vector<197x512xf32>
    %mul3A_1510 = arith.mulf %concatenate3A_1507, %squeeze3A_1509 : vector<197x512xf32>
    %add3A_1511 = arith.addf %add3A_1500, %mul3A_1510 : vector<197x512xf32>
    %slice3A_1512 = vector.extract_strided_slice %convert_element_type3A_1454 {offsets = [0, 40], sizes = [197, 8], strides = [1, 1]} : vector<197x64xf32> to vector<197x8xf32>
    %concatenate3A_1513 = tpu.concatenate %slice3A_1512, %slice3A_1512 in 1 : vector<197x8xf32>, vector<197x8xf32> -> vector<197x16xf32>
    %concatenate3A_1514 = tpu.concatenate %concatenate3A_1513, %concatenate3A_1513 in 1 : vector<197x16xf32>, vector<197x16xf32> -> vector<197x32xf32>
    %concatenate3A_1515 = tpu.concatenate %concatenate3A_1514, %concatenate3A_1514 in 1 : vector<197x32xf32>, vector<197x32xf32> -> vector<197x64xf32>
    %concatenate3A_1516 = tpu.concatenate %concatenate3A_1515, %concatenate3A_1515 in 1 : vector<197x64xf32>, vector<197x64xf32> -> vector<197x128xf32>
    %concatenate3A_1517 = tpu.concatenate %concatenate3A_1516, %concatenate3A_1516 in 1 : vector<197x128xf32>, vector<197x128xf32> -> vector<197x256xf32>
    %concatenate3A_1518 = tpu.concatenate %concatenate3A_1517, %concatenate3A_1517 in 1 : vector<197x256xf32>, vector<197x256xf32> -> vector<197x512xf32>
    %slice3A_1519 = vector.extract_strided_slice %slice3A_42 {offsets = [5, 0, 0], sizes = [1, 197, 512], strides = [1, 1, 1]} : vector<8x197x512xf32> to vector<1x197x512xf32>
    %squeeze3A_1520 = vector.shape_cast %slice3A_1519 : vector<1x197x512xf32> to vector<197x512xf32>
    %mul3A_1521 = arith.mulf %concatenate3A_1518, %squeeze3A_1520 : vector<197x512xf32>
    %add3A_1522 = arith.addf %add3A_1511, %mul3A_1521 : vector<197x512xf32>
    %slice3A_1523 = vector.extract_strided_slice %convert_element_type3A_1454 {offsets = [0, 48], sizes = [197, 8], strides = [1, 1]} : vector<197x64xf32> to vector<197x8xf32>
    %concatenate3A_1524 = tpu.concatenate %slice3A_1523, %slice3A_1523 in 1 : vector<197x8xf32>, vector<197x8xf32> -> vector<197x16xf32>
    %concatenate3A_1525 = tpu.concatenate %concatenate3A_1524, %concatenate3A_1524 in 1 : vector<197x16xf32>, vector<197x16xf32> -> vector<197x32xf32>
    %concatenate3A_1526 = tpu.concatenate %concatenate3A_1525, %concatenate3A_1525 in 1 : vector<197x32xf32>, vector<197x32xf32> -> vector<197x64xf32>
    %concatenate3A_1527 = tpu.concatenate %concatenate3A_1526, %concatenate3A_1526 in 1 : vector<197x64xf32>, vector<197x64xf32> -> vector<197x128xf32>
    %concatenate3A_1528 = tpu.concatenate %concatenate3A_1527, %concatenate3A_1527 in 1 : vector<197x128xf32>, vector<197x128xf32> -> vector<197x256xf32>
    %concatenate3A_1529 = tpu.concatenate %concatenate3A_1528, %concatenate3A_1528 in 1 : vector<197x256xf32>, vector<197x256xf32> -> vector<197x512xf32>
    %slice3A_1530 = vector.extract_strided_slice %slice3A_42 {offsets = [6, 0, 0], sizes = [1, 197, 512], strides = [1, 1, 1]} : vector<8x197x512xf32> to vector<1x197x512xf32>
    %squeeze3A_1531 = vector.shape_cast %slice3A_1530 : vector<1x197x512xf32> to vector<197x512xf32>
    %mul3A_1532 = arith.mulf %concatenate3A_1529, %squeeze3A_1531 : vector<197x512xf32>
    %add3A_1533 = arith.addf %add3A_1522, %mul3A_1532 : vector<197x512xf32>
    %slice3A_1534 = vector.extract_strided_slice %convert_element_type3A_1454 {offsets = [0, 56], sizes = [197, 8], strides = [1, 1]} : vector<197x64xf32> to vector<197x8xf32>
    %concatenate3A_1535 = tpu.concatenate %slice3A_1534, %slice3A_1534 in 1 : vector<197x8xf32>, vector<197x8xf32> -> vector<197x16xf32>
    %concatenate3A_1536 = tpu.concatenate %concatenate3A_1535, %concatenate3A_1535 in 1 : vector<197x16xf32>, vector<197x16xf32> -> vector<197x32xf32>
    %concatenate3A_1537 = tpu.concatenate %concatenate3A_1536, %concatenate3A_1536 in 1 : vector<197x32xf32>, vector<197x32xf32> -> vector<197x64xf32>
    %concatenate3A_1538 = tpu.concatenate %concatenate3A_1537, %concatenate3A_1537 in 1 : vector<197x64xf32>, vector<197x64xf32> -> vector<197x128xf32>
    %concatenate3A_1539 = tpu.concatenate %concatenate3A_1538, %concatenate3A_1538 in 1 : vector<197x128xf32>, vector<197x128xf32> -> vector<197x256xf32>
    %concatenate3A_1540 = tpu.concatenate %concatenate3A_1539, %concatenate3A_1539 in 1 : vector<197x256xf32>, vector<197x256xf32> -> vector<197x512xf32>
    %slice3A_1541 = vector.extract_strided_slice %slice3A_42 {offsets = [7, 0, 0], sizes = [1, 197, 512], strides = [1, 1, 1]} : vector<8x197x512xf32> to vector<1x197x512xf32>
    %squeeze3A_1542 = vector.shape_cast %slice3A_1541 : vector<1x197x512xf32> to vector<197x512xf32>
    %mul3A_1543 = arith.mulf %concatenate3A_1540, %squeeze3A_1542 : vector<197x512xf32>
    %add3A_1544 = arith.addf %add3A_1533, %mul3A_1543 : vector<197x512xf32>
    %stack3A = vector.shape_cast %add3A_109 : vector<197x512xf32> to vector<1x197x512xf32>
    %stack3A_1545 = vector.shape_cast %add3A_212 : vector<197x512xf32> to vector<1x197x512xf32>
    %stack3A_1546 = vector.shape_cast %add3A_349 : vector<197x512xf32> to vector<1x197x512xf32>
    %stack3A_1547 = vector.shape_cast %add3A_520 : vector<197x512xf32> to vector<1x197x512xf32>
    %stack3A_1548 = vector.shape_cast %add3A_725 : vector<197x512xf32> to vector<1x197x512xf32>
    %stack3A_1549 = vector.shape_cast %add3A_964 : vector<197x512xf32> to vector<1x197x512xf32>
    %stack3A_1550 = vector.shape_cast %add3A_1237 : vector<197x512xf32> to vector<1x197x512xf32>
    %stack3A_1551 = vector.shape_cast %add3A_1544 : vector<197x512xf32> to vector<1x197x512xf32>
    %stack3A_1552 = tpu.concatenate %stack3A, %stack3A_1545, %stack3A_1546, %stack3A_1547, %stack3A_1548, %stack3A_1549, %stack3A_1550, %stack3A_1551 in 0 : vector<1x197x512xf32>, vector<1x197x512xf32>, vector<1x197x512xf32>, vector<1x197x512xf32>, vector<1x197x512xf32>, vector<1x197x512xf32>, vector<1x197x512xf32>, vector<1x197x512xf32> -> vector<8x197x512xf32>
    %reshape3A_1553 = vector.shape_cast %stack3A_1552 : vector<8x197x512xf32> to vector<1576x512xf32>
    %get3A_1554 = arith.constant 0 : index
    %get3A_1555 = arith.constant 0 : index
    %get3A_1556 = vector.load %arg5[%get3A_1554, %get3A_1555] : memref<512x512xbf16, #tpu.memory_space<vmem>>, vector<512x512xbf16>
    %convert_element_type3A_1557 = arith.truncf %reshape3A_1553 : vector<1576x512xf32> to vector<1576x512xbf16>
    %dot_general3A_1558 = arith.constant dense<0.000000e+00> : vector<1576x512xf32>
    %dot_general3A_1559 = tpu.matmul %convert_element_type3A_1557, %get3A_1556, %dot_general3A_1558 {dimension_numbers = #tpu.dot_dimension_numbers<[1], [0], [0], [1], [0, 0, 1, 1], [], []>, transpose_lhs_hint = false} : vector<1576x512xbf16>, vector<512x512xbf16>, vector<1576x512xf32> -> vector<1576x512xf32>
    %reshape3A_1560 = vector.shape_cast %dot_general3A_1559 : vector<1576x512xf32> to vector<8x197x512xf32>
    %add3A_1561 = arith.addf %get3A_4, %reshape3A_1560 : vector<8x197x512xf32>
    %swap3A = arith.constant 0 : index
    %swap3A_1562 = arith.constant 0 : index
    %swap3A_1563 = arith.constant 0 : index
    %swap3A_1564 = arith.constant 0 : index
    %swap3A_1565 = vector.load %arg6[%swap3A, %swap3A_1562, %swap3A_1563, %swap3A_1564] : memref<1x8x197x512xf32, #tpu.memory_space<vmem>>, vector<1x8x197x512xf32>
    %swap3A_1566 = vector.shape_cast %swap3A_1565 : vector<1x8x197x512xf32> to vector<8x197x512xf32>
    %swap3A_1567 = vector.shape_cast %add3A_1561 : vector<8x197x512xf32> to vector<1x8x197x512xf32>
    tpu.vector_store %arg6[%swap3A, %swap3A_1562, %swap3A_1563, %swap3A_1564], %swap3A_1567 {strides = array<i32>} : memref<1x8x197x512xf32, #tpu.memory_space<vmem>>, vector<1x8x197x512xf32>,
    return
  }
  func.func @transform_0(%arg0: i32) -> (i32, i32, i32, i32) {
    %c0_i32 = arith.constant 0 : i32
    %c0_i32_0 = arith.constant 0 : i32
    %c0_i32_1 = arith.constant 0 : i32
    %c0_i32_2 = arith.constant 0 : i32
    return %arg0, %c0_i32, %c0_i32_0, %c0_i32_1 : i32, i32, i32, i32
  }
  func.func @transform_1(%arg0: i32) -> (i32, i32) {
    %c0_i32 = arith.constant 0 : i32
    %c0_i32_0 = arith.constant 0 : i32
    %c0_i32_1 = arith.constant 0 : i32
    return %c0_i32, %c0_i32_0 : i32, i32
  }
  func.func @transform_2(%arg0: i32) -> (i32, i32) {
    %c0_i32 = arith.constant 0 : i32
    %c0_i32_0 = arith.constant 0 : i32
    %c0_i32_1 = arith.constant 0 : i32
    return %c0_i32, %c0_i32_0 : i32, i32
  }
  func.func @transform_3(%arg0: i32) -> (i32, i32) {
    %c0_i32 = arith.constant 0 : i32
    %c0_i32_0 = arith.constant 0 : i32
    %c0_i32_1 = arith.constant 0 : i32
    return %c0_i32, %c0_i32_0 : i32, i32
  }
  func.func @transform_4(%arg0: i32) -> (i32, i32) {
    %c0_i32 = arith.constant 0 : i32
    %c0_i32_0 = arith.constant 0 : i32
    %c0_i32_1 = arith.constant 0 : i32
    return %c0_i32, %c0_i32_0 : i32, i32
  }
  func.func @transform_5(%arg0: i32) -> (i32, i32, i32, i32) {
    %c0_i32 = arith.constant 0 : i32
    %c0_i32_0 = arith.constant 0 : i32
    %c0_i32_1 = arith.constant 0 : i32
    %c0_i32_2 = arith.constant 0 : i32
    return %arg0, %c0_i32, %c0_i32_0, %c0_i32_1 : i32, i32, i32, i32
  }
}

module attributes {stable_mosaic.version = 14 : i64} {
  func.func @_mlp_body(%arg0: i32, %arg1: memref<1x8x197x512xf32, #tpu.memory_space<vmem>>, %arg2: memref<1x512xf32, #tpu.memory_space<vmem>>, %arg3: memref<1x512xf32, #tpu.memory_space<vmem>>, %arg4: memref<512x2048xbf16, #tpu.memory_space<vmem>>, %arg5: memref<1x2048xf32, #tpu.memory_space<vmem>>, %arg6: memref<2048x512xbf16, #tpu.memory_space<vmem>>, %arg7: memref<1x512xf32, #tpu.memory_space<vmem>>, %arg8: memref<1x8x197x512xf32, #tpu.memory_space<vmem>>) attributes {dimension_semantics = [#tpu.dimension_semantics<arbitrary>], iteration_bounds = array<i64: 4>, scalar_prefetch = 0 : i64, scratch_operands = 0 : i64, tpu.core_type = #tpu.core_type<tc>, window_params = [{transform_indices = @transform_0, window_bounds = array<i64: 1, 8, 197, 512>}, {pipeline_mode = #tpu.pipeline_mode<synchronous>, transform_indices = @transform_1, window_bounds = array<i64: 1, 512>}, {pipeline_mode = #tpu.pipeline_mode<synchronous>, transform_indices = @transform_2, window_bounds = array<i64: 1, 512>}, {pipeline_mode = #tpu.pipeline_mode<synchronous>, transform_indices = @transform_3, window_bounds = array<i64: 512, 2048>}, {pipeline_mode = #tpu.pipeline_mode<synchronous>, transform_indices = @transform_4, window_bounds = array<i64: 1, 2048>}, {pipeline_mode = #tpu.pipeline_mode<synchronous>, transform_indices = @transform_5, window_bounds = array<i64: 2048, 512>}, {pipeline_mode = #tpu.pipeline_mode<synchronous>, transform_indices = @transform_6, window_bounds = array<i64: 1, 512>}, {transform_indices = @transform_7, window_bounds = array<i64: 1, 8, 197, 512>}]} {
    %get3A = arith.constant 0 : index
    %get3A_0 = arith.constant 0 : index
    %get3A_1 = arith.constant 0 : index
    %get3A_2 = arith.constant 0 : index
    %get3A_3 = vector.load %arg1[%get3A, %get3A_0, %get3A_1, %get3A_2] : memref<1x8x197x512xf32, #tpu.memory_space<vmem>>, vector<1x8x197x512xf32>
    %get3A_4 = vector.shape_cast %get3A_3 : vector<1x8x197x512xf32> to vector<8x197x512xf32>
    %reshape3A = vector.shape_cast %get3A_4 : vector<8x197x512xf32> to vector<1576x512xf32>
    %get3A_5 = arith.constant 0 : index
    %get3A_6 = arith.constant 0 : index
    %get3A_7 = vector.load %arg2[%get3A_5, %get3A_6] : memref<1x512xf32, #tpu.memory_space<vmem>>, vector<1x512xf32>
    %get3A_8 = vector.shape_cast %get3A_7 : vector<1x512xf32> to vector<512xf32>
    %get3A_9 = arith.constant 0 : index
    %get3A_10 = arith.constant 0 : index
    %get3A_11 = vector.load %arg3[%get3A_9, %get3A_10] : memref<1x512xf32, #tpu.memory_space<vmem>>, vector<1x512xf32>
    %get3A_12 = vector.shape_cast %get3A_11 : vector<1x512xf32> to vector<512xf32>
    %reduce_sum3A = arith.constant dense<0.000000e+00> : vector<1576xf32>
    %reduce_sum3A_13 = vector.multi_reduction <add>, %reshape3A, %reduce_sum3A [1] : vector<1576x512xf32> to vector<1576xf32>
    %broadcast_in_dim3A = vector.shape_cast %reduce_sum3A_13 : vector<1576xf32> to vector<1576x1xf32>
    %div3A = arith.constant 5.120000e+02 : f32
    %div3A_14 = vector.broadcast %div3A : f32 to vector<1576x1xf32>
    %div3A_15 = arith.divf %broadcast_in_dim3A, %div3A_14 : vector<1576x1xf32>
    %sub3A = vector.broadcast %div3A_15 : vector<1576x1xf32> to vector<1576x512xf32>
    %sub3A_16 = arith.subf %reshape3A, %sub3A : vector<1576x512xf32>
    %integer_pow3A = arith.mulf %sub3A_16, %sub3A_16 : vector<1576x512xf32>
    %reduce_sum3A_17 = arith.constant dense<0.000000e+00> : vector<1576xf32>
    %reduce_sum3A_18 = vector.multi_reduction <add>, %integer_pow3A, %reduce_sum3A_17 [1] : vector<1576x512xf32> to vector<1576xf32>
    %broadcast_in_dim3A_19 = vector.shape_cast %reduce_sum3A_18 : vector<1576xf32> to vector<1576x1xf32>
    %div3A_20 = arith.constant 5.120000e+02 : f32
    %div3A_21 = vector.broadcast %div3A_20 : f32 to vector<1576x1xf32>
    %div3A_22 = arith.divf %broadcast_in_dim3A_19, %div3A_21 : vector<1576x1xf32>
    %sub3A_23 = vector.broadcast %div3A_15 : vector<1576x1xf32> to vector<1576x512xf32>
    %sub3A_24 = arith.subf %reshape3A, %sub3A_23 : vector<1576x512xf32>
    %add3A = arith.constant 9.99999997E-7 : f32
    %add3A_25 = vector.broadcast %add3A : f32 to vector<1576x1xf32>
    %add3A_26 = arith.addf %div3A_22, %add3A_25 : vector<1576x1xf32>
    %sqrt3A = math.sqrt %add3A_26 : vector<1576x1xf32>
    %div3A_27 = vector.broadcast %sqrt3A : vector<1576x1xf32> to vector<1576x512xf32>
    %div3A_28 = arith.divf %sub3A_24, %div3A_27 : vector<1576x512xf32>
    %broadcast_in_dim3A_29 = vector.shape_cast %get3A_8 : vector<512xf32> to vector<1x512xf32>
    %mul3A = vector.broadcast %broadcast_in_dim3A_29 : vector<1x512xf32> to vector<1576x512xf32>
    %mul3A_30 = arith.mulf %div3A_28, %mul3A : vector<1576x512xf32>
    %broadcast_in_dim3A_31 = vector.shape_cast %get3A_12 : vector<512xf32> to vector<1x512xf32>
    %add3A_32 = vector.broadcast %broadcast_in_dim3A_31 : vector<1x512xf32> to vector<1576x512xf32>
    %add3A_33 = arith.addf %mul3A_30, %add3A_32 : vector<1576x512xf32>
    %get3A_34 = arith.constant 0 : index
    %get3A_35 = arith.constant 0 : index
    %get3A_36 = vector.load %arg4[%get3A_34, %get3A_35] : memref<512x2048xbf16, #tpu.memory_space<vmem>>, vector<512x2048xbf16>
    %convert_element_type3A = arith.truncf %add3A_33 : vector<1576x512xf32> to vector<1576x512xbf16>
    %dot_general3A = arith.constant dense<0.000000e+00> : vector<1576x2048xf32>
    %dot_general3A_37 = tpu.matmul %convert_element_type3A, %get3A_36, %dot_general3A {dimension_numbers = #tpu.dot_dimension_numbers<[1], [0], [0], [1], [0, 0, 1, 1], [], []>, transpose_lhs_hint = false} : vector<1576x512xbf16>, vector<512x2048xbf16>, vector<1576x2048xf32> -> vector<1576x2048xf32>
    %get3A_38 = arith.constant 0 : index
    %get3A_39 = arith.constant 0 : index
    %get3A_40 = vector.load %arg5[%get3A_38, %get3A_39] : memref<1x2048xf32, #tpu.memory_space<vmem>>, vector<1x2048xf32>
    %get3A_41 = vector.shape_cast %get3A_40 : vector<1x2048xf32> to vector<2048xf32>
    %broadcast_in_dim3A_42 = vector.shape_cast %get3A_41 : vector<2048xf32> to vector<1x2048xf32>
    %add3A_43 = vector.broadcast %broadcast_in_dim3A_42 : vector<1x2048xf32> to vector<1576x2048xf32>
    %add3A_44 = arith.addf %dot_general3A_37, %add3A_43 : vector<1576x2048xf32>
    %integer_pow3A_45 = arith.mulf %add3A_44, %add3A_44 : vector<1576x2048xf32>
    %integer_pow3A_46 = arith.mulf %add3A_44, %integer_pow3A_45 : vector<1576x2048xf32>
    %mul3A_47 = arith.constant 4.471500e-02 : f32
    %mul3A_48 = vector.broadcast %mul3A_47 : f32 to vector<1576x2048xf32>
    %mul3A_49 = arith.mulf %mul3A_48, %integer_pow3A_46 : vector<1576x2048xf32>
    %add3A_50 = arith.addf %add3A_44, %mul3A_49 : vector<1576x2048xf32>
    %mul3A_51 = arith.constant 0.797884583 : f32
    %mul3A_52 = vector.broadcast %mul3A_51 : f32 to vector<1576x2048xf32>
    %mul3A_53 = arith.mulf %mul3A_52, %add3A_50 : vector<1576x2048xf32>
    %tanh3A = math.tanh %mul3A_53 : vector<1576x2048xf32>
    %add3A_54 = arith.constant 1.000000e+00 : f32
    %add3A_55 = vector.broadcast %add3A_54 : f32 to vector<1576x2048xf32>
    %add3A_56 = arith.addf %add3A_55, %tanh3A : vector<1576x2048xf32>
    %mul3A_57 = arith.constant 5.000000e-01 : f32
    %mul3A_58 = vector.broadcast %mul3A_57 : f32 to vector<1576x2048xf32>
    %mul3A_59 = arith.mulf %mul3A_58, %add3A_56 : vector<1576x2048xf32>
    %mul3A_60 = arith.mulf %add3A_44, %mul3A_59 : vector<1576x2048xf32>
    %get3A_61 = arith.constant 0 : index
    %get3A_62 = arith.constant 0 : index
    %get3A_63 = vector.load %arg6[%get3A_61, %get3A_62] : memref<2048x512xbf16, #tpu.memory_space<vmem>>, vector<2048x512xbf16>
    %convert_element_type3A_64 = arith.truncf %mul3A_60 : vector<1576x2048xf32> to vector<1576x2048xbf16>
    %dot_general3A_65 = arith.constant dense<0.000000e+00> : vector<1576x512xf32>
    %dot_general3A_66 = tpu.matmul %convert_element_type3A_64, %get3A_63, %dot_general3A_65 {dimension_numbers = #tpu.dot_dimension_numbers<[1], [0], [0], [1], [0, 0, 1, 1], [], []>, transpose_lhs_hint = false} : vector<1576x2048xbf16>, vector<2048x512xbf16>, vector<1576x512xf32> -> vector<1576x512xf32>
    %add3A_67 = arith.addf %reshape3A, %dot_general3A_66 : vector<1576x512xf32>
    %get3A_68 = arith.constant 0 : index
    %get3A_69 = arith.constant 0 : index
    %get3A_70 = vector.load %arg7[%get3A_68, %get3A_69] : memref<1x512xf32, #tpu.memory_space<vmem>>, vector<1x512xf32>
    %get3A_71 = vector.shape_cast %get3A_70 : vector<1x512xf32> to vector<512xf32>
    %broadcast_in_dim3A_72 = vector.shape_cast %get3A_71 : vector<512xf32> to vector<1x512xf32>
    %add3A_73 = vector.broadcast %broadcast_in_dim3A_72 : vector<1x512xf32> to vector<1576x512xf32>
    %add3A_74 = arith.addf %add3A_67, %add3A_73 : vector<1576x512xf32>
    %reshape3A_75 = vector.shape_cast %add3A_74 : vector<1576x512xf32> to vector<8x197x512xf32>
    %swap3A = arith.constant 0 : index
    %swap3A_76 = arith.constant 0 : index
    %swap3A_77 = arith.constant 0 : index
    %swap3A_78 = arith.constant 0 : index
    %swap3A_79 = vector.load %arg8[%swap3A, %swap3A_76, %swap3A_77, %swap3A_78] : memref<1x8x197x512xf32, #tpu.memory_space<vmem>>, vector<1x8x197x512xf32>
    %swap3A_80 = vector.shape_cast %swap3A_79 : vector<1x8x197x512xf32> to vector<8x197x512xf32>
    %swap3A_81 = vector.shape_cast %reshape3A_75 : vector<8x197x512xf32> to vector<1x8x197x512xf32>
    tpu.vector_store %arg8[%swap3A, %swap3A_76, %swap3A_77, %swap3A_78], %swap3A_81 {strides = array<i32>} : memref<1x8x197x512xf32, #tpu.memory_space<vmem>>, vector<1x8x197x512xf32>,
    return
  }
  func.func @transform_0(%arg0: i32) -> (i32, i32, i32, i32) {
    %c0_i32 = arith.constant 0 : i32
    %c0_i32_0 = arith.constant 0 : i32
    %c0_i32_1 = arith.constant 0 : i32
    %c0_i32_2 = arith.constant 0 : i32
    return %arg0, %c0_i32, %c0_i32_0, %c0_i32_1 : i32, i32, i32, i32
  }
  func.func @transform_1(%arg0: i32) -> (i32, i32) {
    %c0_i32 = arith.constant 0 : i32
    %c0_i32_0 = arith.constant 0 : i32
    %c0_i32_1 = arith.constant 0 : i32
    return %c0_i32, %c0_i32_0 : i32, i32
  }
  func.func @transform_2(%arg0: i32) -> (i32, i32) {
    %c0_i32 = arith.constant 0 : i32
    %c0_i32_0 = arith.constant 0 : i32
    %c0_i32_1 = arith.constant 0 : i32
    return %c0_i32, %c0_i32_0 : i32, i32
  }
  func.func @transform_3(%arg0: i32) -> (i32, i32) {
    %c0_i32 = arith.constant 0 : i32
    %c0_i32_0 = arith.constant 0 : i32
    %c0_i32_1 = arith.constant 0 : i32
    return %c0_i32, %c0_i32_0 : i32, i32
  }
  func.func @transform_4(%arg0: i32) -> (i32, i32) {
    %c0_i32 = arith.constant 0 : i32
    %c0_i32_0 = arith.constant 0 : i32
    %c0_i32_1 = arith.constant 0 : i32
    return %c0_i32, %c0_i32_0 : i32, i32
  }
  func.func @transform_5(%arg0: i32) -> (i32, i32) {
    %c0_i32 = arith.constant 0 : i32
    %c0_i32_0 = arith.constant 0 : i32
    %c0_i32_1 = arith.constant 0 : i32
    return %c0_i32, %c0_i32_0 : i32, i32
  }
  func.func @transform_6(%arg0: i32) -> (i32, i32) {
    %c0_i32 = arith.constant 0 : i32
    %c0_i32_0 = arith.constant 0 : i32
    %c0_i32_1 = arith.constant 0 : i32
    return %c0_i32, %c0_i32_0 : i32, i32
  }
  func.func @transform_7(%arg0: i32) -> (i32, i32, i32, i32) {
    %c0_i32 = arith.constant 0 : i32
    %c0_i32_0 = arith.constant 0 : i32
    %c0_i32_1 = arith.constant 0 : i32
    %c0_i32_2 = arith.constant 0 : i32
    return %arg0, %c0_i32, %c0_i32_0, %c0_i32_1 : i32, i32, i32, i32
  }
}

module attributes {stable_mosaic.version = 14 : i64} {
  func.func @_spatial_q0_body(%arg0: i32, %arg1: i32, %arg2: memref<1x1x197x512xf32, #tpu.memory_space<vmem>>, %arg3: memref<1x512xf32, #tpu.memory_space<vmem>>, %arg4: memref<1x512xf32, #tpu.memory_space<vmem>>, %arg5: memref<512x512xbf16, #tpu.memory_space<vmem>>, %arg6: memref<512x1024xbf16, #tpu.memory_space<vmem>>, %arg7: memref<512x512xbf16, #tpu.memory_space<vmem>>, %arg8: memref<1x1x1x512xf32, #tpu.memory_space<vmem>>) attributes {dimension_semantics = [#tpu.dimension_semantics<arbitrary>, #tpu.dimension_semantics<arbitrary>], iteration_bounds = array<i64: 4, 8>, scalar_prefetch = 0 : i64, scratch_operands = 0 : i64, tpu.core_type = #tpu.core_type<tc>, window_params = [{transform_indices = @transform_0, window_bounds = array<i64: 1, 1, 197, 512>}, {pipeline_mode = #tpu.pipeline_mode<synchronous>, transform_indices = @transform_1, window_bounds = array<i64: 1, 512>}, {pipeline_mode = #tpu.pipeline_mode<synchronous>, transform_indices = @transform_2, window_bounds = array<i64: 1, 512>}, {pipeline_mode = #tpu.pipeline_mode<synchronous>, transform_indices = @transform_3, window_bounds = array<i64: 512, 512>}, {pipeline_mode = #tpu.pipeline_mode<synchronous>, transform_indices = @transform_4, window_bounds = array<i64: 512, 1024>}, {pipeline_mode = #tpu.pipeline_mode<synchronous>, transform_indices = @transform_5, window_bounds = array<i64: 512, 512>}, {transform_indices = @transform_6, window_bounds = array<i64: 1, 1, 1, 512>}]} {
    %get3A = arith.constant 0 : index
    %get3A_0 = arith.constant 0 : index
    %get3A_1 = arith.constant 0 : index
    %get3A_2 = arith.constant 0 : index
    %get3A_3 = vector.load %arg2[%get3A, %get3A_0, %get3A_1, %get3A_2] : memref<1x1x197x512xf32, #tpu.memory_space<vmem>>, vector<1x1x197x512xf32>
    %get3A_4 = vector.shape_cast %get3A_3 : vector<1x1x197x512xf32> to vector<197x512xf32>
    %get3A_5 = arith.constant 0 : index
    %get3A_6 = arith.constant 0 : index
    %get3A_7 = vector.load %arg3[%get3A_5, %get3A_6] : memref<1x512xf32, #tpu.memory_space<vmem>>, vector<1x512xf32>
    %get3A_8 = vector.shape_cast %get3A_7 : vector<1x512xf32> to vector<512xf32>
    %get3A_9 = arith.constant 0 : index
    %get3A_10 = arith.constant 0 : index
    %get3A_11 = vector.load %arg4[%get3A_9, %get3A_10] : memref<1x512xf32, #tpu.memory_space<vmem>>, vector<1x512xf32>
    %get3A_12 = vector.shape_cast %get3A_11 : vector<1x512xf32> to vector<512xf32>
    %reduce_sum3A = arith.constant dense<0.000000e+00> : vector<197xf32>
    %reduce_sum3A_13 = vector.multi_reduction <add>, %get3A_4, %reduce_sum3A [1] : vector<197x512xf32> to vector<197xf32>
    %broadcast_in_dim3A = vector.shape_cast %reduce_sum3A_13 : vector<197xf32> to vector<197x1xf32>
    %div3A = arith.constant 5.120000e+02 : f32
    %div3A_14 = vector.broadcast %div3A : f32 to vector<197x1xf32>
    %div3A_15 = arith.divf %broadcast_in_dim3A, %div3A_14 : vector<197x1xf32>
    %sub3A = vector.broadcast %div3A_15 : vector<197x1xf32> to vector<197x512xf32>
    %sub3A_16 = arith.subf %get3A_4, %sub3A : vector<197x512xf32>
    %integer_pow3A = arith.mulf %sub3A_16, %sub3A_16 : vector<197x512xf32>
    %reduce_sum3A_17 = arith.constant dense<0.000000e+00> : vector<197xf32>
    %reduce_sum3A_18 = vector.multi_reduction <add>, %integer_pow3A, %reduce_sum3A_17 [1] : vector<197x512xf32> to vector<197xf32>
    %broadcast_in_dim3A_19 = vector.shape_cast %reduce_sum3A_18 : vector<197xf32> to vector<197x1xf32>
    %div3A_20 = arith.constant 5.120000e+02 : f32
    %div3A_21 = vector.broadcast %div3A_20 : f32 to vector<197x1xf32>
    %div3A_22 = arith.divf %broadcast_in_dim3A_19, %div3A_21 : vector<197x1xf32>
    %sub3A_23 = vector.broadcast %div3A_15 : vector<197x1xf32> to vector<197x512xf32>
    %sub3A_24 = arith.subf %get3A_4, %sub3A_23 : vector<197x512xf32>
    %add3A = arith.constant 9.99999997E-7 : f32
    %add3A_25 = vector.broadcast %add3A : f32 to vector<197x1xf32>
    %add3A_26 = arith.addf %div3A_22, %add3A_25 : vector<197x1xf32>
    %sqrt3A = math.sqrt %add3A_26 : vector<197x1xf32>
    %div3A_27 = vector.broadcast %sqrt3A : vector<197x1xf32> to vector<197x512xf32>
    %div3A_28 = arith.divf %sub3A_24, %div3A_27 : vector<197x512xf32>
    %broadcast_in_dim3A_29 = vector.shape_cast %get3A_8 : vector<512xf32> to vector<1x512xf32>
    %mul3A = vector.broadcast %broadcast_in_dim3A_29 : vector<1x512xf32> to vector<197x512xf32>
    %mul3A_30 = arith.mulf %div3A_28, %mul3A : vector<197x512xf32>
    %broadcast_in_dim3A_31 = vector.shape_cast %get3A_12 : vector<512xf32> to vector<1x512xf32>
    %add3A_32 = vector.broadcast %broadcast_in_dim3A_31 : vector<1x512xf32> to vector<197x512xf32>
    %add3A_33 = arith.addf %mul3A_30, %add3A_32 : vector<197x512xf32>
    %get3A_34 = arith.constant 0 : index
    %get3A_35 = arith.constant 0 : index
    %get3A_36 = vector.load %arg6[%get3A_34, %get3A_35] : memref<512x1024xbf16, #tpu.memory_space<vmem>>, vector<512x1024xbf16>
    %convert_element_type3A = arith.truncf %add3A_33 : vector<197x512xf32> to vector<197x512xbf16>
    %dot_general3A = arith.constant dense<0.000000e+00> : vector<197x1024xf32>
    %dot_general3A_37 = tpu.matmul %convert_element_type3A, %get3A_36, %dot_general3A {dimension_numbers = #tpu.dot_dimension_numbers<[1], [0], [0], [1], [0, 0, 1, 1], [], []>, transpose_lhs_hint = false} : vector<197x512xbf16>, vector<512x1024xbf16>, vector<197x1024xf32> -> vector<197x1024xf32>
    %slice3A = vector.extract_strided_slice %add3A_33 {offsets = [0, 0], sizes = [1, 512], strides = [1, 1]} : vector<197x512xf32> to vector<1x512xf32>
    %get3A_38 = arith.constant 0 : index
    %get3A_39 = arith.constant 0 : index
    %get3A_40 = vector.load %arg5[%get3A_38, %get3A_39] : memref<512x512xbf16, #tpu.memory_space<vmem>>, vector<512x512xbf16>
    %convert_element_type3A_41 = arith.truncf %slice3A : vector<1x512xf32> to vector<1x512xbf16>
    %dot_general3A_42 = arith.constant dense<0.000000e+00> : vector<1x512xf32>
    %dot_general3A_43 = tpu.matmul %convert_element_type3A_41, %get3A_40, %dot_general3A_42 {dimension_numbers = #tpu.dot_dimension_numbers<[1], [0], [0], [1], [0, 0, 1, 1], [], []>, transpose_lhs_hint = false} : vector<1x512xbf16>, vector<512x512xbf16>, vector<1x512xf32> -> vector<1x512xf32>
    %slice3A_44 = vector.extract_strided_slice %dot_general3A_43 {offsets = [0, 0], sizes = [1, 64], strides = [1, 1]} : vector<1x512xf32> to vector<1x64xf32>
    %slice3A_45 = vector.extract_strided_slice %dot_general3A_37 {offsets = [0, 0], sizes = [197, 64], strides = [1, 1]} : vector<197x1024xf32> to vector<197x64xf32>
    %slice3A_46 = vector.extract_strided_slice %dot_general3A_37 {offsets = [0, 512], sizes = [197, 64], strides = [1, 1]} : vector<197x1024xf32> to vector<197x64xf32>
    %convert_element_type3A_47 = arith.truncf %slice3A_44 : vector<1x64xf32> to vector<1x64xbf16>
    %convert_element_type3A_48 = arith.truncf %slice3A_45 : vector<197x64xf32> to vector<197x64xbf16>
    %dot_general3A_49 = arith.constant dense<0.000000e+00> : vector<1x197xf32>
    %dot_general3A_50 = tpu.matmul %convert_element_type3A_47, %convert_element_type3A_48, %dot_general3A_49 {dimension_numbers = #tpu.dot_dimension_numbers<[1], [1], [0], [0], [0, 0, 1, 0], [], []>, transpose_lhs_hint = false} : vector<1x64xbf16>, vector<197x64xbf16>, vector<1x197xf32> -> vector<1x197xf32>
    %mul3A_51 = arith.constant 1.250000e-01 : f32
    %mul3A_52 = vector.broadcast %mul3A_51 : f32 to vector<1x197xf32>
    %mul3A_53 = arith.mulf %dot_general3A_50, %mul3A_52 : vector<1x197xf32>
    %reduce_max3A = arith.constant dense<0xFF800000> : vector<1xf32>
    %reduce_max3A_54 = vector.multi_reduction <maximumf>, %mul3A_53, %reduce_max3A [1] : vector<1x197xf32> to vector<1xf32>
    %max3A = arith.constant 0xFF800000 : f32
    %max3A_55 = vector.broadcast %max3A : f32 to vector<1xf32>
    %max3A_56 = arith.maximumf %max3A_55, %reduce_max3A_54 : vector<1xf32>
    %broadcast_in_dim3A_57 = vector.shape_cast %max3A_56 : vector<1xf32> to vector<1x1xf32>
    %sub3A_58 = vector.broadcast %broadcast_in_dim3A_57 : vector<1x1xf32> to vector<1x197xf32>
    %sub3A_59 = arith.subf %mul3A_53, %sub3A_58 : vector<1x197xf32>
    %exp3A = math.exp %sub3A_59 : vector<1x197xf32>
    %reduce_sum3A_60 = arith.constant dense<0.000000e+00> : vector<1xf32>
    %reduce_sum3A_61 = vector.multi_reduction <add>, %exp3A, %reduce_sum3A_60 [1] : vector<1x197xf32> to vector<1xf32>
    %broadcast_in_dim3A_62 = vector.shape_cast %reduce_sum3A_61 : vector<1xf32> to vector<1x1xf32>
    %div3A_63 = vector.broadcast %broadcast_in_dim3A_62 : vector<1x1xf32> to vector<1x197xf32>
    %div3A_64 = arith.divf %exp3A, %div3A_63 : vector<1x197xf32>
    %convert_element_type3A_65 = arith.truncf %div3A_64 : vector<1x197xf32> to vector<1x197xbf16>
    %convert_element_type3A_66 = arith.truncf %slice3A_46 : vector<197x64xf32> to vector<197x64xbf16>
    %dot_general3A_67 = arith.constant dense<0.000000e+00> : vector<1x64xf32>
    %dot_general3A_68 = tpu.matmul %convert_element_type3A_65, %convert_element_type3A_66, %dot_general3A_67 {dimension_numbers = #tpu.dot_dimension_numbers<[1], [0], [0], [1], [0, 0, 1, 1], [], []>, transpose_lhs_hint = false} : vector<1x197xbf16>, vector<197x64xbf16>, vector<1x64xf32> -> vector<1x64xf32>
    %slice3A_69 = vector.extract_strided_slice %dot_general3A_43 {offsets = [0, 64], sizes = [1, 64], strides = [1, 1]} : vector<1x512xf32> to vector<1x64xf32>
    %slice3A_70 = vector.extract_strided_slice %dot_general3A_37 {offsets = [0, 64], sizes = [197, 64], strides = [1, 1]} : vector<197x1024xf32> to vector<197x64xf32>
    %slice3A_71 = vector.extract_strided_slice %dot_general3A_37 {offsets = [0, 576], sizes = [197, 64], strides = [1, 1]} : vector<197x1024xf32> to vector<197x64xf32>
    %convert_element_type3A_72 = arith.truncf %slice3A_69 : vector<1x64xf32> to vector<1x64xbf16>
    %convert_element_type3A_73 = arith.truncf %slice3A_70 : vector<197x64xf32> to vector<197x64xbf16>
    %dot_general3A_74 = arith.constant dense<0.000000e+00> : vector<1x197xf32>
    %dot_general3A_75 = tpu.matmul %convert_element_type3A_72, %convert_element_type3A_73, %dot_general3A_74 {dimension_numbers = #tpu.dot_dimension_numbers<[1], [1], [0], [0], [0, 0, 1, 0], [], []>, transpose_lhs_hint = false} : vector<1x64xbf16>, vector<197x64xbf16>, vector<1x197xf32> -> vector<1x197xf32>
    %mul3A_76 = arith.constant 1.250000e-01 : f32
    %mul3A_77 = vector.broadcast %mul3A_76 : f32 to vector<1x197xf32>
    %mul3A_78 = arith.mulf %dot_general3A_75, %mul3A_77 : vector<1x197xf32>
    %reduce_max3A_79 = arith.constant dense<0xFF800000> : vector<1xf32>
    %reduce_max3A_80 = vector.multi_reduction <maximumf>, %mul3A_78, %reduce_max3A_79 [1] : vector<1x197xf32> to vector<1xf32>
    %max3A_81 = arith.constant 0xFF800000 : f32
    %max3A_82 = vector.broadcast %max3A_81 : f32 to vector<1xf32>
    %max3A_83 = arith.maximumf %max3A_82, %reduce_max3A_80 : vector<1xf32>
    %broadcast_in_dim3A_84 = vector.shape_cast %max3A_83 : vector<1xf32> to vector<1x1xf32>
    %sub3A_85 = vector.broadcast %broadcast_in_dim3A_84 : vector<1x1xf32> to vector<1x197xf32>
    %sub3A_86 = arith.subf %mul3A_78, %sub3A_85 : vector<1x197xf32>
    %exp3A_87 = math.exp %sub3A_86 : vector<1x197xf32>
    %reduce_sum3A_88 = arith.constant dense<0.000000e+00> : vector<1xf32>
    %reduce_sum3A_89 = vector.multi_reduction <add>, %exp3A_87, %reduce_sum3A_88 [1] : vector<1x197xf32> to vector<1xf32>
    %broadcast_in_dim3A_90 = vector.shape_cast %reduce_sum3A_89 : vector<1xf32> to vector<1x1xf32>
    %div3A_91 = vector.broadcast %broadcast_in_dim3A_90 : vector<1x1xf32> to vector<1x197xf32>
    %div3A_92 = arith.divf %exp3A_87, %div3A_91 : vector<1x197xf32>
    %convert_element_type3A_93 = arith.truncf %div3A_92 : vector<1x197xf32> to vector<1x197xbf16>
    %convert_element_type3A_94 = arith.truncf %slice3A_71 : vector<197x64xf32> to vector<197x64xbf16>
    %dot_general3A_95 = arith.constant dense<0.000000e+00> : vector<1x64xf32>
    %dot_general3A_96 = tpu.matmul %convert_element_type3A_93, %convert_element_type3A_94, %dot_general3A_95 {dimension_numbers = #tpu.dot_dimension_numbers<[1], [0], [0], [1], [0, 0, 1, 1], [], []>, transpose_lhs_hint = false} : vector<1x197xbf16>, vector<197x64xbf16>, vector<1x64xf32> -> vector<1x64xf32>
    %slice3A_97 = vector.extract_strided_slice %dot_general3A_43 {offsets = [0, 128], sizes = [1, 64], strides = [1, 1]} : vector<1x512xf32> to vector<1x64xf32>
    %slice3A_98 = vector.extract_strided_slice %dot_general3A_37 {offsets = [0, 128], sizes = [197, 64], strides = [1, 1]} : vector<197x1024xf32> to vector<197x64xf32>
    %slice3A_99 = vector.extract_strided_slice %dot_general3A_37 {offsets = [0, 640], sizes = [197, 64], strides = [1, 1]} : vector<197x1024xf32> to vector<197x64xf32>
    %convert_element_type3A_100 = arith.truncf %slice3A_97 : vector<1x64xf32> to vector<1x64xbf16>
    %convert_element_type3A_101 = arith.truncf %slice3A_98 : vector<197x64xf32> to vector<197x64xbf16>
    %dot_general3A_102 = arith.constant dense<0.000000e+00> : vector<1x197xf32>
    %dot_general3A_103 = tpu.matmul %convert_element_type3A_100, %convert_element_type3A_101, %dot_general3A_102 {dimension_numbers = #tpu.dot_dimension_numbers<[1], [1], [0], [0], [0, 0, 1, 0], [], []>, transpose_lhs_hint = false} : vector<1x64xbf16>, vector<197x64xbf16>, vector<1x197xf32> -> vector<1x197xf32>
    %mul3A_104 = arith.constant 1.250000e-01 : f32
    %mul3A_105 = vector.broadcast %mul3A_104 : f32 to vector<1x197xf32>
    %mul3A_106 = arith.mulf %dot_general3A_103, %mul3A_105 : vector<1x197xf32>
    %reduce_max3A_107 = arith.constant dense<0xFF800000> : vector<1xf32>
    %reduce_max3A_108 = vector.multi_reduction <maximumf>, %mul3A_106, %reduce_max3A_107 [1] : vector<1x197xf32> to vector<1xf32>
    %max3A_109 = arith.constant 0xFF800000 : f32
    %max3A_110 = vector.broadcast %max3A_109 : f32 to vector<1xf32>
    %max3A_111 = arith.maximumf %max3A_110, %reduce_max3A_108 : vector<1xf32>
    %broadcast_in_dim3A_112 = vector.shape_cast %max3A_111 : vector<1xf32> to vector<1x1xf32>
    %sub3A_113 = vector.broadcast %broadcast_in_dim3A_112 : vector<1x1xf32> to vector<1x197xf32>
    %sub3A_114 = arith.subf %mul3A_106, %sub3A_113 : vector<1x197xf32>
    %exp3A_115 = math.exp %sub3A_114 : vector<1x197xf32>
    %reduce_sum3A_116 = arith.constant dense<0.000000e+00> : vector<1xf32>
    %reduce_sum3A_117 = vector.multi_reduction <add>, %exp3A_115, %reduce_sum3A_116 [1] : vector<1x197xf32> to vector<1xf32>
    %broadcast_in_dim3A_118 = vector.shape_cast %reduce_sum3A_117 : vector<1xf32> to vector<1x1xf32>
    %div3A_119 = vector.broadcast %broadcast_in_dim3A_118 : vector<1x1xf32> to vector<1x197xf32>
    %div3A_120 = arith.divf %exp3A_115, %div3A_119 : vector<1x197xf32>
    %convert_element_type3A_121 = arith.truncf %div3A_120 : vector<1x197xf32> to vector<1x197xbf16>
    %convert_element_type3A_122 = arith.truncf %slice3A_99 : vector<197x64xf32> to vector<197x64xbf16>
    %dot_general3A_123 = arith.constant dense<0.000000e+00> : vector<1x64xf32>
    %dot_general3A_124 = tpu.matmul %convert_element_type3A_121, %convert_element_type3A_122, %dot_general3A_123 {dimension_numbers = #tpu.dot_dimension_numbers<[1], [0], [0], [1], [0, 0, 1, 1], [], []>, transpose_lhs_hint = false} : vector<1x197xbf16>, vector<197x64xbf16>, vector<1x64xf32> -> vector<1x64xf32>
    %slice3A_125 = vector.extract_strided_slice %dot_general3A_43 {offsets = [0, 192], sizes = [1, 64], strides = [1, 1]} : vector<1x512xf32> to vector<1x64xf32>
    %slice3A_126 = vector.extract_strided_slice %dot_general3A_37 {offsets = [0, 192], sizes = [197, 64], strides = [1, 1]} : vector<197x1024xf32> to vector<197x64xf32>
    %slice3A_127 = vector.extract_strided_slice %dot_general3A_37 {offsets = [0, 704], sizes = [197, 64], strides = [1, 1]} : vector<197x1024xf32> to vector<197x64xf32>
    %convert_element_type3A_128 = arith.truncf %slice3A_125 : vector<1x64xf32> to vector<1x64xbf16>
    %convert_element_type3A_129 = arith.truncf %slice3A_126 : vector<197x64xf32> to vector<197x64xbf16>
    %dot_general3A_130 = arith.constant dense<0.000000e+00> : vector<1x197xf32>
    %dot_general3A_131 = tpu.matmul %convert_element_type3A_128, %convert_element_type3A_129, %dot_general3A_130 {dimension_numbers = #tpu.dot_dimension_numbers<[1], [1], [0], [0], [0, 0, 1, 0], [], []>, transpose_lhs_hint = false} : vector<1x64xbf16>, vector<197x64xbf16>, vector<1x197xf32> -> vector<1x197xf32>
    %mul3A_132 = arith.constant 1.250000e-01 : f32
    %mul3A_133 = vector.broadcast %mul3A_132 : f32 to vector<1x197xf32>
    %mul3A_134 = arith.mulf %dot_general3A_131, %mul3A_133 : vector<1x197xf32>
    %reduce_max3A_135 = arith.constant dense<0xFF800000> : vector<1xf32>
    %reduce_max3A_136 = vector.multi_reduction <maximumf>, %mul3A_134, %reduce_max3A_135 [1] : vector<1x197xf32> to vector<1xf32>
    %max3A_137 = arith.constant 0xFF800000 : f32
    %max3A_138 = vector.broadcast %max3A_137 : f32 to vector<1xf32>
    %max3A_139 = arith.maximumf %max3A_138, %reduce_max3A_136 : vector<1xf32>
    %broadcast_in_dim3A_140 = vector.shape_cast %max3A_139 : vector<1xf32> to vector<1x1xf32>
    %sub3A_141 = vector.broadcast %broadcast_in_dim3A_140 : vector<1x1xf32> to vector<1x197xf32>
    %sub3A_142 = arith.subf %mul3A_134, %sub3A_141 : vector<1x197xf32>
    %exp3A_143 = math.exp %sub3A_142 : vector<1x197xf32>
    %reduce_sum3A_144 = arith.constant dense<0.000000e+00> : vector<1xf32>
    %reduce_sum3A_145 = vector.multi_reduction <add>, %exp3A_143, %reduce_sum3A_144 [1] : vector<1x197xf32> to vector<1xf32>
    %broadcast_in_dim3A_146 = vector.shape_cast %reduce_sum3A_145 : vector<1xf32> to vector<1x1xf32>
    %div3A_147 = vector.broadcast %broadcast_in_dim3A_146 : vector<1x1xf32> to vector<1x197xf32>
    %div3A_148 = arith.divf %exp3A_143, %div3A_147 : vector<1x197xf32>
    %convert_element_type3A_149 = arith.truncf %div3A_148 : vector<1x197xf32> to vector<1x197xbf16>
    %convert_element_type3A_150 = arith.truncf %slice3A_127 : vector<197x64xf32> to vector<197x64xbf16>
    %dot_general3A_151 = arith.constant dense<0.000000e+00> : vector<1x64xf32>
    %dot_general3A_152 = tpu.matmul %convert_element_type3A_149, %convert_element_type3A_150, %dot_general3A_151 {dimension_numbers = #tpu.dot_dimension_numbers<[1], [0], [0], [1], [0, 0, 1, 1], [], []>, transpose_lhs_hint = false} : vector<1x197xbf16>, vector<197x64xbf16>, vector<1x64xf32> -> vector<1x64xf32>
    %slice3A_153 = vector.extract_strided_slice %dot_general3A_43 {offsets = [0, 256], sizes = [1, 64], strides = [1, 1]} : vector<1x512xf32> to vector<1x64xf32>
    %slice3A_154 = vector.extract_strided_slice %dot_general3A_37 {offsets = [0, 256], sizes = [197, 64], strides = [1, 1]} : vector<197x1024xf32> to vector<197x64xf32>
    %slice3A_155 = vector.extract_strided_slice %dot_general3A_37 {offsets = [0, 768], sizes = [197, 64], strides = [1, 1]} : vector<197x1024xf32> to vector<197x64xf32>
    %convert_element_type3A_156 = arith.truncf %slice3A_153 : vector<1x64xf32> to vector<1x64xbf16>
    %convert_element_type3A_157 = arith.truncf %slice3A_154 : vector<197x64xf32> to vector<197x64xbf16>
    %dot_general3A_158 = arith.constant dense<0.000000e+00> : vector<1x197xf32>
    %dot_general3A_159 = tpu.matmul %convert_element_type3A_156, %convert_element_type3A_157, %dot_general3A_158 {dimension_numbers = #tpu.dot_dimension_numbers<[1], [1], [0], [0], [0, 0, 1, 0], [], []>, transpose_lhs_hint = false} : vector<1x64xbf16>, vector<197x64xbf16>, vector<1x197xf32> -> vector<1x197xf32>
    %mul3A_160 = arith.constant 1.250000e-01 : f32
    %mul3A_161 = vector.broadcast %mul3A_160 : f32 to vector<1x197xf32>
    %mul3A_162 = arith.mulf %dot_general3A_159, %mul3A_161 : vector<1x197xf32>
    %reduce_max3A_163 = arith.constant dense<0xFF800000> : vector<1xf32>
    %reduce_max3A_164 = vector.multi_reduction <maximumf>, %mul3A_162, %reduce_max3A_163 [1] : vector<1x197xf32> to vector<1xf32>
    %max3A_165 = arith.constant 0xFF800000 : f32
    %max3A_166 = vector.broadcast %max3A_165 : f32 to vector<1xf32>
    %max3A_167 = arith.maximumf %max3A_166, %reduce_max3A_164 : vector<1xf32>
    %broadcast_in_dim3A_168 = vector.shape_cast %max3A_167 : vector<1xf32> to vector<1x1xf32>
    %sub3A_169 = vector.broadcast %broadcast_in_dim3A_168 : vector<1x1xf32> to vector<1x197xf32>
    %sub3A_170 = arith.subf %mul3A_162, %sub3A_169 : vector<1x197xf32>
    %exp3A_171 = math.exp %sub3A_170 : vector<1x197xf32>
    %reduce_sum3A_172 = arith.constant dense<0.000000e+00> : vector<1xf32>
    %reduce_sum3A_173 = vector.multi_reduction <add>, %exp3A_171, %reduce_sum3A_172 [1] : vector<1x197xf32> to vector<1xf32>
    %broadcast_in_dim3A_174 = vector.shape_cast %reduce_sum3A_173 : vector<1xf32> to vector<1x1xf32>
    %div3A_175 = vector.broadcast %broadcast_in_dim3A_174 : vector<1x1xf32> to vector<1x197xf32>
    %div3A_176 = arith.divf %exp3A_171, %div3A_175 : vector<1x197xf32>
    %convert_element_type3A_177 = arith.truncf %div3A_176 : vector<1x197xf32> to vector<1x197xbf16>
    %convert_element_type3A_178 = arith.truncf %slice3A_155 : vector<197x64xf32> to vector<197x64xbf16>
    %dot_general3A_179 = arith.constant dense<0.000000e+00> : vector<1x64xf32>
    %dot_general3A_180 = tpu.matmul %convert_element_type3A_177, %convert_element_type3A_178, %dot_general3A_179 {dimension_numbers = #tpu.dot_dimension_numbers<[1], [0], [0], [1], [0, 0, 1, 1], [], []>, transpose_lhs_hint = false} : vector<1x197xbf16>, vector<197x64xbf16>, vector<1x64xf32> -> vector<1x64xf32>
    %slice3A_181 = vector.extract_strided_slice %dot_general3A_43 {offsets = [0, 320], sizes = [1, 64], strides = [1, 1]} : vector<1x512xf32> to vector<1x64xf32>
    %slice3A_182 = vector.extract_strided_slice %dot_general3A_37 {offsets = [0, 320], sizes = [197, 64], strides = [1, 1]} : vector<197x1024xf32> to vector<197x64xf32>
    %slice3A_183 = vector.extract_strided_slice %dot_general3A_37 {offsets = [0, 832], sizes = [197, 64], strides = [1, 1]} : vector<197x1024xf32> to vector<197x64xf32>
    %convert_element_type3A_184 = arith.truncf %slice3A_181 : vector<1x64xf32> to vector<1x64xbf16>
    %convert_element_type3A_185 = arith.truncf %slice3A_182 : vector<197x64xf32> to vector<197x64xbf16>
    %dot_general3A_186 = arith.constant dense<0.000000e+00> : vector<1x197xf32>
    %dot_general3A_187 = tpu.matmul %convert_element_type3A_184, %convert_element_type3A_185, %dot_general3A_186 {dimension_numbers = #tpu.dot_dimension_numbers<[1], [1], [0], [0], [0, 0, 1, 0], [], []>, transpose_lhs_hint = false} : vector<1x64xbf16>, vector<197x64xbf16>, vector<1x197xf32> -> vector<1x197xf32>
    %mul3A_188 = arith.constant 1.250000e-01 : f32
    %mul3A_189 = vector.broadcast %mul3A_188 : f32 to vector<1x197xf32>
    %mul3A_190 = arith.mulf %dot_general3A_187, %mul3A_189 : vector<1x197xf32>
    %reduce_max3A_191 = arith.constant dense<0xFF800000> : vector<1xf32>
    %reduce_max3A_192 = vector.multi_reduction <maximumf>, %mul3A_190, %reduce_max3A_191 [1] : vector<1x197xf32> to vector<1xf32>
    %max3A_193 = arith.constant 0xFF800000 : f32
    %max3A_194 = vector.broadcast %max3A_193 : f32 to vector<1xf32>
    %max3A_195 = arith.maximumf %max3A_194, %reduce_max3A_192 : vector<1xf32>
    %broadcast_in_dim3A_196 = vector.shape_cast %max3A_195 : vector<1xf32> to vector<1x1xf32>
    %sub3A_197 = vector.broadcast %broadcast_in_dim3A_196 : vector<1x1xf32> to vector<1x197xf32>
    %sub3A_198 = arith.subf %mul3A_190, %sub3A_197 : vector<1x197xf32>
    %exp3A_199 = math.exp %sub3A_198 : vector<1x197xf32>
    %reduce_sum3A_200 = arith.constant dense<0.000000e+00> : vector<1xf32>
    %reduce_sum3A_201 = vector.multi_reduction <add>, %exp3A_199, %reduce_sum3A_200 [1] : vector<1x197xf32> to vector<1xf32>
    %broadcast_in_dim3A_202 = vector.shape_cast %reduce_sum3A_201 : vector<1xf32> to vector<1x1xf32>
    %div3A_203 = vector.broadcast %broadcast_in_dim3A_202 : vector<1x1xf32> to vector<1x197xf32>
    %div3A_204 = arith.divf %exp3A_199, %div3A_203 : vector<1x197xf32>
    %convert_element_type3A_205 = arith.truncf %div3A_204 : vector<1x197xf32> to vector<1x197xbf16>
    %convert_element_type3A_206 = arith.truncf %slice3A_183 : vector<197x64xf32> to vector<197x64xbf16>
    %dot_general3A_207 = arith.constant dense<0.000000e+00> : vector<1x64xf32>
    %dot_general3A_208 = tpu.matmul %convert_element_type3A_205, %convert_element_type3A_206, %dot_general3A_207 {dimension_numbers = #tpu.dot_dimension_numbers<[1], [0], [0], [1], [0, 0, 1, 1], [], []>, transpose_lhs_hint = false} : vector<1x197xbf16>, vector<197x64xbf16>, vector<1x64xf32> -> vector<1x64xf32>
    %slice3A_209 = vector.extract_strided_slice %dot_general3A_43 {offsets = [0, 384], sizes = [1, 64], strides = [1, 1]} : vector<1x512xf32> to vector<1x64xf32>
    %slice3A_210 = vector.extract_strided_slice %dot_general3A_37 {offsets = [0, 384], sizes = [197, 64], strides = [1, 1]} : vector<197x1024xf32> to vector<197x64xf32>
    %slice3A_211 = vector.extract_strided_slice %dot_general3A_37 {offsets = [0, 896], sizes = [197, 64], strides = [1, 1]} : vector<197x1024xf32> to vector<197x64xf32>
    %convert_element_type3A_212 = arith.truncf %slice3A_209 : vector<1x64xf32> to vector<1x64xbf16>
    %convert_element_type3A_213 = arith.truncf %slice3A_210 : vector<197x64xf32> to vector<197x64xbf16>
    %dot_general3A_214 = arith.constant dense<0.000000e+00> : vector<1x197xf32>
    %dot_general3A_215 = tpu.matmul %convert_element_type3A_212, %convert_element_type3A_213, %dot_general3A_214 {dimension_numbers = #tpu.dot_dimension_numbers<[1], [1], [0], [0], [0, 0, 1, 0], [], []>, transpose_lhs_hint = false} : vector<1x64xbf16>, vector<197x64xbf16>, vector<1x197xf32> -> vector<1x197xf32>
    %mul3A_216 = arith.constant 1.250000e-01 : f32
    %mul3A_217 = vector.broadcast %mul3A_216 : f32 to vector<1x197xf32>
    %mul3A_218 = arith.mulf %dot_general3A_215, %mul3A_217 : vector<1x197xf32>
    %reduce_max3A_219 = arith.constant dense<0xFF800000> : vector<1xf32>
    %reduce_max3A_220 = vector.multi_reduction <maximumf>, %mul3A_218, %reduce_max3A_219 [1] : vector<1x197xf32> to vector<1xf32>
    %max3A_221 = arith.constant 0xFF800000 : f32
    %max3A_222 = vector.broadcast %max3A_221 : f32 to vector<1xf32>
    %max3A_223 = arith.maximumf %max3A_222, %reduce_max3A_220 : vector<1xf32>
    %broadcast_in_dim3A_224 = vector.shape_cast %max3A_223 : vector<1xf32> to vector<1x1xf32>
    %sub3A_225 = vector.broadcast %broadcast_in_dim3A_224 : vector<1x1xf32> to vector<1x197xf32>
    %sub3A_226 = arith.subf %mul3A_218, %sub3A_225 : vector<1x197xf32>
    %exp3A_227 = math.exp %sub3A_226 : vector<1x197xf32>
    %reduce_sum3A_228 = arith.constant dense<0.000000e+00> : vector<1xf32>
    %reduce_sum3A_229 = vector.multi_reduction <add>, %exp3A_227, %reduce_sum3A_228 [1] : vector<1x197xf32> to vector<1xf32>
    %broadcast_in_dim3A_230 = vector.shape_cast %reduce_sum3A_229 : vector<1xf32> to vector<1x1xf32>
    %div3A_231 = vector.broadcast %broadcast_in_dim3A_230 : vector<1x1xf32> to vector<1x197xf32>
    %div3A_232 = arith.divf %exp3A_227, %div3A_231 : vector<1x197xf32>
    %convert_element_type3A_233 = arith.truncf %div3A_232 : vector<1x197xf32> to vector<1x197xbf16>
    %convert_element_type3A_234 = arith.truncf %slice3A_211 : vector<197x64xf32> to vector<197x64xbf16>
    %dot_general3A_235 = arith.constant dense<0.000000e+00> : vector<1x64xf32>
    %dot_general3A_236 = tpu.matmul %convert_element_type3A_233, %convert_element_type3A_234, %dot_general3A_235 {dimension_numbers = #tpu.dot_dimension_numbers<[1], [0], [0], [1], [0, 0, 1, 1], [], []>, transpose_lhs_hint = false} : vector<1x197xbf16>, vector<197x64xbf16>, vector<1x64xf32> -> vector<1x64xf32>
    %slice3A_237 = vector.extract_strided_slice %dot_general3A_43 {offsets = [0, 448], sizes = [1, 64], strides = [1, 1]} : vector<1x512xf32> to vector<1x64xf32>
    %slice3A_238 = vector.extract_strided_slice %dot_general3A_37 {offsets = [0, 448], sizes = [197, 64], strides = [1, 1]} : vector<197x1024xf32> to vector<197x64xf32>
    %slice3A_239 = vector.extract_strided_slice %dot_general3A_37 {offsets = [0, 960], sizes = [197, 64], strides = [1, 1]} : vector<197x1024xf32> to vector<197x64xf32>
    %convert_element_type3A_240 = arith.truncf %slice3A_237 : vector<1x64xf32> to vector<1x64xbf16>
    %convert_element_type3A_241 = arith.truncf %slice3A_238 : vector<197x64xf32> to vector<197x64xbf16>
    %dot_general3A_242 = arith.constant dense<0.000000e+00> : vector<1x197xf32>
    %dot_general3A_243 = tpu.matmul %convert_element_type3A_240, %convert_element_type3A_241, %dot_general3A_242 {dimension_numbers = #tpu.dot_dimension_numbers<[1], [1], [0], [0], [0, 0, 1, 0], [], []>, transpose_lhs_hint = false} : vector<1x64xbf16>, vector<197x64xbf16>, vector<1x197xf32> -> vector<1x197xf32>
    %mul3A_244 = arith.constant 1.250000e-01 : f32
    %mul3A_245 = vector.broadcast %mul3A_244 : f32 to vector<1x197xf32>
    %mul3A_246 = arith.mulf %dot_general3A_243, %mul3A_245 : vector<1x197xf32>
    %reduce_max3A_247 = arith.constant dense<0xFF800000> : vector<1xf32>
    %reduce_max3A_248 = vector.multi_reduction <maximumf>, %mul3A_246, %reduce_max3A_247 [1] : vector<1x197xf32> to vector<1xf32>
    %max3A_249 = arith.constant 0xFF800000 : f32
    %max3A_250 = vector.broadcast %max3A_249 : f32 to vector<1xf32>
    %max3A_251 = arith.maximumf %max3A_250, %reduce_max3A_248 : vector<1xf32>
    %broadcast_in_dim3A_252 = vector.shape_cast %max3A_251 : vector<1xf32> to vector<1x1xf32>
    %sub3A_253 = vector.broadcast %broadcast_in_dim3A_252 : vector<1x1xf32> to vector<1x197xf32>
    %sub3A_254 = arith.subf %mul3A_246, %sub3A_253 : vector<1x197xf32>
    %exp3A_255 = math.exp %sub3A_254 : vector<1x197xf32>
    %reduce_sum3A_256 = arith.constant dense<0.000000e+00> : vector<1xf32>
    %reduce_sum3A_257 = vector.multi_reduction <add>, %exp3A_255, %reduce_sum3A_256 [1] : vector<1x197xf32> to vector<1xf32>
    %broadcast_in_dim3A_258 = vector.shape_cast %reduce_sum3A_257 : vector<1xf32> to vector<1x1xf32>
    %div3A_259 = vector.broadcast %broadcast_in_dim3A_258 : vector<1x1xf32> to vector<1x197xf32>
    %div3A_260 = arith.divf %exp3A_255, %div3A_259 : vector<1x197xf32>
    %convert_element_type3A_261 = arith.truncf %div3A_260 : vector<1x197xf32> to vector<1x197xbf16>
    %convert_element_type3A_262 = arith.truncf %slice3A_239 : vector<197x64xf32> to vector<197x64xbf16>
    %dot_general3A_263 = arith.constant dense<0.000000e+00> : vector<1x64xf32>
    %dot_general3A_264 = tpu.matmul %convert_element_type3A_261, %convert_element_type3A_262, %dot_general3A_263 {dimension_numbers = #tpu.dot_dimension_numbers<[1], [0], [0], [1], [0, 0, 1, 1], [], []>, transpose_lhs_hint = false} : vector<1x197xbf16>, vector<197x64xbf16>, vector<1x64xf32> -> vector<1x64xf32>
    %concatenate3A = tpu.concatenate %dot_general3A_68, %dot_general3A_96, %dot_general3A_124, %dot_general3A_152, %dot_general3A_180, %dot_general3A_208, %dot_general3A_236, %dot_general3A_264 in 1 : vector<1x64xf32>, vector<1x64xf32>, vector<1x64xf32>, vector<1x64xf32>, vector<1x64xf32>, vector<1x64xf32>, vector<1x64xf32>, vector<1x64xf32> -> vector<1x512xf32>
    %slice3A_265 = vector.extract_strided_slice %get3A_4 {offsets = [0, 0], sizes = [1, 512], strides = [1, 1]} : vector<197x512xf32> to vector<1x512xf32>
    %get3A_266 = arith.constant 0 : index
    %get3A_267 = arith.constant 0 : index
    %get3A_268 = vector.load %arg7[%get3A_266, %get3A_267] : memref<512x512xbf16, #tpu.memory_space<vmem>>, vector<512x512xbf16>
    %convert_element_type3A_269 = arith.truncf %concatenate3A : vector<1x512xf32> to vector<1x512xbf16>
    %dot_general3A_270 = arith.constant dense<0.000000e+00> : vector<1x512xf32>
    %dot_general3A_271 = tpu.matmul %convert_element_type3A_269, %get3A_268, %dot_general3A_270 {dimension_numbers = #tpu.dot_dimension_numbers<[1], [0], [0], [1], [0, 0, 1, 1], [], []>, transpose_lhs_hint = false} : vector<1x512xbf16>, vector<512x512xbf16>, vector<1x512xf32> -> vector<1x512xf32>
    %add3A_272 = arith.addf %slice3A_265, %dot_general3A_271 : vector<1x512xf32>
    %swap3A = arith.constant 0 : index
    %swap3A_273 = arith.constant 0 : index
    %swap3A_274 = arith.constant 0 : index
    %swap3A_275 = arith.constant 0 : index
    %swap3A_276 = vector.load %arg8[%swap3A, %swap3A_273, %swap3A_274, %swap3A_275] : memref<1x1x1x512xf32, #tpu.memory_space<vmem>>, vector<1x1x1x512xf32>
    %swap3A_277 = vector.shape_cast %swap3A_276 : vector<1x1x1x512xf32> to vector<1x512xf32>
    %swap3A_278 = vector.shape_cast %add3A_272 : vector<1x512xf32> to vector<1x1x1x512xf32>
    tpu.vector_store %arg8[%swap3A, %swap3A_273, %swap3A_274, %swap3A_275], %swap3A_278 {strides = array<i32>} : memref<1x1x1x512xf32, #tpu.memory_space<vmem>>, vector<1x1x1x512xf32>,
    return
  }
  func.func @transform_0(%arg0: i32, %arg1: i32) -> (i32, i32, i32, i32) {
    %c0_i32 = arith.constant 0 : i32
    %c0_i32_0 = arith.constant 0 : i32
    %c0_i32_1 = arith.constant 0 : i32
    return %arg0, %arg1, %c0_i32, %c0_i32_0 : i32, i32, i32, i32
  }
  func.func @transform_1(%arg0: i32, %arg1: i32) -> (i32, i32) {
    %c0_i32 = arith.constant 0 : i32
    %c0_i32_0 = arith.constant 0 : i32
    %c0_i32_1 = arith.constant 0 : i32
    return %c0_i32, %c0_i32_0 : i32, i32
  }
  func.func @transform_2(%arg0: i32, %arg1: i32) -> (i32, i32) {
    %c0_i32 = arith.constant 0 : i32
    %c0_i32_0 = arith.constant 0 : i32
    %c0_i32_1 = arith.constant 0 : i32
    return %c0_i32, %c0_i32_0 : i32, i32
  }
  func.func @transform_3(%arg0: i32, %arg1: i32) -> (i32, i32) {
    %c0_i32 = arith.constant 0 : i32
    %c0_i32_0 = arith.constant 0 : i32
    %c0_i32_1 = arith.constant 0 : i32
    return %c0_i32, %c0_i32_0 : i32, i32
  }
  func.func @transform_4(%arg0: i32, %arg1: i32) -> (i32, i32) {
    %c0_i32 = arith.constant 0 : i32
    %c0_i32_0 = arith.constant 0 : i32
    %c0_i32_1 = arith.constant 0 : i32
    return %c0_i32, %c0_i32_0 : i32, i32
  }
  func.func @transform_5(%arg0: i32, %arg1: i32) -> (i32, i32) {
    %c0_i32 = arith.constant 0 : i32
    %c0_i32_0 = arith.constant 0 : i32
    %c0_i32_1 = arith.constant 0 : i32
    return %c0_i32, %c0_i32_0 : i32, i32
  }
  func.func @transform_6(%arg0: i32, %arg1: i32) -> (i32, i32, i32, i32) {
    %c0_i32 = arith.constant 0 : i32
    %c0_i32_0 = arith.constant 0 : i32
    %c0_i32_1 = arith.constant 0 : i32
    return %arg0, %arg1, %c0_i32, %c0_i32_0 : i32, i32, i32, i32
  }
}

module attributes {stable_mosaic.version = 14 : i64} {
  func.func @_tail_body(%arg0: i32, %arg1: memref<4x8x1x512xf32, #tpu.memory_space<vmem>>, %arg2: memref<8x8xf32, #tpu.memory_space<vmem>>, %arg3: memref<1x512xf32, #tpu.memory_space<vmem>>, %arg4: memref<1x512xf32, #tpu.memory_space<vmem>>, %arg5: memref<512x1536xbf16, #tpu.memory_space<vmem>>, %arg6: memref<512x512xbf16, #tpu.memory_space<vmem>>, %arg7: memref<1x512xf32, #tpu.memory_space<vmem>>, %arg8: memref<1x512xf32, #tpu.memory_space<vmem>>, %arg9: memref<512x2048xbf16, #tpu.memory_space<vmem>>, %arg10: memref<1x2048xf32, #tpu.memory_space<vmem>>, %arg11: memref<2048x512xbf16, #tpu.memory_space<vmem>>, %arg12: memref<1x512xf32, #tpu.memory_space<vmem>>, %arg13: memref<512x32xbf16, #tpu.memory_space<vmem>>, %arg14: memref<1x32xf32, #tpu.memory_space<vmem>>, %arg15: memref<8192x32xf32, #tpu.memory_space<vmem>>, %arg16: memref<28x1xi32, #tpu.memory_space<vmem>>) attributes {dimension_semantics = [#tpu.dimension_semantics<arbitrary>], iteration_bounds = array<i64: 1>, scalar_prefetch = 0 : i64, scratch_operands = 0 : i64, tpu.core_type = #tpu.core_type<tc>, window_params = [{pipeline_mode = #tpu.pipeline_mode<synchronous>, transform_indices = @transform_0, window_bounds = array<i64: 4, 8, 1, 512>}, {pipeline_mode = #tpu.pipeline_mode<synchronous>, transform_indices = @transform_1, window_bounds = array<i64: 8, 8>}, {pipeline_mode = #tpu.pipeline_mode<synchronous>, transform_indices = @transform_2, window_bounds = array<i64: 1, 512>}, {pipeline_mode = #tpu.pipeline_mode<synchronous>, transform_indices = @transform_3, window_bounds = array<i64: 1, 512>}, {pipeline_mode = #tpu.pipeline_mode<synchronous>, transform_indices = @transform_4, window_bounds = array<i64: 512, 1536>}, {pipeline_mode = #tpu.pipeline_mode<synchronous>, transform_indices = @transform_5, window_bounds = array<i64: 512, 512>}, {pipeline_mode = #tpu.pipeline_mode<synchronous>, transform_indices = @transform_6, window_bounds = array<i64: 1, 512>}, {pipeline_mode = #tpu.pipeline_mode<synchronous>, transform_indices = @transform_7, window_bounds = array<i64: 1, 512>}, {pipeline_mode = #tpu.pipeline_mode<synchronous>, transform_indices = @transform_8, window_bounds = array<i64: 512, 2048>}, {pipeline_mode = #tpu.pipeline_mode<synchronous>, transform_indices = @transform_9, window_bounds = array<i64: 1, 2048>}, {pipeline_mode = #tpu.pipeline_mode<synchronous>, transform_indices = @transform_10, window_bounds = array<i64: 2048, 512>}, {pipeline_mode = #tpu.pipeline_mode<synchronous>, transform_indices = @transform_11, window_bounds = array<i64: 1, 512>}, {pipeline_mode = #tpu.pipeline_mode<synchronous>, transform_indices = @transform_12, window_bounds = array<i64: 512, 32>}, {pipeline_mode = #tpu.pipeline_mode<synchronous>, transform_indices = @transform_13, window_bounds = array<i64: 1, 32>}, {pipeline_mode = #tpu.pipeline_mode<synchronous>, transform_indices = @transform_14, window_bounds = array<i64: 8192, 32>}, {pipeline_mode = #tpu.pipeline_mode<synchronous>, transform_indices = @transform_15, window_bounds = array<i64: 28, 1>}]} {
    %get3A = arith.constant 0 : index
    %get3A_0 = arith.constant 0 : index
    %get3A_1 = arith.constant 0 : index
    %get3A_2 = arith.constant 0 : index
    %get3A_3 = vector.load %arg1[%get3A, %get3A_0, %get3A_1, %get3A_2] : memref<4x8x1x512xf32, #tpu.memory_space<vmem>>, vector<4x8x1x512xf32>
    %reshape3A = vector.shape_cast %get3A_3 : vector<4x8x1x512xf32> to vector<32x512xf32>
    %get3A_4 = arith.constant 0 : index
    %get3A_5 = arith.constant 0 : index
    %get3A_6 = vector.load %arg3[%get3A_4, %get3A_5] : memref<1x512xf32, #tpu.memory_space<vmem>>, vector<1x512xf32>
    %get3A_7 = vector.shape_cast %get3A_6 : vector<1x512xf32> to vector<512xf32>
    %get3A_8 = arith.constant 0 : index
    %get3A_9 = arith.constant 0 : index
    %get3A_10 = vector.load %arg4[%get3A_8, %get3A_9] : memref<1x512xf32, #tpu.memory_space<vmem>>, vector<1x512xf32>
    %get3A_11 = vector.shape_cast %get3A_10 : vector<1x512xf32> to vector<512xf32>
    %reduce_sum3A = arith.constant dense<0.000000e+00> : vector<32xf32>
    %reduce_sum3A_12 = vector.multi_reduction <add>, %reshape3A, %reduce_sum3A [1] : vector<32x512xf32> to vector<32xf32>
    %broadcast_in_dim3A = vector.shape_cast %reduce_sum3A_12 : vector<32xf32> to vector<32x1xf32>
    %div3A = arith.constant 5.120000e+02 : f32
    %div3A_13 = vector.broadcast %div3A : f32 to vector<32x1xf32>
    %div3A_14 = arith.divf %broadcast_in_dim3A, %div3A_13 : vector<32x1xf32>
    %sub3A = vector.broadcast %div3A_14 : vector<32x1xf32> to vector<32x512xf32>
    %sub3A_15 = arith.subf %reshape3A, %sub3A : vector<32x512xf32>
    %integer_pow3A = arith.mulf %sub3A_15, %sub3A_15 : vector<32x512xf32>
    %reduce_sum3A_16 = arith.constant dense<0.000000e+00> : vector<32xf32>
    %reduce_sum3A_17 = vector.multi_reduction <add>, %integer_pow3A, %reduce_sum3A_16 [1] : vector<32x512xf32> to vector<32xf32>
    %broadcast_in_dim3A_18 = vector.shape_cast %reduce_sum3A_17 : vector<32xf32> to vector<32x1xf32>
    %div3A_19 = arith.constant 5.120000e+02 : f32
    %div3A_20 = vector.broadcast %div3A_19 : f32 to vector<32x1xf32>
    %div3A_21 = arith.divf %broadcast_in_dim3A_18, %div3A_20 : vector<32x1xf32>
    %sub3A_22 = vector.broadcast %div3A_14 : vector<32x1xf32> to vector<32x512xf32>
    %sub3A_23 = arith.subf %reshape3A, %sub3A_22 : vector<32x512xf32>
    %add3A = arith.constant 9.99999997E-7 : f32
    %add3A_24 = vector.broadcast %add3A : f32 to vector<32x1xf32>
    %add3A_25 = arith.addf %div3A_21, %add3A_24 : vector<32x1xf32>
    %sqrt3A = math.sqrt %add3A_25 : vector<32x1xf32>
    %div3A_26 = vector.broadcast %sqrt3A : vector<32x1xf32> to vector<32x512xf32>
    %div3A_27 = arith.divf %sub3A_23, %div3A_26 : vector<32x512xf32>
    %broadcast_in_dim3A_28 = vector.shape_cast %get3A_7 : vector<512xf32> to vector<1x512xf32>
    %mul3A = vector.broadcast %broadcast_in_dim3A_28 : vector<1x512xf32> to vector<32x512xf32>
    %mul3A_29 = arith.mulf %div3A_27, %mul3A : vector<32x512xf32>
    %broadcast_in_dim3A_30 = vector.shape_cast %get3A_11 : vector<512xf32> to vector<1x512xf32>
    %add3A_31 = vector.broadcast %broadcast_in_dim3A_30 : vector<1x512xf32> to vector<32x512xf32>
    %add3A_32 = arith.addf %mul3A_29, %add3A_31 : vector<32x512xf32>
    %get3A_33 = arith.constant 0 : index
    %get3A_34 = arith.constant 0 : index
    %get3A_35 = vector.load %arg5[%get3A_33, %get3A_34] : memref<512x1536xbf16, #tpu.memory_space<vmem>>, vector<512x1536xbf16>
    %convert_element_type3A = arith.truncf %add3A_32 : vector<32x512xf32> to vector<32x512xbf16>
    %dot_general3A = arith.constant dense<0.000000e+00> : vector<32x1536xf32>
    %dot_general3A_36 = tpu.matmul %convert_element_type3A, %get3A_35, %dot_general3A {dimension_numbers = #tpu.dot_dimension_numbers<[1], [0], [0], [1], [0, 0, 1, 1], [], []>, transpose_lhs_hint = false} : vector<32x512xbf16>, vector<512x1536xbf16>, vector<32x1536xf32> -> vector<32x1536xf32>
    %get3A_37 = arith.constant 0 : index
    %get3A_38 = arith.constant 0 : index
    %get3A_39 = vector.load %arg2[%get3A_37, %get3A_38] : memref<8x8xf32, #tpu.memory_space<vmem>>, vector<8x8xf32>
    %slice3A = vector.extract_strided_slice %dot_general3A_36 {offsets = [0, 0], sizes = [8, 1536], strides = [1, 1]} : vector<32x1536xf32> to vector<8x1536xf32>
    %slice3A_40 = vector.extract_strided_slice %slice3A {offsets = [0, 0], sizes = [8, 64], strides = [1, 1]} : vector<8x1536xf32> to vector<8x64xf32>
    %slice3A_41 = vector.extract_strided_slice %slice3A {offsets = [0, 512], sizes = [8, 64], strides = [1, 1]} : vector<8x1536xf32> to vector<8x64xf32>
    %slice3A_42 = vector.extract_strided_slice %slice3A {offsets = [0, 1024], sizes = [8, 64], strides = [1, 1]} : vector<8x1536xf32> to vector<8x64xf32>
    %convert_element_type3A_43 = arith.truncf %slice3A_40 : vector<8x64xf32> to vector<8x64xbf16>
    %convert_element_type3A_44 = arith.truncf %slice3A_41 : vector<8x64xf32> to vector<8x64xbf16>
    %dot_general3A_45 = arith.constant dense<0.000000e+00> : vector<8x8xf32>
    %dot_general3A_46 = tpu.matmul %convert_element_type3A_43, %convert_element_type3A_44, %dot_general3A_45 {dimension_numbers = #tpu.dot_dimension_numbers<[1], [1], [0], [0], [0, 0, 1, 0], [], []>, transpose_lhs_hint = false} : vector<8x64xbf16>, vector<8x64xbf16>, vector<8x8xf32> -> vector<8x8xf32>
    %mul3A_47 = arith.constant 1.250000e-01 : f32
    %mul3A_48 = vector.broadcast %mul3A_47 : f32 to vector<8x8xf32>
    %mul3A_49 = arith.mulf %dot_general3A_46, %mul3A_48 : vector<8x8xf32>
    %add3A_50 = arith.addf %mul3A_49, %get3A_39 : vector<8x8xf32>
    %reduce_max3A = arith.constant dense<0xFF800000> : vector<8xf32>
    %reduce_max3A_51 = vector.multi_reduction <maximumf>, %add3A_50, %reduce_max3A [1] : vector<8x8xf32> to vector<8xf32>
    %max3A = arith.constant 0xFF800000 : f32
    %max3A_52 = vector.broadcast %max3A : f32 to vector<8xf32>
    %max3A_53 = arith.maximumf %max3A_52, %reduce_max3A_51 : vector<8xf32>
    %broadcast_in_dim3A_54 = vector.shape_cast %max3A_53 : vector<8xf32> to vector<8x1xf32>
    %sub3A_55 = vector.broadcast %broadcast_in_dim3A_54 : vector<8x1xf32> to vector<8x8xf32>
    %sub3A_56 = arith.subf %add3A_50, %sub3A_55 : vector<8x8xf32>
    %exp3A = math.exp %sub3A_56 : vector<8x8xf32>
    %reduce_sum3A_57 = arith.constant dense<0.000000e+00> : vector<8xf32>
    %reduce_sum3A_58 = vector.multi_reduction <add>, %exp3A, %reduce_sum3A_57 [1] : vector<8x8xf32> to vector<8xf32>
    %broadcast_in_dim3A_59 = vector.shape_cast %reduce_sum3A_58 : vector<8xf32> to vector<8x1xf32>
    %div3A_60 = vector.broadcast %broadcast_in_dim3A_59 : vector<8x1xf32> to vector<8x8xf32>
    %div3A_61 = arith.divf %exp3A, %div3A_60 : vector<8x8xf32>
    %convert_element_type3A_62 = arith.truncf %div3A_61 : vector<8x8xf32> to vector<8x8xbf16>
    %convert_element_type3A_63 = arith.truncf %slice3A_42 : vector<8x64xf32> to vector<8x64xbf16>
    %dot_general3A_64 = arith.constant dense<0.000000e+00> : vector<8x64xf32>
    %dot_general3A_65 = tpu.matmul %convert_element_type3A_62, %convert_element_type3A_63, %dot_general3A_64 {dimension_numbers = #tpu.dot_dimension_numbers<[1], [0], [0], [1], [0, 0, 1, 1], [], []>, transpose_lhs_hint = false} : vector<8x8xbf16>, vector<8x64xbf16>, vector<8x64xf32> -> vector<8x64xf32>
    %slice3A_66 = vector.extract_strided_slice %slice3A {offsets = [0, 64], sizes = [8, 64], strides = [1, 1]} : vector<8x1536xf32> to vector<8x64xf32>
    %slice3A_67 = vector.extract_strided_slice %slice3A {offsets = [0, 576], sizes = [8, 64], strides = [1, 1]} : vector<8x1536xf32> to vector<8x64xf32>
    %slice3A_68 = vector.extract_strided_slice %slice3A {offsets = [0, 1088], sizes = [8, 64], strides = [1, 1]} : vector<8x1536xf32> to vector<8x64xf32>
    %convert_element_type3A_69 = arith.truncf %slice3A_66 : vector<8x64xf32> to vector<8x64xbf16>
    %convert_element_type3A_70 = arith.truncf %slice3A_67 : vector<8x64xf32> to vector<8x64xbf16>
    %dot_general3A_71 = arith.constant dense<0.000000e+00> : vector<8x8xf32>
    %dot_general3A_72 = tpu.matmul %convert_element_type3A_69, %convert_element_type3A_70, %dot_general3A_71 {dimension_numbers = #tpu.dot_dimension_numbers<[1], [1], [0], [0], [0, 0, 1, 0], [], []>, transpose_lhs_hint = false} : vector<8x64xbf16>, vector<8x64xbf16>, vector<8x8xf32> -> vector<8x8xf32>
    %mul3A_73 = arith.constant 1.250000e-01 : f32
    %mul3A_74 = vector.broadcast %mul3A_73 : f32 to vector<8x8xf32>
    %mul3A_75 = arith.mulf %dot_general3A_72, %mul3A_74 : vector<8x8xf32>
    %add3A_76 = arith.addf %mul3A_75, %get3A_39 : vector<8x8xf32>
    %reduce_max3A_77 = arith.constant dense<0xFF800000> : vector<8xf32>
    %reduce_max3A_78 = vector.multi_reduction <maximumf>, %add3A_76, %reduce_max3A_77 [1] : vector<8x8xf32> to vector<8xf32>
    %max3A_79 = arith.constant 0xFF800000 : f32
    %max3A_80 = vector.broadcast %max3A_79 : f32 to vector<8xf32>
    %max3A_81 = arith.maximumf %max3A_80, %reduce_max3A_78 : vector<8xf32>
    %broadcast_in_dim3A_82 = vector.shape_cast %max3A_81 : vector<8xf32> to vector<8x1xf32>
    %sub3A_83 = vector.broadcast %broadcast_in_dim3A_82 : vector<8x1xf32> to vector<8x8xf32>
    %sub3A_84 = arith.subf %add3A_76, %sub3A_83 : vector<8x8xf32>
    %exp3A_85 = math.exp %sub3A_84 : vector<8x8xf32>
    %reduce_sum3A_86 = arith.constant dense<0.000000e+00> : vector<8xf32>
    %reduce_sum3A_87 = vector.multi_reduction <add>, %exp3A_85, %reduce_sum3A_86 [1] : vector<8x8xf32> to vector<8xf32>
    %broadcast_in_dim3A_88 = vector.shape_cast %reduce_sum3A_87 : vector<8xf32> to vector<8x1xf32>
    %div3A_89 = vector.broadcast %broadcast_in_dim3A_88 : vector<8x1xf32> to vector<8x8xf32>
    %div3A_90 = arith.divf %exp3A_85, %div3A_89 : vector<8x8xf32>
    %convert_element_type3A_91 = arith.truncf %div3A_90 : vector<8x8xf32> to vector<8x8xbf16>
    %convert_element_type3A_92 = arith.truncf %slice3A_68 : vector<8x64xf32> to vector<8x64xbf16>
    %dot_general3A_93 = arith.constant dense<0.000000e+00> : vector<8x64xf32>
    %dot_general3A_94 = tpu.matmul %convert_element_type3A_91, %convert_element_type3A_92, %dot_general3A_93 {dimension_numbers = #tpu.dot_dimension_numbers<[1], [0], [0], [1], [0, 0, 1, 1], [], []>, transpose_lhs_hint = false} : vector<8x8xbf16>, vector<8x64xbf16>, vector<8x64xf32> -> vector<8x64xf32>
    %slice3A_95 = vector.extract_strided_slice %slice3A {offsets = [0, 128], sizes = [8, 64], strides = [1, 1]} : vector<8x1536xf32> to vector<8x64xf32>
    %slice3A_96 = vector.extract_strided_slice %slice3A {offsets = [0, 640], sizes = [8, 64], strides = [1, 1]} : vector<8x1536xf32> to vector<8x64xf32>
    %slice3A_97 = vector.extract_strided_slice %slice3A {offsets = [0, 1152], sizes = [8, 64], strides = [1, 1]} : vector<8x1536xf32> to vector<8x64xf32>
    %convert_element_type3A_98 = arith.truncf %slice3A_95 : vector<8x64xf32> to vector<8x64xbf16>
    %convert_element_type3A_99 = arith.truncf %slice3A_96 : vector<8x64xf32> to vector<8x64xbf16>
    %dot_general3A_100 = arith.constant dense<0.000000e+00> : vector<8x8xf32>
    %dot_general3A_101 = tpu.matmul %convert_element_type3A_98, %convert_element_type3A_99, %dot_general3A_100 {dimension_numbers = #tpu.dot_dimension_numbers<[1], [1], [0], [0], [0, 0, 1, 0], [], []>, transpose_lhs_hint = false} : vector<8x64xbf16>, vector<8x64xbf16>, vector<8x8xf32> -> vector<8x8xf32>
    %mul3A_102 = arith.constant 1.250000e-01 : f32
    %mul3A_103 = vector.broadcast %mul3A_102 : f32 to vector<8x8xf32>
    %mul3A_104 = arith.mulf %dot_general3A_101, %mul3A_103 : vector<8x8xf32>
    %add3A_105 = arith.addf %mul3A_104, %get3A_39 : vector<8x8xf32>
    %reduce_max3A_106 = arith.constant dense<0xFF800000> : vector<8xf32>
    %reduce_max3A_107 = vector.multi_reduction <maximumf>, %add3A_105, %reduce_max3A_106 [1] : vector<8x8xf32> to vector<8xf32>
    %max3A_108 = arith.constant 0xFF800000 : f32
    %max3A_109 = vector.broadcast %max3A_108 : f32 to vector<8xf32>
    %max3A_110 = arith.maximumf %max3A_109, %reduce_max3A_107 : vector<8xf32>
    %broadcast_in_dim3A_111 = vector.shape_cast %max3A_110 : vector<8xf32> to vector<8x1xf32>
    %sub3A_112 = vector.broadcast %broadcast_in_dim3A_111 : vector<8x1xf32> to vector<8x8xf32>
    %sub3A_113 = arith.subf %add3A_105, %sub3A_112 : vector<8x8xf32>
    %exp3A_114 = math.exp %sub3A_113 : vector<8x8xf32>
    %reduce_sum3A_115 = arith.constant dense<0.000000e+00> : vector<8xf32>
    %reduce_sum3A_116 = vector.multi_reduction <add>, %exp3A_114, %reduce_sum3A_115 [1] : vector<8x8xf32> to vector<8xf32>
    %broadcast_in_dim3A_117 = vector.shape_cast %reduce_sum3A_116 : vector<8xf32> to vector<8x1xf32>
    %div3A_118 = vector.broadcast %broadcast_in_dim3A_117 : vector<8x1xf32> to vector<8x8xf32>
    %div3A_119 = arith.divf %exp3A_114, %div3A_118 : vector<8x8xf32>
    %convert_element_type3A_120 = arith.truncf %div3A_119 : vector<8x8xf32> to vector<8x8xbf16>
    %convert_element_type3A_121 = arith.truncf %slice3A_97 : vector<8x64xf32> to vector<8x64xbf16>
    %dot_general3A_122 = arith.constant dense<0.000000e+00> : vector<8x64xf32>
    %dot_general3A_123 = tpu.matmul %convert_element_type3A_120, %convert_element_type3A_121, %dot_general3A_122 {dimension_numbers = #tpu.dot_dimension_numbers<[1], [0], [0], [1], [0, 0, 1, 1], [], []>, transpose_lhs_hint = false} : vector<8x8xbf16>, vector<8x64xbf16>, vector<8x64xf32> -> vector<8x64xf32>
    %slice3A_124 = vector.extract_strided_slice %slice3A {offsets = [0, 192], sizes = [8, 64], strides = [1, 1]} : vector<8x1536xf32> to vector<8x64xf32>
    %slice3A_125 = vector.extract_strided_slice %slice3A {offsets = [0, 704], sizes = [8, 64], strides = [1, 1]} : vector<8x1536xf32> to vector<8x64xf32>
    %slice3A_126 = vector.extract_strided_slice %slice3A {offsets = [0, 1216], sizes = [8, 64], strides = [1, 1]} : vector<8x1536xf32> to vector<8x64xf32>
    %convert_element_type3A_127 = arith.truncf %slice3A_124 : vector<8x64xf32> to vector<8x64xbf16>
    %convert_element_type3A_128 = arith.truncf %slice3A_125 : vector<8x64xf32> to vector<8x64xbf16>
    %dot_general3A_129 = arith.constant dense<0.000000e+00> : vector<8x8xf32>
    %dot_general3A_130 = tpu.matmul %convert_element_type3A_127, %convert_element_type3A_128, %dot_general3A_129 {dimension_numbers = #tpu.dot_dimension_numbers<[1], [1], [0], [0], [0, 0, 1, 0], [], []>, transpose_lhs_hint = false} : vector<8x64xbf16>, vector<8x64xbf16>, vector<8x8xf32> -> vector<8x8xf32>
    %mul3A_131 = arith.constant 1.250000e-01 : f32
    %mul3A_132 = vector.broadcast %mul3A_131 : f32 to vector<8x8xf32>
    %mul3A_133 = arith.mulf %dot_general3A_130, %mul3A_132 : vector<8x8xf32>
    %add3A_134 = arith.addf %mul3A_133, %get3A_39 : vector<8x8xf32>
    %reduce_max3A_135 = arith.constant dense<0xFF800000> : vector<8xf32>
    %reduce_max3A_136 = vector.multi_reduction <maximumf>, %add3A_134, %reduce_max3A_135 [1] : vector<8x8xf32> to vector<8xf32>
    %max3A_137 = arith.constant 0xFF800000 : f32
    %max3A_138 = vector.broadcast %max3A_137 : f32 to vector<8xf32>
    %max3A_139 = arith.maximumf %max3A_138, %reduce_max3A_136 : vector<8xf32>
    %broadcast_in_dim3A_140 = vector.shape_cast %max3A_139 : vector<8xf32> to vector<8x1xf32>
    %sub3A_141 = vector.broadcast %broadcast_in_dim3A_140 : vector<8x1xf32> to vector<8x8xf32>
    %sub3A_142 = arith.subf %add3A_134, %sub3A_141 : vector<8x8xf32>
    %exp3A_143 = math.exp %sub3A_142 : vector<8x8xf32>
    %reduce_sum3A_144 = arith.constant dense<0.000000e+00> : vector<8xf32>
    %reduce_sum3A_145 = vector.multi_reduction <add>, %exp3A_143, %reduce_sum3A_144 [1] : vector<8x8xf32> to vector<8xf32>
    %broadcast_in_dim3A_146 = vector.shape_cast %reduce_sum3A_145 : vector<8xf32> to vector<8x1xf32>
    %div3A_147 = vector.broadcast %broadcast_in_dim3A_146 : vector<8x1xf32> to vector<8x8xf32>
    %div3A_148 = arith.divf %exp3A_143, %div3A_147 : vector<8x8xf32>
    %convert_element_type3A_149 = arith.truncf %div3A_148 : vector<8x8xf32> to vector<8x8xbf16>
    %convert_element_type3A_150 = arith.truncf %slice3A_126 : vector<8x64xf32> to vector<8x64xbf16>
    %dot_general3A_151 = arith.constant dense<0.000000e+00> : vector<8x64xf32>
    %dot_general3A_152 = tpu.matmul %convert_element_type3A_149, %convert_element_type3A_150, %dot_general3A_151 {dimension_numbers = #tpu.dot_dimension_numbers<[1], [0], [0], [1], [0, 0, 1, 1], [], []>, transpose_lhs_hint = false} : vector<8x8xbf16>, vector<8x64xbf16>, vector<8x64xf32> -> vector<8x64xf32>
    %slice3A_153 = vector.extract_strided_slice %slice3A {offsets = [0, 256], sizes = [8, 64], strides = [1, 1]} : vector<8x1536xf32> to vector<8x64xf32>
    %slice3A_154 = vector.extract_strided_slice %slice3A {offsets = [0, 768], sizes = [8, 64], strides = [1, 1]} : vector<8x1536xf32> to vector<8x64xf32>
    %slice3A_155 = vector.extract_strided_slice %slice3A {offsets = [0, 1280], sizes = [8, 64], strides = [1, 1]} : vector<8x1536xf32> to vector<8x64xf32>
    %convert_element_type3A_156 = arith.truncf %slice3A_153 : vector<8x64xf32> to vector<8x64xbf16>
    %convert_element_type3A_157 = arith.truncf %slice3A_154 : vector<8x64xf32> to vector<8x64xbf16>
    %dot_general3A_158 = arith.constant dense<0.000000e+00> : vector<8x8xf32>
    %dot_general3A_159 = tpu.matmul %convert_element_type3A_156, %convert_element_type3A_157, %dot_general3A_158 {dimension_numbers = #tpu.dot_dimension_numbers<[1], [1], [0], [0], [0, 0, 1, 0], [], []>, transpose_lhs_hint = false} : vector<8x64xbf16>, vector<8x64xbf16>, vector<8x8xf32> -> vector<8x8xf32>
    %mul3A_160 = arith.constant 1.250000e-01 : f32
    %mul3A_161 = vector.broadcast %mul3A_160 : f32 to vector<8x8xf32>
    %mul3A_162 = arith.mulf %dot_general3A_159, %mul3A_161 : vector<8x8xf32>
    %add3A_163 = arith.addf %mul3A_162, %get3A_39 : vector<8x8xf32>
    %reduce_max3A_164 = arith.constant dense<0xFF800000> : vector<8xf32>
    %reduce_max3A_165 = vector.multi_reduction <maximumf>, %add3A_163, %reduce_max3A_164 [1] : vector<8x8xf32> to vector<8xf32>
    %max3A_166 = arith.constant 0xFF800000 : f32
    %max3A_167 = vector.broadcast %max3A_166 : f32 to vector<8xf32>
    %max3A_168 = arith.maximumf %max3A_167, %reduce_max3A_165 : vector<8xf32>
    %broadcast_in_dim3A_169 = vector.shape_cast %max3A_168 : vector<8xf32> to vector<8x1xf32>
    %sub3A_170 = vector.broadcast %broadcast_in_dim3A_169 : vector<8x1xf32> to vector<8x8xf32>
    %sub3A_171 = arith.subf %add3A_163, %sub3A_170 : vector<8x8xf32>
    %exp3A_172 = math.exp %sub3A_171 : vector<8x8xf32>
    %reduce_sum3A_173 = arith.constant dense<0.000000e+00> : vector<8xf32>
    %reduce_sum3A_174 = vector.multi_reduction <add>, %exp3A_172, %reduce_sum3A_173 [1] : vector<8x8xf32> to vector<8xf32>
    %broadcast_in_dim3A_175 = vector.shape_cast %reduce_sum3A_174 : vector<8xf32> to vector<8x1xf32>
    %div3A_176 = vector.broadcast %broadcast_in_dim3A_175 : vector<8x1xf32> to vector<8x8xf32>
    %div3A_177 = arith.divf %exp3A_172, %div3A_176 : vector<8x8xf32>
    %convert_element_type3A_178 = arith.truncf %div3A_177 : vector<8x8xf32> to vector<8x8xbf16>
    %convert_element_type3A_179 = arith.truncf %slice3A_155 : vector<8x64xf32> to vector<8x64xbf16>
    %dot_general3A_180 = arith.constant dense<0.000000e+00> : vector<8x64xf32>
    %dot_general3A_181 = tpu.matmul %convert_element_type3A_178, %convert_element_type3A_179, %dot_general3A_180 {dimension_numbers = #tpu.dot_dimension_numbers<[1], [0], [0], [1], [0, 0, 1, 1], [], []>, transpose_lhs_hint = false} : vector<8x8xbf16>, vector<8x64xbf16>, vector<8x64xf32> -> vector<8x64xf32>
    %slice3A_182 = vector.extract_strided_slice %slice3A {offsets = [0, 320], sizes = [8, 64], strides = [1, 1]} : vector<8x1536xf32> to vector<8x64xf32>
    %slice3A_183 = vector.extract_strided_slice %slice3A {offsets = [0, 832], sizes = [8, 64], strides = [1, 1]} : vector<8x1536xf32> to vector<8x64xf32>
    %slice3A_184 = vector.extract_strided_slice %slice3A {offsets = [0, 1344], sizes = [8, 64], strides = [1, 1]} : vector<8x1536xf32> to vector<8x64xf32>
    %convert_element_type3A_185 = arith.truncf %slice3A_182 : vector<8x64xf32> to vector<8x64xbf16>
    %convert_element_type3A_186 = arith.truncf %slice3A_183 : vector<8x64xf32> to vector<8x64xbf16>
    %dot_general3A_187 = arith.constant dense<0.000000e+00> : vector<8x8xf32>
    %dot_general3A_188 = tpu.matmul %convert_element_type3A_185, %convert_element_type3A_186, %dot_general3A_187 {dimension_numbers = #tpu.dot_dimension_numbers<[1], [1], [0], [0], [0, 0, 1, 0], [], []>, transpose_lhs_hint = false} : vector<8x64xbf16>, vector<8x64xbf16>, vector<8x8xf32> -> vector<8x8xf32>
    %mul3A_189 = arith.constant 1.250000e-01 : f32
    %mul3A_190 = vector.broadcast %mul3A_189 : f32 to vector<8x8xf32>
    %mul3A_191 = arith.mulf %dot_general3A_188, %mul3A_190 : vector<8x8xf32>
    %add3A_192 = arith.addf %mul3A_191, %get3A_39 : vector<8x8xf32>
    %reduce_max3A_193 = arith.constant dense<0xFF800000> : vector<8xf32>
    %reduce_max3A_194 = vector.multi_reduction <maximumf>, %add3A_192, %reduce_max3A_193 [1] : vector<8x8xf32> to vector<8xf32>
    %max3A_195 = arith.constant 0xFF800000 : f32
    %max3A_196 = vector.broadcast %max3A_195 : f32 to vector<8xf32>
    %max3A_197 = arith.maximumf %max3A_196, %reduce_max3A_194 : vector<8xf32>
    %broadcast_in_dim3A_198 = vector.shape_cast %max3A_197 : vector<8xf32> to vector<8x1xf32>
    %sub3A_199 = vector.broadcast %broadcast_in_dim3A_198 : vector<8x1xf32> to vector<8x8xf32>
    %sub3A_200 = arith.subf %add3A_192, %sub3A_199 : vector<8x8xf32>
    %exp3A_201 = math.exp %sub3A_200 : vector<8x8xf32>
    %reduce_sum3A_202 = arith.constant dense<0.000000e+00> : vector<8xf32>
    %reduce_sum3A_203 = vector.multi_reduction <add>, %exp3A_201, %reduce_sum3A_202 [1] : vector<8x8xf32> to vector<8xf32>
    %broadcast_in_dim3A_204 = vector.shape_cast %reduce_sum3A_203 : vector<8xf32> to vector<8x1xf32>
    %div3A_205 = vector.broadcast %broadcast_in_dim3A_204 : vector<8x1xf32> to vector<8x8xf32>
    %div3A_206 = arith.divf %exp3A_201, %div3A_205 : vector<8x8xf32>
    %convert_element_type3A_207 = arith.truncf %div3A_206 : vector<8x8xf32> to vector<8x8xbf16>
    %convert_element_type3A_208 = arith.truncf %slice3A_184 : vector<8x64xf32> to vector<8x64xbf16>
    %dot_general3A_209 = arith.constant dense<0.000000e+00> : vector<8x64xf32>
    %dot_general3A_210 = tpu.matmul %convert_element_type3A_207, %convert_element_type3A_208, %dot_general3A_209 {dimension_numbers = #tpu.dot_dimension_numbers<[1], [0], [0], [1], [0, 0, 1, 1], [], []>, transpose_lhs_hint = false} : vector<8x8xbf16>, vector<8x64xbf16>, vector<8x64xf32> -> vector<8x64xf32>
    %slice3A_211 = vector.extract_strided_slice %slice3A {offsets = [0, 384], sizes = [8, 64], strides = [1, 1]} : vector<8x1536xf32> to vector<8x64xf32>
    %slice3A_212 = vector.extract_strided_slice %slice3A {offsets = [0, 896], sizes = [8, 64], strides = [1, 1]} : vector<8x1536xf32> to vector<8x64xf32>
    %slice3A_213 = vector.extract_strided_slice %slice3A {offsets = [0, 1408], sizes = [8, 64], strides = [1, 1]} : vector<8x1536xf32> to vector<8x64xf32>
    %convert_element_type3A_214 = arith.truncf %slice3A_211 : vector<8x64xf32> to vector<8x64xbf16>
    %convert_element_type3A_215 = arith.truncf %slice3A_212 : vector<8x64xf32> to vector<8x64xbf16>
    %dot_general3A_216 = arith.constant dense<0.000000e+00> : vector<8x8xf32>
    %dot_general3A_217 = tpu.matmul %convert_element_type3A_214, %convert_element_type3A_215, %dot_general3A_216 {dimension_numbers = #tpu.dot_dimension_numbers<[1], [1], [0], [0], [0, 0, 1, 0], [], []>, transpose_lhs_hint = false} : vector<8x64xbf16>, vector<8x64xbf16>, vector<8x8xf32> -> vector<8x8xf32>
    %mul3A_218 = arith.constant 1.250000e-01 : f32
    %mul3A_219 = vector.broadcast %mul3A_218 : f32 to vector<8x8xf32>
    %mul3A_220 = arith.mulf %dot_general3A_217, %mul3A_219 : vector<8x8xf32>
    %add3A_221 = arith.addf %mul3A_220, %get3A_39 : vector<8x8xf32>
    %reduce_max3A_222 = arith.constant dense<0xFF800000> : vector<8xf32>
    %reduce_max3A_223 = vector.multi_reduction <maximumf>, %add3A_221, %reduce_max3A_222 [1] : vector<8x8xf32> to vector<8xf32>
    %max3A_224 = arith.constant 0xFF800000 : f32
    %max3A_225 = vector.broadcast %max3A_224 : f32 to vector<8xf32>
    %max3A_226 = arith.maximumf %max3A_225, %reduce_max3A_223 : vector<8xf32>
    %broadcast_in_dim3A_227 = vector.shape_cast %max3A_226 : vector<8xf32> to vector<8x1xf32>
    %sub3A_228 = vector.broadcast %broadcast_in_dim3A_227 : vector<8x1xf32> to vector<8x8xf32>
    %sub3A_229 = arith.subf %add3A_221, %sub3A_228 : vector<8x8xf32>
    %exp3A_230 = math.exp %sub3A_229 : vector<8x8xf32>
    %reduce_sum3A_231 = arith.constant dense<0.000000e+00> : vector<8xf32>
    %reduce_sum3A_232 = vector.multi_reduction <add>, %exp3A_230, %reduce_sum3A_231 [1] : vector<8x8xf32> to vector<8xf32>
    %broadcast_in_dim3A_233 = vector.shape_cast %reduce_sum3A_232 : vector<8xf32> to vector<8x1xf32>
    %div3A_234 = vector.broadcast %broadcast_in_dim3A_233 : vector<8x1xf32> to vector<8x8xf32>
    %div3A_235 = arith.divf %exp3A_230, %div3A_234 : vector<8x8xf32>
    %convert_element_type3A_236 = arith.truncf %div3A_235 : vector<8x8xf32> to vector<8x8xbf16>
    %convert_element_type3A_237 = arith.truncf %slice3A_213 : vector<8x64xf32> to vector<8x64xbf16>
    %dot_general3A_238 = arith.constant dense<0.000000e+00> : vector<8x64xf32>
    %dot_general3A_239 = tpu.matmul %convert_element_type3A_236, %convert_element_type3A_237, %dot_general3A_238 {dimension_numbers = #tpu.dot_dimension_numbers<[1], [0], [0], [1], [0, 0, 1, 1], [], []>, transpose_lhs_hint = false} : vector<8x8xbf16>, vector<8x64xbf16>, vector<8x64xf32> -> vector<8x64xf32>
    %slice3A_240 = vector.extract_strided_slice %slice3A {offsets = [0, 448], sizes = [8, 64], strides = [1, 1]} : vector<8x1536xf32> to vector<8x64xf32>
    %slice3A_241 = vector.extract_strided_slice %slice3A {offsets = [0, 960], sizes = [8, 64], strides = [1, 1]} : vector<8x1536xf32> to vector<8x64xf32>
    %slice3A_242 = vector.extract_strided_slice %slice3A {offsets = [0, 1472], sizes = [8, 64], strides = [1, 1]} : vector<8x1536xf32> to vector<8x64xf32>
    %convert_element_type3A_243 = arith.truncf %slice3A_240 : vector<8x64xf32> to vector<8x64xbf16>
    %convert_element_type3A_244 = arith.truncf %slice3A_241 : vector<8x64xf32> to vector<8x64xbf16>
    %dot_general3A_245 = arith.constant dense<0.000000e+00> : vector<8x8xf32>
    %dot_general3A_246 = tpu.matmul %convert_element_type3A_243, %convert_element_type3A_244, %dot_general3A_245 {dimension_numbers = #tpu.dot_dimension_numbers<[1], [1], [0], [0], [0, 0, 1, 0], [], []>, transpose_lhs_hint = false} : vector<8x64xbf16>, vector<8x64xbf16>, vector<8x8xf32> -> vector<8x8xf32>
    %mul3A_247 = arith.constant 1.250000e-01 : f32
    %mul3A_248 = vector.broadcast %mul3A_247 : f32 to vector<8x8xf32>
    %mul3A_249 = arith.mulf %dot_general3A_246, %mul3A_248 : vector<8x8xf32>
    %add3A_250 = arith.addf %mul3A_249, %get3A_39 : vector<8x8xf32>
    %reduce_max3A_251 = arith.constant dense<0xFF800000> : vector<8xf32>
    %reduce_max3A_252 = vector.multi_reduction <maximumf>, %add3A_250, %reduce_max3A_251 [1] : vector<8x8xf32> to vector<8xf32>
    %max3A_253 = arith.constant 0xFF800000 : f32
    %max3A_254 = vector.broadcast %max3A_253 : f32 to vector<8xf32>
    %max3A_255 = arith.maximumf %max3A_254, %reduce_max3A_252 : vector<8xf32>
    %broadcast_in_dim3A_256 = vector.shape_cast %max3A_255 : vector<8xf32> to vector<8x1xf32>
    %sub3A_257 = vector.broadcast %broadcast_in_dim3A_256 : vector<8x1xf32> to vector<8x8xf32>
    %sub3A_258 = arith.subf %add3A_250, %sub3A_257 : vector<8x8xf32>
    %exp3A_259 = math.exp %sub3A_258 : vector<8x8xf32>
    %reduce_sum3A_260 = arith.constant dense<0.000000e+00> : vector<8xf32>
    %reduce_sum3A_261 = vector.multi_reduction <add>, %exp3A_259, %reduce_sum3A_260 [1] : vector<8x8xf32> to vector<8xf32>
    %broadcast_in_dim3A_262 = vector.shape_cast %reduce_sum3A_261 : vector<8xf32> to vector<8x1xf32>
    %div3A_263 = vector.broadcast %broadcast_in_dim3A_262 : vector<8x1xf32> to vector<8x8xf32>
    %div3A_264 = arith.divf %exp3A_259, %div3A_263 : vector<8x8xf32>
    %convert_element_type3A_265 = arith.truncf %div3A_264 : vector<8x8xf32> to vector<8x8xbf16>
    %convert_element_type3A_266 = arith.truncf %slice3A_242 : vector<8x64xf32> to vector<8x64xbf16>
    %dot_general3A_267 = arith.constant dense<0.000000e+00> : vector<8x64xf32>
    %dot_general3A_268 = tpu.matmul %convert_element_type3A_265, %convert_element_type3A_266, %dot_general3A_267 {dimension_numbers = #tpu.dot_dimension_numbers<[1], [0], [0], [1], [0, 0, 1, 1], [], []>, transpose_lhs_hint = false} : vector<8x8xbf16>, vector<8x64xbf16>, vector<8x64xf32> -> vector<8x64xf32>
    %concatenate3A = tpu.concatenate %dot_general3A_65, %dot_general3A_94, %dot_general3A_123, %dot_general3A_152, %dot_general3A_181, %dot_general3A_210, %dot_general3A_239, %dot_general3A_268 in 1 : vector<8x64xf32>, vector<8x64xf32>, vector<8x64xf32>, vector<8x64xf32>, vector<8x64xf32>, vector<8x64xf32>, vector<8x64xf32>, vector<8x64xf32> -> vector<8x512xf32>
    %slice3A_269 = vector.extract_strided_slice %dot_general3A_36 {offsets = [8, 0], sizes = [8, 1536], strides = [1, 1]} : vector<32x1536xf32> to vector<8x1536xf32>
    %slice3A_270 = vector.extract_strided_slice %slice3A_269 {offsets = [0, 0], sizes = [8, 64], strides = [1, 1]} : vector<8x1536xf32> to vector<8x64xf32>
    %slice3A_271 = vector.extract_strided_slice %slice3A_269 {offsets = [0, 512], sizes = [8, 64], strides = [1, 1]} : vector<8x1536xf32> to vector<8x64xf32>
    %slice3A_272 = vector.extract_strided_slice %slice3A_269 {offsets = [0, 1024], sizes = [8, 64], strides = [1, 1]} : vector<8x1536xf32> to vector<8x64xf32>
    %convert_element_type3A_273 = arith.truncf %slice3A_270 : vector<8x64xf32> to vector<8x64xbf16>
    %convert_element_type3A_274 = arith.truncf %slice3A_271 : vector<8x64xf32> to vector<8x64xbf16>
    %dot_general3A_275 = arith.constant dense<0.000000e+00> : vector<8x8xf32>
    %dot_general3A_276 = tpu.matmul %convert_element_type3A_273, %convert_element_type3A_274, %dot_general3A_275 {dimension_numbers = #tpu.dot_dimension_numbers<[1], [1], [0], [0], [0, 0, 1, 0], [], []>, transpose_lhs_hint = false} : vector<8x64xbf16>, vector<8x64xbf16>, vector<8x8xf32> -> vector<8x8xf32>
    %mul3A_277 = arith.constant 1.250000e-01 : f32
    %mul3A_278 = vector.broadcast %mul3A_277 : f32 to vector<8x8xf32>
    %mul3A_279 = arith.mulf %dot_general3A_276, %mul3A_278 : vector<8x8xf32>
    %add3A_280 = arith.addf %mul3A_279, %get3A_39 : vector<8x8xf32>
    %reduce_max3A_281 = arith.constant dense<0xFF800000> : vector<8xf32>
    %reduce_max3A_282 = vector.multi_reduction <maximumf>, %add3A_280, %reduce_max3A_281 [1] : vector<8x8xf32> to vector<8xf32>
    %max3A_283 = arith.constant 0xFF800000 : f32
    %max3A_284 = vector.broadcast %max3A_283 : f32 to vector<8xf32>
    %max3A_285 = arith.maximumf %max3A_284, %reduce_max3A_282 : vector<8xf32>
    %broadcast_in_dim3A_286 = vector.shape_cast %max3A_285 : vector<8xf32> to vector<8x1xf32>
    %sub3A_287 = vector.broadcast %broadcast_in_dim3A_286 : vector<8x1xf32> to vector<8x8xf32>
    %sub3A_288 = arith.subf %add3A_280, %sub3A_287 : vector<8x8xf32>
    %exp3A_289 = math.exp %sub3A_288 : vector<8x8xf32>
    %reduce_sum3A_290 = arith.constant dense<0.000000e+00> : vector<8xf32>
    %reduce_sum3A_291 = vector.multi_reduction <add>, %exp3A_289, %reduce_sum3A_290 [1] : vector<8x8xf32> to vector<8xf32>
    %broadcast_in_dim3A_292 = vector.shape_cast %reduce_sum3A_291 : vector<8xf32> to vector<8x1xf32>
    %div3A_293 = vector.broadcast %broadcast_in_dim3A_292 : vector<8x1xf32> to vector<8x8xf32>
    %div3A_294 = arith.divf %exp3A_289, %div3A_293 : vector<8x8xf32>
    %convert_element_type3A_295 = arith.truncf %div3A_294 : vector<8x8xf32> to vector<8x8xbf16>
    %convert_element_type3A_296 = arith.truncf %slice3A_272 : vector<8x64xf32> to vector<8x64xbf16>
    %dot_general3A_297 = arith.constant dense<0.000000e+00> : vector<8x64xf32>
    %dot_general3A_298 = tpu.matmul %convert_element_type3A_295, %convert_element_type3A_296, %dot_general3A_297 {dimension_numbers = #tpu.dot_dimension_numbers<[1], [0], [0], [1], [0, 0, 1, 1], [], []>, transpose_lhs_hint = false} : vector<8x8xbf16>, vector<8x64xbf16>, vector<8x64xf32> -> vector<8x64xf32>
    %slice3A_299 = vector.extract_strided_slice %slice3A_269 {offsets = [0, 64], sizes = [8, 64], strides = [1, 1]} : vector<8x1536xf32> to vector<8x64xf32>
    %slice3A_300 = vector.extract_strided_slice %slice3A_269 {offsets = [0, 576], sizes = [8, 64], strides = [1, 1]} : vector<8x1536xf32> to vector<8x64xf32>
    %slice3A_301 = vector.extract_strided_slice %slice3A_269 {offsets = [0, 1088], sizes = [8, 64], strides = [1, 1]} : vector<8x1536xf32> to vector<8x64xf32>
    %convert_element_type3A_302 = arith.truncf %slice3A_299 : vector<8x64xf32> to vector<8x64xbf16>
    %convert_element_type3A_303 = arith.truncf %slice3A_300 : vector<8x64xf32> to vector<8x64xbf16>
    %dot_general3A_304 = arith.constant dense<0.000000e+00> : vector<8x8xf32>
    %dot_general3A_305 = tpu.matmul %convert_element_type3A_302, %convert_element_type3A_303, %dot_general3A_304 {dimension_numbers = #tpu.dot_dimension_numbers<[1], [1], [0], [0], [0, 0, 1, 0], [], []>, transpose_lhs_hint = false} : vector<8x64xbf16>, vector<8x64xbf16>, vector<8x8xf32> -> vector<8x8xf32>
    %mul3A_306 = arith.constant 1.250000e-01 : f32
    %mul3A_307 = vector.broadcast %mul3A_306 : f32 to vector<8x8xf32>
    %mul3A_308 = arith.mulf %dot_general3A_305, %mul3A_307 : vector<8x8xf32>
    %add3A_309 = arith.addf %mul3A_308, %get3A_39 : vector<8x8xf32>
    %reduce_max3A_310 = arith.constant dense<0xFF800000> : vector<8xf32>
    %reduce_max3A_311 = vector.multi_reduction <maximumf>, %add3A_309, %reduce_max3A_310 [1] : vector<8x8xf32> to vector<8xf32>
    %max3A_312 = arith.constant 0xFF800000 : f32
    %max3A_313 = vector.broadcast %max3A_312 : f32 to vector<8xf32>
    %max3A_314 = arith.maximumf %max3A_313, %reduce_max3A_311 : vector<8xf32>
    %broadcast_in_dim3A_315 = vector.shape_cast %max3A_314 : vector<8xf32> to vector<8x1xf32>
    %sub3A_316 = vector.broadcast %broadcast_in_dim3A_315 : vector<8x1xf32> to vector<8x8xf32>
    %sub3A_317 = arith.subf %add3A_309, %sub3A_316 : vector<8x8xf32>
    %exp3A_318 = math.exp %sub3A_317 : vector<8x8xf32>
    %reduce_sum3A_319 = arith.constant dense<0.000000e+00> : vector<8xf32>
    %reduce_sum3A_320 = vector.multi_reduction <add>, %exp3A_318, %reduce_sum3A_319 [1] : vector<8x8xf32> to vector<8xf32>
    %broadcast_in_dim3A_321 = vector.shape_cast %reduce_sum3A_320 : vector<8xf32> to vector<8x1xf32>
    %div3A_322 = vector.broadcast %broadcast_in_dim3A_321 : vector<8x1xf32> to vector<8x8xf32>
    %div3A_323 = arith.divf %exp3A_318, %div3A_322 : vector<8x8xf32>
    %convert_element_type3A_324 = arith.truncf %div3A_323 : vector<8x8xf32> to vector<8x8xbf16>
    %convert_element_type3A_325 = arith.truncf %slice3A_301 : vector<8x64xf32> to vector<8x64xbf16>
    %dot_general3A_326 = arith.constant dense<0.000000e+00> : vector<8x64xf32>
    %dot_general3A_327 = tpu.matmul %convert_element_type3A_324, %convert_element_type3A_325, %dot_general3A_326 {dimension_numbers = #tpu.dot_dimension_numbers<[1], [0], [0], [1], [0, 0, 1, 1], [], []>, transpose_lhs_hint = false} : vector<8x8xbf16>, vector<8x64xbf16>, vector<8x64xf32> -> vector<8x64xf32>
    %slice3A_328 = vector.extract_strided_slice %slice3A_269 {offsets = [0, 128], sizes = [8, 64], strides = [1, 1]} : vector<8x1536xf32> to vector<8x64xf32>
    %slice3A_329 = vector.extract_strided_slice %slice3A_269 {offsets = [0, 640], sizes = [8, 64], strides = [1, 1]} : vector<8x1536xf32> to vector<8x64xf32>
    %slice3A_330 = vector.extract_strided_slice %slice3A_269 {offsets = [0, 1152], sizes = [8, 64], strides = [1, 1]} : vector<8x1536xf32> to vector<8x64xf32>
    %convert_element_type3A_331 = arith.truncf %slice3A_328 : vector<8x64xf32> to vector<8x64xbf16>
    %convert_element_type3A_332 = arith.truncf %slice3A_329 : vector<8x64xf32> to vector<8x64xbf16>
    %dot_general3A_333 = arith.constant dense<0.000000e+00> : vector<8x8xf32>
    %dot_general3A_334 = tpu.matmul %convert_element_type3A_331, %convert_element_type3A_332, %dot_general3A_333 {dimension_numbers = #tpu.dot_dimension_numbers<[1], [1], [0], [0], [0, 0, 1, 0], [], []>, transpose_lhs_hint = false} : vector<8x64xbf16>, vector<8x64xbf16>, vector<8x8xf32> -> vector<8x8xf32>
    %mul3A_335 = arith.constant 1.250000e-01 : f32
    %mul3A_336 = vector.broadcast %mul3A_335 : f32 to vector<8x8xf32>
    %mul3A_337 = arith.mulf %dot_general3A_334, %mul3A_336 : vector<8x8xf32>
    %add3A_338 = arith.addf %mul3A_337, %get3A_39 : vector<8x8xf32>
    %reduce_max3A_339 = arith.constant dense<0xFF800000> : vector<8xf32>
    %reduce_max3A_340 = vector.multi_reduction <maximumf>, %add3A_338, %reduce_max3A_339 [1] : vector<8x8xf32> to vector<8xf32>
    %max3A_341 = arith.constant 0xFF800000 : f32
    %max3A_342 = vector.broadcast %max3A_341 : f32 to vector<8xf32>
    %max3A_343 = arith.maximumf %max3A_342, %reduce_max3A_340 : vector<8xf32>
    %broadcast_in_dim3A_344 = vector.shape_cast %max3A_343 : vector<8xf32> to vector<8x1xf32>
    %sub3A_345 = vector.broadcast %broadcast_in_dim3A_344 : vector<8x1xf32> to vector<8x8xf32>
    %sub3A_346 = arith.subf %add3A_338, %sub3A_345 : vector<8x8xf32>
    %exp3A_347 = math.exp %sub3A_346 : vector<8x8xf32>
    %reduce_sum3A_348 = arith.constant dense<0.000000e+00> : vector<8xf32>
    %reduce_sum3A_349 = vector.multi_reduction <add>, %exp3A_347, %reduce_sum3A_348 [1] : vector<8x8xf32> to vector<8xf32>
    %broadcast_in_dim3A_350 = vector.shape_cast %reduce_sum3A_349 : vector<8xf32> to vector<8x1xf32>
    %div3A_351 = vector.broadcast %broadcast_in_dim3A_350 : vector<8x1xf32> to vector<8x8xf32>
    %div3A_352 = arith.divf %exp3A_347, %div3A_351 : vector<8x8xf32>
    %convert_element_type3A_353 = arith.truncf %div3A_352 : vector<8x8xf32> to vector<8x8xbf16>
    %convert_element_type3A_354 = arith.truncf %slice3A_330 : vector<8x64xf32> to vector<8x64xbf16>
    %dot_general3A_355 = arith.constant dense<0.000000e+00> : vector<8x64xf32>
    %dot_general3A_356 = tpu.matmul %convert_element_type3A_353, %convert_element_type3A_354, %dot_general3A_355 {dimension_numbers = #tpu.dot_dimension_numbers<[1], [0], [0], [1], [0, 0, 1, 1], [], []>, transpose_lhs_hint = false} : vector<8x8xbf16>, vector<8x64xbf16>, vector<8x64xf32> -> vector<8x64xf32>
    %slice3A_357 = vector.extract_strided_slice %slice3A_269 {offsets = [0, 192], sizes = [8, 64], strides = [1, 1]} : vector<8x1536xf32> to vector<8x64xf32>
    %slice3A_358 = vector.extract_strided_slice %slice3A_269 {offsets = [0, 704], sizes = [8, 64], strides = [1, 1]} : vector<8x1536xf32> to vector<8x64xf32>
    %slice3A_359 = vector.extract_strided_slice %slice3A_269 {offsets = [0, 1216], sizes = [8, 64], strides = [1, 1]} : vector<8x1536xf32> to vector<8x64xf32>
    %convert_element_type3A_360 = arith.truncf %slice3A_357 : vector<8x64xf32> to vector<8x64xbf16>
    %convert_element_type3A_361 = arith.truncf %slice3A_358 : vector<8x64xf32> to vector<8x64xbf16>
    %dot_general3A_362 = arith.constant dense<0.000000e+00> : vector<8x8xf32>
    %dot_general3A_363 = tpu.matmul %convert_element_type3A_360, %convert_element_type3A_361, %dot_general3A_362 {dimension_numbers = #tpu.dot_dimension_numbers<[1], [1], [0], [0], [0, 0, 1, 0], [], []>, transpose_lhs_hint = false} : vector<8x64xbf16>, vector<8x64xbf16>, vector<8x8xf32> -> vector<8x8xf32>
    %mul3A_364 = arith.constant 1.250000e-01 : f32
    %mul3A_365 = vector.broadcast %mul3A_364 : f32 to vector<8x8xf32>
    %mul3A_366 = arith.mulf %dot_general3A_363, %mul3A_365 : vector<8x8xf32>
    %add3A_367 = arith.addf %mul3A_366, %get3A_39 : vector<8x8xf32>
    %reduce_max3A_368 = arith.constant dense<0xFF800000> : vector<8xf32>
    %reduce_max3A_369 = vector.multi_reduction <maximumf>, %add3A_367, %reduce_max3A_368 [1] : vector<8x8xf32> to vector<8xf32>
    %max3A_370 = arith.constant 0xFF800000 : f32
    %max3A_371 = vector.broadcast %max3A_370 : f32 to vector<8xf32>
    %max3A_372 = arith.maximumf %max3A_371, %reduce_max3A_369 : vector<8xf32>
    %broadcast_in_dim3A_373 = vector.shape_cast %max3A_372 : vector<8xf32> to vector<8x1xf32>
    %sub3A_374 = vector.broadcast %broadcast_in_dim3A_373 : vector<8x1xf32> to vector<8x8xf32>
    %sub3A_375 = arith.subf %add3A_367, %sub3A_374 : vector<8x8xf32>
    %exp3A_376 = math.exp %sub3A_375 : vector<8x8xf32>
    %reduce_sum3A_377 = arith.constant dense<0.000000e+00> : vector<8xf32>
    %reduce_sum3A_378 = vector.multi_reduction <add>, %exp3A_376, %reduce_sum3A_377 [1] : vector<8x8xf32> to vector<8xf32>
    %broadcast_in_dim3A_379 = vector.shape_cast %reduce_sum3A_378 : vector<8xf32> to vector<8x1xf32>
    %div3A_380 = vector.broadcast %broadcast_in_dim3A_379 : vector<8x1xf32> to vector<8x8xf32>
    %div3A_381 = arith.divf %exp3A_376, %div3A_380 : vector<8x8xf32>
    %convert_element_type3A_382 = arith.truncf %div3A_381 : vector<8x8xf32> to vector<8x8xbf16>
    %convert_element_type3A_383 = arith.truncf %slice3A_359 : vector<8x64xf32> to vector<8x64xbf16>
    %dot_general3A_384 = arith.constant dense<0.000000e+00> : vector<8x64xf32>
    %dot_general3A_385 = tpu.matmul %convert_element_type3A_382, %convert_element_type3A_383, %dot_general3A_384 {dimension_numbers = #tpu.dot_dimension_numbers<[1], [0], [0], [1], [0, 0, 1, 1], [], []>, transpose_lhs_hint = false} : vector<8x8xbf16>, vector<8x64xbf16>, vector<8x64xf32> -> vector<8x64xf32>
    %slice3A_386 = vector.extract_strided_slice %slice3A_269 {offsets = [0, 256], sizes = [8, 64], strides = [1, 1]} : vector<8x1536xf32> to vector<8x64xf32>
    %slice3A_387 = vector.extract_strided_slice %slice3A_269 {offsets = [0, 768], sizes = [8, 64], strides = [1, 1]} : vector<8x1536xf32> to vector<8x64xf32>
    %slice3A_388 = vector.extract_strided_slice %slice3A_269 {offsets = [0, 1280], sizes = [8, 64], strides = [1, 1]} : vector<8x1536xf32> to vector<8x64xf32>
    %convert_element_type3A_389 = arith.truncf %slice3A_386 : vector<8x64xf32> to vector<8x64xbf16>
    %convert_element_type3A_390 = arith.truncf %slice3A_387 : vector<8x64xf32> to vector<8x64xbf16>
    %dot_general3A_391 = arith.constant dense<0.000000e+00> : vector<8x8xf32>
    %dot_general3A_392 = tpu.matmul %convert_element_type3A_389, %convert_element_type3A_390, %dot_general3A_391 {dimension_numbers = #tpu.dot_dimension_numbers<[1], [1], [0], [0], [0, 0, 1, 0], [], []>, transpose_lhs_hint = false} : vector<8x64xbf16>, vector<8x64xbf16>, vector<8x8xf32> -> vector<8x8xf32>
    %mul3A_393 = arith.constant 1.250000e-01 : f32
    %mul3A_394 = vector.broadcast %mul3A_393 : f32 to vector<8x8xf32>
    %mul3A_395 = arith.mulf %dot_general3A_392, %mul3A_394 : vector<8x8xf32>
    %add3A_396 = arith.addf %mul3A_395, %get3A_39 : vector<8x8xf32>
    %reduce_max3A_397 = arith.constant dense<0xFF800000> : vector<8xf32>
    %reduce_max3A_398 = vector.multi_reduction <maximumf>, %add3A_396, %reduce_max3A_397 [1] : vector<8x8xf32> to vector<8xf32>
    %max3A_399 = arith.constant 0xFF800000 : f32
    %max3A_400 = vector.broadcast %max3A_399 : f32 to vector<8xf32>
    %max3A_401 = arith.maximumf %max3A_400, %reduce_max3A_398 : vector<8xf32>
    %broadcast_in_dim3A_402 = vector.shape_cast %max3A_401 : vector<8xf32> to vector<8x1xf32>
    %sub3A_403 = vector.broadcast %broadcast_in_dim3A_402 : vector<8x1xf32> to vector<8x8xf32>
    %sub3A_404 = arith.subf %add3A_396, %sub3A_403 : vector<8x8xf32>
    %exp3A_405 = math.exp %sub3A_404 : vector<8x8xf32>
    %reduce_sum3A_406 = arith.constant dense<0.000000e+00> : vector<8xf32>
    %reduce_sum3A_407 = vector.multi_reduction <add>, %exp3A_405, %reduce_sum3A_406 [1] : vector<8x8xf32> to vector<8xf32>
    %broadcast_in_dim3A_408 = vector.shape_cast %reduce_sum3A_407 : vector<8xf32> to vector<8x1xf32>
    %div3A_409 = vector.broadcast %broadcast_in_dim3A_408 : vector<8x1xf32> to vector<8x8xf32>
    %div3A_410 = arith.divf %exp3A_405, %div3A_409 : vector<8x8xf32>
    %convert_element_type3A_411 = arith.truncf %div3A_410 : vector<8x8xf32> to vector<8x8xbf16>
    %convert_element_type3A_412 = arith.truncf %slice3A_388 : vector<8x64xf32> to vector<8x64xbf16>
    %dot_general3A_413 = arith.constant dense<0.000000e+00> : vector<8x64xf32>
    %dot_general3A_414 = tpu.matmul %convert_element_type3A_411, %convert_element_type3A_412, %dot_general3A_413 {dimension_numbers = #tpu.dot_dimension_numbers<[1], [0], [0], [1], [0, 0, 1, 1], [], []>, transpose_lhs_hint = false} : vector<8x8xbf16>, vector<8x64xbf16>, vector<8x64xf32> -> vector<8x64xf32>
    %slice3A_415 = vector.extract_strided_slice %slice3A_269 {offsets = [0, 320], sizes = [8, 64], strides = [1, 1]} : vector<8x1536xf32> to vector<8x64xf32>
    %slice3A_416 = vector.extract_strided_slice %slice3A_269 {offsets = [0, 832], sizes = [8, 64], strides = [1, 1]} : vector<8x1536xf32> to vector<8x64xf32>
    %slice3A_417 = vector.extract_strided_slice %slice3A_269 {offsets = [0, 1344], sizes = [8, 64], strides = [1, 1]} : vector<8x1536xf32> to vector<8x64xf32>
    %convert_element_type3A_418 = arith.truncf %slice3A_415 : vector<8x64xf32> to vector<8x64xbf16>
    %convert_element_type3A_419 = arith.truncf %slice3A_416 : vector<8x64xf32> to vector<8x64xbf16>
    %dot_general3A_420 = arith.constant dense<0.000000e+00> : vector<8x8xf32>
    %dot_general3A_421 = tpu.matmul %convert_element_type3A_418, %convert_element_type3A_419, %dot_general3A_420 {dimension_numbers = #tpu.dot_dimension_numbers<[1], [1], [0], [0], [0, 0, 1, 0], [], []>, transpose_lhs_hint = false} : vector<8x64xbf16>, vector<8x64xbf16>, vector<8x8xf32> -> vector<8x8xf32>
    %mul3A_422 = arith.constant 1.250000e-01 : f32
    %mul3A_423 = vector.broadcast %mul3A_422 : f32 to vector<8x8xf32>
    %mul3A_424 = arith.mulf %dot_general3A_421, %mul3A_423 : vector<8x8xf32>
    %add3A_425 = arith.addf %mul3A_424, %get3A_39 : vector<8x8xf32>
    %reduce_max3A_426 = arith.constant dense<0xFF800000> : vector<8xf32>
    %reduce_max3A_427 = vector.multi_reduction <maximumf>, %add3A_425, %reduce_max3A_426 [1] : vector<8x8xf32> to vector<8xf32>
    %max3A_428 = arith.constant 0xFF800000 : f32
    %max3A_429 = vector.broadcast %max3A_428 : f32 to vector<8xf32>
    %max3A_430 = arith.maximumf %max3A_429, %reduce_max3A_427 : vector<8xf32>
    %broadcast_in_dim3A_431 = vector.shape_cast %max3A_430 : vector<8xf32> to vector<8x1xf32>
    %sub3A_432 = vector.broadcast %broadcast_in_dim3A_431 : vector<8x1xf32> to vector<8x8xf32>
    %sub3A_433 = arith.subf %add3A_425, %sub3A_432 : vector<8x8xf32>
    %exp3A_434 = math.exp %sub3A_433 : vector<8x8xf32>
    %reduce_sum3A_435 = arith.constant dense<0.000000e+00> : vector<8xf32>
    %reduce_sum3A_436 = vector.multi_reduction <add>, %exp3A_434, %reduce_sum3A_435 [1] : vector<8x8xf32> to vector<8xf32>
    %broadcast_in_dim3A_437 = vector.shape_cast %reduce_sum3A_436 : vector<8xf32> to vector<8x1xf32>
    %div3A_438 = vector.broadcast %broadcast_in_dim3A_437 : vector<8x1xf32> to vector<8x8xf32>
    %div3A_439 = arith.divf %exp3A_434, %div3A_438 : vector<8x8xf32>
    %convert_element_type3A_440 = arith.truncf %div3A_439 : vector<8x8xf32> to vector<8x8xbf16>
    %convert_element_type3A_441 = arith.truncf %slice3A_417 : vector<8x64xf32> to vector<8x64xbf16>
    %dot_general3A_442 = arith.constant dense<0.000000e+00> : vector<8x64xf32>
    %dot_general3A_443 = tpu.matmul %convert_element_type3A_440, %convert_element_type3A_441, %dot_general3A_442 {dimension_numbers = #tpu.dot_dimension_numbers<[1], [0], [0], [1], [0, 0, 1, 1], [], []>, transpose_lhs_hint = false} : vector<8x8xbf16>, vector<8x64xbf16>, vector<8x64xf32> -> vector<8x64xf32>
    %slice3A_444 = vector.extract_strided_slice %slice3A_269 {offsets = [0, 384], sizes = [8, 64], strides = [1, 1]} : vector<8x1536xf32> to vector<8x64xf32>
    %slice3A_445 = vector.extract_strided_slice %slice3A_269 {offsets = [0, 896], sizes = [8, 64], strides = [1, 1]} : vector<8x1536xf32> to vector<8x64xf32>
    %slice3A_446 = vector.extract_strided_slice %slice3A_269 {offsets = [0, 1408], sizes = [8, 64], strides = [1, 1]} : vector<8x1536xf32> to vector<8x64xf32>
    %convert_element_type3A_447 = arith.truncf %slice3A_444 : vector<8x64xf32> to vector<8x64xbf16>
    %convert_element_type3A_448 = arith.truncf %slice3A_445 : vector<8x64xf32> to vector<8x64xbf16>
    %dot_general3A_449 = arith.constant dense<0.000000e+00> : vector<8x8xf32>
    %dot_general3A_450 = tpu.matmul %convert_element_type3A_447, %convert_element_type3A_448, %dot_general3A_449 {dimension_numbers = #tpu.dot_dimension_numbers<[1], [1], [0], [0], [0, 0, 1, 0], [], []>, transpose_lhs_hint = false} : vector<8x64xbf16>, vector<8x64xbf16>, vector<8x8xf32> -> vector<8x8xf32>
    %mul3A_451 = arith.constant 1.250000e-01 : f32
    %mul3A_452 = vector.broadcast %mul3A_451 : f32 to vector<8x8xf32>
    %mul3A_453 = arith.mulf %dot_general3A_450, %mul3A_452 : vector<8x8xf32>
    %add3A_454 = arith.addf %mul3A_453, %get3A_39 : vector<8x8xf32>
    %reduce_max3A_455 = arith.constant dense<0xFF800000> : vector<8xf32>
    %reduce_max3A_456 = vector.multi_reduction <maximumf>, %add3A_454, %reduce_max3A_455 [1] : vector<8x8xf32> to vector<8xf32>
    %max3A_457 = arith.constant 0xFF800000 : f32
    %max3A_458 = vector.broadcast %max3A_457 : f32 to vector<8xf32>
    %max3A_459 = arith.maximumf %max3A_458, %reduce_max3A_456 : vector<8xf32>
    %broadcast_in_dim3A_460 = vector.shape_cast %max3A_459 : vector<8xf32> to vector<8x1xf32>
    %sub3A_461 = vector.broadcast %broadcast_in_dim3A_460 : vector<8x1xf32> to vector<8x8xf32>
    %sub3A_462 = arith.subf %add3A_454, %sub3A_461 : vector<8x8xf32>
    %exp3A_463 = math.exp %sub3A_462 : vector<8x8xf32>
    %reduce_sum3A_464 = arith.constant dense<0.000000e+00> : vector<8xf32>
    %reduce_sum3A_465 = vector.multi_reduction <add>, %exp3A_463, %reduce_sum3A_464 [1] : vector<8x8xf32> to vector<8xf32>
    %broadcast_in_dim3A_466 = vector.shape_cast %reduce_sum3A_465 : vector<8xf32> to vector<8x1xf32>
    %div3A_467 = vector.broadcast %broadcast_in_dim3A_466 : vector<8x1xf32> to vector<8x8xf32>
    %div3A_468 = arith.divf %exp3A_463, %div3A_467 : vector<8x8xf32>
    %convert_element_type3A_469 = arith.truncf %div3A_468 : vector<8x8xf32> to vector<8x8xbf16>
    %convert_element_type3A_470 = arith.truncf %slice3A_446 : vector<8x64xf32> to vector<8x64xbf16>
    %dot_general3A_471 = arith.constant dense<0.000000e+00> : vector<8x64xf32>
    %dot_general3A_472 = tpu.matmul %convert_element_type3A_469, %convert_element_type3A_470, %dot_general3A_471 {dimension_numbers = #tpu.dot_dimension_numbers<[1], [0], [0], [1], [0, 0, 1, 1], [], []>, transpose_lhs_hint = false} : vector<8x8xbf16>, vector<8x64xbf16>, vector<8x64xf32> -> vector<8x64xf32>
    %slice3A_473 = vector.extract_strided_slice %slice3A_269 {offsets = [0, 448], sizes = [8, 64], strides = [1, 1]} : vector<8x1536xf32> to vector<8x64xf32>
    %slice3A_474 = vector.extract_strided_slice %slice3A_269 {offsets = [0, 960], sizes = [8, 64], strides = [1, 1]} : vector<8x1536xf32> to vector<8x64xf32>
    %slice3A_475 = vector.extract_strided_slice %slice3A_269 {offsets = [0, 1472], sizes = [8, 64], strides = [1, 1]} : vector<8x1536xf32> to vector<8x64xf32>
    %convert_element_type3A_476 = arith.truncf %slice3A_473 : vector<8x64xf32> to vector<8x64xbf16>
    %convert_element_type3A_477 = arith.truncf %slice3A_474 : vector<8x64xf32> to vector<8x64xbf16>
    %dot_general3A_478 = arith.constant dense<0.000000e+00> : vector<8x8xf32>
    %dot_general3A_479 = tpu.matmul %convert_element_type3A_476, %convert_element_type3A_477, %dot_general3A_478 {dimension_numbers = #tpu.dot_dimension_numbers<[1], [1], [0], [0], [0, 0, 1, 0], [], []>, transpose_lhs_hint = false} : vector<8x64xbf16>, vector<8x64xbf16>, vector<8x8xf32> -> vector<8x8xf32>
    %mul3A_480 = arith.constant 1.250000e-01 : f32
    %mul3A_481 = vector.broadcast %mul3A_480 : f32 to vector<8x8xf32>
    %mul3A_482 = arith.mulf %dot_general3A_479, %mul3A_481 : vector<8x8xf32>
    %add3A_483 = arith.addf %mul3A_482, %get3A_39 : vector<8x8xf32>
    %reduce_max3A_484 = arith.constant dense<0xFF800000> : vector<8xf32>
    %reduce_max3A_485 = vector.multi_reduction <maximumf>, %add3A_483, %reduce_max3A_484 [1] : vector<8x8xf32> to vector<8xf32>
    %max3A_486 = arith.constant 0xFF800000 : f32
    %max3A_487 = vector.broadcast %max3A_486 : f32 to vector<8xf32>
    %max3A_488 = arith.maximumf %max3A_487, %reduce_max3A_485 : vector<8xf32>
    %broadcast_in_dim3A_489 = vector.shape_cast %max3A_488 : vector<8xf32> to vector<8x1xf32>
    %sub3A_490 = vector.broadcast %broadcast_in_dim3A_489 : vector<8x1xf32> to vector<8x8xf32>
    %sub3A_491 = arith.subf %add3A_483, %sub3A_490 : vector<8x8xf32>
    %exp3A_492 = math.exp %sub3A_491 : vector<8x8xf32>
    %reduce_sum3A_493 = arith.constant dense<0.000000e+00> : vector<8xf32>
    %reduce_sum3A_494 = vector.multi_reduction <add>, %exp3A_492, %reduce_sum3A_493 [1] : vector<8x8xf32> to vector<8xf32>
    %broadcast_in_dim3A_495 = vector.shape_cast %reduce_sum3A_494 : vector<8xf32> to vector<8x1xf32>
    %div3A_496 = vector.broadcast %broadcast_in_dim3A_495 : vector<8x1xf32> to vector<8x8xf32>
    %div3A_497 = arith.divf %exp3A_492, %div3A_496 : vector<8x8xf32>
    %convert_element_type3A_498 = arith.truncf %div3A_497 : vector<8x8xf32> to vector<8x8xbf16>
    %convert_element_type3A_499 = arith.truncf %slice3A_475 : vector<8x64xf32> to vector<8x64xbf16>
    %dot_general3A_500 = arith.constant dense<0.000000e+00> : vector<8x64xf32>
    %dot_general3A_501 = tpu.matmul %convert_element_type3A_498, %convert_element_type3A_499, %dot_general3A_500 {dimension_numbers = #tpu.dot_dimension_numbers<[1], [0], [0], [1], [0, 0, 1, 1], [], []>, transpose_lhs_hint = false} : vector<8x8xbf16>, vector<8x64xbf16>, vector<8x64xf32> -> vector<8x64xf32>
    %concatenate3A_502 = tpu.concatenate %dot_general3A_298, %dot_general3A_327, %dot_general3A_356, %dot_general3A_385, %dot_general3A_414, %dot_general3A_443, %dot_general3A_472, %dot_general3A_501 in 1 : vector<8x64xf32>, vector<8x64xf32>, vector<8x64xf32>, vector<8x64xf32>, vector<8x64xf32>, vector<8x64xf32>, vector<8x64xf32>, vector<8x64xf32> -> vector<8x512xf32>
    %slice3A_503 = vector.extract_strided_slice %dot_general3A_36 {offsets = [16, 0], sizes = [8, 1536], strides = [1, 1]} : vector<32x1536xf32> to vector<8x1536xf32>
    %slice3A_504 = vector.extract_strided_slice %slice3A_503 {offsets = [0, 0], sizes = [8, 64], strides = [1, 1]} : vector<8x1536xf32> to vector<8x64xf32>
    %slice3A_505 = vector.extract_strided_slice %slice3A_503 {offsets = [0, 512], sizes = [8, 64], strides = [1, 1]} : vector<8x1536xf32> to vector<8x64xf32>
    %slice3A_506 = vector.extract_strided_slice %slice3A_503 {offsets = [0, 1024], sizes = [8, 64], strides = [1, 1]} : vector<8x1536xf32> to vector<8x64xf32>
    %convert_element_type3A_507 = arith.truncf %slice3A_504 : vector<8x64xf32> to vector<8x64xbf16>
    %convert_element_type3A_508 = arith.truncf %slice3A_505 : vector<8x64xf32> to vector<8x64xbf16>
    %dot_general3A_509 = arith.constant dense<0.000000e+00> : vector<8x8xf32>
    %dot_general3A_510 = tpu.matmul %convert_element_type3A_507, %convert_element_type3A_508, %dot_general3A_509 {dimension_numbers = #tpu.dot_dimension_numbers<[1], [1], [0], [0], [0, 0, 1, 0], [], []>, transpose_lhs_hint = false} : vector<8x64xbf16>, vector<8x64xbf16>, vector<8x8xf32> -> vector<8x8xf32>
    %mul3A_511 = arith.constant 1.250000e-01 : f32
    %mul3A_512 = vector.broadcast %mul3A_511 : f32 to vector<8x8xf32>
    %mul3A_513 = arith.mulf %dot_general3A_510, %mul3A_512 : vector<8x8xf32>
    %add3A_514 = arith.addf %mul3A_513, %get3A_39 : vector<8x8xf32>
    %reduce_max3A_515 = arith.constant dense<0xFF800000> : vector<8xf32>
    %reduce_max3A_516 = vector.multi_reduction <maximumf>, %add3A_514, %reduce_max3A_515 [1] : vector<8x8xf32> to vector<8xf32>
    %max3A_517 = arith.constant 0xFF800000 : f32
    %max3A_518 = vector.broadcast %max3A_517 : f32 to vector<8xf32>
    %max3A_519 = arith.maximumf %max3A_518, %reduce_max3A_516 : vector<8xf32>
    %broadcast_in_dim3A_520 = vector.shape_cast %max3A_519 : vector<8xf32> to vector<8x1xf32>
    %sub3A_521 = vector.broadcast %broadcast_in_dim3A_520 : vector<8x1xf32> to vector<8x8xf32>
    %sub3A_522 = arith.subf %add3A_514, %sub3A_521 : vector<8x8xf32>
    %exp3A_523 = math.exp %sub3A_522 : vector<8x8xf32>
    %reduce_sum3A_524 = arith.constant dense<0.000000e+00> : vector<8xf32>
    %reduce_sum3A_525 = vector.multi_reduction <add>, %exp3A_523, %reduce_sum3A_524 [1] : vector<8x8xf32> to vector<8xf32>
    %broadcast_in_dim3A_526 = vector.shape_cast %reduce_sum3A_525 : vector<8xf32> to vector<8x1xf32>
    %div3A_527 = vector.broadcast %broadcast_in_dim3A_526 : vector<8x1xf32> to vector<8x8xf32>
    %div3A_528 = arith.divf %exp3A_523, %div3A_527 : vector<8x8xf32>
    %convert_element_type3A_529 = arith.truncf %div3A_528 : vector<8x8xf32> to vector<8x8xbf16>
    %convert_element_type3A_530 = arith.truncf %slice3A_506 : vector<8x64xf32> to vector<8x64xbf16>
    %dot_general3A_531 = arith.constant dense<0.000000e+00> : vector<8x64xf32>
    %dot_general3A_532 = tpu.matmul %convert_element_type3A_529, %convert_element_type3A_530, %dot_general3A_531 {dimension_numbers = #tpu.dot_dimension_numbers<[1], [0], [0], [1], [0, 0, 1, 1], [], []>, transpose_lhs_hint = false} : vector<8x8xbf16>, vector<8x64xbf16>, vector<8x64xf32> -> vector<8x64xf32>
    %slice3A_533 = vector.extract_strided_slice %slice3A_503 {offsets = [0, 64], sizes = [8, 64], strides = [1, 1]} : vector<8x1536xf32> to vector<8x64xf32>
    %slice3A_534 = vector.extract_strided_slice %slice3A_503 {offsets = [0, 576], sizes = [8, 64], strides = [1, 1]} : vector<8x1536xf32> to vector<8x64xf32>
    %slice3A_535 = vector.extract_strided_slice %slice3A_503 {offsets = [0, 1088], sizes = [8, 64], strides = [1, 1]} : vector<8x1536xf32> to vector<8x64xf32>
    %convert_element_type3A_536 = arith.truncf %slice3A_533 : vector<8x64xf32> to vector<8x64xbf16>
    %convert_element_type3A_537 = arith.truncf %slice3A_534 : vector<8x64xf32> to vector<8x64xbf16>
    %dot_general3A_538 = arith.constant dense<0.000000e+00> : vector<8x8xf32>
    %dot_general3A_539 = tpu.matmul %convert_element_type3A_536, %convert_element_type3A_537, %dot_general3A_538 {dimension_numbers = #tpu.dot_dimension_numbers<[1], [1], [0], [0], [0, 0, 1, 0], [], []>, transpose_lhs_hint = false} : vector<8x64xbf16>, vector<8x64xbf16>, vector<8x8xf32> -> vector<8x8xf32>
    %mul3A_540 = arith.constant 1.250000e-01 : f32
    %mul3A_541 = vector.broadcast %mul3A_540 : f32 to vector<8x8xf32>
    %mul3A_542 = arith.mulf %dot_general3A_539, %mul3A_541 : vector<8x8xf32>
    %add3A_543 = arith.addf %mul3A_542, %get3A_39 : vector<8x8xf32>
    %reduce_max3A_544 = arith.constant dense<0xFF800000> : vector<8xf32>
    %reduce_max3A_545 = vector.multi_reduction <maximumf>, %add3A_543, %reduce_max3A_544 [1] : vector<8x8xf32> to vector<8xf32>
    %max3A_546 = arith.constant 0xFF800000 : f32
    %max3A_547 = vector.broadcast %max3A_546 : f32 to vector<8xf32>
    %max3A_548 = arith.maximumf %max3A_547, %reduce_max3A_545 : vector<8xf32>
    %broadcast_in_dim3A_549 = vector.shape_cast %max3A_548 : vector<8xf32> to vector<8x1xf32>
    %sub3A_550 = vector.broadcast %broadcast_in_dim3A_549 : vector<8x1xf32> to vector<8x8xf32>
    %sub3A_551 = arith.subf %add3A_543, %sub3A_550 : vector<8x8xf32>
    %exp3A_552 = math.exp %sub3A_551 : vector<8x8xf32>
    %reduce_sum3A_553 = arith.constant dense<0.000000e+00> : vector<8xf32>
    %reduce_sum3A_554 = vector.multi_reduction <add>, %exp3A_552, %reduce_sum3A_553 [1] : vector<8x8xf32> to vector<8xf32>
    %broadcast_in_dim3A_555 = vector.shape_cast %reduce_sum3A_554 : vector<8xf32> to vector<8x1xf32>
    %div3A_556 = vector.broadcast %broadcast_in_dim3A_555 : vector<8x1xf32> to vector<8x8xf32>
    %div3A_557 = arith.divf %exp3A_552, %div3A_556 : vector<8x8xf32>
    %convert_element_type3A_558 = arith.truncf %div3A_557 : vector<8x8xf32> to vector<8x8xbf16>
    %convert_element_type3A_559 = arith.truncf %slice3A_535 : vector<8x64xf32> to vector<8x64xbf16>
    %dot_general3A_560 = arith.constant dense<0.000000e+00> : vector<8x64xf32>
    %dot_general3A_561 = tpu.matmul %convert_element_type3A_558, %convert_element_type3A_559, %dot_general3A_560 {dimension_numbers = #tpu.dot_dimension_numbers<[1], [0], [0], [1], [0, 0, 1, 1], [], []>, transpose_lhs_hint = false} : vector<8x8xbf16>, vector<8x64xbf16>, vector<8x64xf32> -> vector<8x64xf32>
    %slice3A_562 = vector.extract_strided_slice %slice3A_503 {offsets = [0, 128], sizes = [8, 64], strides = [1, 1]} : vector<8x1536xf32> to vector<8x64xf32>
    %slice3A_563 = vector.extract_strided_slice %slice3A_503 {offsets = [0, 640], sizes = [8, 64], strides = [1, 1]} : vector<8x1536xf32> to vector<8x64xf32>
    %slice3A_564 = vector.extract_strided_slice %slice3A_503 {offsets = [0, 1152], sizes = [8, 64], strides = [1, 1]} : vector<8x1536xf32> to vector<8x64xf32>
    %convert_element_type3A_565 = arith.truncf %slice3A_562 : vector<8x64xf32> to vector<8x64xbf16>
    %convert_element_type3A_566 = arith.truncf %slice3A_563 : vector<8x64xf32> to vector<8x64xbf16>
    %dot_general3A_567 = arith.constant dense<0.000000e+00> : vector<8x8xf32>
    %dot_general3A_568 = tpu.matmul %convert_element_type3A_565, %convert_element_type3A_566, %dot_general3A_567 {dimension_numbers = #tpu.dot_dimension_numbers<[1], [1], [0], [0], [0, 0, 1, 0], [], []>, transpose_lhs_hint = false} : vector<8x64xbf16>, vector<8x64xbf16>, vector<8x8xf32> -> vector<8x8xf32>
    %mul3A_569 = arith.constant 1.250000e-01 : f32
    %mul3A_570 = vector.broadcast %mul3A_569 : f32 to vector<8x8xf32>
    %mul3A_571 = arith.mulf %dot_general3A_568, %mul3A_570 : vector<8x8xf32>
    %add3A_572 = arith.addf %mul3A_571, %get3A_39 : vector<8x8xf32>
    %reduce_max3A_573 = arith.constant dense<0xFF800000> : vector<8xf32>
    %reduce_max3A_574 = vector.multi_reduction <maximumf>, %add3A_572, %reduce_max3A_573 [1] : vector<8x8xf32> to vector<8xf32>
    %max3A_575 = arith.constant 0xFF800000 : f32
    %max3A_576 = vector.broadcast %max3A_575 : f32 to vector<8xf32>
    %max3A_577 = arith.maximumf %max3A_576, %reduce_max3A_574 : vector<8xf32>
    %broadcast_in_dim3A_578 = vector.shape_cast %max3A_577 : vector<8xf32> to vector<8x1xf32>
    %sub3A_579 = vector.broadcast %broadcast_in_dim3A_578 : vector<8x1xf32> to vector<8x8xf32>
    %sub3A_580 = arith.subf %add3A_572, %sub3A_579 : vector<8x8xf32>
    %exp3A_581 = math.exp %sub3A_580 : vector<8x8xf32>
    %reduce_sum3A_582 = arith.constant dense<0.000000e+00> : vector<8xf32>
    %reduce_sum3A_583 = vector.multi_reduction <add>, %exp3A_581, %reduce_sum3A_582 [1] : vector<8x8xf32> to vector<8xf32>
    %broadcast_in_dim3A_584 = vector.shape_cast %reduce_sum3A_583 : vector<8xf32> to vector<8x1xf32>
    %div3A_585 = vector.broadcast %broadcast_in_dim3A_584 : vector<8x1xf32> to vector<8x8xf32>
    %div3A_586 = arith.divf %exp3A_581, %div3A_585 : vector<8x8xf32>
    %convert_element_type3A_587 = arith.truncf %div3A_586 : vector<8x8xf32> to vector<8x8xbf16>
    %convert_element_type3A_588 = arith.truncf %slice3A_564 : vector<8x64xf32> to vector<8x64xbf16>
    %dot_general3A_589 = arith.constant dense<0.000000e+00> : vector<8x64xf32>
    %dot_general3A_590 = tpu.matmul %convert_element_type3A_587, %convert_element_type3A_588, %dot_general3A_589 {dimension_numbers = #tpu.dot_dimension_numbers<[1], [0], [0], [1], [0, 0, 1, 1], [], []>, transpose_lhs_hint = false} : vector<8x8xbf16>, vector<8x64xbf16>, vector<8x64xf32> -> vector<8x64xf32>
    %slice3A_591 = vector.extract_strided_slice %slice3A_503 {offsets = [0, 192], sizes = [8, 64], strides = [1, 1]} : vector<8x1536xf32> to vector<8x64xf32>
    %slice3A_592 = vector.extract_strided_slice %slice3A_503 {offsets = [0, 704], sizes = [8, 64], strides = [1, 1]} : vector<8x1536xf32> to vector<8x64xf32>
    %slice3A_593 = vector.extract_strided_slice %slice3A_503 {offsets = [0, 1216], sizes = [8, 64], strides = [1, 1]} : vector<8x1536xf32> to vector<8x64xf32>
    %convert_element_type3A_594 = arith.truncf %slice3A_591 : vector<8x64xf32> to vector<8x64xbf16>
    %convert_element_type3A_595 = arith.truncf %slice3A_592 : vector<8x64xf32> to vector<8x64xbf16>
    %dot_general3A_596 = arith.constant dense<0.000000e+00> : vector<8x8xf32>
    %dot_general3A_597 = tpu.matmul %convert_element_type3A_594, %convert_element_type3A_595, %dot_general3A_596 {dimension_numbers = #tpu.dot_dimension_numbers<[1], [1], [0], [0], [0, 0, 1, 0], [], []>, transpose_lhs_hint = false} : vector<8x64xbf16>, vector<8x64xbf16>, vector<8x8xf32> -> vector<8x8xf32>
    %mul3A_598 = arith.constant 1.250000e-01 : f32
    %mul3A_599 = vector.broadcast %mul3A_598 : f32 to vector<8x8xf32>
    %mul3A_600 = arith.mulf %dot_general3A_597, %mul3A_599 : vector<8x8xf32>
    %add3A_601 = arith.addf %mul3A_600, %get3A_39 : vector<8x8xf32>
    %reduce_max3A_602 = arith.constant dense<0xFF800000> : vector<8xf32>
    %reduce_max3A_603 = vector.multi_reduction <maximumf>, %add3A_601, %reduce_max3A_602 [1] : vector<8x8xf32> to vector<8xf32>
    %max3A_604 = arith.constant 0xFF800000 : f32
    %max3A_605 = vector.broadcast %max3A_604 : f32 to vector<8xf32>
    %max3A_606 = arith.maximumf %max3A_605, %reduce_max3A_603 : vector<8xf32>
    %broadcast_in_dim3A_607 = vector.shape_cast %max3A_606 : vector<8xf32> to vector<8x1xf32>
    %sub3A_608 = vector.broadcast %broadcast_in_dim3A_607 : vector<8x1xf32> to vector<8x8xf32>
    %sub3A_609 = arith.subf %add3A_601, %sub3A_608 : vector<8x8xf32>
    %exp3A_610 = math.exp %sub3A_609 : vector<8x8xf32>
    %reduce_sum3A_611 = arith.constant dense<0.000000e+00> : vector<8xf32>
    %reduce_sum3A_612 = vector.multi_reduction <add>, %exp3A_610, %reduce_sum3A_611 [1] : vector<8x8xf32> to vector<8xf32>
    %broadcast_in_dim3A_613 = vector.shape_cast %reduce_sum3A_612 : vector<8xf32> to vector<8x1xf32>
    %div3A_614 = vector.broadcast %broadcast_in_dim3A_613 : vector<8x1xf32> to vector<8x8xf32>
    %div3A_615 = arith.divf %exp3A_610, %div3A_614 : vector<8x8xf32>
    %convert_element_type3A_616 = arith.truncf %div3A_615 : vector<8x8xf32> to vector<8x8xbf16>
    %convert_element_type3A_617 = arith.truncf %slice3A_593 : vector<8x64xf32> to vector<8x64xbf16>
    %dot_general3A_618 = arith.constant dense<0.000000e+00> : vector<8x64xf32>
    %dot_general3A_619 = tpu.matmul %convert_element_type3A_616, %convert_element_type3A_617, %dot_general3A_618 {dimension_numbers = #tpu.dot_dimension_numbers<[1], [0], [0], [1], [0, 0, 1, 1], [], []>, transpose_lhs_hint = false} : vector<8x8xbf16>, vector<8x64xbf16>, vector<8x64xf32> -> vector<8x64xf32>
    %slice3A_620 = vector.extract_strided_slice %slice3A_503 {offsets = [0, 256], sizes = [8, 64], strides = [1, 1]} : vector<8x1536xf32> to vector<8x64xf32>
    %slice3A_621 = vector.extract_strided_slice %slice3A_503 {offsets = [0, 768], sizes = [8, 64], strides = [1, 1]} : vector<8x1536xf32> to vector<8x64xf32>
    %slice3A_622 = vector.extract_strided_slice %slice3A_503 {offsets = [0, 1280], sizes = [8, 64], strides = [1, 1]} : vector<8x1536xf32> to vector<8x64xf32>
    %convert_element_type3A_623 = arith.truncf %slice3A_620 : vector<8x64xf32> to vector<8x64xbf16>
    %convert_element_type3A_624 = arith.truncf %slice3A_621 : vector<8x64xf32> to vector<8x64xbf16>
    %dot_general3A_625 = arith.constant dense<0.000000e+00> : vector<8x8xf32>
    %dot_general3A_626 = tpu.matmul %convert_element_type3A_623, %convert_element_type3A_624, %dot_general3A_625 {dimension_numbers = #tpu.dot_dimension_numbers<[1], [1], [0], [0], [0, 0, 1, 0], [], []>, transpose_lhs_hint = false} : vector<8x64xbf16>, vector<8x64xbf16>, vector<8x8xf32> -> vector<8x8xf32>
    %mul3A_627 = arith.constant 1.250000e-01 : f32
    %mul3A_628 = vector.broadcast %mul3A_627 : f32 to vector<8x8xf32>
    %mul3A_629 = arith.mulf %dot_general3A_626, %mul3A_628 : vector<8x8xf32>
    %add3A_630 = arith.addf %mul3A_629, %get3A_39 : vector<8x8xf32>
    %reduce_max3A_631 = arith.constant dense<0xFF800000> : vector<8xf32>
    %reduce_max3A_632 = vector.multi_reduction <maximumf>, %add3A_630, %reduce_max3A_631 [1] : vector<8x8xf32> to vector<8xf32>
    %max3A_633 = arith.constant 0xFF800000 : f32
    %max3A_634 = vector.broadcast %max3A_633 : f32 to vector<8xf32>
    %max3A_635 = arith.maximumf %max3A_634, %reduce_max3A_632 : vector<8xf32>
    %broadcast_in_dim3A_636 = vector.shape_cast %max3A_635 : vector<8xf32> to vector<8x1xf32>
    %sub3A_637 = vector.broadcast %broadcast_in_dim3A_636 : vector<8x1xf32> to vector<8x8xf32>
    %sub3A_638 = arith.subf %add3A_630, %sub3A_637 : vector<8x8xf32>
    %exp3A_639 = math.exp %sub3A_638 : vector<8x8xf32>
    %reduce_sum3A_640 = arith.constant dense<0.000000e+00> : vector<8xf32>
    %reduce_sum3A_641 = vector.multi_reduction <add>, %exp3A_639, %reduce_sum3A_640 [1] : vector<8x8xf32> to vector<8xf32>
    %broadcast_in_dim3A_642 = vector.shape_cast %reduce_sum3A_641 : vector<8xf32> to vector<8x1xf32>
    %div3A_643 = vector.broadcast %broadcast_in_dim3A_642 : vector<8x1xf32> to vector<8x8xf32>
    %div3A_644 = arith.divf %exp3A_639, %div3A_643 : vector<8x8xf32>
    %convert_element_type3A_645 = arith.truncf %div3A_644 : vector<8x8xf32> to vector<8x8xbf16>
    %convert_element_type3A_646 = arith.truncf %slice3A_622 : vector<8x64xf32> to vector<8x64xbf16>
    %dot_general3A_647 = arith.constant dense<0.000000e+00> : vector<8x64xf32>
    %dot_general3A_648 = tpu.matmul %convert_element_type3A_645, %convert_element_type3A_646, %dot_general3A_647 {dimension_numbers = #tpu.dot_dimension_numbers<[1], [0], [0], [1], [0, 0, 1, 1], [], []>, transpose_lhs_hint = false} : vector<8x8xbf16>, vector<8x64xbf16>, vector<8x64xf32> -> vector<8x64xf32>
    %slice3A_649 = vector.extract_strided_slice %slice3A_503 {offsets = [0, 320], sizes = [8, 64], strides = [1, 1]} : vector<8x1536xf32> to vector<8x64xf32>
    %slice3A_650 = vector.extract_strided_slice %slice3A_503 {offsets = [0, 832], sizes = [8, 64], strides = [1, 1]} : vector<8x1536xf32> to vector<8x64xf32>
    %slice3A_651 = vector.extract_strided_slice %slice3A_503 {offsets = [0, 1344], sizes = [8, 64], strides = [1, 1]} : vector<8x1536xf32> to vector<8x64xf32>
    %convert_element_type3A_652 = arith.truncf %slice3A_649 : vector<8x64xf32> to vector<8x64xbf16>
    %convert_element_type3A_653 = arith.truncf %slice3A_650 : vector<8x64xf32> to vector<8x64xbf16>
    %dot_general3A_654 = arith.constant dense<0.000000e+00> : vector<8x8xf32>
    %dot_general3A_655 = tpu.matmul %convert_element_type3A_652, %convert_element_type3A_653, %dot_general3A_654 {dimension_numbers = #tpu.dot_dimension_numbers<[1], [1], [0], [0], [0, 0, 1, 0], [], []>, transpose_lhs_hint = false} : vector<8x64xbf16>, vector<8x64xbf16>, vector<8x8xf32> -> vector<8x8xf32>
    %mul3A_656 = arith.constant 1.250000e-01 : f32
    %mul3A_657 = vector.broadcast %mul3A_656 : f32 to vector<8x8xf32>
    %mul3A_658 = arith.mulf %dot_general3A_655, %mul3A_657 : vector<8x8xf32>
    %add3A_659 = arith.addf %mul3A_658, %get3A_39 : vector<8x8xf32>
    %reduce_max3A_660 = arith.constant dense<0xFF800000> : vector<8xf32>
    %reduce_max3A_661 = vector.multi_reduction <maximumf>, %add3A_659, %reduce_max3A_660 [1] : vector<8x8xf32> to vector<8xf32>
    %max3A_662 = arith.constant 0xFF800000 : f32
    %max3A_663 = vector.broadcast %max3A_662 : f32 to vector<8xf32>
    %max3A_664 = arith.maximumf %max3A_663, %reduce_max3A_661 : vector<8xf32>
    %broadcast_in_dim3A_665 = vector.shape_cast %max3A_664 : vector<8xf32> to vector<8x1xf32>
    %sub3A_666 = vector.broadcast %broadcast_in_dim3A_665 : vector<8x1xf32> to vector<8x8xf32>
    %sub3A_667 = arith.subf %add3A_659, %sub3A_666 : vector<8x8xf32>
    %exp3A_668 = math.exp %sub3A_667 : vector<8x8xf32>
    %reduce_sum3A_669 = arith.constant dense<0.000000e+00> : vector<8xf32>
    %reduce_sum3A_670 = vector.multi_reduction <add>, %exp3A_668, %reduce_sum3A_669 [1] : vector<8x8xf32> to vector<8xf32>
    %broadcast_in_dim3A_671 = vector.shape_cast %reduce_sum3A_670 : vector<8xf32> to vector<8x1xf32>
    %div3A_672 = vector.broadcast %broadcast_in_dim3A_671 : vector<8x1xf32> to vector<8x8xf32>
    %div3A_673 = arith.divf %exp3A_668, %div3A_672 : vector<8x8xf32>
    %convert_element_type3A_674 = arith.truncf %div3A_673 : vector<8x8xf32> to vector<8x8xbf16>
    %convert_element_type3A_675 = arith.truncf %slice3A_651 : vector<8x64xf32> to vector<8x64xbf16>
    %dot_general3A_676 = arith.constant dense<0.000000e+00> : vector<8x64xf32>
    %dot_general3A_677 = tpu.matmul %convert_element_type3A_674, %convert_element_type3A_675, %dot_general3A_676 {dimension_numbers = #tpu.dot_dimension_numbers<[1], [0], [0], [1], [0, 0, 1, 1], [], []>, transpose_lhs_hint = false} : vector<8x8xbf16>, vector<8x64xbf16>, vector<8x64xf32> -> vector<8x64xf32>
    %slice3A_678 = vector.extract_strided_slice %slice3A_503 {offsets = [0, 384], sizes = [8, 64], strides = [1, 1]} : vector<8x1536xf32> to vector<8x64xf32>
    %slice3A_679 = vector.extract_strided_slice %slice3A_503 {offsets = [0, 896], sizes = [8, 64], strides = [1, 1]} : vector<8x1536xf32> to vector<8x64xf32>
    %slice3A_680 = vector.extract_strided_slice %slice3A_503 {offsets = [0, 1408], sizes = [8, 64], strides = [1, 1]} : vector<8x1536xf32> to vector<8x64xf32>
    %convert_element_type3A_681 = arith.truncf %slice3A_678 : vector<8x64xf32> to vector<8x64xbf16>
    %convert_element_type3A_682 = arith.truncf %slice3A_679 : vector<8x64xf32> to vector<8x64xbf16>
    %dot_general3A_683 = arith.constant dense<0.000000e+00> : vector<8x8xf32>
    %dot_general3A_684 = tpu.matmul %convert_element_type3A_681, %convert_element_type3A_682, %dot_general3A_683 {dimension_numbers = #tpu.dot_dimension_numbers<[1], [1], [0], [0], [0, 0, 1, 0], [], []>, transpose_lhs_hint = false} : vector<8x64xbf16>, vector<8x64xbf16>, vector<8x8xf32> -> vector<8x8xf32>
    %mul3A_685 = arith.constant 1.250000e-01 : f32
    %mul3A_686 = vector.broadcast %mul3A_685 : f32 to vector<8x8xf32>
    %mul3A_687 = arith.mulf %dot_general3A_684, %mul3A_686 : vector<8x8xf32>
    %add3A_688 = arith.addf %mul3A_687, %get3A_39 : vector<8x8xf32>
    %reduce_max3A_689 = arith.constant dense<0xFF800000> : vector<8xf32>
    %reduce_max3A_690 = vector.multi_reduction <maximumf>, %add3A_688, %reduce_max3A_689 [1] : vector<8x8xf32> to vector<8xf32>
    %max3A_691 = arith.constant 0xFF800000 : f32
    %max3A_692 = vector.broadcast %max3A_691 : f32 to vector<8xf32>
    %max3A_693 = arith.maximumf %max3A_692, %reduce_max3A_690 : vector<8xf32>
    %broadcast_in_dim3A_694 = vector.shape_cast %max3A_693 : vector<8xf32> to vector<8x1xf32>
    %sub3A_695 = vector.broadcast %broadcast_in_dim3A_694 : vector<8x1xf32> to vector<8x8xf32>
    %sub3A_696 = arith.subf %add3A_688, %sub3A_695 : vector<8x8xf32>
    %exp3A_697 = math.exp %sub3A_696 : vector<8x8xf32>
    %reduce_sum3A_698 = arith.constant dense<0.000000e+00> : vector<8xf32>
    %reduce_sum3A_699 = vector.multi_reduction <add>, %exp3A_697, %reduce_sum3A_698 [1] : vector<8x8xf32> to vector<8xf32>
    %broadcast_in_dim3A_700 = vector.shape_cast %reduce_sum3A_699 : vector<8xf32> to vector<8x1xf32>
    %div3A_701 = vector.broadcast %broadcast_in_dim3A_700 : vector<8x1xf32> to vector<8x8xf32>
    %div3A_702 = arith.divf %exp3A_697, %div3A_701 : vector<8x8xf32>
    %convert_element_type3A_703 = arith.truncf %div3A_702 : vector<8x8xf32> to vector<8x8xbf16>
    %convert_element_type3A_704 = arith.truncf %slice3A_680 : vector<8x64xf32> to vector<8x64xbf16>
    %dot_general3A_705 = arith.constant dense<0.000000e+00> : vector<8x64xf32>
    %dot_general3A_706 = tpu.matmul %convert_element_type3A_703, %convert_element_type3A_704, %dot_general3A_705 {dimension_numbers = #tpu.dot_dimension_numbers<[1], [0], [0], [1], [0, 0, 1, 1], [], []>, transpose_lhs_hint = false} : vector<8x8xbf16>, vector<8x64xbf16>, vector<8x64xf32> -> vector<8x64xf32>
    %slice3A_707 = vector.extract_strided_slice %slice3A_503 {offsets = [0, 448], sizes = [8, 64], strides = [1, 1]} : vector<8x1536xf32> to vector<8x64xf32>
    %slice3A_708 = vector.extract_strided_slice %slice3A_503 {offsets = [0, 960], sizes = [8, 64], strides = [1, 1]} : vector<8x1536xf32> to vector<8x64xf32>
    %slice3A_709 = vector.extract_strided_slice %slice3A_503 {offsets = [0, 1472], sizes = [8, 64], strides = [1, 1]} : vector<8x1536xf32> to vector<8x64xf32>
    %convert_element_type3A_710 = arith.truncf %slice3A_707 : vector<8x64xf32> to vector<8x64xbf16>
    %convert_element_type3A_711 = arith.truncf %slice3A_708 : vector<8x64xf32> to vector<8x64xbf16>
    %dot_general3A_712 = arith.constant dense<0.000000e+00> : vector<8x8xf32>
    %dot_general3A_713 = tpu.matmul %convert_element_type3A_710, %convert_element_type3A_711, %dot_general3A_712 {dimension_numbers = #tpu.dot_dimension_numbers<[1], [1], [0], [0], [0, 0, 1, 0], [], []>, transpose_lhs_hint = false} : vector<8x64xbf16>, vector<8x64xbf16>, vector<8x8xf32> -> vector<8x8xf32>
    %mul3A_714 = arith.constant 1.250000e-01 : f32
    %mul3A_715 = vector.broadcast %mul3A_714 : f32 to vector<8x8xf32>
    %mul3A_716 = arith.mulf %dot_general3A_713, %mul3A_715 : vector<8x8xf32>
    %add3A_717 = arith.addf %mul3A_716, %get3A_39 : vector<8x8xf32>
    %reduce_max3A_718 = arith.constant dense<0xFF800000> : vector<8xf32>
    %reduce_max3A_719 = vector.multi_reduction <maximumf>, %add3A_717, %reduce_max3A_718 [1] : vector<8x8xf32> to vector<8xf32>
    %max3A_720 = arith.constant 0xFF800000 : f32
    %max3A_721 = vector.broadcast %max3A_720 : f32 to vector<8xf32>
    %max3A_722 = arith.maximumf %max3A_721, %reduce_max3A_719 : vector<8xf32>
    %broadcast_in_dim3A_723 = vector.shape_cast %max3A_722 : vector<8xf32> to vector<8x1xf32>
    %sub3A_724 = vector.broadcast %broadcast_in_dim3A_723 : vector<8x1xf32> to vector<8x8xf32>
    %sub3A_725 = arith.subf %add3A_717, %sub3A_724 : vector<8x8xf32>
    %exp3A_726 = math.exp %sub3A_725 : vector<8x8xf32>
    %reduce_sum3A_727 = arith.constant dense<0.000000e+00> : vector<8xf32>
    %reduce_sum3A_728 = vector.multi_reduction <add>, %exp3A_726, %reduce_sum3A_727 [1] : vector<8x8xf32> to vector<8xf32>
    %broadcast_in_dim3A_729 = vector.shape_cast %reduce_sum3A_728 : vector<8xf32> to vector<8x1xf32>
    %div3A_730 = vector.broadcast %broadcast_in_dim3A_729 : vector<8x1xf32> to vector<8x8xf32>
    %div3A_731 = arith.divf %exp3A_726, %div3A_730 : vector<8x8xf32>
    %convert_element_type3A_732 = arith.truncf %div3A_731 : vector<8x8xf32> to vector<8x8xbf16>
    %convert_element_type3A_733 = arith.truncf %slice3A_709 : vector<8x64xf32> to vector<8x64xbf16>
    %dot_general3A_734 = arith.constant dense<0.000000e+00> : vector<8x64xf32>
    %dot_general3A_735 = tpu.matmul %convert_element_type3A_732, %convert_element_type3A_733, %dot_general3A_734 {dimension_numbers = #tpu.dot_dimension_numbers<[1], [0], [0], [1], [0, 0, 1, 1], [], []>, transpose_lhs_hint = false} : vector<8x8xbf16>, vector<8x64xbf16>, vector<8x64xf32> -> vector<8x64xf32>
    %concatenate3A_736 = tpu.concatenate %dot_general3A_532, %dot_general3A_561, %dot_general3A_590, %dot_general3A_619, %dot_general3A_648, %dot_general3A_677, %dot_general3A_706, %dot_general3A_735 in 1 : vector<8x64xf32>, vector<8x64xf32>, vector<8x64xf32>, vector<8x64xf32>, vector<8x64xf32>, vector<8x64xf32>, vector<8x64xf32>, vector<8x64xf32> -> vector<8x512xf32>
    %slice3A_737 = vector.extract_strided_slice %dot_general3A_36 {offsets = [24, 0], sizes = [8, 1536], strides = [1, 1]} : vector<32x1536xf32> to vector<8x1536xf32>
    %slice3A_738 = vector.extract_strided_slice %slice3A_737 {offsets = [0, 0], sizes = [8, 64], strides = [1, 1]} : vector<8x1536xf32> to vector<8x64xf32>
    %slice3A_739 = vector.extract_strided_slice %slice3A_737 {offsets = [0, 512], sizes = [8, 64], strides = [1, 1]} : vector<8x1536xf32> to vector<8x64xf32>
    %slice3A_740 = vector.extract_strided_slice %slice3A_737 {offsets = [0, 1024], sizes = [8, 64], strides = [1, 1]} : vector<8x1536xf32> to vector<8x64xf32>
    %convert_element_type3A_741 = arith.truncf %slice3A_738 : vector<8x64xf32> to vector<8x64xbf16>
    %convert_element_type3A_742 = arith.truncf %slice3A_739 : vector<8x64xf32> to vector<8x64xbf16>
    %dot_general3A_743 = arith.constant dense<0.000000e+00> : vector<8x8xf32>
    %dot_general3A_744 = tpu.matmul %convert_element_type3A_741, %convert_element_type3A_742, %dot_general3A_743 {dimension_numbers = #tpu.dot_dimension_numbers<[1], [1], [0], [0], [0, 0, 1, 0], [], []>, transpose_lhs_hint = false} : vector<8x64xbf16>, vector<8x64xbf16>, vector<8x8xf32> -> vector<8x8xf32>
    %mul3A_745 = arith.constant 1.250000e-01 : f32
    %mul3A_746 = vector.broadcast %mul3A_745 : f32 to vector<8x8xf32>
    %mul3A_747 = arith.mulf %dot_general3A_744, %mul3A_746 : vector<8x8xf32>
    %add3A_748 = arith.addf %mul3A_747, %get3A_39 : vector<8x8xf32>
    %reduce_max3A_749 = arith.constant dense<0xFF800000> : vector<8xf32>
    %reduce_max3A_750 = vector.multi_reduction <maximumf>, %add3A_748, %reduce_max3A_749 [1] : vector<8x8xf32> to vector<8xf32>
    %max3A_751 = arith.constant 0xFF800000 : f32
    %max3A_752 = vector.broadcast %max3A_751 : f32 to vector<8xf32>
    %max3A_753 = arith.maximumf %max3A_752, %reduce_max3A_750 : vector<8xf32>
    %broadcast_in_dim3A_754 = vector.shape_cast %max3A_753 : vector<8xf32> to vector<8x1xf32>
    %sub3A_755 = vector.broadcast %broadcast_in_dim3A_754 : vector<8x1xf32> to vector<8x8xf32>
    %sub3A_756 = arith.subf %add3A_748, %sub3A_755 : vector<8x8xf32>
    %exp3A_757 = math.exp %sub3A_756 : vector<8x8xf32>
    %reduce_sum3A_758 = arith.constant dense<0.000000e+00> : vector<8xf32>
    %reduce_sum3A_759 = vector.multi_reduction <add>, %exp3A_757, %reduce_sum3A_758 [1] : vector<8x8xf32> to vector<8xf32>
    %broadcast_in_dim3A_760 = vector.shape_cast %reduce_sum3A_759 : vector<8xf32> to vector<8x1xf32>
    %div3A_761 = vector.broadcast %broadcast_in_dim3A_760 : vector<8x1xf32> to vector<8x8xf32>
    %div3A_762 = arith.divf %exp3A_757, %div3A_761 : vector<8x8xf32>
    %convert_element_type3A_763 = arith.truncf %div3A_762 : vector<8x8xf32> to vector<8x8xbf16>
    %convert_element_type3A_764 = arith.truncf %slice3A_740 : vector<8x64xf32> to vector<8x64xbf16>
    %dot_general3A_765 = arith.constant dense<0.000000e+00> : vector<8x64xf32>
    %dot_general3A_766 = tpu.matmul %convert_element_type3A_763, %convert_element_type3A_764, %dot_general3A_765 {dimension_numbers = #tpu.dot_dimension_numbers<[1], [0], [0], [1], [0, 0, 1, 1], [], []>, transpose_lhs_hint = false} : vector<8x8xbf16>, vector<8x64xbf16>, vector<8x64xf32> -> vector<8x64xf32>
    %slice3A_767 = vector.extract_strided_slice %slice3A_737 {offsets = [0, 64], sizes = [8, 64], strides = [1, 1]} : vector<8x1536xf32> to vector<8x64xf32>
    %slice3A_768 = vector.extract_strided_slice %slice3A_737 {offsets = [0, 576], sizes = [8, 64], strides = [1, 1]} : vector<8x1536xf32> to vector<8x64xf32>
    %slice3A_769 = vector.extract_strided_slice %slice3A_737 {offsets = [0, 1088], sizes = [8, 64], strides = [1, 1]} : vector<8x1536xf32> to vector<8x64xf32>
    %convert_element_type3A_770 = arith.truncf %slice3A_767 : vector<8x64xf32> to vector<8x64xbf16>
    %convert_element_type3A_771 = arith.truncf %slice3A_768 : vector<8x64xf32> to vector<8x64xbf16>
    %dot_general3A_772 = arith.constant dense<0.000000e+00> : vector<8x8xf32>
    %dot_general3A_773 = tpu.matmul %convert_element_type3A_770, %convert_element_type3A_771, %dot_general3A_772 {dimension_numbers = #tpu.dot_dimension_numbers<[1], [1], [0], [0], [0, 0, 1, 0], [], []>, transpose_lhs_hint = false} : vector<8x64xbf16>, vector<8x64xbf16>, vector<8x8xf32> -> vector<8x8xf32>
    %mul3A_774 = arith.constant 1.250000e-01 : f32
    %mul3A_775 = vector.broadcast %mul3A_774 : f32 to vector<8x8xf32>
    %mul3A_776 = arith.mulf %dot_general3A_773, %mul3A_775 : vector<8x8xf32>
    %add3A_777 = arith.addf %mul3A_776, %get3A_39 : vector<8x8xf32>
    %reduce_max3A_778 = arith.constant dense<0xFF800000> : vector<8xf32>
    %reduce_max3A_779 = vector.multi_reduction <maximumf>, %add3A_777, %reduce_max3A_778 [1] : vector<8x8xf32> to vector<8xf32>
    %max3A_780 = arith.constant 0xFF800000 : f32
    %max3A_781 = vector.broadcast %max3A_780 : f32 to vector<8xf32>
    %max3A_782 = arith.maximumf %max3A_781, %reduce_max3A_779 : vector<8xf32>
    %broadcast_in_dim3A_783 = vector.shape_cast %max3A_782 : vector<8xf32> to vector<8x1xf32>
    %sub3A_784 = vector.broadcast %broadcast_in_dim3A_783 : vector<8x1xf32> to vector<8x8xf32>
    %sub3A_785 = arith.subf %add3A_777, %sub3A_784 : vector<8x8xf32>
    %exp3A_786 = math.exp %sub3A_785 : vector<8x8xf32>
    %reduce_sum3A_787 = arith.constant dense<0.000000e+00> : vector<8xf32>
    %reduce_sum3A_788 = vector.multi_reduction <add>, %exp3A_786, %reduce_sum3A_787 [1] : vector<8x8xf32> to vector<8xf32>
    %broadcast_in_dim3A_789 = vector.shape_cast %reduce_sum3A_788 : vector<8xf32> to vector<8x1xf32>
    %div3A_790 = vector.broadcast %broadcast_in_dim3A_789 : vector<8x1xf32> to vector<8x8xf32>
    %div3A_791 = arith.divf %exp3A_786, %div3A_790 : vector<8x8xf32>
    %convert_element_type3A_792 = arith.truncf %div3A_791 : vector<8x8xf32> to vector<8x8xbf16>
    %convert_element_type3A_793 = arith.truncf %slice3A_769 : vector<8x64xf32> to vector<8x64xbf16>
    %dot_general3A_794 = arith.constant dense<0.000000e+00> : vector<8x64xf32>
    %dot_general3A_795 = tpu.matmul %convert_element_type3A_792, %convert_element_type3A_793, %dot_general3A_794 {dimension_numbers = #tpu.dot_dimension_numbers<[1], [0], [0], [1], [0, 0, 1, 1], [], []>, transpose_lhs_hint = false} : vector<8x8xbf16>, vector<8x64xbf16>, vector<8x64xf32> -> vector<8x64xf32>
    %slice3A_796 = vector.extract_strided_slice %slice3A_737 {offsets = [0, 128], sizes = [8, 64], strides = [1, 1]} : vector<8x1536xf32> to vector<8x64xf32>
    %slice3A_797 = vector.extract_strided_slice %slice3A_737 {offsets = [0, 640], sizes = [8, 64], strides = [1, 1]} : vector<8x1536xf32> to vector<8x64xf32>
    %slice3A_798 = vector.extract_strided_slice %slice3A_737 {offsets = [0, 1152], sizes = [8, 64], strides = [1, 1]} : vector<8x1536xf32> to vector<8x64xf32>
    %convert_element_type3A_799 = arith.truncf %slice3A_796 : vector<8x64xf32> to vector<8x64xbf16>
    %convert_element_type3A_800 = arith.truncf %slice3A_797 : vector<8x64xf32> to vector<8x64xbf16>
    %dot_general3A_801 = arith.constant dense<0.000000e+00> : vector<8x8xf32>
    %dot_general3A_802 = tpu.matmul %convert_element_type3A_799, %convert_element_type3A_800, %dot_general3A_801 {dimension_numbers = #tpu.dot_dimension_numbers<[1], [1], [0], [0], [0, 0, 1, 0], [], []>, transpose_lhs_hint = false} : vector<8x64xbf16>, vector<8x64xbf16>, vector<8x8xf32> -> vector<8x8xf32>
    %mul3A_803 = arith.constant 1.250000e-01 : f32
    %mul3A_804 = vector.broadcast %mul3A_803 : f32 to vector<8x8xf32>
    %mul3A_805 = arith.mulf %dot_general3A_802, %mul3A_804 : vector<8x8xf32>
    %add3A_806 = arith.addf %mul3A_805, %get3A_39 : vector<8x8xf32>
    %reduce_max3A_807 = arith.constant dense<0xFF800000> : vector<8xf32>
    %reduce_max3A_808 = vector.multi_reduction <maximumf>, %add3A_806, %reduce_max3A_807 [1] : vector<8x8xf32> to vector<8xf32>
    %max3A_809 = arith.constant 0xFF800000 : f32
    %max3A_810 = vector.broadcast %max3A_809 : f32 to vector<8xf32>
    %max3A_811 = arith.maximumf %max3A_810, %reduce_max3A_808 : vector<8xf32>
    %broadcast_in_dim3A_812 = vector.shape_cast %max3A_811 : vector<8xf32> to vector<8x1xf32>
    %sub3A_813 = vector.broadcast %broadcast_in_dim3A_812 : vector<8x1xf32> to vector<8x8xf32>
    %sub3A_814 = arith.subf %add3A_806, %sub3A_813 : vector<8x8xf32>
    %exp3A_815 = math.exp %sub3A_814 : vector<8x8xf32>
    %reduce_sum3A_816 = arith.constant dense<0.000000e+00> : vector<8xf32>
    %reduce_sum3A_817 = vector.multi_reduction <add>, %exp3A_815, %reduce_sum3A_816 [1] : vector<8x8xf32> to vector<8xf32>
    %broadcast_in_dim3A_818 = vector.shape_cast %reduce_sum3A_817 : vector<8xf32> to vector<8x1xf32>
    %div3A_819 = vector.broadcast %broadcast_in_dim3A_818 : vector<8x1xf32> to vector<8x8xf32>
    %div3A_820 = arith.divf %exp3A_815, %div3A_819 : vector<8x8xf32>
    %convert_element_type3A_821 = arith.truncf %div3A_820 : vector<8x8xf32> to vector<8x8xbf16>
    %convert_element_type3A_822 = arith.truncf %slice3A_798 : vector<8x64xf32> to vector<8x64xbf16>
    %dot_general3A_823 = arith.constant dense<0.000000e+00> : vector<8x64xf32>
    %dot_general3A_824 = tpu.matmul %convert_element_type3A_821, %convert_element_type3A_822, %dot_general3A_823 {dimension_numbers = #tpu.dot_dimension_numbers<[1], [0], [0], [1], [0, 0, 1, 1], [], []>, transpose_lhs_hint = false} : vector<8x8xbf16>, vector<8x64xbf16>, vector<8x64xf32> -> vector<8x64xf32>
    %slice3A_825 = vector.extract_strided_slice %slice3A_737 {offsets = [0, 192], sizes = [8, 64], strides = [1, 1]} : vector<8x1536xf32> to vector<8x64xf32>
    %slice3A_826 = vector.extract_strided_slice %slice3A_737 {offsets = [0, 704], sizes = [8, 64], strides = [1, 1]} : vector<8x1536xf32> to vector<8x64xf32>
    %slice3A_827 = vector.extract_strided_slice %slice3A_737 {offsets = [0, 1216], sizes = [8, 64], strides = [1, 1]} : vector<8x1536xf32> to vector<8x64xf32>
    %convert_element_type3A_828 = arith.truncf %slice3A_825 : vector<8x64xf32> to vector<8x64xbf16>
    %convert_element_type3A_829 = arith.truncf %slice3A_826 : vector<8x64xf32> to vector<8x64xbf16>
    %dot_general3A_830 = arith.constant dense<0.000000e+00> : vector<8x8xf32>
    %dot_general3A_831 = tpu.matmul %convert_element_type3A_828, %convert_element_type3A_829, %dot_general3A_830 {dimension_numbers = #tpu.dot_dimension_numbers<[1], [1], [0], [0], [0, 0, 1, 0], [], []>, transpose_lhs_hint = false} : vector<8x64xbf16>, vector<8x64xbf16>, vector<8x8xf32> -> vector<8x8xf32>
    %mul3A_832 = arith.constant 1.250000e-01 : f32
    %mul3A_833 = vector.broadcast %mul3A_832 : f32 to vector<8x8xf32>
    %mul3A_834 = arith.mulf %dot_general3A_831, %mul3A_833 : vector<8x8xf32>
    %add3A_835 = arith.addf %mul3A_834, %get3A_39 : vector<8x8xf32>
    %reduce_max3A_836 = arith.constant dense<0xFF800000> : vector<8xf32>
    %reduce_max3A_837 = vector.multi_reduction <maximumf>, %add3A_835, %reduce_max3A_836 [1] : vector<8x8xf32> to vector<8xf32>
    %max3A_838 = arith.constant 0xFF800000 : f32
    %max3A_839 = vector.broadcast %max3A_838 : f32 to vector<8xf32>
    %max3A_840 = arith.maximumf %max3A_839, %reduce_max3A_837 : vector<8xf32>
    %broadcast_in_dim3A_841 = vector.shape_cast %max3A_840 : vector<8xf32> to vector<8x1xf32>
    %sub3A_842 = vector.broadcast %broadcast_in_dim3A_841 : vector<8x1xf32> to vector<8x8xf32>
    %sub3A_843 = arith.subf %add3A_835, %sub3A_842 : vector<8x8xf32>
    %exp3A_844 = math.exp %sub3A_843 : vector<8x8xf32>
    %reduce_sum3A_845 = arith.constant dense<0.000000e+00> : vector<8xf32>
    %reduce_sum3A_846 = vector.multi_reduction <add>, %exp3A_844, %reduce_sum3A_845 [1] : vector<8x8xf32> to vector<8xf32>
    %broadcast_in_dim3A_847 = vector.shape_cast %reduce_sum3A_846 : vector<8xf32> to vector<8x1xf32>
    %div3A_848 = vector.broadcast %broadcast_in_dim3A_847 : vector<8x1xf32> to vector<8x8xf32>
    %div3A_849 = arith.divf %exp3A_844, %div3A_848 : vector<8x8xf32>
    %convert_element_type3A_850 = arith.truncf %div3A_849 : vector<8x8xf32> to vector<8x8xbf16>
    %convert_element_type3A_851 = arith.truncf %slice3A_827 : vector<8x64xf32> to vector<8x64xbf16>
    %dot_general3A_852 = arith.constant dense<0.000000e+00> : vector<8x64xf32>
    %dot_general3A_853 = tpu.matmul %convert_element_type3A_850, %convert_element_type3A_851, %dot_general3A_852 {dimension_numbers = #tpu.dot_dimension_numbers<[1], [0], [0], [1], [0, 0, 1, 1], [], []>, transpose_lhs_hint = false} : vector<8x8xbf16>, vector<8x64xbf16>, vector<8x64xf32> -> vector<8x64xf32>
    %slice3A_854 = vector.extract_strided_slice %slice3A_737 {offsets = [0, 256], sizes = [8, 64], strides = [1, 1]} : vector<8x1536xf32> to vector<8x64xf32>
    %slice3A_855 = vector.extract_strided_slice %slice3A_737 {offsets = [0, 768], sizes = [8, 64], strides = [1, 1]} : vector<8x1536xf32> to vector<8x64xf32>
    %slice3A_856 = vector.extract_strided_slice %slice3A_737 {offsets = [0, 1280], sizes = [8, 64], strides = [1, 1]} : vector<8x1536xf32> to vector<8x64xf32>
    %convert_element_type3A_857 = arith.truncf %slice3A_854 : vector<8x64xf32> to vector<8x64xbf16>
    %convert_element_type3A_858 = arith.truncf %slice3A_855 : vector<8x64xf32> to vector<8x64xbf16>
    %dot_general3A_859 = arith.constant dense<0.000000e+00> : vector<8x8xf32>
    %dot_general3A_860 = tpu.matmul %convert_element_type3A_857, %convert_element_type3A_858, %dot_general3A_859 {dimension_numbers = #tpu.dot_dimension_numbers<[1], [1], [0], [0], [0, 0, 1, 0], [], []>, transpose_lhs_hint = false} : vector<8x64xbf16>, vector<8x64xbf16>, vector<8x8xf32> -> vector<8x8xf32>
    %mul3A_861 = arith.constant 1.250000e-01 : f32
    %mul3A_862 = vector.broadcast %mul3A_861 : f32 to vector<8x8xf32>
    %mul3A_863 = arith.mulf %dot_general3A_860, %mul3A_862 : vector<8x8xf32>
    %add3A_864 = arith.addf %mul3A_863, %get3A_39 : vector<8x8xf32>
    %reduce_max3A_865 = arith.constant dense<0xFF800000> : vector<8xf32>
    %reduce_max3A_866 = vector.multi_reduction <maximumf>, %add3A_864, %reduce_max3A_865 [1] : vector<8x8xf32> to vector<8xf32>
    %max3A_867 = arith.constant 0xFF800000 : f32
    %max3A_868 = vector.broadcast %max3A_867 : f32 to vector<8xf32>
    %max3A_869 = arith.maximumf %max3A_868, %reduce_max3A_866 : vector<8xf32>
    %broadcast_in_dim3A_870 = vector.shape_cast %max3A_869 : vector<8xf32> to vector<8x1xf32>
    %sub3A_871 = vector.broadcast %broadcast_in_dim3A_870 : vector<8x1xf32> to vector<8x8xf32>
    %sub3A_872 = arith.subf %add3A_864, %sub3A_871 : vector<8x8xf32>
    %exp3A_873 = math.exp %sub3A_872 : vector<8x8xf32>
    %reduce_sum3A_874 = arith.constant dense<0.000000e+00> : vector<8xf32>
    %reduce_sum3A_875 = vector.multi_reduction <add>, %exp3A_873, %reduce_sum3A_874 [1] : vector<8x8xf32> to vector<8xf32>
    %broadcast_in_dim3A_876 = vector.shape_cast %reduce_sum3A_875 : vector<8xf32> to vector<8x1xf32>
    %div3A_877 = vector.broadcast %broadcast_in_dim3A_876 : vector<8x1xf32> to vector<8x8xf32>
    %div3A_878 = arith.divf %exp3A_873, %div3A_877 : vector<8x8xf32>
    %convert_element_type3A_879 = arith.truncf %div3A_878 : vector<8x8xf32> to vector<8x8xbf16>
    %convert_element_type3A_880 = arith.truncf %slice3A_856 : vector<8x64xf32> to vector<8x64xbf16>
    %dot_general3A_881 = arith.constant dense<0.000000e+00> : vector<8x64xf32>
    %dot_general3A_882 = tpu.matmul %convert_element_type3A_879, %convert_element_type3A_880, %dot_general3A_881 {dimension_numbers = #tpu.dot_dimension_numbers<[1], [0], [0], [1], [0, 0, 1, 1], [], []>, transpose_lhs_hint = false} : vector<8x8xbf16>, vector<8x64xbf16>, vector<8x64xf32> -> vector<8x64xf32>
    %slice3A_883 = vector.extract_strided_slice %slice3A_737 {offsets = [0, 320], sizes = [8, 64], strides = [1, 1]} : vector<8x1536xf32> to vector<8x64xf32>
    %slice3A_884 = vector.extract_strided_slice %slice3A_737 {offsets = [0, 832], sizes = [8, 64], strides = [1, 1]} : vector<8x1536xf32> to vector<8x64xf32>
    %slice3A_885 = vector.extract_strided_slice %slice3A_737 {offsets = [0, 1344], sizes = [8, 64], strides = [1, 1]} : vector<8x1536xf32> to vector<8x64xf32>
    %convert_element_type3A_886 = arith.truncf %slice3A_883 : vector<8x64xf32> to vector<8x64xbf16>
    %convert_element_type3A_887 = arith.truncf %slice3A_884 : vector<8x64xf32> to vector<8x64xbf16>
    %dot_general3A_888 = arith.constant dense<0.000000e+00> : vector<8x8xf32>
    %dot_general3A_889 = tpu.matmul %convert_element_type3A_886, %convert_element_type3A_887, %dot_general3A_888 {dimension_numbers = #tpu.dot_dimension_numbers<[1], [1], [0], [0], [0, 0, 1, 0], [], []>, transpose_lhs_hint = false} : vector<8x64xbf16>, vector<8x64xbf16>, vector<8x8xf32> -> vector<8x8xf32>
    %mul3A_890 = arith.constant 1.250000e-01 : f32
    %mul3A_891 = vector.broadcast %mul3A_890 : f32 to vector<8x8xf32>
    %mul3A_892 = arith.mulf %dot_general3A_889, %mul3A_891 : vector<8x8xf32>
    %add3A_893 = arith.addf %mul3A_892, %get3A_39 : vector<8x8xf32>
    %reduce_max3A_894 = arith.constant dense<0xFF800000> : vector<8xf32>
    %reduce_max3A_895 = vector.multi_reduction <maximumf>, %add3A_893, %reduce_max3A_894 [1] : vector<8x8xf32> to vector<8xf32>
    %max3A_896 = arith.constant 0xFF800000 : f32
    %max3A_897 = vector.broadcast %max3A_896 : f32 to vector<8xf32>
    %max3A_898 = arith.maximumf %max3A_897, %reduce_max3A_895 : vector<8xf32>
    %broadcast_in_dim3A_899 = vector.shape_cast %max3A_898 : vector<8xf32> to vector<8x1xf32>
    %sub3A_900 = vector.broadcast %broadcast_in_dim3A_899 : vector<8x1xf32> to vector<8x8xf32>
    %sub3A_901 = arith.subf %add3A_893, %sub3A_900 : vector<8x8xf32>
    %exp3A_902 = math.exp %sub3A_901 : vector<8x8xf32>
    %reduce_sum3A_903 = arith.constant dense<0.000000e+00> : vector<8xf32>
    %reduce_sum3A_904 = vector.multi_reduction <add>, %exp3A_902, %reduce_sum3A_903 [1] : vector<8x8xf32> to vector<8xf32>
    %broadcast_in_dim3A_905 = vector.shape_cast %reduce_sum3A_904 : vector<8xf32> to vector<8x1xf32>
    %div3A_906 = vector.broadcast %broadcast_in_dim3A_905 : vector<8x1xf32> to vector<8x8xf32>
    %div3A_907 = arith.divf %exp3A_902, %div3A_906 : vector<8x8xf32>
    %convert_element_type3A_908 = arith.truncf %div3A_907 : vector<8x8xf32> to vector<8x8xbf16>
    %convert_element_type3A_909 = arith.truncf %slice3A_885 : vector<8x64xf32> to vector<8x64xbf16>
    %dot_general3A_910 = arith.constant dense<0.000000e+00> : vector<8x64xf32>
    %dot_general3A_911 = tpu.matmul %convert_element_type3A_908, %convert_element_type3A_909, %dot_general3A_910 {dimension_numbers = #tpu.dot_dimension_numbers<[1], [0], [0], [1], [0, 0, 1, 1], [], []>, transpose_lhs_hint = false} : vector<8x8xbf16>, vector<8x64xbf16>, vector<8x64xf32> -> vector<8x64xf32>
    %slice3A_912 = vector.extract_strided_slice %slice3A_737 {offsets = [0, 384], sizes = [8, 64], strides = [1, 1]} : vector<8x1536xf32> to vector<8x64xf32>
    %slice3A_913 = vector.extract_strided_slice %slice3A_737 {offsets = [0, 896], sizes = [8, 64], strides = [1, 1]} : vector<8x1536xf32> to vector<8x64xf32>
    %slice3A_914 = vector.extract_strided_slice %slice3A_737 {offsets = [0, 1408], sizes = [8, 64], strides = [1, 1]} : vector<8x1536xf32> to vector<8x64xf32>
    %convert_element_type3A_915 = arith.truncf %slice3A_912 : vector<8x64xf32> to vector<8x64xbf16>
    %convert_element_type3A_916 = arith.truncf %slice3A_913 : vector<8x64xf32> to vector<8x64xbf16>
    %dot_general3A_917 = arith.constant dense<0.000000e+00> : vector<8x8xf32>
    %dot_general3A_918 = tpu.matmul %convert_element_type3A_915, %convert_element_type3A_916, %dot_general3A_917 {dimension_numbers = #tpu.dot_dimension_numbers<[1], [1], [0], [0], [0, 0, 1, 0], [], []>, transpose_lhs_hint = false} : vector<8x64xbf16>, vector<8x64xbf16>, vector<8x8xf32> -> vector<8x8xf32>
    %mul3A_919 = arith.constant 1.250000e-01 : f32
    %mul3A_920 = vector.broadcast %mul3A_919 : f32 to vector<8x8xf32>
    %mul3A_921 = arith.mulf %dot_general3A_918, %mul3A_920 : vector<8x8xf32>
    %add3A_922 = arith.addf %mul3A_921, %get3A_39 : vector<8x8xf32>
    %reduce_max3A_923 = arith.constant dense<0xFF800000> : vector<8xf32>
    %reduce_max3A_924 = vector.multi_reduction <maximumf>, %add3A_922, %reduce_max3A_923 [1] : vector<8x8xf32> to vector<8xf32>
    %max3A_925 = arith.constant 0xFF800000 : f32
    %max3A_926 = vector.broadcast %max3A_925 : f32 to vector<8xf32>
    %max3A_927 = arith.maximumf %max3A_926, %reduce_max3A_924 : vector<8xf32>
    %broadcast_in_dim3A_928 = vector.shape_cast %max3A_927 : vector<8xf32> to vector<8x1xf32>
    %sub3A_929 = vector.broadcast %broadcast_in_dim3A_928 : vector<8x1xf32> to vector<8x8xf32>
    %sub3A_930 = arith.subf %add3A_922, %sub3A_929 : vector<8x8xf32>
    %exp3A_931 = math.exp %sub3A_930 : vector<8x8xf32>
    %reduce_sum3A_932 = arith.constant dense<0.000000e+00> : vector<8xf32>
    %reduce_sum3A_933 = vector.multi_reduction <add>, %exp3A_931, %reduce_sum3A_932 [1] : vector<8x8xf32> to vector<8xf32>
    %broadcast_in_dim3A_934 = vector.shape_cast %reduce_sum3A_933 : vector<8xf32> to vector<8x1xf32>
    %div3A_935 = vector.broadcast %broadcast_in_dim3A_934 : vector<8x1xf32> to vector<8x8xf32>
    %div3A_936 = arith.divf %exp3A_931, %div3A_935 : vector<8x8xf32>
    %convert_element_type3A_937 = arith.truncf %div3A_936 : vector<8x8xf32> to vector<8x8xbf16>
    %convert_element_type3A_938 = arith.truncf %slice3A_914 : vector<8x64xf32> to vector<8x64xbf16>
    %dot_general3A_939 = arith.constant dense<0.000000e+00> : vector<8x64xf32>
    %dot_general3A_940 = tpu.matmul %convert_element_type3A_937, %convert_element_type3A_938, %dot_general3A_939 {dimension_numbers = #tpu.dot_dimension_numbers<[1], [0], [0], [1], [0, 0, 1, 1], [], []>, transpose_lhs_hint = false} : vector<8x8xbf16>, vector<8x64xbf16>, vector<8x64xf32> -> vector<8x64xf32>
    %slice3A_941 = vector.extract_strided_slice %slice3A_737 {offsets = [0, 448], sizes = [8, 64], strides = [1, 1]} : vector<8x1536xf32> to vector<8x64xf32>
    %slice3A_942 = vector.extract_strided_slice %slice3A_737 {offsets = [0, 960], sizes = [8, 64], strides = [1, 1]} : vector<8x1536xf32> to vector<8x64xf32>
    %slice3A_943 = vector.extract_strided_slice %slice3A_737 {offsets = [0, 1472], sizes = [8, 64], strides = [1, 1]} : vector<8x1536xf32> to vector<8x64xf32>
    %convert_element_type3A_944 = arith.truncf %slice3A_941 : vector<8x64xf32> to vector<8x64xbf16>
    %convert_element_type3A_945 = arith.truncf %slice3A_942 : vector<8x64xf32> to vector<8x64xbf16>
    %dot_general3A_946 = arith.constant dense<0.000000e+00> : vector<8x8xf32>
    %dot_general3A_947 = tpu.matmul %convert_element_type3A_944, %convert_element_type3A_945, %dot_general3A_946 {dimension_numbers = #tpu.dot_dimension_numbers<[1], [1], [0], [0], [0, 0, 1, 0], [], []>, transpose_lhs_hint = false} : vector<8x64xbf16>, vector<8x64xbf16>, vector<8x8xf32> -> vector<8x8xf32>
    %mul3A_948 = arith.constant 1.250000e-01 : f32
    %mul3A_949 = vector.broadcast %mul3A_948 : f32 to vector<8x8xf32>
    %mul3A_950 = arith.mulf %dot_general3A_947, %mul3A_949 : vector<8x8xf32>
    %add3A_951 = arith.addf %mul3A_950, %get3A_39 : vector<8x8xf32>
    %reduce_max3A_952 = arith.constant dense<0xFF800000> : vector<8xf32>
    %reduce_max3A_953 = vector.multi_reduction <maximumf>, %add3A_951, %reduce_max3A_952 [1] : vector<8x8xf32> to vector<8xf32>
    %max3A_954 = arith.constant 0xFF800000 : f32
    %max3A_955 = vector.broadcast %max3A_954 : f32 to vector<8xf32>
    %max3A_956 = arith.maximumf %max3A_955, %reduce_max3A_953 : vector<8xf32>
    %broadcast_in_dim3A_957 = vector.shape_cast %max3A_956 : vector<8xf32> to vector<8x1xf32>
    %sub3A_958 = vector.broadcast %broadcast_in_dim3A_957 : vector<8x1xf32> to vector<8x8xf32>
    %sub3A_959 = arith.subf %add3A_951, %sub3A_958 : vector<8x8xf32>
    %exp3A_960 = math.exp %sub3A_959 : vector<8x8xf32>
    %reduce_sum3A_961 = arith.constant dense<0.000000e+00> : vector<8xf32>
    %reduce_sum3A_962 = vector.multi_reduction <add>, %exp3A_960, %reduce_sum3A_961 [1] : vector<8x8xf32> to vector<8xf32>
    %broadcast_in_dim3A_963 = vector.shape_cast %reduce_sum3A_962 : vector<8xf32> to vector<8x1xf32>
    %div3A_964 = vector.broadcast %broadcast_in_dim3A_963 : vector<8x1xf32> to vector<8x8xf32>
    %div3A_965 = arith.divf %exp3A_960, %div3A_964 : vector<8x8xf32>
    %convert_element_type3A_966 = arith.truncf %div3A_965 : vector<8x8xf32> to vector<8x8xbf16>
    %convert_element_type3A_967 = arith.truncf %slice3A_943 : vector<8x64xf32> to vector<8x64xbf16>
    %dot_general3A_968 = arith.constant dense<0.000000e+00> : vector<8x64xf32>
    %dot_general3A_969 = tpu.matmul %convert_element_type3A_966, %convert_element_type3A_967, %dot_general3A_968 {dimension_numbers = #tpu.dot_dimension_numbers<[1], [0], [0], [1], [0, 0, 1, 1], [], []>, transpose_lhs_hint = false} : vector<8x8xbf16>, vector<8x64xbf16>, vector<8x64xf32> -> vector<8x64xf32>
    %concatenate3A_970 = tpu.concatenate %dot_general3A_766, %dot_general3A_795, %dot_general3A_824, %dot_general3A_853, %dot_general3A_882, %dot_general3A_911, %dot_general3A_940, %dot_general3A_969 in 1 : vector<8x64xf32>, vector<8x64xf32>, vector<8x64xf32>, vector<8x64xf32>, vector<8x64xf32>, vector<8x64xf32>, vector<8x64xf32>, vector<8x64xf32> -> vector<8x512xf32>
    %concatenate3A_971 = tpu.concatenate %concatenate3A, %concatenate3A_502, %concatenate3A_736, %concatenate3A_970 in 0 : vector<8x512xf32>, vector<8x512xf32>, vector<8x512xf32>, vector<8x512xf32> -> vector<32x512xf32>
    %get3A_972 = arith.constant 0 : index
    %get3A_973 = arith.constant 0 : index
    %get3A_974 = vector.load %arg6[%get3A_972, %get3A_973] : memref<512x512xbf16, #tpu.memory_space<vmem>>, vector<512x512xbf16>
    %convert_element_type3A_975 = arith.truncf %concatenate3A_971 : vector<32x512xf32> to vector<32x512xbf16>
    %dot_general3A_976 = arith.constant dense<0.000000e+00> : vector<32x512xf32>
    %dot_general3A_977 = tpu.matmul %convert_element_type3A_975, %get3A_974, %dot_general3A_976 {dimension_numbers = #tpu.dot_dimension_numbers<[1], [0], [0], [1], [0, 0, 1, 1], [], []>, transpose_lhs_hint = false} : vector<32x512xbf16>, vector<512x512xbf16>, vector<32x512xf32> -> vector<32x512xf32>
    %add3A_978 = arith.addf %reshape3A, %dot_general3A_977 : vector<32x512xf32>
    %get3A_979 = arith.constant 0 : index
    %get3A_980 = arith.constant 0 : index
    %get3A_981 = vector.load %arg7[%get3A_979, %get3A_980] : memref<1x512xf32, #tpu.memory_space<vmem>>, vector<1x512xf32>
    %get3A_982 = vector.shape_cast %get3A_981 : vector<1x512xf32> to vector<512xf32>
    %get3A_983 = arith.constant 0 : index
    %get3A_984 = arith.constant 0 : index
    %get3A_985 = vector.load %arg8[%get3A_983, %get3A_984] : memref<1x512xf32, #tpu.memory_space<vmem>>, vector<1x512xf32>
    %get3A_986 = vector.shape_cast %get3A_985 : vector<1x512xf32> to vector<512xf32>
    %reduce_sum3A_987 = arith.constant dense<0.000000e+00> : vector<32xf32>
    %reduce_sum3A_988 = vector.multi_reduction <add>, %add3A_978, %reduce_sum3A_987 [1] : vector<32x512xf32> to vector<32xf32>
    %broadcast_in_dim3A_989 = vector.shape_cast %reduce_sum3A_988 : vector<32xf32> to vector<32x1xf32>
    %div3A_990 = arith.constant 5.120000e+02 : f32
    %div3A_991 = vector.broadcast %div3A_990 : f32 to vector<32x1xf32>
    %div3A_992 = arith.divf %broadcast_in_dim3A_989, %div3A_991 : vector<32x1xf32>
    %sub3A_993 = vector.broadcast %div3A_992 : vector<32x1xf32> to vector<32x512xf32>
    %sub3A_994 = arith.subf %add3A_978, %sub3A_993 : vector<32x512xf32>
    %integer_pow3A_995 = arith.mulf %sub3A_994, %sub3A_994 : vector<32x512xf32>
    %reduce_sum3A_996 = arith.constant dense<0.000000e+00> : vector<32xf32>
    %reduce_sum3A_997 = vector.multi_reduction <add>, %integer_pow3A_995, %reduce_sum3A_996 [1] : vector<32x512xf32> to vector<32xf32>
    %broadcast_in_dim3A_998 = vector.shape_cast %reduce_sum3A_997 : vector<32xf32> to vector<32x1xf32>
    %div3A_999 = arith.constant 5.120000e+02 : f32
    %div3A_1000 = vector.broadcast %div3A_999 : f32 to vector<32x1xf32>
    %div3A_1001 = arith.divf %broadcast_in_dim3A_998, %div3A_1000 : vector<32x1xf32>
    %sub3A_1002 = vector.broadcast %div3A_992 : vector<32x1xf32> to vector<32x512xf32>
    %sub3A_1003 = arith.subf %add3A_978, %sub3A_1002 : vector<32x512xf32>
    %add3A_1004 = arith.constant 9.99999997E-7 : f32
    %add3A_1005 = vector.broadcast %add3A_1004 : f32 to vector<32x1xf32>
    %add3A_1006 = arith.addf %div3A_1001, %add3A_1005 : vector<32x1xf32>
    %sqrt3A_1007 = math.sqrt %add3A_1006 : vector<32x1xf32>
    %div3A_1008 = vector.broadcast %sqrt3A_1007 : vector<32x1xf32> to vector<32x512xf32>
    %div3A_1009 = arith.divf %sub3A_1003, %div3A_1008 : vector<32x512xf32>
    %broadcast_in_dim3A_1010 = vector.shape_cast %get3A_982 : vector<512xf32> to vector<1x512xf32>
    %mul3A_1011 = vector.broadcast %broadcast_in_dim3A_1010 : vector<1x512xf32> to vector<32x512xf32>
    %mul3A_1012 = arith.mulf %div3A_1009, %mul3A_1011 : vector<32x512xf32>
    %broadcast_in_dim3A_1013 = vector.shape_cast %get3A_986 : vector<512xf32> to vector<1x512xf32>
    %add3A_1014 = vector.broadcast %broadcast_in_dim3A_1013 : vector<1x512xf32> to vector<32x512xf32>
    %add3A_1015 = arith.addf %mul3A_1012, %add3A_1014 : vector<32x512xf32>
    %get3A_1016 = arith.constant 0 : index
    %get3A_1017 = arith.constant 0 : index
    %get3A_1018 = vector.load %arg9[%get3A_1016, %get3A_1017] : memref<512x2048xbf16, #tpu.memory_space<vmem>>, vector<512x2048xbf16>
    %convert_element_type3A_1019 = arith.truncf %add3A_1015 : vector<32x512xf32> to vector<32x512xbf16>
    %dot_general3A_1020 = arith.constant dense<0.000000e+00> : vector<32x2048xf32>
    %dot_general3A_1021 = tpu.matmul %convert_element_type3A_1019, %get3A_1018, %dot_general3A_1020 {dimension_numbers = #tpu.dot_dimension_numbers<[1], [0], [0], [1], [0, 0, 1, 1], [], []>, transpose_lhs_hint = false} : vector<32x512xbf16>, vector<512x2048xbf16>, vector<32x2048xf32> -> vector<32x2048xf32>
    %get3A_1022 = arith.constant 0 : index
    %get3A_1023 = arith.constant 0 : index
    %get3A_1024 = vector.load %arg10[%get3A_1022, %get3A_1023] : memref<1x2048xf32, #tpu.memory_space<vmem>>, vector<1x2048xf32>
    %get3A_1025 = vector.shape_cast %get3A_1024 : vector<1x2048xf32> to vector<2048xf32>
    %broadcast_in_dim3A_1026 = vector.shape_cast %get3A_1025 : vector<2048xf32> to vector<1x2048xf32>
    %add3A_1027 = vector.broadcast %broadcast_in_dim3A_1026 : vector<1x2048xf32> to vector<32x2048xf32>
    %add3A_1028 = arith.addf %dot_general3A_1021, %add3A_1027 : vector<32x2048xf32>
    %integer_pow3A_1029 = arith.mulf %add3A_1028, %add3A_1028 : vector<32x2048xf32>
    %integer_pow3A_1030 = arith.mulf %add3A_1028, %integer_pow3A_1029 : vector<32x2048xf32>
    %mul3A_1031 = arith.constant 4.471500e-02 : f32
    %mul3A_1032 = vector.broadcast %mul3A_1031 : f32 to vector<32x2048xf32>
    %mul3A_1033 = arith.mulf %mul3A_1032, %integer_pow3A_1030 : vector<32x2048xf32>
    %add3A_1034 = arith.addf %add3A_1028, %mul3A_1033 : vector<32x2048xf32>
    %mul3A_1035 = arith.constant 0.797884583 : f32
    %mul3A_1036 = vector.broadcast %mul3A_1035 : f32 to vector<32x2048xf32>
    %mul3A_1037 = arith.mulf %mul3A_1036, %add3A_1034 : vector<32x2048xf32>
    %tanh3A = math.tanh %mul3A_1037 : vector<32x2048xf32>
    %add3A_1038 = arith.constant 1.000000e+00 : f32
    %add3A_1039 = vector.broadcast %add3A_1038 : f32 to vector<32x2048xf32>
    %add3A_1040 = arith.addf %add3A_1039, %tanh3A : vector<32x2048xf32>
    %mul3A_1041 = arith.constant 5.000000e-01 : f32
    %mul3A_1042 = vector.broadcast %mul3A_1041 : f32 to vector<32x2048xf32>
    %mul3A_1043 = arith.mulf %mul3A_1042, %add3A_1040 : vector<32x2048xf32>
    %mul3A_1044 = arith.mulf %add3A_1028, %mul3A_1043 : vector<32x2048xf32>
    %get3A_1045 = arith.constant 0 : index
    %get3A_1046 = arith.constant 0 : index
    %get3A_1047 = vector.load %arg11[%get3A_1045, %get3A_1046] : memref<2048x512xbf16, #tpu.memory_space<vmem>>, vector<2048x512xbf16>
    %convert_element_type3A_1048 = arith.truncf %mul3A_1044 : vector<32x2048xf32> to vector<32x2048xbf16>
    %dot_general3A_1049 = arith.constant dense<0.000000e+00> : vector<32x512xf32>
    %dot_general3A_1050 = tpu.matmul %convert_element_type3A_1048, %get3A_1047, %dot_general3A_1049 {dimension_numbers = #tpu.dot_dimension_numbers<[1], [0], [0], [1], [0, 0, 1, 1], [], []>, transpose_lhs_hint = false} : vector<32x2048xbf16>, vector<2048x512xbf16>, vector<32x512xf32> -> vector<32x512xf32>
    %add3A_1051 = arith.addf %add3A_978, %dot_general3A_1050 : vector<32x512xf32>
    %get3A_1052 = arith.constant 0 : index
    %get3A_1053 = arith.constant 0 : index
    %get3A_1054 = vector.load %arg12[%get3A_1052, %get3A_1053] : memref<1x512xf32, #tpu.memory_space<vmem>>, vector<1x512xf32>
    %get3A_1055 = vector.shape_cast %get3A_1054 : vector<1x512xf32> to vector<512xf32>
    %broadcast_in_dim3A_1056 = vector.shape_cast %get3A_1055 : vector<512xf32> to vector<1x512xf32>
    %add3A_1057 = vector.broadcast %broadcast_in_dim3A_1056 : vector<1x512xf32> to vector<32x512xf32>
    %add3A_1058 = arith.addf %add3A_1051, %add3A_1057 : vector<32x512xf32>
    %get3A_1059 = arith.constant 0 : index
    %get3A_1060 = arith.constant 0 : index
    %get3A_1061 = vector.load %arg13[%get3A_1059, %get3A_1060] : memref<512x32xbf16, #tpu.memory_space<vmem>>, vector<512x32xbf16>
    %convert_element_type3A_1062 = arith.truncf %add3A_1058 : vector<32x512xf32> to vector<32x512xbf16>
    %dot_general3A_1063 = arith.constant dense<0.000000e+00> : vector<32x32xf32>
    %dot_general3A_1064 = tpu.matmul %convert_element_type3A_1062, %get3A_1061, %dot_general3A_1063 {dimension_numbers = #tpu.dot_dimension_numbers<[1], [0], [0], [1], [0, 0, 1, 1], [], []>, transpose_lhs_hint = false} : vector<32x512xbf16>, vector<512x32xbf16>, vector<32x32xf32> -> vector<32x32xf32>
    %get3A_1065 = arith.constant 0 : index
    %get3A_1066 = arith.constant 0 : index
    %get3A_1067 = vector.load %arg14[%get3A_1065, %get3A_1066] : memref<1x32xf32, #tpu.memory_space<vmem>>, vector<1x32xf32>
    %get3A_1068 = vector.shape_cast %get3A_1067 : vector<1x32xf32> to vector<32xf32>
    %broadcast_in_dim3A_1069 = vector.shape_cast %get3A_1068 : vector<32xf32> to vector<1x32xf32>
    %add3A_1070 = vector.broadcast %broadcast_in_dim3A_1069 : vector<1x32xf32> to vector<32x32xf32>
    %add3A_1071 = arith.addf %dot_general3A_1064, %add3A_1070 : vector<32x32xf32>
    %slice3A_1072 = vector.extract_strided_slice %add3A_1071 {offsets = [1, 0], sizes = [7, 32], strides = [1, 1]} : vector<32x32xf32> to vector<7x32xf32>
    %slice3A_1073 = vector.extract_strided_slice %add3A_1071 {offsets = [9, 0], sizes = [7, 32], strides = [1, 1]} : vector<32x32xf32> to vector<7x32xf32>
    %slice3A_1074 = vector.extract_strided_slice %add3A_1071 {offsets = [17, 0], sizes = [7, 32], strides = [1, 1]} : vector<32x32xf32> to vector<7x32xf32>
    %slice3A_1075 = vector.extract_strided_slice %add3A_1071 {offsets = [25, 0], sizes = [7, 32], strides = [1, 1]} : vector<32x32xf32> to vector<7x32xf32>
    %concatenate3A_1076 = tpu.concatenate %slice3A_1072, %slice3A_1073, %slice3A_1074, %slice3A_1075 in 0 : vector<7x32xf32>, vector<7x32xf32>, vector<7x32xf32>, vector<7x32xf32> -> vector<28x32xf32>
    %get3A_1077 = arith.constant 0 : index
    %get3A_1078 = arith.constant 0 : index
    %get3A_1079 = vector.load %arg15[%get3A_1077, %get3A_1078] : memref<8192x32xf32, #tpu.memory_space<vmem>>, vector<8192x32xf32>
    %mul3A_1080 = arith.mulf %concatenate3A_1076, %concatenate3A_1076 : vector<28x32xf32>
    %reduce_sum3A_1081 = arith.constant dense<0.000000e+00> : vector<28xf32>
    %reduce_sum3A_1082 = vector.multi_reduction <add>, %mul3A_1080, %reduce_sum3A_1081 [1] : vector<28x32xf32> to vector<28xf32>
    %broadcast_in_dim3A_1083 = vector.shape_cast %reduce_sum3A_1082 : vector<28xf32> to vector<28x1xf32>
    %mul3A_1084 = arith.mulf %get3A_1079, %get3A_1079 : vector<8192x32xf32>
    %reduce_sum3A_1085 = arith.constant dense<0.000000e+00> : vector<8192xf32>
    %reduce_sum3A_1086 = vector.multi_reduction <add>, %mul3A_1084, %reduce_sum3A_1085 [1] : vector<8192x32xf32> to vector<8192xf32>
    %broadcast_in_dim3A_1087 = vector.shape_cast %reduce_sum3A_1086 : vector<8192xf32> to vector<8192x1xf32>
    %transpose3A = tpu.transpose %broadcast_in_dim3A_1087, [1, 0] : vector<8192x1xf32> -> vector<1x8192xf32>
    %convert_element_type3A_1088 = arith.truncf %concatenate3A_1076 : vector<28x32xf32> to vector<28x32xbf16>
    %convert_element_type3A_1089 = arith.truncf %get3A_1079 : vector<8192x32xf32> to vector<8192x32xbf16>
    %dot_general3A_1090 = arith.constant dense<0.000000e+00> : vector<28x8192xf32>
    %dot_general3A_1091 = tpu.matmul %convert_element_type3A_1088, %convert_element_type3A_1089, %dot_general3A_1090 {dimension_numbers = #tpu.dot_dimension_numbers<[1], [1], [0], [0], [0, 0, 1, 0], [], []>, transpose_lhs_hint = false} : vector<28x32xbf16>, vector<8192x32xbf16>, vector<28x8192xf32> -> vector<28x8192xf32>
    %mul3A_1092 = arith.constant 2.000000e+00 : f32
    %mul3A_1093 = vector.broadcast %mul3A_1092 : f32 to vector<28x8192xf32>
    %mul3A_1094 = arith.mulf %mul3A_1093, %dot_general3A_1091 : vector<28x8192xf32>
    %sub3A_1095 = vector.broadcast %broadcast_in_dim3A_1083 : vector<28x1xf32> to vector<28x8192xf32>
    %sub3A_1096 = arith.subf %sub3A_1095, %mul3A_1094 : vector<28x8192xf32>
    %add3A_1097 = vector.broadcast %transpose3A : vector<1x8192xf32> to vector<28x8192xf32>
    %add3A_1098 = arith.addf %sub3A_1096, %add3A_1097 : vector<28x8192xf32>
    %iota3A = tpu.iota {dimensions = array<i32: 1>} : vector<28x8192xi32>
    %reduce_min3A = arith.constant dense<0x7F800000> : vector<28xf32>
    %reduce_min3A_1099 = vector.multi_reduction <minimumf>, %add3A_1098, %reduce_min3A [1] : vector<28x8192xf32> to vector<28xf32>
    %broadcast_in_dim3A_1100 = vector.shape_cast %reduce_min3A_1099 : vector<28xf32> to vector<28x1xf32>
    %eq3A = vector.broadcast %broadcast_in_dim3A_1100 : vector<28x1xf32> to vector<28x8192xf32>
    %eq3A_1101 = arith.cmpf oeq, %add3A_1098, %eq3A : vector<28x8192xf32>
    %jit3A = arith.constant 8192 : i32
    %broadcast_in_dim3A_1102 = vector.broadcast %jit3A : i32 to vector<28x8192xi32>
    %select_n3A = arith.select %eq3A_1101, %iota3A, %broadcast_in_dim3A_1102 : vector<28x8192xi1>, vector<28x8192xi32>
    %reduce_min3A_1103 = arith.constant dense<2147483647> : vector<28xi32>
    %reduce_min3A_1104 = vector.multi_reduction <minsi>, %select_n3A, %reduce_min3A_1103 [1] : vector<28x8192xi32> to vector<28xi32>
    %broadcast_in_dim3A_1105 = vector.shape_cast %reduce_min3A_1104 : vector<28xi32> to vector<28x1xi32>
    %swap3A = arith.constant 0 : index
    %swap3A_1106 = arith.constant 0 : index
    %swap3A_1107 = vector.load %arg16[%swap3A, %swap3A_1106] : memref<28x1xi32, #tpu.memory_space<vmem>>, vector<28x1xi32>
    tpu.vector_store %arg16[%swap3A, %swap3A_1106], %broadcast_in_dim3A_1105 {strides = array<i32>} : memref<28x1xi32, #tpu.memory_space<vmem>>, vector<28x1xi32>,
    return
  }
  func.func @transform_0(%arg0: i32) -> (i32, i32, i32, i32) {
    %c0_i32 = arith.constant 0 : i32
    %c0_i32_0 = arith.constant 0 : i32
    %c0_i32_1 = arith.constant 0 : i32
    %c0_i32_2 = arith.constant 0 : i32
    %c0_i32_3 = arith.constant 0 : i32
    return %c0_i32, %c0_i32_0, %c0_i32_1, %c0_i32_2 : i32, i32, i32, i32
  }
  func.func @transform_1(%arg0: i32) -> (i32, i32) {
    %c0_i32 = arith.constant 0 : i32
    %c0_i32_0 = arith.constant 0 : i32
    %c0_i32_1 = arith.constant 0 : i32
    return %c0_i32, %c0_i32_0 : i32, i32
  }
  func.func @transform_2(%arg0: i32) -> (i32, i32) {
    %c0_i32 = arith.constant 0 : i32
    %c0_i32_0 = arith.constant 0 : i32
    %c0_i32_1 = arith.constant 0 : i32
    return %c0_i32, %c0_i32_0 : i32, i32
  }
  func.func @transform_3(%arg0: i32) -> (i32, i32) {
    %c0_i32 = arith.constant 0 : i32
    %c0_i32_0 = arith.constant 0 : i32
    %c0_i32_1 = arith.constant 0 : i32
    return %c0_i32, %c0_i32_0 : i32, i32
  }
  func.func @transform_4(%arg0: i32) -> (i32, i32) {
    %c0_i32 = arith.constant 0 : i32
    %c0_i32_0 = arith.constant 0 : i32
    %c0_i32_1 = arith.constant 0 : i32
    return %c0_i32, %c0_i32_0 : i32, i32
  }
  func.func @transform_5(%arg0: i32) -> (i32, i32) {
    %c0_i32 = arith.constant 0 : i32
    %c0_i32_0 = arith.constant 0 : i32
    %c0_i32_1 = arith.constant 0 : i32
    return %c0_i32, %c0_i32_0 : i32, i32
  }
  func.func @transform_6(%arg0: i32) -> (i32, i32) {
    %c0_i32 = arith.constant 0 : i32
    %c0_i32_0 = arith.constant 0 : i32
    %c0_i32_1 = arith.constant 0 : i32
    return %c0_i32, %c0_i32_0 : i32, i32
  }
  func.func @transform_7(%arg0: i32) -> (i32, i32) {
    %c0_i32 = arith.constant 0 : i32
    %c0_i32_0 = arith.constant 0 : i32
    %c0_i32_1 = arith.constant 0 : i32
    return %c0_i32, %c0_i32_0 : i32, i32
  }
  func.func @transform_8(%arg0: i32) -> (i32, i32) {
    %c0_i32 = arith.constant 0 : i32
    %c0_i32_0 = arith.constant 0 : i32
    %c0_i32_1 = arith.constant 0 : i32
    return %c0_i32, %c0_i32_0 : i32, i32
  }
  func.func @transform_9(%arg0: i32) -> (i32, i32) {
    %c0_i32 = arith.constant 0 : i32
    %c0_i32_0 = arith.constant 0 : i32
    %c0_i32_1 = arith.constant 0 : i32
    return %c0_i32, %c0_i32_0 : i32, i32
  }
  func.func @transform_10(%arg0: i32) -> (i32, i32) {
    %c0_i32 = arith.constant 0 : i32
    %c0_i32_0 = arith.constant 0 : i32
    %c0_i32_1 = arith.constant 0 : i32
    return %c0_i32, %c0_i32_0 : i32, i32
  }
  func.func @transform_11(%arg0: i32) -> (i32, i32) {
    %c0_i32 = arith.constant 0 : i32
    %c0_i32_0 = arith.constant 0 : i32
    %c0_i32_1 = arith.constant 0 : i32
    return %c0_i32, %c0_i32_0 : i32, i32
  }
  func.func @transform_12(%arg0: i32) -> (i32, i32) {
    %c0_i32 = arith.constant 0 : i32
    %c0_i32_0 = arith.constant 0 : i32
    %c0_i32_1 = arith.constant 0 : i32
    return %c0_i32, %c0_i32_0 : i32, i32
  }
  func.func @transform_13(%arg0: i32) -> (i32, i32) {
    %c0_i32 = arith.constant 0 : i32
    %c0_i32_0 = arith.constant 0 : i32
    %c0_i32_1 = arith.constant 0 : i32
    return %c0_i32, %c0_i32_0 : i32, i32
  }
  func.func @transform_14(%arg0: i32) -> (i32, i32) {
    %c0_i32 = arith.constant 0 : i32
    %c0_i32_0 = arith.constant 0 : i32
    %c0_i32_1 = arith.constant 0 : i32
    return %c0_i32, %c0_i32_0 : i32, i32
  }
  func.func @transform_15(%arg0: i32) -> (i32, i32) {
    %c0_i32 = arith.constant 0 : i32
    %c0_i32_0 = arith.constant 0 : i32
    %c0_i32_1 = arith.constant 0 : i32
    return %c0_i32, %c0_i32_0 : i32, i32
  }
}

module attributes {stable_mosaic.version = 14 : i64} {
  func.func @_cbw_body(%arg0: i32, %arg1: memref<1024x32xf32, #tpu.memory_space<vmem>>, %arg2: memref<32x128xbf16, #tpu.memory_space<vmem>>, %arg3: memref<1024x8x128xf32, #tpu.memory_space<vmem>>) attributes {dimension_semantics = [#tpu.dimension_semantics<arbitrary>], iteration_bounds = array<i64: 8>, scalar_prefetch = 0 : i64, scratch_operands = 0 : i64, tpu.core_type = #tpu.core_type<tc>, window_params = [{transform_indices = @transform_0, window_bounds = array<i64: 1024, 32>}, {pipeline_mode = #tpu.pipeline_mode<synchronous>, transform_indices = @transform_1, window_bounds = array<i64: 32, 128>}, {transform_indices = @transform_2, window_bounds = array<i64: 1024, 8, 128>}]} {
    %get3A = arith.constant 0 : index
    %get3A_0 = arith.constant 0 : index
    %get3A_1 = vector.load %arg1[%get3A, %get3A_0] : memref<1024x32xf32, #tpu.memory_space<vmem>>, vector<1024x32xf32>
    %get3A_2 = arith.constant 0 : index
    %get3A_3 = arith.constant 0 : index
    %get3A_4 = vector.load %arg2[%get3A_2, %get3A_3] : memref<32x128xbf16, #tpu.memory_space<vmem>>, vector<32x128xbf16>
    %convert_element_type3A = arith.truncf %get3A_1 : vector<1024x32xf32> to vector<1024x32xbf16>
    %dot_general3A = arith.constant dense<0.000000e+00> : vector<1024x128xf32>
    %dot_general3A_5 = tpu.matmul %convert_element_type3A, %get3A_4, %dot_general3A {dimension_numbers = #tpu.dot_dimension_numbers<[1], [0], [0], [1], [0, 0, 1, 1], [], []>, transpose_lhs_hint = false} : vector<1024x32xbf16>, vector<32x128xbf16>, vector<1024x128xf32> -> vector<1024x128xf32>
    %swap3A = arith.constant 0 : index
    %swap3A_6 = arith.constant 0 : index
    %swap3A_7 = arith.constant 0 : index
    %swap3A_8 = vector.load %arg3[%swap3A, %swap3A_6, %swap3A_7] : memref<1024x8x128xf32, #tpu.memory_space<vmem>>, vector<1024x1x128xf32>
    %swap3A_9 = vector.shape_cast %swap3A_8 : vector<1024x1x128xf32> to vector<1024x128xf32>
    %swap3A_10 = vector.shape_cast %dot_general3A_5 : vector<1024x128xf32> to vector<1024x1x128xf32>
    tpu.vector_store %arg3[%swap3A, %swap3A_6, %swap3A_7], %swap3A_10 {strides = array<i32>} : memref<1024x8x128xf32, #tpu.memory_space<vmem>>, vector<1024x1x128xf32>,
    return
  }
  func.func @transform_0(%arg0: i32) -> (i32, i32) {
    %c0_i32 = arith.constant 0 : i32
    %c0_i32_0 = arith.constant 0 : i32
    return %arg0, %c0_i32 : i32, i32
  }
  func.func @transform_1(%arg0: i32) -> (i32, i32) {
    %c0_i32 = arith.constant 0 : i32
    %c0_i32_0 = arith.constant 0 : i32
    %c0_i32_1 = arith.constant 0 : i32
    return %c0_i32, %c0_i32_0 : i32, i32
  }
  func.func @transform_2(%arg0: i32) -> (i32, i32, i32) {
    %c0_i32 = arith.constant 0 : i32
    %c0_i32_0 = arith.constant 0 : i32
    %c0_i32_1 = arith.constant 0 : i32
    return %arg0, %c0_i32, %c0_i32_0 : i32, i32, i32
  }
}

</mosaic_0001>

<sc_bundles>
// kernel: kernel.10.cloned.1.call-start
scs
__scs_entry_jumppad:
0x0: {  	(pc) =	sbr.rel $0x88, $3  }
0x1: {  	(tag) =	ssettag $0x0;
	lr =	simm.s32 $0x1  }
0x2: {  	[smem:$0x3F8B] =	sst lr;
	_ =	strace $0xD0000000  }
0x3: {  	_ = 	snop  }
0x4: {  	_ = 	snop  }
0x5: {  	_ = 	snop  }
0x6: {  	_ = 	snop  }
0x7: {  	_ = 	snop  }
__scs_overlays_trampoline_lowered:
0x8: {  	[smem:$0x3F9A] =	sst s0  }
0x9: {  	[smem:$0x3F9B] =	sst s1  }
0xa: {  	[smem:$0x3F9C] =	sst s2  }
0xb: {  	[smem:$0x3F9D] =	sst s3  }
0xc: {  	[smem:$0x3F9E] =	sst s4  }
0xd: {  	[smem:$0x3F9F] =	sst s5  }
0xe: {  	[smem:$0x3FA0] =	sst s6  }
0xf: {  	[smem:$0x3FA1] =	sst s7  }
0x10: {  	[smem:$0x3FA2] =	sst s8  }
0x11: {  	[smem:$0x3FA3] =	sst s9;
	s0 =	simm.s32 @!p0 $0x0  }
0x12: {  	s1 =	sld [smem:$0x3F89];
	s0 =	simm.s32 @p0 $0x1  }
0x13: {  	[smem:$0x3FA4] =	sst s0;
	s0 =	simm.s32 @!p1 $0x0  }
0x14: {  	s2 =	sld [smem:$0x3F88];
	s0 =	simm.s32 @p1 $0x1  }
0x15: {  	[smem:$0x3FA5] =	sst s0;
	s0 =	simm.s32 @!p2 $0x0  }
0x16: {  	s3 =	sld [smem:$0x3FDB];
	s0 =	simm.s32 @p2 $0x1  }
0x17: {  	s4 =	simm.s32 $0x1BF5;
	[smem:$0x3FA7] =	sst s0  }
0x18: {  	s0 =	sld [smem:$0x3F8A];
	_ =	swait.ge [sflag:s4], $0x0  }
0x19: {  	s7 =	sld [smem:$0x3F8B]  }
0x1a: {  	s8 =	sadd.s32 $0xFFFFE003, lr  }
0x1b: {  	s9 =	sadd.s32 $0xFFFFFEF7, lr;
	s5 =	simm.s32 $0xFFFFFFFF;
	p2 =	slt.u32 s8, $0xFFFFF086  }
0x1c: {  	p1 =	slt.u32 s9, $0xF7A;
	s5 =	simm.s32 @!p2 $0x0  }
0x1d: {  	s5 =	simm.s32 @p1 $0x1;
	p0 =	seq.s32 s7, s2  }
0x1e: {  	s7 =	smul.u32 @!p0 $0xF7A, s2;
	p2 =	seq.s32 @!p0 s5, $0x0  }
0x1f: {  	s9 =	smul.u32 $0xF7A, s1;
	s8 =	simm.s32 @!p0 $0x1BF5;
	p2 =	por !p2, p0  }
0x20: {  	[sflag:s8] =	ssyncset.s32 @!p0 $0xFFFFF086;
	s6 =	sadd.s32 @!p0 s3, s7;
	s7 =	simm.s32 @!p0 $0x108  }
0x21: {  	s3 =	sadd.s32 s3, s9;
	s6 =	sadd.s32 @!p0 $0x88, s6;
	s7 =	simm.s32 @p2 $0x1082  }
0x22: {  	[simem:s7], [sflag:s8] =	dma.local @!p0 [hbm:s6], $0xF7A  }
0x23: {  	s9 =	sor.u32 $0xD0000000, s2;
	s6 =	simm.s32 $0x108;
	_ =	swait.ge @!p0 [sflag:s8], $0x0  }
0x24: {  	s3 =	sadd.s32 $0x88, s3;
	s6 =	simm.s32 @!p1 $0x1082;
	[sflag:s4] =	ssyncset.s32 $0xFFFFF086  }
0x25: {  	[simem:s6], [sflag:s4] =	dma.local [hbm:s3], $0xF7A  }
0x26: {  	[smem:$0x3F8B] =	sst s1;
	(tag) =	ssettag s2;
	_ =	strace s9  }
0x27: {  	s1 =	sld [smem:$0x3F9B]  }
0x28: {  	s2 =	sld [smem:$0x3F9C]  }
0x29: {  	s4 =	sld [smem:$0x3F9E]  }
0x2a: {  	p0 =	seq.s32 s5, $0x0;
	s5 =	sld [smem:$0x3F9F]  }
0x2b: {  	s6 =	sld [smem:$0x3FA0]  }
0x2c: {  	s7 =	sld [smem:$0x3FA1]  }
0x2d: {  	s3 =	simm.s32 $0x108;
	s8 =	sld [smem:$0x3FA2]  }
0x2e: {  	s3 =	simm.s32 @!p0 $0x1082;
	s9 =	sld [smem:$0x3FA3]  }
0x2f: {  	lr =	sadd.s32 s0, s3;
	s0 =	sld [smem:$0x3F9A]  }
0x30: {  	s3 =	sld [smem:$0x3F9D]  }
0x31: {  	[smem:$0x3FA6] =	sst s10  }
0x32: {  	s10 =	sld [smem:$0x3FA4];
	_ =	sdelay $0x3  }
0x33: {  	p0 =	seq.s32 s10, $0x1;
	s10 =	sld [smem:$0x3FA6];
	_ =	sdelay $0x3  }
0x34: {  	[smem:$0x3FA6] =	sst s10  }
0x35: {  	s10 =	sld [smem:$0x3FA5];
	_ =	sdelay $0x3  }
0x36: {  	p1 =	seq.s32 s10, $0x1;
	s10 =	sld [smem:$0x3FA6];
	_ =	sdelay $0x3  }
0x37: {  	[smem:$0x3FA6] =	sst s10  }
0x38: {  	s10 =	sld [smem:$0x3FA7]  }
0x39: {  	_ = 	snop;
	(pc) =	sbr.ind lr, $3  }
0x3a: {  	_ = 	snop  }
0x3b: {  	_ = 	snop  }
0x3c: {  	p2 =	seq.s32 s10, $0x1;
	s10 =	sld [smem:$0x3FA6]  }
0x3d: {  	_ =	shalt  }
0x3e: {  	_ =	shalt  }
0x3f: {  	_ =	shalt  }
0x40: {  	_ =	shalt  }
0x41: {  	_ =	shalt  }
0x42: {  	_ =	shalt  }
0x43: {  	_ =	shalt  }
0x44: {  	_ =	shalt  }
0x45: {  	_ =	shalt  }
0x46: {  	_ =	shalt  }
0x47: {  	_ =	shalt  }
0x48: {  	_ =	shalt  }
0x49: {  	_ =	shalt  }
0x4a: {  	_ =	shalt  }
0x4b: {  	_ =	shalt  }
0x4c: {  	_ =	shalt  }
0x4d: {  	_ =	shalt  }
0x4e: {  	_ =	shalt  }
0x4f: {  	_ =	shalt  }
0x50: {  	_ =	shalt  }
0x51: {  	_ =	shalt  }
0x52: {  	_ =	shalt  }
0x53: {  	_ =	shalt  }
0x54: {  	_ =	shalt  }
0x55: {  	_ =	shalt  }
0x56: {  	_ =	shalt  }
0x57: {  	_ =	shalt  }
0x58: {  	_ =	shalt  }
0x59: {  	_ =	shalt  }
0x5a: {  	_ =	shalt  }
0x5b: {  	_ =	shalt  }
0x5c: {  	_ =	shalt  }
0x5d: {  	_ =	shalt  }
0x5e: {  	_ =	shalt  }
0x5f: {  	_ =	shalt  }
0x60: {  	_ =	shalt  }
0x61: {  	_ =	shalt  }
0x62: {  	_ =	shalt  }
0x63: {  	_ =	shalt  }
0x64: {  	_ =	shalt  }
0x65: {  	_ =	shalt  }
0x66: {  	_ =	shalt  }
0x67: {  	_ =	shalt  }
0x68: {  	_ =	shalt  }
0x69: {  	_ =	shalt  }
0x6a: {  	_ =	shalt  }
0x6b: {  	_ =	shalt  }
0x6c: {  	_ =	shalt  }
0x6d: {  	_ =	shalt  }
0x6e: {  	_ =	shalt  }
0x6f: {  	_ =	shalt  }
0x70: {  	_ =	shalt  }
0x71: {  	_ =	shalt  }
0x72: {  	_ =	shalt  }
0x73: {  	_ =	shalt  }
0x74: {  	_ =	shalt  }
0x75: {  	_ =	shalt  }
0x76: {  	_ =	shalt  }
0x77: {  	_ =	shalt  }
0x78: {  	_ =	shalt  }
0x79: {  	_ =	shalt  }
0x7a: {  	_ =	shalt  }
0x7b: {  	_ =	shalt  }
0x7c: {  	_ =	shalt  }
0x7d: {  	_ =	shalt  }
0x7e: {  	_ =	shalt  }
0x7f: {  	_ =	shalt  }
0x80: {  	_ =	shalt  }
0x81: {  	_ =	shalt  }
0x82: {  	_ =	shalt  }
0x83: {  	_ =	shalt  }
0x84: {  	_ =	shalt  }
0x85: {  	_ =	shalt  }
0x86: {  	_ =	shalt  }
0x87: {  	_ =	shalt  }
.Lfunc_end0:
.L_simem_size_0:
called_computation_lowered:
.L_overlay_start_0:
0x88: {  	s2 =	sld [smem:$0x3FD9]  }
0x89: {  	s3 =	sld [smem:$0x3FFE];
	_ =	sdelay $0x1  }
0x8a: {  	s1 =	srdreg.scid  }
0x8b: {  	s0 =	sand.u32 $0x1, s1  }
0x8c: {  	s17 =	sshll.u32 s0, $0xA;
	s2 =	sadd.s32 s3, s2  }
0x8d: {  	s2 =	sadd.s32 s2, s17  }
0x8e: {  	[smem:$0x3FB2] =	sst s2  }
0x8f: {  	_ = 	snop  }
0x90: {  	s2 =	sld [smem:$0x3FD0];
	(tm) =	ssettm $0x1  }
0x91: {  	s18 =	sld [smem:$0x3FFB];
	_ =	sdelay $0x3  }
0x92: {  	_ =	strace s18  }
0x93: {  	s3 =	sld [smem:$0x3FFC];
	_ =	sdelay $0x3  }
0x94: {  	_ =	strace s3  }
0x95: {  	s3 =	sld [smem:$0x3FFD];
	_ =	sdelay $0x3  }
0x96: {  	_ =	strace s3  }
0x97: {  	_ =	strace $0x8FFFFFFF  }
0x98: {  	s19 =	sld [smem:$0x3FDB];
	_ =	sdelay $0x1  }
0x99: {  	s4 =	simm.s32 $_scs_section_size  }
0x9a: {  	s5 =	simm.s32 $_size__tile_overlayer_lowered;
	s6 =	simm.s32 $_tile_overlayer_lowered  }
0x9b: {  	s22 =	simm.s32 $0x1BFF;
	s21 =	sshll.u32 s6, $0x1;
	s3 =	sadd.s32 s4, s19  }
0x9c: {  	s7 =	simm.s32 $0x0;
	s20 =	sshll.u32 s5, $0x1;
	s5 =	sadd.s32 s21, s3  }
0x9d: {  	[timem:s7], [sflag:s22] =	dma.local [hbm:s5], s20  }
0x9e: {  	_ =	swait.ge [sflag:s22], s20  }
0x9f: {  	s4 =	ssub.s32 $0x0, s20;
	[sflag:s22] =	ssyncset.done $0x0  }
0xa0: {  	[sflag:s22] =	ssyncadd.s32 s4;
	_ =	sdelay $0x1  }
0xa1: {  	s23 =	simm.s32 $0x1B8B  }
0xa2: {  	_ =	swait.ge [sflag:s23], $0x1  }
0xa3: {  	[sflag:s23] =	ssyncset.done $0x0  }
0xa4: {  	s25 =	simm.s32 $0x1B8E;
	s24 =	sld [smem:$0x3FFE];
	[sflag:s23] =	ssyncadd.s32 $0xFFFFFFFF  }
0xa5: {  	s26 =	simm.s32 $execute0_lowered;
	[smem:$0x3FD2] =	sst s25  }
0xa6: {  	s5 =	sshll.u32 s26, $0x1;
	_ =	strace $0x80000046;
	[dreg:$0x1] =	wrdreg $0xFFFFFFFF  }
0xa7: {  	s28 =	simm.s32 $_size_execute0_lowered;
	s3 =	sadd.s32 s3, s5;
	[dreg:$0x0] =	wrdreg $0x0  }
0xa8: {  	s5 =	sshll.u32 s28, $0x1;
	[dreg:$0x2] =	wrdreg s3  }
0xa9: {  	[dreg:$0x3] =	wrdreg s5  }
0xaa: {  	[dreg:$0x4] =	wrdreg $0xC0  }
0xab: {  	_ =	task [dreg:s7], $0x5FFFF  }
0xac: {  	[dreg:$0x1] =	wrdreg $0xFFFFFFFF  }
0xad: {  	[dreg:$0x0] =	wrdreg $0x60  }
0xae: {  	[dreg:$0x2] =	wrdreg s24  }
0xaf: {  	[dreg:$0x3] =	wrdreg s2  }
0xb0: {  	[dreg:$0x4] =	wrdreg $0x9  }
0xb1: {  	_ =	task.clear_ibuf [dreg:s7], $0x5FFFF;
	_ =	strace $0x90000046  }
0xb2: {  	s29 =	simm.s32 $0x9;
	_ =	strace $0x80000048  }
0xb3: {  	_ =	swait.ge [sflag:s29], $0x1  }
0xb4: {  	[sflag:s29] =	ssyncadd.s32 $0xFFFFFFFF  }
0xb5: {  	_ =	strace $0x90000048  }
0xb6: {  	_ =	sfence  }
0xb7: {  	s30 =	sld [smem:$0x0];
	_ =	sdelay $0x2  }
0xb8: {  	s31 =	sshll.u32 s1, $0xD;
	s1 =	sshrl.u32 s1, $0x2  }
0xb9: {  	s3 =	sand.u32 $0x4000, s31;
	s1 =	sadd.s32 s1, s30  }
0xba: {  	s0 =	sor.u32 s3, s0;
	s1 =	sshll.u32 s1, $0x11  }
0xbb: {  	s0 =	sor.u32 s1, s0  }
0xbc: {  	s0 =	sadd.s32 $0x8F2B, s0  }
0xbd: {  	[sflag:s0] =	ssyncadd.remote.s32 $0x1  }
0xbe: {  	_ =	sfence.sel $0xFFFF  }
0xbf: {  	[dreg:$0x0] =	wrdreg $0xFFFFFFFF;
	(pc) =	sbr.abs _section_cstart, $3  }
0xc0: {  	[dreg:$0x1] =	wrdreg $0xFFFFFFFF  }
0xc1: {  	_ =	task.clear_ibuf [dreg:s7], $0x2FFFF;
	_ =	strace $0x9FFFFFFF  }
0xc2: {  	(tm) =	ssettm $0x7FFFFFFF  }
0xc3: {  	_ =	shalt  }
tec
execute0_lowered:
.L_overlay_start_1:
0x0: {  	(tag) =	ssettag $0x1  }
0x1: {  	s1 =	stileid.u32  }
0x2: {  	p0 =	sgt.u32 s1, $0x1  }
.Ltmp0:
0x3: {  	_ = 	snop;
	(pc) =	sbr.rel @p0 .LBB2_4-.Ltmp0, $4  }
0x4: {  	s9 =	rddreg [dreg:$0x0]  }
0x5: {  	s3 =	rddreg [dreg:$0x1];
	s2 =	simm.s32 $0x0  }
0x6: {  	[smem:$0x7FF] =	sst s2  }
0x7: {  	s0 =	rddreg [dreg:$0x2];
	_ =	strace $0x80000047  }
0x8: {  	s4 =	srdreg.scid  }
0x9: {  	s29 =	sshll.u32 s1, $0x1;
	s5 =	sadd.s32 $0x7000, s9;
	s6 =	sand.u32 $0x1, s4  }
0xa: {  	s7 =	simm.s32 $0x80;
	s8 =	simm.s32 $0x1;
	s10 =	sor.u32 s6, s29  }
0xb: {  	s11 =	ssub.s32 $0x2, s6;
	s4 =	sadd.s32 s3, s10;
	s3 =	simm.s32 $0x2  }
0xc: {  	[tilespmem:s2], [sflag:$0x2] =	stream.linear.gather [hbm4b:s4+s2], $0x8, $0x38;
	[tilespmem:$0x2080] =	vst v63  }
0xd: {  	s6 =	simm.s32 $0x8;
	s12 =	sshrl.u32 s11, $0x1;
	_ =	swait.ge [sflag:s3], $0x8  }
0xe: {  	s10 =	sshll.u32 s10, $0xA;
	s31 =	ssub.s32 s11, s12;
	[sflag:s3] =	ssyncset.done $0x0  }
0xf: {  	s30 =	sadd.s32 s10, s9;
	s10 =	smax.u32 s31, $0x1;
	[sflag:s3] =	ssyncadd.s32 $0xFFFFFFF8  }
0x10: {  	[tilespmem:s7], [sflag:$0x1] =	stream.indirect.gather [hbm4b:s5+s6], $0x400, s2, s6, $0xb8;
	[tilespmem:$0x2080] =	vst v63  }
0x11: {  	p0 =	sne.s32 s10, $0x1;
	_ =	swait.ge [sflag:s8], $0x2000  }
.Ltmp1:
0x12: {  	[sflag:s8] =	ssyncset.done $0x0;
	(pc) =	sbr.rel @!p0 .LBB2_3-.Ltmp1, $4  }
0x13: {  	s9 =	sadd.s32 $0x107000, s30;
	[sflag:s8] =	ssyncadd.s32 $0xFFFFE000  }
0x14: {  	[hbm4b:s9+s2] =	stream.linear.scatter [tilespmem:s7], [sflag:$0x2], $0x2000, $0x38;
	[tilespmem:$0x2080] =	vst v63  }
0x15: {  	_ =	swait.ge [sflag:s3], $0x2000  }
0x16: {  	s10 =	sadd.s32 $0xFFFFFFFF, s10;
	[sflag:s3] =	ssyncset.done $0x0  }
.LBB2_2:
0x17: {  	p0 =	sne.s32 s10, $0x1;
	s10 =	sadd.s32 $0xFFFFFFFF, s10;
	[sflag:s3] =	ssyncadd.s32 $0xFFFFE000  }
0x18: {  	[tilespmem:s2], [sflag:$0x2] =	stream.linear.gather [hbm4b:s4+s2], $0x8, $0x38;
	[tilespmem:$0x2080] =	vst v63  }
0x19: {  	_ =	swait.ge [sflag:s3], $0x8  }
0x1a: {  	[sflag:s3] =	ssyncset.done $0x0  }
0x1b: {  	[sflag:s3] =	ssyncadd.s32 $0xFFFFFFF8  }
0x1c: {  	[tilespmem:s7], [sflag:$0x1] =	stream.indirect.gather [hbm4b:s5+s6], $0x400, s2, s6, $0xb8;
	[tilespmem:$0x2080] =	vst v63  }
0x1d: {  	_ =	swait.ge [sflag:s8], $0x2000  }
.Ltmp2:
0x1e: {  	[sflag:s8] =	ssyncset.done $0x0;
	(pc) =	sbr.rel @p0 .LBB2_2-.Ltmp2, $4  }
0x1f: {  	[sflag:s8] =	ssyncadd.s32 $0xFFFFE000  }
0x20: {  	[hbm4b:s9+s2] =	stream.linear.scatter [tilespmem:s7], [sflag:$0x2], $0x2000, $0x38;
	[tilespmem:$0x2080] =	vst v63  }
0x21: {  	_ =	swait.ge [sflag:s3], $0x2000  }
0x22: {  	[sflag:s3] =	ssyncset.done $0x0  }
.LBB2_3:
0x23: {  	[sflag:s3] =	ssyncadd.s32 $0xFFFFE000  }
.LBB2_4:
0x24: {  	_ =	sfence.sel $0x180000  }
0x25: {  	[bflag:$0x0] =	sbarrier.arrive $0xFFFF  }
0x26: {  	p0 =	sne.s32 s1, $0x0;
	_ =	strace $0x90000047  }
0x27: {  	s0 =	sadd.s32 @!p0 $0x100000, s0;
	[bflag:$0x2] =	sbarrier.arrive $0xFFFF  }
0x28: {  	[sflag:s0] =	ssyncadd.tile.s32 @!p0 $0x1;
	_ =	shalt  }
.Lfunc_end2:
_tile_overlayer_lowered:
.L_overlay_start_2:
0x29: {  	(tag) =	ssettag $0x2  }
0x2a: {  	s0 =	rddreg [dreg:$0x0];
	s2 =	stileid.u32  }
0x2b: {  	s1 =	rddreg [dreg:$0x1];
	p0 =	sne.s32 s2, $0x0  }
0x2c: {  	s3 =	rddreg [dreg:$0x2];
	[bflag:$0x3] =	sbarrier.arrive $0xFFFF;
	s2 =	simm.s32 @!p0 $0x1C02  }
0x2d: {  	[timem:s3], [sflag:s2] =	dma.local @!p0 [hbm:s0], s1  }
0x2e: {  	s0 =	simm.s32 @!p0 $0x2  }
0x2f: {  	_ =	swait.ge @!p0 [sflag:s0], s1  }
0x30: {  	s1 =	ssub.s32 @!p0 $0x0, s1;
	[sflag:s0] =	ssyncset.done @!p0 $0x0  }
0x31: {  	[sflag:s0] =	ssyncadd.s32 @!p0 s1  }
0x32: {  	[bflag:$0x3] =	sbarrier.arrive $0xFFFF  }
0x33: {  	_ =	shalt  }

</sc_bundles>
